<compile_context>
chip_gen: v7x
topology: tpu7x:2x2x1
jax: 0.10.2.dev20260603
libtpu: 0.0.44.dev20260713+nightly
codegen_flags: <defaults>
</compile_context>

<pallas_src>
import functools

import jax
import jax.numpy as jnp
from jax import lax
from jax.experimental import pallas as pl
from jax.experimental.pallas import tpu as pltpu
from jax.experimental.pallas import tpu_sc as plsc

N_NODES = 10000
N_EDGES = 320000

NC = 2
NS = 16
EW = N_EDGES // NS
B = 125
NB = EW // B
NBUF = 5
AHEAD = 4
NPAD = 10240
RPT = NPAD // NS

ROW_BLOCK = 2000



def _mm_body(x_ref, w_ref, o_ref):
    x = x_ref[...]
    for c in range(NC):
        o_ref[c] = lax.dot_general(
            x, w_ref[c], (((1,), (1,)), ((), ())),
            preferred_element_type=jnp.float32)


def _fused_body(g0_ref, g1_ref, p0_ref, p1_ref, b_ref, w_ref, o_ref):
    h = jnp.concatenate(
        [g0_ref[0] + p0_ref[0], g1_ref[0] + p1_ref[0]], axis=1)
    h = jnp.maximum(h + b_ref[...], 0.0)
    for c in range(NC):
        o_ref[c] = lax.dot_general(
            h, w_ref[c], (((1,), (1,)), ((), ())),
            preferred_element_type=jnp.float32)


def _final_body(g0_ref, g1_ref, p0_ref, p1_ref, b_ref, o_ref):
    o = jnp.concatenate(
        [g0_ref[0] + p0_ref[0], g1_ref[0] + p1_ref[0]], axis=1)
    o_ref[...] = (o + b_ref[...])[:, :40]


def _matmul_halves(x, wh):
    n, din = x.shape
    dh = wh.shape[1]
    grid = (n // ROW_BLOCK,)
    return pl.pallas_call(
        _mm_body,
        grid=grid,
        in_specs=[
            pl.BlockSpec((ROW_BLOCK, din), lambda i: (i, 0)),
            pl.BlockSpec((NC, dh, din), lambda i: (0, 0, 0)),
        ],
        out_specs=pl.BlockSpec((NC, ROW_BLOCK, dh), lambda i: (0, i, 0)),
        out_shape=jax.ShapeDtypeStruct((NC, n, dh), jnp.float32),
    )(x, wh)


def _fused_update_matmul(g, p, b, wh):
    _, n, dgh = g.shape
    din = 2 * dgh
    dh = wh.shape[1]
    grid = (n // ROW_BLOCK,)
    return pl.pallas_call(
        _fused_body,
        grid=grid,
        in_specs=[
            pl.BlockSpec((1, ROW_BLOCK, dgh), lambda i: (0, i, 0)),
            pl.BlockSpec((1, ROW_BLOCK, dgh), lambda i: (1, i, 0)),
            pl.BlockSpec((1, ROW_BLOCK, dgh), lambda i: (0, i, 0)),
            pl.BlockSpec((1, ROW_BLOCK, dgh), lambda i: (1, i, 0)),
            pl.BlockSpec((1, din), lambda i: (0, 0)),
            pl.BlockSpec((NC, dh, din), lambda i: (0, 0, 0)),
        ],
        out_specs=pl.BlockSpec((NC, ROW_BLOCK, dh), lambda i: (0, i, 0)),
        out_shape=jax.ShapeDtypeStruct((NC, n, dh), jnp.float32),
    )(g, g, p, p, b.reshape(1, din), wh)


def _final_update(g, p, b):
    _, n, dgh = g.shape
    din = 2 * dgh
    grid = (n // ROW_BLOCK,)
    return pl.pallas_call(
        _final_body,
        grid=grid,
        in_specs=[
            pl.BlockSpec((1, ROW_BLOCK, dgh), lambda i: (0, i, 0)),
            pl.BlockSpec((1, ROW_BLOCK, dgh), lambda i: (1, i, 0)),
            pl.BlockSpec((1, ROW_BLOCK, dgh), lambda i: (0, i, 0)),
            pl.BlockSpec((1, ROW_BLOCK, dgh), lambda i: (1, i, 0)),
            pl.BlockSpec((1, din), lambda i: (0, 0)),
        ],
        out_specs=pl.BlockSpec((ROW_BLOCK, 40), lambda i: (i, 0)),
        out_shape=jax.ShapeDtypeStruct((n, 40), jnp.float32),
    )(g, g, p, p, b.reshape(1, din))



@functools.lru_cache(maxsize=None)
def _make_sc_agg(dh):
    mesh = plsc.VectorSubcoreMesh(core_axis_name="c", subcore_axis_name="s")

    @functools.partial(
        pl.kernel,
        out_type=jax.ShapeDtypeStruct((NC, NPAD, dh), jnp.float32),
        mesh=mesh,
        compiler_params=pltpu.CompilerParams(use_tc_tiling_on_sc=False),
        scratch_types=[
            pltpu.VMEM((NB, B), jnp.int32),
            pltpu.VMEM((NB, B), jnp.int32),
            pltpu.VMEM((NBUF, B, dh), jnp.float32),
            pltpu.VMEM_SHARED((NPAD, dh), jnp.float32),
        ]
        + [pltpu.SemaphoreType.DMA] * NBUF
        + [pltpu.SemaphoreType.DMA] * NBUF,
    )
    def agg(table, src_h, dst_h, zrows, out, src_v, dst_v, rows_v, acc,
            *sems):
        sem_g = sems[:NBUF]
        sem_s = sems[NBUF:]
        cid = lax.axis_index("c")
        sid = lax.axis_index("s")
        half = table.at[cid]

        pltpu.sync_copy(zrows, acc.at[pl.ds(sid * RPT, RPT)])
        pltpu.sync_copy(src_h.at[sid], src_v)
        pltpu.sync_copy(dst_h.at[sid], dst_v)
        plsc.subcore_barrier()

        def start_gather(j, b):
            pltpu.async_copy(half.at[src_v.at[j]], rows_v.at[b], sem_g[b])

        def wait_gather(j, b):
            pltpu.make_async_copy(
                half.at[src_v.at[j]], rows_v.at[b], sem_g[b]).wait()

        def start_scatter(j, b):
            pltpu.async_copy(rows_v.at[b], acc.at[dst_v.at[j]], sem_s[b],
                             add=True)

        def wait_scatter(j, b):
            pltpu.make_async_copy(rows_v.at[b], acc.at[dst_v.at[j]],
                                  sem_s[b]).wait()

        for b in range(AHEAD):
            start_gather(b, b)

        def outer(j0, _):
            for b8 in range(NBUF):
                j = j0 * NBUF + b8
                wait_gather(j, b8)
                start_scatter(j, b8)
                jn = j + AHEAD
                bn = (b8 + AHEAD) % NBUF

                @pl.when(jn < NB)
                def _():
                    @pl.when(jn >= NBUF)
                    def _():
                        wait_scatter(jn - NBUF, bn)

                    start_gather(jn, bn)

            return 0

        lax.fori_loop(0, NB // NBUF, outer, 0)

        for j in range(NB - NBUF, NB):
            wait_scatter(j, j % NBUF)

        plsc.subcore_barrier()
        pltpu.sync_copy(acc.at[pl.ds(sid * RPT, RPT)],
                        out.at[cid, pl.ds(sid * RPT, RPT)])

    return agg


def _sc_aggregate(halves, src2, dst2, zrows):
    p = _make_sc_agg(halves.shape[2])(halves, src2, dst2, zrows)
    return p



def kernel(features, adj, W1, b1, W3, b3, W4, b4, W2, b2):
    src2 = adj[0].reshape(NS, NB, B)
    dst2 = adj[1].reshape(NS, NB, B)
    z64 = jnp.zeros((RPT, 64), jnp.float32)
    z32 = jnp.zeros((RPT, 32), jnp.float32)

    W1h = W1.reshape(NC, 64, 128)
    W3h = W3.reshape(NC, 64, 128)
    W4h = W4.reshape(NC, 64, 128)
    W2p = jnp.zeros((64, 128), jnp.float32).at[:40].set(W2).reshape(NC, 32, 128)
    b2p = jnp.zeros((64,), jnp.float32).at[:40].set(b2)

    g1 = _matmul_halves(features, W1h)
    p1 = _sc_aggregate(g1, src2, dst2, z64)
    g2 = _fused_update_matmul(g1, p1, b1, W3h)
    p2 = _sc_aggregate(g2, src2, dst2, z64)
    g3 = _fused_update_matmul(g2, p2, b3, W4h)
    p3 = _sc_aggregate(g3, src2, dst2, z64)
    g4 = _fused_update_matmul(g3, p3, b4, W2p)
    p4 = _sc_aggregate(g4, src2, dst2, z32)
    return _final_update(g4, p4, b2p)

# --- scband reference (transcript-rebuilt; emitter-appended) ---
"""Pipeline reference for scband-gin-73718818669208 (READ-ONLY COPY).

The authoritative reference and input builder live on the scoring server;
editing this copy changes nothing except your own understanding.
"""

import jax, jax.numpy as jnp
import numpy as np

N_NODES = 10000
N_EDGES = 320000
IN_FEATS = 128
HIDDEN = 128
N_CLASSES = 40
EPS = 0.0


def setup_inputs(seed: int = 0) -> dict:
    key = jax.random.key(seed)
    ks = jax.random.split(key, 10)
    features = jax.random.normal(ks[0], (N_NODES, IN_FEATS), dtype=jnp.float32)
    adj = jax.random.randint(ks[1], (2, N_EDGES), 0, N_NODES, dtype=jnp.int32)
    s1 = 1.0 / np.sqrt(IN_FEATS)
    s2 = 1.0 / np.sqrt(HIDDEN)
    W1 = jax.random.uniform(ks[2], (HIDDEN, IN_FEATS), dtype=jnp.float32, minval=-s1, maxval=s1)
    b1 = jax.random.uniform(ks[3], (HIDDEN,), dtype=jnp.float32, minval=-s1, maxval=s1)
    W3 = jax.random.uniform(ks[4], (HIDDEN, HIDDEN), dtype=jnp.float32, minval=-s2, maxval=s2)
    b3 = jax.random.uniform(ks[5], (HIDDEN,), dtype=jnp.float32, minval=-s2, maxval=s2)
    W4 = jax.random.uniform(ks[6], (HIDDEN, HIDDEN), dtype=jnp.float32, minval=-s2, maxval=s2)
    b4 = jax.random.uniform(ks[7], (HIDDEN,), dtype=jnp.float32, minval=-s2, maxval=s2)
    W2 = jax.random.uniform(ks[8], (N_CLASSES, HIDDEN), dtype=jnp.float32, minval=-s2, maxval=s2)
    b2 = jax.random.uniform(ks[9], (N_CLASSES,), dtype=jnp.float32, minval=-s2, maxval=s2)
    return {"features": features, "adj": adj, "W1": W1, "b1": b1, "W3": W3, "b3": b3, "W4": W4, "b4": b4, "W2": W2, "b2": b2}


def _gin_conv(h, src, dst, W, b):
    # GINConv with 'sum' aggregator: mlp((1+eps)*h + sum_{j in N(i)} h_j)
    msg = jnp.take(h, src, axis=0)
    agg = jax.ops.segment_sum(msg, dst, num_segments=N_NODES)
    return ((1.0 + EPS) * h + agg) @ W.T + b


def reference(features, adj, W1, b1, W3, b3, W4, b4, W2, b2):
    src = adj[0]
    dst = adj[1]
    h = features  # feat_drop = 0 -> identity
    h = _gin_conv(h, src, dst, W1, b1)
    h = jax.nn.relu(h)
    h = _gin_conv(h, src, dst, W3, b3)
    h = jax.nn.relu(h)
    h = _gin_conv(h, src, dst, W4, b4)
    h = jax.nn.relu(h)
    h = _gin_conv(h, src, dst, W2, b2)
    return h

if __name__ == "__main__":
    import jax
    _d = setup_inputs()
    print(jax.jit(kernel)(*tuple(_d.values())))

</pallas_src>

<mosaic_0001>
#map = affine_map<(d0, d1) -> (0, 0, 0)>
#map1 = affine_map<(d0, d1) -> (0, 0)>
module attributes {stable_mosaic.version = 14 : i64} {
  func.func @agg(%arg0: i32, %arg1: i32, %arg2: memref<2x10000x64xf32, #tpu.memory_space<hbm>>, %arg3: memref<16x160x125xi32, #tpu.memory_space<hbm>>, %arg4: memref<16x160x125xi32, #tpu.memory_space<hbm>>, %arg5: memref<640x64xf32, #tpu.memory_space<hbm>>, %arg6: memref<2x10240x64xf32, #tpu.memory_space<hbm>>, %arg7: memref<160x125xi32, #tpu.memory_space<vmem>>, %arg8: memref<160x125xi32, #tpu.memory_space<vmem>>, %arg9: memref<5x125x64xf32, #tpu.memory_space<vmem>>, %arg10: memref<10240x64xf32, #tpu.memory_space<vmem_shared>>, %arg11: memref<!tpu.dma_semaphore, #tpu.memory_space<semaphore_mem>>, %arg12: memref<!tpu.dma_semaphore, #tpu.memory_space<semaphore_mem>>, %arg13: memref<!tpu.dma_semaphore, #tpu.memory_space<semaphore_mem>>, %arg14: memref<!tpu.dma_semaphore, #tpu.memory_space<semaphore_mem>>, %arg15: memref<!tpu.dma_semaphore, #tpu.memory_space<semaphore_mem>>, %arg16: memref<!tpu.dma_semaphore, #tpu.memory_space<semaphore_mem>>, %arg17: memref<!tpu.dma_semaphore, #tpu.memory_space<semaphore_mem>>, %arg18: memref<!tpu.dma_semaphore, #tpu.memory_space<semaphore_mem>>, %arg19: memref<!tpu.dma_semaphore, #tpu.memory_space<semaphore_mem>>, %arg20: memref<!tpu.dma_semaphore, #tpu.memory_space<semaphore_mem>>) attributes {dimension_semantics = [#tpu.dimension_semantics<core_parallel>, #tpu.dimension_semantics<subcore_parallel>], iteration_bounds = array<i64: 2, 16>, scalar_prefetch = 0 : i64, scratch_operands = 14 : i64, tpu.core_type = #tpu.core_type<sc_vector_subcore>, window_params = [{transform_indices = #map}, {transform_indices = #map}, {transform_indices = #map}, {transform_indices = #map1}, {transform_indices = #map}]} {
    %mul3A = arith.constant 640 : i32
    %mul3A_0 = arith.muli %arg1, %mul3A : i32
    "tpu.region"() ({
      %run_scoped3A = tpu.sem_alloc : memref<!tpu.dma_semaphore, #tpu.memory_space<semaphore_mem>>
      %dma_start3A_134 = arith.constant 0 : i32
      %dma_start3A_135 = tpu.memref_slice %arg10[%mul3A_0, %dma_start3A_134] : memref<10240x64xf32, #tpu.memory_space<vmem_shared>> -> memref<640x64xf32, #tpu.memory_space<vmem_shared>>
      tpu.enqueue_dma source(%arg5 : memref<640x64xf32, #tpu.memory_space<hbm>>) target(%dma_start3A_135 : memref<640x64xf32, #tpu.memory_space<vmem_shared>>) target_semaphore(%run_scoped3A : memref<!tpu.dma_semaphore, #tpu.memory_space<semaphore_mem>>)
      %dma_wait3A_136 = arith.constant 0 : i32
      %dma_wait3A_137 = tpu.memref_slice %arg10[%mul3A_0, %dma_wait3A_136] : memref<10240x64xf32, #tpu.memory_space<vmem_shared>> -> memref<640x64xf32, #tpu.memory_space<vmem_shared>>
      tpu.wait_dma2 semaphore(%run_scoped3A : memref<!tpu.dma_semaphore, #tpu.memory_space<semaphore_mem>>) src(%arg5 : memref<640x64xf32, #tpu.memory_space<hbm>>) dst(%dma_wait3A_137 : memref<640x64xf32, #tpu.memory_space<vmem_shared>>)
      tpu.yield
    }) : () -> ()
    "tpu.region"() ({
      %run_scoped3A = tpu.sem_alloc : memref<!tpu.dma_semaphore, #tpu.memory_space<semaphore_mem>>
      %dma_start3A_134 = arith.constant 0 : i32
      %dma_start3A_135 = arith.constant 0 : i32
      %dma_start3A_136 = tpu.memref_slice %arg3[%arg1, %dma_start3A_134, %dma_start3A_135] : memref<16x160x125xi32, #tpu.memory_space<hbm>> -> memref<1x160x125xi32, #tpu.memory_space<hbm>>
      %dma_start3A_137 = tpu.memref_squeeze %dma_start3A_136 : memref<1x160x125xi32, #tpu.memory_space<hbm>> -> memref<160x125xi32, #tpu.memory_space<hbm>>
      %dma_start3A_138 = arith.constant 0 : i32
      %dma_start3A_139 = arith.constant 0 : i32
      %dma_start3A_140 = tpu.memref_slice %arg3[%arg1, %dma_start3A_138, %dma_start3A_139] : memref<16x160x125xi32, #tpu.memory_space<hbm>> -> memref<1x160x125xi32, #tpu.memory_space<hbm>>
      %dma_start3A_141 = tpu.memref_squeeze %dma_start3A_140 : memref<1x160x125xi32, #tpu.memory_space<hbm>> -> memref<160x125xi32, #tpu.memory_space<hbm>>
      tpu.enqueue_dma source(%dma_start3A_141 : memref<160x125xi32, #tpu.memory_space<hbm>>) target(%arg7 : memref<160x125xi32, #tpu.memory_space<vmem>>) target_semaphore(%run_scoped3A : memref<!tpu.dma_semaphore, #tpu.memory_space<semaphore_mem>>)
      %dma_wait3A_142 = arith.constant 0 : i32
      %dma_wait3A_143 = arith.constant 0 : i32
      %dma_wait3A_144 = tpu.memref_slice %arg3[%arg1, %dma_wait3A_142, %dma_wait3A_143] : memref<16x160x125xi32, #tpu.memory_space<hbm>> -> memref<1x160x125xi32, #tpu.memory_space<hbm>>
      %dma_wait3A_145 = tpu.memref_squeeze %dma_wait3A_144 : memref<1x160x125xi32, #tpu.memory_space<hbm>> -> memref<160x125xi32, #tpu.memory_space<hbm>>
      %dma_wait3A_146 = arith.constant 0 : i32
      %dma_wait3A_147 = arith.constant 0 : i32
      %dma_wait3A_148 = tpu.memref_slice %arg3[%arg1, %dma_wait3A_146, %dma_wait3A_147] : memref<16x160x125xi32, #tpu.memory_space<hbm>> -> memref<1x160x125xi32, #tpu.memory_space<hbm>>
      %dma_wait3A_149 = tpu.memref_squeeze %dma_wait3A_148 : memref<1x160x125xi32, #tpu.memory_space<hbm>> -> memref<160x125xi32, #tpu.memory_space<hbm>>
      tpu.wait_dma2 semaphore(%run_scoped3A : memref<!tpu.dma_semaphore, #tpu.memory_space<semaphore_mem>>) src(%dma_wait3A_149 : memref<160x125xi32, #tpu.memory_space<hbm>>) dst(%arg7 : memref<160x125xi32, #tpu.memory_space<vmem>>)
      tpu.yield
    }) : () -> ()
    "tpu.region"() ({
      %run_scoped3A = tpu.sem_alloc : memref<!tpu.dma_semaphore, #tpu.memory_space<semaphore_mem>>
      %dma_start3A_134 = arith.constant 0 : i32
      %dma_start3A_135 = arith.constant 0 : i32
      %dma_start3A_136 = tpu.memref_slice %arg4[%arg1, %dma_start3A_134, %dma_start3A_135] : memref<16x160x125xi32, #tpu.memory_space<hbm>> -> memref<1x160x125xi32, #tpu.memory_space<hbm>>
      %dma_start3A_137 = tpu.memref_squeeze %dma_start3A_136 : memref<1x160x125xi32, #tpu.memory_space<hbm>> -> memref<160x125xi32, #tpu.memory_space<hbm>>
      %dma_start3A_138 = arith.constant 0 : i32
      %dma_start3A_139 = arith.constant 0 : i32
      %dma_start3A_140 = tpu.memref_slice %arg4[%arg1, %dma_start3A_138, %dma_start3A_139] : memref<16x160x125xi32, #tpu.memory_space<hbm>> -> memref<1x160x125xi32, #tpu.memory_space<hbm>>
      %dma_start3A_141 = tpu.memref_squeeze %dma_start3A_140 : memref<1x160x125xi32, #tpu.memory_space<hbm>> -> memref<160x125xi32, #tpu.memory_space<hbm>>
      tpu.enqueue_dma source(%dma_start3A_141 : memref<160x125xi32, #tpu.memory_space<hbm>>) target(%arg8 : memref<160x125xi32, #tpu.memory_space<vmem>>) target_semaphore(%run_scoped3A : memref<!tpu.dma_semaphore, #tpu.memory_space<semaphore_mem>>)
      %dma_wait3A_142 = arith.constant 0 : i32
      %dma_wait3A_143 = arith.constant 0 : i32
      %dma_wait3A_144 = tpu.memref_slice %arg4[%arg1, %dma_wait3A_142, %dma_wait3A_143] : memref<16x160x125xi32, #tpu.memory_space<hbm>> -> memref<1x160x125xi32, #tpu.memory_space<hbm>>
      %dma_wait3A_145 = tpu.memref_squeeze %dma_wait3A_144 : memref<1x160x125xi32, #tpu.memory_space<hbm>> -> memref<160x125xi32, #tpu.memory_space<hbm>>
      %dma_wait3A_146 = arith.constant 0 : i32
      %dma_wait3A_147 = arith.constant 0 : i32
      %dma_wait3A_148 = tpu.memref_slice %arg4[%arg1, %dma_wait3A_146, %dma_wait3A_147] : memref<16x160x125xi32, #tpu.memory_space<hbm>> -> memref<1x160x125xi32, #tpu.memory_space<hbm>>
      %dma_wait3A_149 = tpu.memref_squeeze %dma_wait3A_148 : memref<1x160x125xi32, #tpu.memory_space<hbm>> -> memref<160x125xi32, #tpu.memory_space<hbm>>
      tpu.wait_dma2 semaphore(%run_scoped3A : memref<!tpu.dma_semaphore, #tpu.memory_space<semaphore_mem>>) src(%dma_wait3A_149 : memref<160x125xi32, #tpu.memory_space<hbm>>) dst(%arg8 : memref<160x125xi32, #tpu.memory_space<vmem>>)
      tpu.yield
    }) : () -> ()
    %barrier3A = arith.constant 0 : index
    tpu.barrier barrier_id(%barrier3A)
    %dma_start3A = arith.constant 0 : i32
    %dma_start3A_1 = arith.constant 0 : i32
    %dma_start3A_2 = arith.constant 0 : i32
    %dma_start3A_3 = arith.constant 0 : i32
    %dma_start3A_4 = tpu.memref_slice %arg9[%dma_start3A_1, %dma_start3A_2, %dma_start3A_3] : memref<5x125x64xf32, #tpu.memory_space<vmem>> -> memref<1x125x64xf32, #tpu.memory_space<vmem>>
    %dma_start3A_5 = tpu.memref_squeeze %dma_start3A_4 : memref<1x125x64xf32, #tpu.memory_space<vmem>> -> memref<125x64xf32, #tpu.memory_space<vmem>>
    %dma_start3A_6 = arith.constant 0 : i32
    %dma_start3A_7 = tpu.memref_slice %arg7[%dma_start3A, %dma_start3A_6] : memref<160x125xi32, #tpu.memory_space<vmem>> -> memref<1x125xi32, #tpu.memory_space<vmem>>
    %dma_start3A_8 = tpu.memref_squeeze %dma_start3A_7 : memref<1x125xi32, #tpu.memory_space<vmem>> -> memref<125xi32, #tpu.memory_space<vmem>>
    %dma_start3A_9 = arith.constant 0 : i32
    %dma_start3A_10 = arith.constant 0 : i32
    %dma_start3A_11 = tpu.memref_slice %arg2[%arg0, %dma_start3A_9, %dma_start3A_10] : memref<2x10000x64xf32, #tpu.memory_space<hbm>> -> memref<1x10000x64xf32, #tpu.memory_space<hbm>>
    %dma_start3A_12 = tpu.memref_squeeze %dma_start3A_11 : memref<1x10000x64xf32, #tpu.memory_space<hbm>> -> memref<10000x64xf32, #tpu.memory_space<hbm>>
    %dma_start3A_13 = arith.constant 0 : i32
    %dma_start3A_14 = arith.constant 0 : i32
    %dma_start3A_15 = tpu.memref_slice %dma_start3A_12[%dma_start3A_13, %dma_start3A_14] : memref<10000x64xf32, #tpu.memory_space<hbm>> -> memref<10000x64xf32, #tpu.memory_space<hbm>>
    tpu.enqueue_indirect_dma source(%dma_start3A_15 : memref<10000x64xf32, #tpu.memory_space<hbm>>) target(%dma_start3A_5 : memref<125x64xf32, #tpu.memory_space<vmem>>) offsets(%dma_start3A_8 : memref<125xi32, #tpu.memory_space<vmem>>) semaphore(%arg11 : memref<!tpu.dma_semaphore, #tpu.memory_space<semaphore_mem>>)
    %dma_start3A_16 = arith.constant 1 : i32
    %dma_start3A_17 = arith.constant 1 : i32
    %dma_start3A_18 = arith.constant 0 : i32
    %dma_start3A_19 = arith.constant 0 : i32
    %dma_start3A_20 = tpu.memref_slice %arg9[%dma_start3A_17, %dma_start3A_18, %dma_start3A_19] : memref<5x125x64xf32, #tpu.memory_space<vmem>> -> memref<1x125x64xf32, #tpu.memory_space<vmem>>
    %dma_start3A_21 = tpu.memref_squeeze %dma_start3A_20 : memref<1x125x64xf32, #tpu.memory_space<vmem>> -> memref<125x64xf32, #tpu.memory_space<vmem>>
    %dma_start3A_22 = arith.constant 0 : i32
    %dma_start3A_23 = tpu.memref_slice %arg7[%dma_start3A_16, %dma_start3A_22] : memref<160x125xi32, #tpu.memory_space<vmem>> -> memref<1x125xi32, #tpu.memory_space<vmem>>
    %dma_start3A_24 = tpu.memref_squeeze %dma_start3A_23 : memref<1x125xi32, #tpu.memory_space<vmem>> -> memref<125xi32, #tpu.memory_space<vmem>>
    %dma_start3A_25 = arith.constant 0 : i32
    %dma_start3A_26 = arith.constant 0 : i32
    %dma_start3A_27 = tpu.memref_slice %arg2[%arg0, %dma_start3A_25, %dma_start3A_26] : memref<2x10000x64xf32, #tpu.memory_space<hbm>> -> memref<1x10000x64xf32, #tpu.memory_space<hbm>>
    %dma_start3A_28 = tpu.memref_squeeze %dma_start3A_27 : memref<1x10000x64xf32, #tpu.memory_space<hbm>> -> memref<10000x64xf32, #tpu.memory_space<hbm>>
    %dma_start3A_29 = arith.constant 0 : i32
    %dma_start3A_30 = arith.constant 0 : i32
    %dma_start3A_31 = tpu.memref_slice %dma_start3A_28[%dma_start3A_29, %dma_start3A_30] : memref<10000x64xf32, #tpu.memory_space<hbm>> -> memref<10000x64xf32, #tpu.memory_space<hbm>>
    tpu.enqueue_indirect_dma source(%dma_start3A_31 : memref<10000x64xf32, #tpu.memory_space<hbm>>) target(%dma_start3A_21 : memref<125x64xf32, #tpu.memory_space<vmem>>) offsets(%dma_start3A_24 : memref<125xi32, #tpu.memory_space<vmem>>) semaphore(%arg12 : memref<!tpu.dma_semaphore, #tpu.memory_space<semaphore_mem>>)
    %dma_start3A_32 = arith.constant 2 : i32
    %dma_start3A_33 = arith.constant 2 : i32
    %dma_start3A_34 = arith.constant 0 : i32
    %dma_start3A_35 = arith.constant 0 : i32
    %dma_start3A_36 = tpu.memref_slice %arg9[%dma_start3A_33, %dma_start3A_34, %dma_start3A_35] : memref<5x125x64xf32, #tpu.memory_space<vmem>> -> memref<1x125x64xf32, #tpu.memory_space<vmem>>
    %dma_start3A_37 = tpu.memref_squeeze %dma_start3A_36 : memref<1x125x64xf32, #tpu.memory_space<vmem>> -> memref<125x64xf32, #tpu.memory_space<vmem>>
    %dma_start3A_38 = arith.constant 0 : i32
    %dma_start3A_39 = tpu.memref_slice %arg7[%dma_start3A_32, %dma_start3A_38] : memref<160x125xi32, #tpu.memory_space<vmem>> -> memref<1x125xi32, #tpu.memory_space<vmem>>
    %dma_start3A_40 = tpu.memref_squeeze %dma_start3A_39 : memref<1x125xi32, #tpu.memory_space<vmem>> -> memref<125xi32, #tpu.memory_space<vmem>>
    %dma_start3A_41 = arith.constant 0 : i32
    %dma_start3A_42 = arith.constant 0 : i32
    %dma_start3A_43 = tpu.memref_slice %arg2[%arg0, %dma_start3A_41, %dma_start3A_42] : memref<2x10000x64xf32, #tpu.memory_space<hbm>> -> memref<1x10000x64xf32, #tpu.memory_space<hbm>>
    %dma_start3A_44 = tpu.memref_squeeze %dma_start3A_43 : memref<1x10000x64xf32, #tpu.memory_space<hbm>> -> memref<10000x64xf32, #tpu.memory_space<hbm>>
    %dma_start3A_45 = arith.constant 0 : i32
    %dma_start3A_46 = arith.constant 0 : i32
    %dma_start3A_47 = tpu.memref_slice %dma_start3A_44[%dma_start3A_45, %dma_start3A_46] : memref<10000x64xf32, #tpu.memory_space<hbm>> -> memref<10000x64xf32, #tpu.memory_space<hbm>>
    tpu.enqueue_indirect_dma source(%dma_start3A_47 : memref<10000x64xf32, #tpu.memory_space<hbm>>) target(%dma_start3A_37 : memref<125x64xf32, #tpu.memory_space<vmem>>) offsets(%dma_start3A_40 : memref<125xi32, #tpu.memory_space<vmem>>) semaphore(%arg13 : memref<!tpu.dma_semaphore, #tpu.memory_space<semaphore_mem>>)
    %dma_start3A_48 = arith.constant 3 : i32
    %dma_start3A_49 = arith.constant 3 : i32
    %dma_start3A_50 = arith.constant 0 : i32
    %dma_start3A_51 = arith.constant 0 : i32
    %dma_start3A_52 = tpu.memref_slice %arg9[%dma_start3A_49, %dma_start3A_50, %dma_start3A_51] : memref<5x125x64xf32, #tpu.memory_space<vmem>> -> memref<1x125x64xf32, #tpu.memory_space<vmem>>
    %dma_start3A_53 = tpu.memref_squeeze %dma_start3A_52 : memref<1x125x64xf32, #tpu.memory_space<vmem>> -> memref<125x64xf32, #tpu.memory_space<vmem>>
    %dma_start3A_54 = arith.constant 0 : i32
    %dma_start3A_55 = tpu.memref_slice %arg7[%dma_start3A_48, %dma_start3A_54] : memref<160x125xi32, #tpu.memory_space<vmem>> -> memref<1x125xi32, #tpu.memory_space<vmem>>
    %dma_start3A_56 = tpu.memref_squeeze %dma_start3A_55 : memref<1x125xi32, #tpu.memory_space<vmem>> -> memref<125xi32, #tpu.memory_space<vmem>>
    %dma_start3A_57 = arith.constant 0 : i32
    %dma_start3A_58 = arith.constant 0 : i32
    %dma_start3A_59 = tpu.memref_slice %arg2[%arg0, %dma_start3A_57, %dma_start3A_58] : memref<2x10000x64xf32, #tpu.memory_space<hbm>> -> memref<1x10000x64xf32, #tpu.memory_space<hbm>>
    %dma_start3A_60 = tpu.memref_squeeze %dma_start3A_59 : memref<1x10000x64xf32, #tpu.memory_space<hbm>> -> memref<10000x64xf32, #tpu.memory_space<hbm>>
    %dma_start3A_61 = arith.constant 0 : i32
    %dma_start3A_62 = arith.constant 0 : i32
    %dma_start3A_63 = tpu.memref_slice %dma_start3A_60[%dma_start3A_61, %dma_start3A_62] : memref<10000x64xf32, #tpu.memory_space<hbm>> -> memref<10000x64xf32, #tpu.memory_space<hbm>>
    tpu.enqueue_indirect_dma source(%dma_start3A_63 : memref<10000x64xf32, #tpu.memory_space<hbm>>) target(%dma_start3A_53 : memref<125x64xf32, #tpu.memory_space<vmem>>) offsets(%dma_start3A_56 : memref<125xi32, #tpu.memory_space<vmem>>) semaphore(%arg14 : memref<!tpu.dma_semaphore, #tpu.memory_space<semaphore_mem>>)
    %scan3A = arith.constant 0 : i32
    %scan3A_64 = arith.constant 0 : i32
    %scan3A_65 = arith.constant 32 : i32
    %scan3A_66 = arith.addi %scan3A_64, %scan3A_65 : i32
    %scan3A_67 = arith.constant 1 : i32
    %scan3A_68 = scf.for %scan3A_134 = %scan3A_64 to %scan3A_66 step %scan3A_67 iter_args(%scan3A_135 = %scan3A) -> (i32)  : i32 {
      %mul3A_136 = arith.constant 5 : i32
      %mul3A_137 = arith.muli %scan3A_134, %mul3A_136 : i32
      %add3A = arith.constant 0 : i32
      %add3A_138 = arith.addi %mul3A_137, %add3A : i32
      %dma_wait3A_139 = arith.constant 0 : i32
      %dma_wait3A_140 = arith.constant 0 : i32
      %dma_wait3A_141 = arith.constant 0 : i32
      %dma_wait3A_142 = tpu.memref_slice %arg9[%dma_wait3A_139, %dma_wait3A_140, %dma_wait3A_141] : memref<5x125x64xf32, #tpu.memory_space<vmem>> -> memref<1x125x64xf32, #tpu.memory_space<vmem>>
      %dma_wait3A_143 = tpu.memref_squeeze %dma_wait3A_142 : memref<1x125x64xf32, #tpu.memory_space<vmem>> -> memref<125x64xf32, #tpu.memory_space<vmem>>
      %dma_wait3A_144 = arith.constant 0 : i32
      %dma_wait3A_145 = tpu.memref_slice %arg7[%add3A_138, %dma_wait3A_144] : memref<160x125xi32, #tpu.memory_space<vmem>> -> memref<1x125xi32, #tpu.memory_space<vmem>>
      %dma_wait3A_146 = tpu.memref_squeeze %dma_wait3A_145 : memref<1x125xi32, #tpu.memory_space<vmem>> -> memref<125xi32, #tpu.memory_space<vmem>>
      %dma_wait3A_147 = arith.constant 0 : i32
      %dma_wait3A_148 = arith.constant 0 : i32
      %dma_wait3A_149 = tpu.memref_slice %arg2[%arg0, %dma_wait3A_147, %dma_wait3A_148] : memref<2x10000x64xf32, #tpu.memory_space<hbm>> -> memref<1x10000x64xf32, #tpu.memory_space<hbm>>
      %dma_wait3A_150 = tpu.memref_squeeze %dma_wait3A_149 : memref<1x10000x64xf32, #tpu.memory_space<hbm>> -> memref<10000x64xf32, #tpu.memory_space<hbm>>
      %dma_wait3A_151 = arith.constant 0 : i32
      %dma_wait3A_152 = arith.constant 0 : i32
      %dma_wait3A_153 = tpu.memref_slice %dma_wait3A_150[%dma_wait3A_151, %dma_wait3A_152] : memref<10000x64xf32, #tpu.memory_space<hbm>> -> memref<10000x64xf32, #tpu.memory_space<hbm>>
      tpu.wait_indirect_dma semaphore(%arg11 : memref<!tpu.dma_semaphore, #tpu.memory_space<semaphore_mem>>) src(%dma_wait3A_153 : memref<10000x64xf32, #tpu.memory_space<hbm>>) dst(%dma_wait3A_143 : memref<125x64xf32, #tpu.memory_space<vmem>>)
      %dma_start3A_154 = arith.constant 0 : i32
      %dma_start3A_155 = arith.constant 0 : i32
      %dma_start3A_156 = arith.constant 0 : i32
      %dma_start3A_157 = tpu.memref_slice %arg9[%dma_start3A_154, %dma_start3A_155, %dma_start3A_156] : memref<5x125x64xf32, #tpu.memory_space<vmem>> -> memref<1x125x64xf32, #tpu.memory_space<vmem>>
      %dma_start3A_158 = tpu.memref_squeeze %dma_start3A_157 : memref<1x125x64xf32, #tpu.memory_space<vmem>> -> memref<125x64xf32, #tpu.memory_space<vmem>>
      %dma_start3A_159 = arith.constant 0 : i32
      %dma_start3A_160 = tpu.memref_slice %arg8[%add3A_138, %dma_start3A_159] : memref<160x125xi32, #tpu.memory_space<vmem>> -> memref<1x125xi32, #tpu.memory_space<vmem>>
      %dma_start3A_161 = tpu.memref_squeeze %dma_start3A_160 : memref<1x125xi32, #tpu.memory_space<vmem>> -> memref<125xi32, #tpu.memory_space<vmem>>
      %dma_start3A_162 = arith.constant 0 : i32
      %dma_start3A_163 = arith.constant 0 : i32
      %dma_start3A_164 = tpu.memref_slice %arg10[%dma_start3A_162, %dma_start3A_163] : memref<10240x64xf32, #tpu.memory_space<vmem_shared>> -> memref<10240x64xf32, #tpu.memory_space<vmem_shared>>
      tpu.enqueue_indirect_dma source(%dma_start3A_158 : memref<125x64xf32, #tpu.memory_space<vmem>>) target(%dma_start3A_164 : memref<10240x64xf32, #tpu.memory_space<vmem_shared>>) offsets(%dma_start3A_161 : memref<125xi32, #tpu.memory_space<vmem>>) semaphore(%arg16 : memref<!tpu.dma_semaphore, #tpu.memory_space<semaphore_mem>>) {add = true}
      %add3A_165 = arith.constant 4 : i32
      %add3A_166 = arith.addi %add3A_138, %add3A_165 : i32
      %lt3A = arith.constant 160 : i32
      %lt3A_167 = arith.cmpi slt, %add3A_166, %lt3A : i32
      %convert_element_type3A = arith.extui %lt3A_167 : i1 to i32
      %cond3A = arith.constant 0 : i32
      %cond3A_168 = arith.cmpi ne, %convert_element_type3A, %cond3A : i32
      scf.if %cond3A_168 {
        %ge3A = arith.constant 5 : i32
        %ge3A_318 = arith.cmpi sge, %add3A_166, %ge3A : i32
        %convert_element_type3A_319 = arith.extui %ge3A_318 : i1 to i32
        %cond3A_320 = arith.constant 0 : i32
        %cond3A_321 = arith.cmpi ne, %convert_element_type3A_319, %cond3A_320 : i32
        scf.if %cond3A_321 {
          %sub3A = arith.constant 5 : i32
          %sub3A_337 = arith.subi %add3A_166, %sub3A : i32
          %dma_wait3A_338 = arith.constant 4 : i32
          %dma_wait3A_339 = arith.constant 0 : i32
          %dma_wait3A_340 = arith.constant 0 : i32
          %dma_wait3A_341 = tpu.memref_slice %arg9[%dma_wait3A_338, %dma_wait3A_339, %dma_wait3A_340] : memref<5x125x64xf32, #tpu.memory_space<vmem>> -> memref<1x125x64xf32, #tpu.memory_space<vmem>>
          %dma_wait3A_342 = tpu.memref_squeeze %dma_wait3A_341 : memref<1x125x64xf32, #tpu.memory_space<vmem>> -> memref<125x64xf32, #tpu.memory_space<vmem>>
          %dma_wait3A_343 = arith.constant 0 : i32
          %dma_wait3A_344 = tpu.memref_slice %arg8[%sub3A_337, %dma_wait3A_343] : memref<160x125xi32, #tpu.memory_space<vmem>> -> memref<1x125xi32, #tpu.memory_space<vmem>>
          %dma_wait3A_345 = tpu.memref_squeeze %dma_wait3A_344 : memref<1x125xi32, #tpu.memory_space<vmem>> -> memref<125xi32, #tpu.memory_space<vmem>>
          %dma_wait3A_346 = arith.constant 0 : i32
          %dma_wait3A_347 = arith.constant 0 : i32
          %dma_wait3A_348 = tpu.memref_slice %arg10[%dma_wait3A_346, %dma_wait3A_347] : memref<10240x64xf32, #tpu.memory_space<vmem_shared>> -> memref<10240x64xf32, #tpu.memory_space<vmem_shared>>
          tpu.wait_indirect_dma semaphore(%arg20 : memref<!tpu.dma_semaphore, #tpu.memory_space<semaphore_mem>>) src(%dma_wait3A_342 : memref<125x64xf32, #tpu.memory_space<vmem>>) dst(%dma_wait3A_348 : memref<10240x64xf32, #tpu.memory_space<vmem_shared>>)
        } else {
        }
        %dma_start3A_322 = arith.constant 4 : i32
        %dma_start3A_323 = arith.constant 0 : i32
        %dma_start3A_324 = arith.constant 0 : i32
        %dma_start3A_325 = tpu.memref_slice %arg9[%dma_start3A_322, %dma_start3A_323, %dma_start3A_324] : memref<5x125x64xf32, #tpu.memory_space<vmem>> -> memref<1x125x64xf32, #tpu.memory_space<vmem>>
        %dma_start3A_326 = tpu.memref_squeeze %dma_start3A_325 : memref<1x125x64xf32, #tpu.memory_space<vmem>> -> memref<125x64xf32, #tpu.memory_space<vmem>>
        %dma_start3A_327 = arith.constant 0 : i32
        %dma_start3A_328 = tpu.memref_slice %arg7[%add3A_166, %dma_start3A_327] : memref<160x125xi32, #tpu.memory_space<vmem>> -> memref<1x125xi32, #tpu.memory_space<vmem>>
        %dma_start3A_329 = tpu.memref_squeeze %dma_start3A_328 : memref<1x125xi32, #tpu.memory_space<vmem>> -> memref<125xi32, #tpu.memory_space<vmem>>
        %dma_start3A_330 = arith.constant 0 : i32
        %dma_start3A_331 = arith.constant 0 : i32
        %dma_start3A_332 = tpu.memref_slice %arg2[%arg0, %dma_start3A_330, %dma_start3A_331] : memref<2x10000x64xf32, #tpu.memory_space<hbm>> -> memref<1x10000x64xf32, #tpu.memory_space<hbm>>
        %dma_start3A_333 = tpu.memref_squeeze %dma_start3A_332 : memref<1x10000x64xf32, #tpu.memory_space<hbm>> -> memref<10000x64xf32, #tpu.memory_space<hbm>>
        %dma_start3A_334 = arith.constant 0 : i32
        %dma_start3A_335 = arith.constant 0 : i32
        %dma_start3A_336 = tpu.memref_slice %dma_start3A_333[%dma_start3A_334, %dma_start3A_335] : memref<10000x64xf32, #tpu.memory_space<hbm>> -> memref<10000x64xf32, #tpu.memory_space<hbm>>
        tpu.enqueue_indirect_dma source(%dma_start3A_336 : memref<10000x64xf32, #tpu.memory_space<hbm>>) target(%dma_start3A_326 : memref<125x64xf32, #tpu.memory_space<vmem>>) offsets(%dma_start3A_329 : memref<125xi32, #tpu.memory_space<vmem>>) semaphore(%arg15 : memref<!tpu.dma_semaphore, #tpu.memory_space<semaphore_mem>>)
      } else {
      }
      %mul3A_169 = arith.constant 5 : i32
      %mul3A_170 = arith.muli %scan3A_134, %mul3A_169 : i32
      %add3A_171 = arith.constant 1 : i32
      %add3A_172 = arith.addi %mul3A_170, %add3A_171 : i32
      %dma_wait3A_173 = arith.constant 1 : i32
      %dma_wait3A_174 = arith.constant 0 : i32
      %dma_wait3A_175 = arith.constant 0 : i32
      %dma_wait3A_176 = tpu.memref_slice %arg9[%dma_wait3A_173, %dma_wait3A_174, %dma_wait3A_175] : memref<5x125x64xf32, #tpu.memory_space<vmem>> -> memref<1x125x64xf32, #tpu.memory_space<vmem>>
      %dma_wait3A_177 = tpu.memref_squeeze %dma_wait3A_176 : memref<1x125x64xf32, #tpu.memory_space<vmem>> -> memref<125x64xf32, #tpu.memory_space<vmem>>
      %dma_wait3A_178 = arith.constant 0 : i32
      %dma_wait3A_179 = tpu.memref_slice %arg7[%add3A_172, %dma_wait3A_178] : memref<160x125xi32, #tpu.memory_space<vmem>> -> memref<1x125xi32, #tpu.memory_space<vmem>>
      %dma_wait3A_180 = tpu.memref_squeeze %dma_wait3A_179 : memref<1x125xi32, #tpu.memory_space<vmem>> -> memref<125xi32, #tpu.memory_space<vmem>>
      %dma_wait3A_181 = arith.constant 0 : i32
      %dma_wait3A_182 = arith.constant 0 : i32
      %dma_wait3A_183 = tpu.memref_slice %arg2[%arg0, %dma_wait3A_181, %dma_wait3A_182] : memref<2x10000x64xf32, #tpu.memory_space<hbm>> -> memref<1x10000x64xf32, #tpu.memory_space<hbm>>
      %dma_wait3A_184 = tpu.memref_squeeze %dma_wait3A_183 : memref<1x10000x64xf32, #tpu.memory_space<hbm>> -> memref<10000x64xf32, #tpu.memory_space<hbm>>
      %dma_wait3A_185 = arith.constant 0 : i32
      %dma_wait3A_186 = arith.constant 0 : i32
      %dma_wait3A_187 = tpu.memref_slice %dma_wait3A_184[%dma_wait3A_185, %dma_wait3A_186] : memref<10000x64xf32, #tpu.memory_space<hbm>> -> memref<10000x64xf32, #tpu.memory_space<hbm>>
      tpu.wait_indirect_dma semaphore(%arg12 : memref<!tpu.dma_semaphore, #tpu.memory_space<semaphore_mem>>) src(%dma_wait3A_187 : memref<10000x64xf32, #tpu.memory_space<hbm>>) dst(%dma_wait3A_177 : memref<125x64xf32, #tpu.memory_space<vmem>>)
      %dma_start3A_188 = arith.constant 1 : i32
      %dma_start3A_189 = arith.constant 0 : i32
      %dma_start3A_190 = arith.constant 0 : i32
      %dma_start3A_191 = tpu.memref_slice %arg9[%dma_start3A_188, %dma_start3A_189, %dma_start3A_190] : memref<5x125x64xf32, #tpu.memory_space<vmem>> -> memref<1x125x64xf32, #tpu.memory_space<vmem>>
      %dma_start3A_192 = tpu.memref_squeeze %dma_start3A_191 : memref<1x125x64xf32, #tpu.memory_space<vmem>> -> memref<125x64xf32, #tpu.memory_space<vmem>>
      %dma_start3A_193 = arith.constant 0 : i32
      %dma_start3A_194 = tpu.memref_slice %arg8[%add3A_172, %dma_start3A_193] : memref<160x125xi32, #tpu.memory_space<vmem>> -> memref<1x125xi32, #tpu.memory_space<vmem>>
      %dma_start3A_195 = tpu.memref_squeeze %dma_start3A_194 : memref<1x125xi32, #tpu.memory_space<vmem>> -> memref<125xi32, #tpu.memory_space<vmem>>
      %dma_start3A_196 = arith.constant 0 : i32
      %dma_start3A_197 = arith.constant 0 : i32
      %dma_start3A_198 = tpu.memref_slice %arg10[%dma_start3A_196, %dma_start3A_197] : memref<10240x64xf32, #tpu.memory_space<vmem_shared>> -> memref<10240x64xf32, #tpu.memory_space<vmem_shared>>
      tpu.enqueue_indirect_dma source(%dma_start3A_192 : memref<125x64xf32, #tpu.memory_space<vmem>>) target(%dma_start3A_198 : memref<10240x64xf32, #tpu.memory_space<vmem_shared>>) offsets(%dma_start3A_195 : memref<125xi32, #tpu.memory_space<vmem>>) semaphore(%arg17 : memref<!tpu.dma_semaphore, #tpu.memory_space<semaphore_mem>>) {add = true}
      %add3A_199 = arith.constant 4 : i32
      %add3A_200 = arith.addi %add3A_172, %add3A_199 : i32
      %lt3A_201 = arith.constant 160 : i32
      %lt3A_202 = arith.cmpi slt, %add3A_200, %lt3A_201 : i32
      %convert_element_type3A_203 = arith.extui %lt3A_202 : i1 to i32
      %cond3A_204 = arith.constant 0 : i32
      %cond3A_205 = arith.cmpi ne, %convert_element_type3A_203, %cond3A_204 : i32
      scf.if %cond3A_205 {
        %ge3A = arith.constant 5 : i32
        %ge3A_318 = arith.cmpi sge, %add3A_200, %ge3A : i32
        %convert_element_type3A_319 = arith.extui %ge3A_318 : i1 to i32
        %cond3A_320 = arith.constant 0 : i32
        %cond3A_321 = arith.cmpi ne, %convert_element_type3A_319, %cond3A_320 : i32
        scf.if %cond3A_321 {
          %sub3A = arith.constant 5 : i32
          %sub3A_337 = arith.subi %add3A_200, %sub3A : i32
          %dma_wait3A_338 = arith.constant 0 : i32
          %dma_wait3A_339 = arith.constant 0 : i32
          %dma_wait3A_340 = arith.constant 0 : i32
          %dma_wait3A_341 = tpu.memref_slice %arg9[%dma_wait3A_338, %dma_wait3A_339, %dma_wait3A_340] : memref<5x125x64xf32, #tpu.memory_space<vmem>> -> memref<1x125x64xf32, #tpu.memory_space<vmem>>
          %dma_wait3A_342 = tpu.memref_squeeze %dma_wait3A_341 : memref<1x125x64xf32, #tpu.memory_space<vmem>> -> memref<125x64xf32, #tpu.memory_space<vmem>>
          %dma_wait3A_343 = arith.constant 0 : i32
          %dma_wait3A_344 = tpu.memref_slice %arg8[%sub3A_337, %dma_wait3A_343] : memref<160x125xi32, #tpu.memory_space<vmem>> -> memref<1x125xi32, #tpu.memory_space<vmem>>
          %dma_wait3A_345 = tpu.memref_squeeze %dma_wait3A_344 : memref<1x125xi32, #tpu.memory_space<vmem>> -> memref<125xi32, #tpu.memory_space<vmem>>
          %dma_wait3A_346 = arith.constant 0 : i32
          %dma_wait3A_347 = arith.constant 0 : i32
          %dma_wait3A_348 = tpu.memref_slice %arg10[%dma_wait3A_346, %dma_wait3A_347] : memref<10240x64xf32, #tpu.memory_space<vmem_shared>> -> memref<10240x64xf32, #tpu.memory_space<vmem_shared>>
          tpu.wait_indirect_dma semaphore(%arg16 : memref<!tpu.dma_semaphore, #tpu.memory_space<semaphore_mem>>) src(%dma_wait3A_342 : memref<125x64xf32, #tpu.memory_space<vmem>>) dst(%dma_wait3A_348 : memref<10240x64xf32, #tpu.memory_space<vmem_shared>>)
        } else {
        }
        %dma_start3A_322 = arith.constant 0 : i32
        %dma_start3A_323 = arith.constant 0 : i32
        %dma_start3A_324 = arith.constant 0 : i32
        %dma_start3A_325 = tpu.memref_slice %arg9[%dma_start3A_322, %dma_start3A_323, %dma_start3A_324] : memref<5x125x64xf32, #tpu.memory_space<vmem>> -> memref<1x125x64xf32, #tpu.memory_space<vmem>>
        %dma_start3A_326 = tpu.memref_squeeze %dma_start3A_325 : memref<1x125x64xf32, #tpu.memory_space<vmem>> -> memref<125x64xf32, #tpu.memory_space<vmem>>
        %dma_start3A_327 = arith.constant 0 : i32
        %dma_start3A_328 = tpu.memref_slice %arg7[%add3A_200, %dma_start3A_327] : memref<160x125xi32, #tpu.memory_space<vmem>> -> memref<1x125xi32, #tpu.memory_space<vmem>>
        %dma_start3A_329 = tpu.memref_squeeze %dma_start3A_328 : memref<1x125xi32, #tpu.memory_space<vmem>> -> memref<125xi32, #tpu.memory_space<vmem>>
        %dma_start3A_330 = arith.constant 0 : i32
        %dma_start3A_331 = arith.constant 0 : i32
        %dma_start3A_332 = tpu.memref_slice %arg2[%arg0, %dma_start3A_330, %dma_start3A_331] : memref<2x10000x64xf32, #tpu.memory_space<hbm>> -> memref<1x10000x64xf32, #tpu.memory_space<hbm>>
        %dma_start3A_333 = tpu.memref_squeeze %dma_start3A_332 : memref<1x10000x64xf32, #tpu.memory_space<hbm>> -> memref<10000x64xf32, #tpu.memory_space<hbm>>
        %dma_start3A_334 = arith.constant 0 : i32
        %dma_start3A_335 = arith.constant 0 : i32
        %dma_start3A_336 = tpu.memref_slice %dma_start3A_333[%dma_start3A_334, %dma_start3A_335] : memref<10000x64xf32, #tpu.memory_space<hbm>> -> memref<10000x64xf32, #tpu.memory_space<hbm>>
        tpu.enqueue_indirect_dma source(%dma_start3A_336 : memref<10000x64xf32, #tpu.memory_space<hbm>>) target(%dma_start3A_326 : memref<125x64xf32, #tpu.memory_space<vmem>>) offsets(%dma_start3A_329 : memref<125xi32, #tpu.memory_space<vmem>>) semaphore(%arg11 : memref<!tpu.dma_semaphore, #tpu.memory_space<semaphore_mem>>)
      } else {
      }
      %mul3A_206 = arith.constant 5 : i32
      %mul3A_207 = arith.muli %scan3A_134, %mul3A_206 : i32
      %add3A_208 = arith.constant 2 : i32
      %add3A_209 = arith.addi %mul3A_207, %add3A_208 : i32
      %dma_wait3A_210 = arith.constant 2 : i32
      %dma_wait3A_211 = arith.constant 0 : i32
      %dma_wait3A_212 = arith.constant 0 : i32
      %dma_wait3A_213 = tpu.memref_slice %arg9[%dma_wait3A_210, %dma_wait3A_211, %dma_wait3A_212] : memref<5x125x64xf32, #tpu.memory_space<vmem>> -> memref<1x125x64xf32, #tpu.memory_space<vmem>>
      %dma_wait3A_214 = tpu.memref_squeeze %dma_wait3A_213 : memref<1x125x64xf32, #tpu.memory_space<vmem>> -> memref<125x64xf32, #tpu.memory_space<vmem>>
      %dma_wait3A_215 = arith.constant 0 : i32
      %dma_wait3A_216 = tpu.memref_slice %arg7[%add3A_209, %dma_wait3A_215] : memref<160x125xi32, #tpu.memory_space<vmem>> -> memref<1x125xi32, #tpu.memory_space<vmem>>
      %dma_wait3A_217 = tpu.memref_squeeze %dma_wait3A_216 : memref<1x125xi32, #tpu.memory_space<vmem>> -> memref<125xi32, #tpu.memory_space<vmem>>
      %dma_wait3A_218 = arith.constant 0 : i32
      %dma_wait3A_219 = arith.constant 0 : i32
      %dma_wait3A_220 = tpu.memref_slice %arg2[%arg0, %dma_wait3A_218, %dma_wait3A_219] : memref<2x10000x64xf32, #tpu.memory_space<hbm>> -> memref<1x10000x64xf32, #tpu.memory_space<hbm>>
      %dma_wait3A_221 = tpu.memref_squeeze %dma_wait3A_220 : memref<1x10000x64xf32, #tpu.memory_space<hbm>> -> memref<10000x64xf32, #tpu.memory_space<hbm>>
      %dma_wait3A_222 = arith.constant 0 : i32
      %dma_wait3A_223 = arith.constant 0 : i32
      %dma_wait3A_224 = tpu.memref_slice %dma_wait3A_221[%dma_wait3A_222, %dma_wait3A_223] : memref<10000x64xf32, #tpu.memory_space<hbm>> -> memref<10000x64xf32, #tpu.memory_space<hbm>>
      tpu.wait_indirect_dma semaphore(%arg13 : memref<!tpu.dma_semaphore, #tpu.memory_space<semaphore_mem>>) src(%dma_wait3A_224 : memref<10000x64xf32, #tpu.memory_space<hbm>>) dst(%dma_wait3A_214 : memref<125x64xf32, #tpu.memory_space<vmem>>)
      %dma_start3A_225 = arith.constant 2 : i32
      %dma_start3A_226 = arith.constant 0 : i32
      %dma_start3A_227 = arith.constant 0 : i32
      %dma_start3A_228 = tpu.memref_slice %arg9[%dma_start3A_225, %dma_start3A_226, %dma_start3A_227] : memref<5x125x64xf32, #tpu.memory_space<vmem>> -> memref<1x125x64xf32, #tpu.memory_space<vmem>>
      %dma_start3A_229 = tpu.memref_squeeze %dma_start3A_228 : memref<1x125x64xf32, #tpu.memory_space<vmem>> -> memref<125x64xf32, #tpu.memory_space<vmem>>
      %dma_start3A_230 = arith.constant 0 : i32
      %dma_start3A_231 = tpu.memref_slice %arg8[%add3A_209, %dma_start3A_230] : memref<160x125xi32, #tpu.memory_space<vmem>> -> memref<1x125xi32, #tpu.memory_space<vmem>>
      %dma_start3A_232 = tpu.memref_squeeze %dma_start3A_231 : memref<1x125xi32, #tpu.memory_space<vmem>> -> memref<125xi32, #tpu.memory_space<vmem>>
      %dma_start3A_233 = arith.constant 0 : i32
      %dma_start3A_234 = arith.constant 0 : i32
      %dma_start3A_235 = tpu.memref_slice %arg10[%dma_start3A_233, %dma_start3A_234] : memref<10240x64xf32, #tpu.memory_space<vmem_shared>> -> memref<10240x64xf32, #tpu.memory_space<vmem_shared>>
      tpu.enqueue_indirect_dma source(%dma_start3A_229 : memref<125x64xf32, #tpu.memory_space<vmem>>) target(%dma_start3A_235 : memref<10240x64xf32, #tpu.memory_space<vmem_shared>>) offsets(%dma_start3A_232 : memref<125xi32, #tpu.memory_space<vmem>>) semaphore(%arg18 : memref<!tpu.dma_semaphore, #tpu.memory_space<semaphore_mem>>) {add = true}
      %add3A_236 = arith.constant 4 : i32
      %add3A_237 = arith.addi %add3A_209, %add3A_236 : i32
      %lt3A_238 = arith.constant 160 : i32
      %lt3A_239 = arith.cmpi slt, %add3A_237, %lt3A_238 : i32
      %convert_element_type3A_240 = arith.extui %lt3A_239 : i1 to i32
      %cond3A_241 = arith.constant 0 : i32
      %cond3A_242 = arith.cmpi ne, %convert_element_type3A_240, %cond3A_241 : i32
      scf.if %cond3A_242 {
        %ge3A = arith.constant 5 : i32
        %ge3A_318 = arith.cmpi sge, %add3A_237, %ge3A : i32
        %convert_element_type3A_319 = arith.extui %ge3A_318 : i1 to i32
        %cond3A_320 = arith.constant 0 : i32
        %cond3A_321 = arith.cmpi ne, %convert_element_type3A_319, %cond3A_320 : i32
        scf.if %cond3A_321 {
          %sub3A = arith.constant 5 : i32
          %sub3A_337 = arith.subi %add3A_237, %sub3A : i32
          %dma_wait3A_338 = arith.constant 1 : i32
          %dma_wait3A_339 = arith.constant 0 : i32
          %dma_wait3A_340 = arith.constant 0 : i32
          %dma_wait3A_341 = tpu.memref_slice %arg9[%dma_wait3A_338, %dma_wait3A_339, %dma_wait3A_340] : memref<5x125x64xf32, #tpu.memory_space<vmem>> -> memref<1x125x64xf32, #tpu.memory_space<vmem>>
          %dma_wait3A_342 = tpu.memref_squeeze %dma_wait3A_341 : memref<1x125x64xf32, #tpu.memory_space<vmem>> -> memref<125x64xf32, #tpu.memory_space<vmem>>
          %dma_wait3A_343 = arith.constant 0 : i32
          %dma_wait3A_344 = tpu.memref_slice %arg8[%sub3A_337, %dma_wait3A_343] : memref<160x125xi32, #tpu.memory_space<vmem>> -> memref<1x125xi32, #tpu.memory_space<vmem>>
          %dma_wait3A_345 = tpu.memref_squeeze %dma_wait3A_344 : memref<1x125xi32, #tpu.memory_space<vmem>> -> memref<125xi32, #tpu.memory_space<vmem>>
          %dma_wait3A_346 = arith.constant 0 : i32
          %dma_wait3A_347 = arith.constant 0 : i32
          %dma_wait3A_348 = tpu.memref_slice %arg10[%dma_wait3A_346, %dma_wait3A_347] : memref<10240x64xf32, #tpu.memory_space<vmem_shared>> -> memref<10240x64xf32, #tpu.memory_space<vmem_shared>>
          tpu.wait_indirect_dma semaphore(%arg17 : memref<!tpu.dma_semaphore, #tpu.memory_space<semaphore_mem>>) src(%dma_wait3A_342 : memref<125x64xf32, #tpu.memory_space<vmem>>) dst(%dma_wait3A_348 : memref<10240x64xf32, #tpu.memory_space<vmem_shared>>)
        } else {
        }
        %dma_start3A_322 = arith.constant 1 : i32
        %dma_start3A_323 = arith.constant 0 : i32
        %dma_start3A_324 = arith.constant 0 : i32
        %dma_start3A_325 = tpu.memref_slice %arg9[%dma_start3A_322, %dma_start3A_323, %dma_start3A_324] : memref<5x125x64xf32, #tpu.memory_space<vmem>> -> memref<1x125x64xf32, #tpu.memory_space<vmem>>
        %dma_start3A_326 = tpu.memref_squeeze %dma_start3A_325 : memref<1x125x64xf32, #tpu.memory_space<vmem>> -> memref<125x64xf32, #tpu.memory_space<vmem>>
        %dma_start3A_327 = arith.constant 0 : i32
        %dma_start3A_328 = tpu.memref_slice %arg7[%add3A_237, %dma_start3A_327] : memref<160x125xi32, #tpu.memory_space<vmem>> -> memref<1x125xi32, #tpu.memory_space<vmem>>
        %dma_start3A_329 = tpu.memref_squeeze %dma_start3A_328 : memref<1x125xi32, #tpu.memory_space<vmem>> -> memref<125xi32, #tpu.memory_space<vmem>>
        %dma_start3A_330 = arith.constant 0 : i32
        %dma_start3A_331 = arith.constant 0 : i32
        %dma_start3A_332 = tpu.memref_slice %arg2[%arg0, %dma_start3A_330, %dma_start3A_331] : memref<2x10000x64xf32, #tpu.memory_space<hbm>> -> memref<1x10000x64xf32, #tpu.memory_space<hbm>>
        %dma_start3A_333 = tpu.memref_squeeze %dma_start3A_332 : memref<1x10000x64xf32, #tpu.memory_space<hbm>> -> memref<10000x64xf32, #tpu.memory_space<hbm>>
        %dma_start3A_334 = arith.constant 0 : i32
        %dma_start3A_335 = arith.constant 0 : i32
        %dma_start3A_336 = tpu.memref_slice %dma_start3A_333[%dma_start3A_334, %dma_start3A_335] : memref<10000x64xf32, #tpu.memory_space<hbm>> -> memref<10000x64xf32, #tpu.memory_space<hbm>>
        tpu.enqueue_indirect_dma source(%dma_start3A_336 : memref<10000x64xf32, #tpu.memory_space<hbm>>) target(%dma_start3A_326 : memref<125x64xf32, #tpu.memory_space<vmem>>) offsets(%dma_start3A_329 : memref<125xi32, #tpu.memory_space<vmem>>) semaphore(%arg12 : memref<!tpu.dma_semaphore, #tpu.memory_space<semaphore_mem>>)
      } else {
      }
      %mul3A_243 = arith.constant 5 : i32
      %mul3A_244 = arith.muli %scan3A_134, %mul3A_243 : i32
      %add3A_245 = arith.constant 3 : i32
      %add3A_246 = arith.addi %mul3A_244, %add3A_245 : i32
      %dma_wait3A_247 = arith.constant 3 : i32
      %dma_wait3A_248 = arith.constant 0 : i32
      %dma_wait3A_249 = arith.constant 0 : i32
      %dma_wait3A_250 = tpu.memref_slice %arg9[%dma_wait3A_247, %dma_wait3A_248, %dma_wait3A_249] : memref<5x125x64xf32, #tpu.memory_space<vmem>> -> memref<1x125x64xf32, #tpu.memory_space<vmem>>
      %dma_wait3A_251 = tpu.memref_squeeze %dma_wait3A_250 : memref<1x125x64xf32, #tpu.memory_space<vmem>> -> memref<125x64xf32, #tpu.memory_space<vmem>>
      %dma_wait3A_252 = arith.constant 0 : i32
      %dma_wait3A_253 = tpu.memref_slice %arg7[%add3A_246, %dma_wait3A_252] : memref<160x125xi32, #tpu.memory_space<vmem>> -> memref<1x125xi32, #tpu.memory_space<vmem>>
      %dma_wait3A_254 = tpu.memref_squeeze %dma_wait3A_253 : memref<1x125xi32, #tpu.memory_space<vmem>> -> memref<125xi32, #tpu.memory_space<vmem>>
      %dma_wait3A_255 = arith.constant 0 : i32
      %dma_wait3A_256 = arith.constant 0 : i32
      %dma_wait3A_257 = tpu.memref_slice %arg2[%arg0, %dma_wait3A_255, %dma_wait3A_256] : memref<2x10000x64xf32, #tpu.memory_space<hbm>> -> memref<1x10000x64xf32, #tpu.memory_space<hbm>>
      %dma_wait3A_258 = tpu.memref_squeeze %dma_wait3A_257 : memref<1x10000x64xf32, #tpu.memory_space<hbm>> -> memref<10000x64xf32, #tpu.memory_space<hbm>>
      %dma_wait3A_259 = arith.constant 0 : i32
      %dma_wait3A_260 = arith.constant 0 : i32
      %dma_wait3A_261 = tpu.memref_slice %dma_wait3A_258[%dma_wait3A_259, %dma_wait3A_260] : memref<10000x64xf32, #tpu.memory_space<hbm>> -> memref<10000x64xf32, #tpu.memory_space<hbm>>
      tpu.wait_indirect_dma semaphore(%arg14 : memref<!tpu.dma_semaphore, #tpu.memory_space<semaphore_mem>>) src(%dma_wait3A_261 : memref<10000x64xf32, #tpu.memory_space<hbm>>) dst(%dma_wait3A_251 : memref<125x64xf32, #tpu.memory_space<vmem>>)
      %dma_start3A_262 = arith.constant 3 : i32
      %dma_start3A_263 = arith.constant 0 : i32
      %dma_start3A_264 = arith.constant 0 : i32
      %dma_start3A_265 = tpu.memref_slice %arg9[%dma_start3A_262, %dma_start3A_263, %dma_start3A_264] : memref<5x125x64xf32, #tpu.memory_space<vmem>> -> memref<1x125x64xf32, #tpu.memory_space<vmem>>
      %dma_start3A_266 = tpu.memref_squeeze %dma_start3A_265 : memref<1x125x64xf32, #tpu.memory_space<vmem>> -> memref<125x64xf32, #tpu.memory_space<vmem>>
      %dma_start3A_267 = arith.constant 0 : i32
      %dma_start3A_268 = tpu.memref_slice %arg8[%add3A_246, %dma_start3A_267] : memref<160x125xi32, #tpu.memory_space<vmem>> -> memref<1x125xi32, #tpu.memory_space<vmem>>
      %dma_start3A_269 = tpu.memref_squeeze %dma_start3A_268 : memref<1x125xi32, #tpu.memory_space<vmem>> -> memref<125xi32, #tpu.memory_space<vmem>>
      %dma_start3A_270 = arith.constant 0 : i32
      %dma_start3A_271 = arith.constant 0 : i32
      %dma_start3A_272 = tpu.memref_slice %arg10[%dma_start3A_270, %dma_start3A_271] : memref<10240x64xf32, #tpu.memory_space<vmem_shared>> -> memref<10240x64xf32, #tpu.memory_space<vmem_shared>>
      tpu.enqueue_indirect_dma source(%dma_start3A_266 : memref<125x64xf32, #tpu.memory_space<vmem>>) target(%dma_start3A_272 : memref<10240x64xf32, #tpu.memory_space<vmem_shared>>) offsets(%dma_start3A_269 : memref<125xi32, #tpu.memory_space<vmem>>) semaphore(%arg19 : memref<!tpu.dma_semaphore, #tpu.memory_space<semaphore_mem>>) {add = true}
      %add3A_273 = arith.constant 4 : i32
      %add3A_274 = arith.addi %add3A_246, %add3A_273 : i32
      %lt3A_275 = arith.constant 160 : i32
      %lt3A_276 = arith.cmpi slt, %add3A_274, %lt3A_275 : i32
      %convert_element_type3A_277 = arith.extui %lt3A_276 : i1 to i32
      %cond3A_278 = arith.constant 0 : i32
      %cond3A_279 = arith.cmpi ne, %convert_element_type3A_277, %cond3A_278 : i32
      scf.if %cond3A_279 {
        %ge3A = arith.constant 5 : i32
        %ge3A_318 = arith.cmpi sge, %add3A_274, %ge3A : i32
        %convert_element_type3A_319 = arith.extui %ge3A_318 : i1 to i32
        %cond3A_320 = arith.constant 0 : i32
        %cond3A_321 = arith.cmpi ne, %convert_element_type3A_319, %cond3A_320 : i32
        scf.if %cond3A_321 {
          %sub3A = arith.constant 5 : i32
          %sub3A_337 = arith.subi %add3A_274, %sub3A : i32
          %dma_wait3A_338 = arith.constant 2 : i32
          %dma_wait3A_339 = arith.constant 0 : i32
          %dma_wait3A_340 = arith.constant 0 : i32
          %dma_wait3A_341 = tpu.memref_slice %arg9[%dma_wait3A_338, %dma_wait3A_339, %dma_wait3A_340] : memref<5x125x64xf32, #tpu.memory_space<vmem>> -> memref<1x125x64xf32, #tpu.memory_space<vmem>>
          %dma_wait3A_342 = tpu.memref_squeeze %dma_wait3A_341 : memref<1x125x64xf32, #tpu.memory_space<vmem>> -> memref<125x64xf32, #tpu.memory_space<vmem>>
          %dma_wait3A_343 = arith.constant 0 : i32
          %dma_wait3A_344 = tpu.memref_slice %arg8[%sub3A_337, %dma_wait3A_343] : memref<160x125xi32, #tpu.memory_space<vmem>> -> memref<1x125xi32, #tpu.memory_space<vmem>>
          %dma_wait3A_345 = tpu.memref_squeeze %dma_wait3A_344 : memref<1x125xi32, #tpu.memory_space<vmem>> -> memref<125xi32, #tpu.memory_space<vmem>>
          %dma_wait3A_346 = arith.constant 0 : i32
          %dma_wait3A_347 = arith.constant 0 : i32
          %dma_wait3A_348 = tpu.memref_slice %arg10[%dma_wait3A_346, %dma_wait3A_347] : memref<10240x64xf32, #tpu.memory_space<vmem_shared>> -> memref<10240x64xf32, #tpu.memory_space<vmem_shared>>
          tpu.wait_indirect_dma semaphore(%arg18 : memref<!tpu.dma_semaphore, #tpu.memory_space<semaphore_mem>>) src(%dma_wait3A_342 : memref<125x64xf32, #tpu.memory_space<vmem>>) dst(%dma_wait3A_348 : memref<10240x64xf32, #tpu.memory_space<vmem_shared>>)
        } else {
        }
        %dma_start3A_322 = arith.constant 2 : i32
        %dma_start3A_323 = arith.constant 0 : i32
        %dma_start3A_324 = arith.constant 0 : i32
        %dma_start3A_325 = tpu.memref_slice %arg9[%dma_start3A_322, %dma_start3A_323, %dma_start3A_324] : memref<5x125x64xf32, #tpu.memory_space<vmem>> -> memref<1x125x64xf32, #tpu.memory_space<vmem>>
        %dma_start3A_326 = tpu.memref_squeeze %dma_start3A_325 : memref<1x125x64xf32, #tpu.memory_space<vmem>> -> memref<125x64xf32, #tpu.memory_space<vmem>>
        %dma_start3A_327 = arith.constant 0 : i32
        %dma_start3A_328 = tpu.memref_slice %arg7[%add3A_274, %dma_start3A_327] : memref<160x125xi32, #tpu.memory_space<vmem>> -> memref<1x125xi32, #tpu.memory_space<vmem>>
        %dma_start3A_329 = tpu.memref_squeeze %dma_start3A_328 : memref<1x125xi32, #tpu.memory_space<vmem>> -> memref<125xi32, #tpu.memory_space<vmem>>
        %dma_start3A_330 = arith.constant 0 : i32
        %dma_start3A_331 = arith.constant 0 : i32
        %dma_start3A_332 = tpu.memref_slice %arg2[%arg0, %dma_start3A_330, %dma_start3A_331] : memref<2x10000x64xf32, #tpu.memory_space<hbm>> -> memref<1x10000x64xf32, #tpu.memory_space<hbm>>
        %dma_start3A_333 = tpu.memref_squeeze %dma_start3A_332 : memref<1x10000x64xf32, #tpu.memory_space<hbm>> -> memref<10000x64xf32, #tpu.memory_space<hbm>>
        %dma_start3A_334 = arith.constant 0 : i32
        %dma_start3A_335 = arith.constant 0 : i32
        %dma_start3A_336 = tpu.memref_slice %dma_start3A_333[%dma_start3A_334, %dma_start3A_335] : memref<10000x64xf32, #tpu.memory_space<hbm>> -> memref<10000x64xf32, #tpu.memory_space<hbm>>
        tpu.enqueue_indirect_dma source(%dma_start3A_336 : memref<10000x64xf32, #tpu.memory_space<hbm>>) target(%dma_start3A_326 : memref<125x64xf32, #tpu.memory_space<vmem>>) offsets(%dma_start3A_329 : memref<125xi32, #tpu.memory_space<vmem>>) semaphore(%arg13 : memref<!tpu.dma_semaphore, #tpu.memory_space<semaphore_mem>>)
      } else {
      }
      %mul3A_280 = arith.constant 5 : i32
      %mul3A_281 = arith.muli %scan3A_134, %mul3A_280 : i32
      %add3A_282 = arith.constant 4 : i32
      %add3A_283 = arith.addi %mul3A_281, %add3A_282 : i32
      %dma_wait3A_284 = arith.constant 4 : i32
      %dma_wait3A_285 = arith.constant 0 : i32
      %dma_wait3A_286 = arith.constant 0 : i32
      %dma_wait3A_287 = tpu.memref_slice %arg9[%dma_wait3A_284, %dma_wait3A_285, %dma_wait3A_286] : memref<5x125x64xf32, #tpu.memory_space<vmem>> -> memref<1x125x64xf32, #tpu.memory_space<vmem>>
      %dma_wait3A_288 = tpu.memref_squeeze %dma_wait3A_287 : memref<1x125x64xf32, #tpu.memory_space<vmem>> -> memref<125x64xf32, #tpu.memory_space<vmem>>
      %dma_wait3A_289 = arith.constant 0 : i32
      %dma_wait3A_290 = tpu.memref_slice %arg7[%add3A_283, %dma_wait3A_289] : memref<160x125xi32, #tpu.memory_space<vmem>> -> memref<1x125xi32, #tpu.memory_space<vmem>>
      %dma_wait3A_291 = tpu.memref_squeeze %dma_wait3A_290 : memref<1x125xi32, #tpu.memory_space<vmem>> -> memref<125xi32, #tpu.memory_space<vmem>>
      %dma_wait3A_292 = arith.constant 0 : i32
      %dma_wait3A_293 = arith.constant 0 : i32
      %dma_wait3A_294 = tpu.memref_slice %arg2[%arg0, %dma_wait3A_292, %dma_wait3A_293] : memref<2x10000x64xf32, #tpu.memory_space<hbm>> -> memref<1x10000x64xf32, #tpu.memory_space<hbm>>
      %dma_wait3A_295 = tpu.memref_squeeze %dma_wait3A_294 : memref<1x10000x64xf32, #tpu.memory_space<hbm>> -> memref<10000x64xf32, #tpu.memory_space<hbm>>
      %dma_wait3A_296 = arith.constant 0 : i32
      %dma_wait3A_297 = arith.constant 0 : i32
      %dma_wait3A_298 = tpu.memref_slice %dma_wait3A_295[%dma_wait3A_296, %dma_wait3A_297] : memref<10000x64xf32, #tpu.memory_space<hbm>> -> memref<10000x64xf32, #tpu.memory_space<hbm>>
      tpu.wait_indirect_dma semaphore(%arg15 : memref<!tpu.dma_semaphore, #tpu.memory_space<semaphore_mem>>) src(%dma_wait3A_298 : memref<10000x64xf32, #tpu.memory_space<hbm>>) dst(%dma_wait3A_288 : memref<125x64xf32, #tpu.memory_space<vmem>>)
      %dma_start3A_299 = arith.constant 4 : i32
      %dma_start3A_300 = arith.constant 0 : i32
      %dma_start3A_301 = arith.constant 0 : i32
      %dma_start3A_302 = tpu.memref_slice %arg9[%dma_start3A_299, %dma_start3A_300, %dma_start3A_301] : memref<5x125x64xf32, #tpu.memory_space<vmem>> -> memref<1x125x64xf32, #tpu.memory_space<vmem>>
      %dma_start3A_303 = tpu.memref_squeeze %dma_start3A_302 : memref<1x125x64xf32, #tpu.memory_space<vmem>> -> memref<125x64xf32, #tpu.memory_space<vmem>>
      %dma_start3A_304 = arith.constant 0 : i32
      %dma_start3A_305 = tpu.memref_slice %arg8[%add3A_283, %dma_start3A_304] : memref<160x125xi32, #tpu.memory_space<vmem>> -> memref<1x125xi32, #tpu.memory_space<vmem>>
      %dma_start3A_306 = tpu.memref_squeeze %dma_start3A_305 : memref<1x125xi32, #tpu.memory_space<vmem>> -> memref<125xi32, #tpu.memory_space<vmem>>
      %dma_start3A_307 = arith.constant 0 : i32
      %dma_start3A_308 = arith.constant 0 : i32
      %dma_start3A_309 = tpu.memref_slice %arg10[%dma_start3A_307, %dma_start3A_308] : memref<10240x64xf32, #tpu.memory_space<vmem_shared>> -> memref<10240x64xf32, #tpu.memory_space<vmem_shared>>
      tpu.enqueue_indirect_dma source(%dma_start3A_303 : memref<125x64xf32, #tpu.memory_space<vmem>>) target(%dma_start3A_309 : memref<10240x64xf32, #tpu.memory_space<vmem_shared>>) offsets(%dma_start3A_306 : memref<125xi32, #tpu.memory_space<vmem>>) semaphore(%arg20 : memref<!tpu.dma_semaphore, #tpu.memory_space<semaphore_mem>>) {add = true}
      %add3A_310 = arith.constant 4 : i32
      %add3A_311 = arith.addi %add3A_283, %add3A_310 : i32
      %lt3A_312 = arith.constant 160 : i32
      %lt3A_313 = arith.cmpi slt, %add3A_311, %lt3A_312 : i32
      %convert_element_type3A_314 = arith.extui %lt3A_313 : i1 to i32
      %cond3A_315 = arith.constant 0 : i32
      %cond3A_316 = arith.cmpi ne, %convert_element_type3A_314, %cond3A_315 : i32
      scf.if %cond3A_316 {
        %ge3A = arith.constant 5 : i32
        %ge3A_318 = arith.cmpi sge, %add3A_311, %ge3A : i32
        %convert_element_type3A_319 = arith.extui %ge3A_318 : i1 to i32
        %cond3A_320 = arith.constant 0 : i32
        %cond3A_321 = arith.cmpi ne, %convert_element_type3A_319, %cond3A_320 : i32
        scf.if %cond3A_321 {
          %sub3A = arith.constant 5 : i32
          %sub3A_337 = arith.subi %add3A_311, %sub3A : i32
          %dma_wait3A_338 = arith.constant 3 : i32
          %dma_wait3A_339 = arith.constant 0 : i32
          %dma_wait3A_340 = arith.constant 0 : i32
          %dma_wait3A_341 = tpu.memref_slice %arg9[%dma_wait3A_338, %dma_wait3A_339, %dma_wait3A_340] : memref<5x125x64xf32, #tpu.memory_space<vmem>> -> memref<1x125x64xf32, #tpu.memory_space<vmem>>
          %dma_wait3A_342 = tpu.memref_squeeze %dma_wait3A_341 : memref<1x125x64xf32, #tpu.memory_space<vmem>> -> memref<125x64xf32, #tpu.memory_space<vmem>>
          %dma_wait3A_343 = arith.constant 0 : i32
          %dma_wait3A_344 = tpu.memref_slice %arg8[%sub3A_337, %dma_wait3A_343] : memref<160x125xi32, #tpu.memory_space<vmem>> -> memref<1x125xi32, #tpu.memory_space<vmem>>
          %dma_wait3A_345 = tpu.memref_squeeze %dma_wait3A_344 : memref<1x125xi32, #tpu.memory_space<vmem>> -> memref<125xi32, #tpu.memory_space<vmem>>
          %dma_wait3A_346 = arith.constant 0 : i32
          %dma_wait3A_347 = arith.constant 0 : i32
          %dma_wait3A_348 = tpu.memref_slice %arg10[%dma_wait3A_346, %dma_wait3A_347] : memref<10240x64xf32, #tpu.memory_space<vmem_shared>> -> memref<10240x64xf32, #tpu.memory_space<vmem_shared>>
          tpu.wait_indirect_dma semaphore(%arg19 : memref<!tpu.dma_semaphore, #tpu.memory_space<semaphore_mem>>) src(%dma_wait3A_342 : memref<125x64xf32, #tpu.memory_space<vmem>>) dst(%dma_wait3A_348 : memref<10240x64xf32, #tpu.memory_space<vmem_shared>>)
        } else {
        }
        %dma_start3A_322 = arith.constant 3 : i32
        %dma_start3A_323 = arith.constant 0 : i32
        %dma_start3A_324 = arith.constant 0 : i32
        %dma_start3A_325 = tpu.memref_slice %arg9[%dma_start3A_322, %dma_start3A_323, %dma_start3A_324] : memref<5x125x64xf32, #tpu.memory_space<vmem>> -> memref<1x125x64xf32, #tpu.memory_space<vmem>>
        %dma_start3A_326 = tpu.memref_squeeze %dma_start3A_325 : memref<1x125x64xf32, #tpu.memory_space<vmem>> -> memref<125x64xf32, #tpu.memory_space<vmem>>
        %dma_start3A_327 = arith.constant 0 : i32
        %dma_start3A_328 = tpu.memref_slice %arg7[%add3A_311, %dma_start3A_327] : memref<160x125xi32, #tpu.memory_space<vmem>> -> memref<1x125xi32, #tpu.memory_space<vmem>>
        %dma_start3A_329 = tpu.memref_squeeze %dma_start3A_328 : memref<1x125xi32, #tpu.memory_space<vmem>> -> memref<125xi32, #tpu.memory_space<vmem>>
        %dma_start3A_330 = arith.constant 0 : i32
        %dma_start3A_331 = arith.constant 0 : i32
        %dma_start3A_332 = tpu.memref_slice %arg2[%arg0, %dma_start3A_330, %dma_start3A_331] : memref<2x10000x64xf32, #tpu.memory_space<hbm>> -> memref<1x10000x64xf32, #tpu.memory_space<hbm>>
        %dma_start3A_333 = tpu.memref_squeeze %dma_start3A_332 : memref<1x10000x64xf32, #tpu.memory_space<hbm>> -> memref<10000x64xf32, #tpu.memory_space<hbm>>
        %dma_start3A_334 = arith.constant 0 : i32
        %dma_start3A_335 = arith.constant 0 : i32
        %dma_start3A_336 = tpu.memref_slice %dma_start3A_333[%dma_start3A_334, %dma_start3A_335] : memref<10000x64xf32, #tpu.memory_space<hbm>> -> memref<10000x64xf32, #tpu.memory_space<hbm>>
        tpu.enqueue_indirect_dma source(%dma_start3A_336 : memref<10000x64xf32, #tpu.memory_space<hbm>>) target(%dma_start3A_326 : memref<125x64xf32, #tpu.memory_space<vmem>>) offsets(%dma_start3A_329 : memref<125xi32, #tpu.memory_space<vmem>>) semaphore(%arg14 : memref<!tpu.dma_semaphore, #tpu.memory_space<semaphore_mem>>)
      } else {
      }
      %scan3A_317 = arith.constant 0 : i32
      scf.yield %scan3A_317 : i32
    }
    %scan3A_69 = arith.constant 32 : i32
    %dma_wait3A = arith.constant 0 : i32
    %dma_wait3A_70 = arith.constant 155 : i32
    %dma_wait3A_71 = arith.constant 0 : i32
    %dma_wait3A_72 = arith.constant 0 : i32
    %dma_wait3A_73 = tpu.memref_slice %arg9[%dma_wait3A, %dma_wait3A_71, %dma_wait3A_72] : memref<5x125x64xf32, #tpu.memory_space<vmem>> -> memref<1x125x64xf32, #tpu.memory_space<vmem>>
    %dma_wait3A_74 = tpu.memref_squeeze %dma_wait3A_73 : memref<1x125x64xf32, #tpu.memory_space<vmem>> -> memref<125x64xf32, #tpu.memory_space<vmem>>
    %dma_wait3A_75 = arith.constant 0 : i32
    %dma_wait3A_76 = tpu.memref_slice %arg8[%dma_wait3A_70, %dma_wait3A_75] : memref<160x125xi32, #tpu.memory_space<vmem>> -> memref<1x125xi32, #tpu.memory_space<vmem>>
    %dma_wait3A_77 = tpu.memref_squeeze %dma_wait3A_76 : memref<1x125xi32, #tpu.memory_space<vmem>> -> memref<125xi32, #tpu.memory_space<vmem>>
    %dma_wait3A_78 = arith.constant 0 : i32
    %dma_wait3A_79 = arith.constant 0 : i32
    %dma_wait3A_80 = tpu.memref_slice %arg10[%dma_wait3A_78, %dma_wait3A_79] : memref<10240x64xf32, #tpu.memory_space<vmem_shared>> -> memref<10240x64xf32, #tpu.memory_space<vmem_shared>>
    tpu.wait_indirect_dma semaphore(%arg16 : memref<!tpu.dma_semaphore, #tpu.memory_space<semaphore_mem>>) src(%dma_wait3A_74 : memref<125x64xf32, #tpu.memory_space<vmem>>) dst(%dma_wait3A_80 : memref<10240x64xf32, #tpu.memory_space<vmem_shared>>)
    %dma_wait3A_81 = arith.constant 1 : i32
    %dma_wait3A_82 = arith.constant 156 : i32
    %dma_wait3A_83 = arith.constant 0 : i32
    %dma_wait3A_84 = arith.constant 0 : i32
    %dma_wait3A_85 = tpu.memref_slice %arg9[%dma_wait3A_81, %dma_wait3A_83, %dma_wait3A_84] : memref<5x125x64xf32, #tpu.memory_space<vmem>> -> memref<1x125x64xf32, #tpu.memory_space<vmem>>
    %dma_wait3A_86 = tpu.memref_squeeze %dma_wait3A_85 : memref<1x125x64xf32, #tpu.memory_space<vmem>> -> memref<125x64xf32, #tpu.memory_space<vmem>>
    %dma_wait3A_87 = arith.constant 0 : i32
    %dma_wait3A_88 = tpu.memref_slice %arg8[%dma_wait3A_82, %dma_wait3A_87] : memref<160x125xi32, #tpu.memory_space<vmem>> -> memref<1x125xi32, #tpu.memory_space<vmem>>
    %dma_wait3A_89 = tpu.memref_squeeze %dma_wait3A_88 : memref<1x125xi32, #tpu.memory_space<vmem>> -> memref<125xi32, #tpu.memory_space<vmem>>
    %dma_wait3A_90 = arith.constant 0 : i32
    %dma_wait3A_91 = arith.constant 0 : i32
    %dma_wait3A_92 = tpu.memref_slice %arg10[%dma_wait3A_90, %dma_wait3A_91] : memref<10240x64xf32, #tpu.memory_space<vmem_shared>> -> memref<10240x64xf32, #tpu.memory_space<vmem_shared>>
    tpu.wait_indirect_dma semaphore(%arg17 : memref<!tpu.dma_semaphore, #tpu.memory_space<semaphore_mem>>) src(%dma_wait3A_86 : memref<125x64xf32, #tpu.memory_space<vmem>>) dst(%dma_wait3A_92 : memref<10240x64xf32, #tpu.memory_space<vmem_shared>>)
    %dma_wait3A_93 = arith.constant 2 : i32
    %dma_wait3A_94 = arith.constant 157 : i32
    %dma_wait3A_95 = arith.constant 0 : i32
    %dma_wait3A_96 = arith.constant 0 : i32
    %dma_wait3A_97 = tpu.memref_slice %arg9[%dma_wait3A_93, %dma_wait3A_95, %dma_wait3A_96] : memref<5x125x64xf32, #tpu.memory_space<vmem>> -> memref<1x125x64xf32, #tpu.memory_space<vmem>>
    %dma_wait3A_98 = tpu.memref_squeeze %dma_wait3A_97 : memref<1x125x64xf32, #tpu.memory_space<vmem>> -> memref<125x64xf32, #tpu.memory_space<vmem>>
    %dma_wait3A_99 = arith.constant 0 : i32
    %dma_wait3A_100 = tpu.memref_slice %arg8[%dma_wait3A_94, %dma_wait3A_99] : memref<160x125xi32, #tpu.memory_space<vmem>> -> memref<1x125xi32, #tpu.memory_space<vmem>>
    %dma_wait3A_101 = tpu.memref_squeeze %dma_wait3A_100 : memref<1x125xi32, #tpu.memory_space<vmem>> -> memref<125xi32, #tpu.memory_space<vmem>>
    %dma_wait3A_102 = arith.constant 0 : i32
    %dma_wait3A_103 = arith.constant 0 : i32
    %dma_wait3A_104 = tpu.memref_slice %arg10[%dma_wait3A_102, %dma_wait3A_103] : memref<10240x64xf32, #tpu.memory_space<vmem_shared>> -> memref<10240x64xf32, #tpu.memory_space<vmem_shared>>
    tpu.wait_indirect_dma semaphore(%arg18 : memref<!tpu.dma_semaphore, #tpu.memory_space<semaphore_mem>>) src(%dma_wait3A_98 : memref<125x64xf32, #tpu.memory_space<vmem>>) dst(%dma_wait3A_104 : memref<10240x64xf32, #tpu.memory_space<vmem_shared>>)
    %dma_wait3A_105 = arith.constant 3 : i32
    %dma_wait3A_106 = arith.constant 158 : i32
    %dma_wait3A_107 = arith.constant 0 : i32
    %dma_wait3A_108 = arith.constant 0 : i32
    %dma_wait3A_109 = tpu.memref_slice %arg9[%dma_wait3A_105, %dma_wait3A_107, %dma_wait3A_108] : memref<5x125x64xf32, #tpu.memory_space<vmem>> -> memref<1x125x64xf32, #tpu.memory_space<vmem>>
    %dma_wait3A_110 = tpu.memref_squeeze %dma_wait3A_109 : memref<1x125x64xf32, #tpu.memory_space<vmem>> -> memref<125x64xf32, #tpu.memory_space<vmem>>
    %dma_wait3A_111 = arith.constant 0 : i32
    %dma_wait3A_112 = tpu.memref_slice %arg8[%dma_wait3A_106, %dma_wait3A_111] : memref<160x125xi32, #tpu.memory_space<vmem>> -> memref<1x125xi32, #tpu.memory_space<vmem>>
    %dma_wait3A_113 = tpu.memref_squeeze %dma_wait3A_112 : memref<1x125xi32, #tpu.memory_space<vmem>> -> memref<125xi32, #tpu.memory_space<vmem>>
    %dma_wait3A_114 = arith.constant 0 : i32
    %dma_wait3A_115 = arith.constant 0 : i32
    %dma_wait3A_116 = tpu.memref_slice %arg10[%dma_wait3A_114, %dma_wait3A_115] : memref<10240x64xf32, #tpu.memory_space<vmem_shared>> -> memref<10240x64xf32, #tpu.memory_space<vmem_shared>>
    tpu.wait_indirect_dma semaphore(%arg19 : memref<!tpu.dma_semaphore, #tpu.memory_space<semaphore_mem>>) src(%dma_wait3A_110 : memref<125x64xf32, #tpu.memory_space<vmem>>) dst(%dma_wait3A_116 : memref<10240x64xf32, #tpu.memory_space<vmem_shared>>)
    %dma_wait3A_117 = arith.constant 4 : i32
    %dma_wait3A_118 = arith.constant 159 : i32
    %dma_wait3A_119 = arith.constant 0 : i32
    %dma_wait3A_120 = arith.constant 0 : i32
    %dma_wait3A_121 = tpu.memref_slice %arg9[%dma_wait3A_117, %dma_wait3A_119, %dma_wait3A_120] : memref<5x125x64xf32, #tpu.memory_space<vmem>> -> memref<1x125x64xf32, #tpu.memory_space<vmem>>
    %dma_wait3A_122 = tpu.memref_squeeze %dma_wait3A_121 : memref<1x125x64xf32, #tpu.memory_space<vmem>> -> memref<125x64xf32, #tpu.memory_space<vmem>>
    %dma_wait3A_123 = arith.constant 0 : i32
    %dma_wait3A_124 = tpu.memref_slice %arg8[%dma_wait3A_118, %dma_wait3A_123] : memref<160x125xi32, #tpu.memory_space<vmem>> -> memref<1x125xi32, #tpu.memory_space<vmem>>
    %dma_wait3A_125 = tpu.memref_squeeze %dma_wait3A_124 : memref<1x125xi32, #tpu.memory_space<vmem>> -> memref<125xi32, #tpu.memory_space<vmem>>
    %dma_wait3A_126 = arith.constant 0 : i32
    %dma_wait3A_127 = arith.constant 0 : i32
    %dma_wait3A_128 = tpu.memref_slice %arg10[%dma_wait3A_126, %dma_wait3A_127] : memref<10240x64xf32, #tpu.memory_space<vmem_shared>> -> memref<10240x64xf32, #tpu.memory_space<vmem_shared>>
    tpu.wait_indirect_dma semaphore(%arg20 : memref<!tpu.dma_semaphore, #tpu.memory_space<semaphore_mem>>) src(%dma_wait3A_122 : memref<125x64xf32, #tpu.memory_space<vmem>>) dst(%dma_wait3A_128 : memref<10240x64xf32, #tpu.memory_space<vmem_shared>>)
    %barrier3A_129 = arith.constant 0 : index
    tpu.barrier barrier_id(%barrier3A_129)
    %mul3A_130 = arith.constant 640 : i32
    %mul3A_131 = arith.muli %arg1, %mul3A_130 : i32
    %mul3A_132 = arith.constant 640 : i32
    %mul3A_133 = arith.muli %arg1, %mul3A_132 : i32
    "tpu.region"() ({
      %run_scoped3A = tpu.sem_alloc : memref<!tpu.dma_semaphore, #tpu.memory_space<semaphore_mem>>
      %dma_start3A_134 = arith.constant 0 : i32
      %dma_start3A_135 = tpu.memref_slice %arg6[%arg0, %mul3A_133, %dma_start3A_134] : memref<2x10240x64xf32, #tpu.memory_space<hbm>> -> memref<1x640x64xf32, #tpu.memory_space<hbm>>
      %dma_start3A_136 = tpu.memref_squeeze %dma_start3A_135 : memref<1x640x64xf32, #tpu.memory_space<hbm>> -> memref<640x64xf32, #tpu.memory_space<hbm>>
      %dma_start3A_137 = arith.constant 0 : i32
      %dma_start3A_138 = tpu.memref_slice %arg10[%mul3A_131, %dma_start3A_137] : memref<10240x64xf32, #tpu.memory_space<vmem_shared>> -> memref<640x64xf32, #tpu.memory_space<vmem_shared>>
      tpu.enqueue_dma source(%dma_start3A_138 : memref<640x64xf32, #tpu.memory_space<vmem_shared>>) target(%dma_start3A_136 : memref<640x64xf32, #tpu.memory_space<hbm>>) target_semaphore(%run_scoped3A : memref<!tpu.dma_semaphore, #tpu.memory_space<semaphore_mem>>)
      %dma_wait3A_139 = arith.constant 0 : i32
      %dma_wait3A_140 = tpu.memref_slice %arg6[%arg0, %mul3A_133, %dma_wait3A_139] : memref<2x10240x64xf32, #tpu.memory_space<hbm>> -> memref<1x640x64xf32, #tpu.memory_space<hbm>>
      %dma_wait3A_141 = tpu.memref_squeeze %dma_wait3A_140 : memref<1x640x64xf32, #tpu.memory_space<hbm>> -> memref<640x64xf32, #tpu.memory_space<hbm>>
      %dma_wait3A_142 = arith.constant 0 : i32
      %dma_wait3A_143 = tpu.memref_slice %arg10[%mul3A_131, %dma_wait3A_142] : memref<10240x64xf32, #tpu.memory_space<vmem_shared>> -> memref<640x64xf32, #tpu.memory_space<vmem_shared>>
      tpu.wait_dma2 semaphore(%run_scoped3A : memref<!tpu.dma_semaphore, #tpu.memory_space<semaphore_mem>>) src(%dma_wait3A_143 : memref<640x64xf32, #tpu.memory_space<vmem_shared>>) dst(%dma_wait3A_141 : memref<640x64xf32, #tpu.memory_space<hbm>>)
      tpu.yield
    }) : () -> ()
    return
  }
}

#map = affine_map<(d0, d1) -> (0, 0, 0)>
#map1 = affine_map<(d0, d1) -> (0, 0)>
module attributes {stable_mosaic.version = 14 : i64} {
  func.func @agg(%arg0: i32, %arg1: i32, %arg2: memref<2x10000x64xf32, #tpu.memory_space<hbm>>, %arg3: memref<16x160x125xi32, #tpu.memory_space<hbm>>, %arg4: memref<16x160x125xi32, #tpu.memory_space<hbm>>, %arg5: memref<640x64xf32, #tpu.memory_space<hbm>>, %arg6: memref<2x10240x64xf32, #tpu.memory_space<hbm>>, %arg7: memref<160x125xi32, #tpu.memory_space<vmem>>, %arg8: memref<160x125xi32, #tpu.memory_space<vmem>>, %arg9: memref<5x125x64xf32, #tpu.memory_space<vmem>>, %arg10: memref<10240x64xf32, #tpu.memory_space<vmem_shared>>, %arg11: memref<!tpu.dma_semaphore, #tpu.memory_space<semaphore_mem>>, %arg12: memref<!tpu.dma_semaphore, #tpu.memory_space<semaphore_mem>>, %arg13: memref<!tpu.dma_semaphore, #tpu.memory_space<semaphore_mem>>, %arg14: memref<!tpu.dma_semaphore, #tpu.memory_space<semaphore_mem>>, %arg15: memref<!tpu.dma_semaphore, #tpu.memory_space<semaphore_mem>>, %arg16: memref<!tpu.dma_semaphore, #tpu.memory_space<semaphore_mem>>, %arg17: memref<!tpu.dma_semaphore, #tpu.memory_space<semaphore_mem>>, %arg18: memref<!tpu.dma_semaphore, #tpu.memory_space<semaphore_mem>>, %arg19: memref<!tpu.dma_semaphore, #tpu.memory_space<semaphore_mem>>, %arg20: memref<!tpu.dma_semaphore, #tpu.memory_space<semaphore_mem>>) attributes {dimension_semantics = [#tpu.dimension_semantics<core_parallel>, #tpu.dimension_semantics<subcore_parallel>], iteration_bounds = array<i64: 2, 16>, scalar_prefetch = 0 : i64, scratch_operands = 14 : i64, tpu.core_type = #tpu.core_type<sc_vector_subcore>, window_params = [{transform_indices = #map}, {transform_indices = #map}, {transform_indices = #map}, {transform_indices = #map1}, {transform_indices = #map}]} {
    %mul3A = arith.constant 640 : i32
    %mul3A_0 = arith.muli %arg1, %mul3A : i32
    "tpu.region"() ({
      %run_scoped3A = tpu.sem_alloc : memref<!tpu.dma_semaphore, #tpu.memory_space<semaphore_mem>>
      %dma_start3A_134 = arith.constant 0 : i32
      %dma_start3A_135 = tpu.memref_slice %arg10[%mul3A_0, %dma_start3A_134] : memref<10240x64xf32, #tpu.memory_space<vmem_shared>> -> memref<640x64xf32, #tpu.memory_space<vmem_shared>>
      tpu.enqueue_dma source(%arg5 : memref<640x64xf32, #tpu.memory_space<hbm>>) target(%dma_start3A_135 : memref<640x64xf32, #tpu.memory_space<vmem_shared>>) target_semaphore(%run_scoped3A : memref<!tpu.dma_semaphore, #tpu.memory_space<semaphore_mem>>)
      %dma_wait3A_136 = arith.constant 0 : i32
      %dma_wait3A_137 = tpu.memref_slice %arg10[%mul3A_0, %dma_wait3A_136] : memref<10240x64xf32, #tpu.memory_space<vmem_shared>> -> memref<640x64xf32, #tpu.memory_space<vmem_shared>>
      tpu.wait_dma2 semaphore(%run_scoped3A : memref<!tpu.dma_semaphore, #tpu.memory_space<semaphore_mem>>) src(%arg5 : memref<640x64xf32, #tpu.memory_space<hbm>>) dst(%dma_wait3A_137 : memref<640x64xf32, #tpu.memory_space<vmem_shared>>)
      tpu.yield
    }) : () -> ()
    "tpu.region"() ({
      %run_scoped3A = tpu.sem_alloc : memref<!tpu.dma_semaphore, #tpu.memory_space<semaphore_mem>>
      %dma_start3A_134 = arith.constant 0 : i32
      %dma_start3A_135 = arith.constant 0 : i32
      %dma_start3A_136 = tpu.memref_slice %arg3[%arg1, %dma_start3A_134, %dma_start3A_135] : memref<16x160x125xi32, #tpu.memory_space<hbm>> -> memref<1x160x125xi32, #tpu.memory_space<hbm>>
      %dma_start3A_137 = tpu.memref_squeeze %dma_start3A_136 : memref<1x160x125xi32, #tpu.memory_space<hbm>> -> memref<160x125xi32, #tpu.memory_space<hbm>>
      %dma_start3A_138 = arith.constant 0 : i32
      %dma_start3A_139 = arith.constant 0 : i32
      %dma_start3A_140 = tpu.memref_slice %arg3[%arg1, %dma_start3A_138, %dma_start3A_139] : memref<16x160x125xi32, #tpu.memory_space<hbm>> -> memref<1x160x125xi32, #tpu.memory_space<hbm>>
      %dma_start3A_141 = tpu.memref_squeeze %dma_start3A_140 : memref<1x160x125xi32, #tpu.memory_space<hbm>> -> memref<160x125xi32, #tpu.memory_space<hbm>>
      tpu.enqueue_dma source(%dma_start3A_141 : memref<160x125xi32, #tpu.memory_space<hbm>>) target(%arg7 : memref<160x125xi32, #tpu.memory_space<vmem>>) target_semaphore(%run_scoped3A : memref<!tpu.dma_semaphore, #tpu.memory_space<semaphore_mem>>)
      %dma_wait3A_142 = arith.constant 0 : i32
      %dma_wait3A_143 = arith.constant 0 : i32
      %dma_wait3A_144 = tpu.memref_slice %arg3[%arg1, %dma_wait3A_142, %dma_wait3A_143] : memref<16x160x125xi32, #tpu.memory_space<hbm>> -> memref<1x160x125xi32, #tpu.memory_space<hbm>>
      %dma_wait3A_145 = tpu.memref_squeeze %dma_wait3A_144 : memref<1x160x125xi32, #tpu.memory_space<hbm>> -> memref<160x125xi32, #tpu.memory_space<hbm>>
      %dma_wait3A_146 = arith.constant 0 : i32
      %dma_wait3A_147 = arith.constant 0 : i32
      %dma_wait3A_148 = tpu.memref_slice %arg3[%arg1, %dma_wait3A_146, %dma_wait3A_147] : memref<16x160x125xi32, #tpu.memory_space<hbm>> -> memref<1x160x125xi32, #tpu.memory_space<hbm>>
      %dma_wait3A_149 = tpu.memref_squeeze %dma_wait3A_148 : memref<1x160x125xi32, #tpu.memory_space<hbm>> -> memref<160x125xi32, #tpu.memory_space<hbm>>
      tpu.wait_dma2 semaphore(%run_scoped3A : memref<!tpu.dma_semaphore, #tpu.memory_space<semaphore_mem>>) src(%dma_wait3A_149 : memref<160x125xi32, #tpu.memory_space<hbm>>) dst(%arg7 : memref<160x125xi32, #tpu.memory_space<vmem>>)
      tpu.yield
    }) : () -> ()
    "tpu.region"() ({
      %run_scoped3A = tpu.sem_alloc : memref<!tpu.dma_semaphore, #tpu.memory_space<semaphore_mem>>
      %dma_start3A_134 = arith.constant 0 : i32
      %dma_start3A_135 = arith.constant 0 : i32
      %dma_start3A_136 = tpu.memref_slice %arg4[%arg1, %dma_start3A_134, %dma_start3A_135] : memref<16x160x125xi32, #tpu.memory_space<hbm>> -> memref<1x160x125xi32, #tpu.memory_space<hbm>>
      %dma_start3A_137 = tpu.memref_squeeze %dma_start3A_136 : memref<1x160x125xi32, #tpu.memory_space<hbm>> -> memref<160x125xi32, #tpu.memory_space<hbm>>
      %dma_start3A_138 = arith.constant 0 : i32
      %dma_start3A_139 = arith.constant 0 : i32
      %dma_start3A_140 = tpu.memref_slice %arg4[%arg1, %dma_start3A_138, %dma_start3A_139] : memref<16x160x125xi32, #tpu.memory_space<hbm>> -> memref<1x160x125xi32, #tpu.memory_space<hbm>>
      %dma_start3A_141 = tpu.memref_squeeze %dma_start3A_140 : memref<1x160x125xi32, #tpu.memory_space<hbm>> -> memref<160x125xi32, #tpu.memory_space<hbm>>
      tpu.enqueue_dma source(%dma_start3A_141 : memref<160x125xi32, #tpu.memory_space<hbm>>) target(%arg8 : memref<160x125xi32, #tpu.memory_space<vmem>>) target_semaphore(%run_scoped3A : memref<!tpu.dma_semaphore, #tpu.memory_space<semaphore_mem>>)
      %dma_wait3A_142 = arith.constant 0 : i32
      %dma_wait3A_143 = arith.constant 0 : i32
      %dma_wait3A_144 = tpu.memref_slice %arg4[%arg1, %dma_wait3A_142, %dma_wait3A_143] : memref<16x160x125xi32, #tpu.memory_space<hbm>> -> memref<1x160x125xi32, #tpu.memory_space<hbm>>
      %dma_wait3A_145 = tpu.memref_squeeze %dma_wait3A_144 : memref<1x160x125xi32, #tpu.memory_space<hbm>> -> memref<160x125xi32, #tpu.memory_space<hbm>>
      %dma_wait3A_146 = arith.constant 0 : i32
      %dma_wait3A_147 = arith.constant 0 : i32
      %dma_wait3A_148 = tpu.memref_slice %arg4[%arg1, %dma_wait3A_146, %dma_wait3A_147] : memref<16x160x125xi32, #tpu.memory_space<hbm>> -> memref<1x160x125xi32, #tpu.memory_space<hbm>>
      %dma_wait3A_149 = tpu.memref_squeeze %dma_wait3A_148 : memref<1x160x125xi32, #tpu.memory_space<hbm>> -> memref<160x125xi32, #tpu.memory_space<hbm>>
      tpu.wait_dma2 semaphore(%run_scoped3A : memref<!tpu.dma_semaphore, #tpu.memory_space<semaphore_mem>>) src(%dma_wait3A_149 : memref<160x125xi32, #tpu.memory_space<hbm>>) dst(%arg8 : memref<160x125xi32, #tpu.memory_space<vmem>>)
      tpu.yield
    }) : () -> ()
    %barrier3A = arith.constant 0 : index
    tpu.barrier barrier_id(%barrier3A)
    %dma_start3A = arith.constant 0 : i32
    %dma_start3A_1 = arith.constant 0 : i32
    %dma_start3A_2 = arith.constant 0 : i32
    %dma_start3A_3 = arith.constant 0 : i32
    %dma_start3A_4 = tpu.memref_slice %arg9[%dma_start3A_1, %dma_start3A_2, %dma_start3A_3] : memref<5x125x64xf32, #tpu.memory_space<vmem>> -> memref<1x125x64xf32, #tpu.memory_space<vmem>>
    %dma_start3A_5 = tpu.memref_squeeze %dma_start3A_4 : memref<1x125x64xf32, #tpu.memory_space<vmem>> -> memref<125x64xf32, #tpu.memory_space<vmem>>
    %dma_start3A_6 = arith.constant 0 : i32
    %dma_start3A_7 = tpu.memref_slice %arg7[%dma_start3A, %dma_start3A_6] : memref<160x125xi32, #tpu.memory_space<vmem>> -> memref<1x125xi32, #tpu.memory_space<vmem>>
    %dma_start3A_8 = tpu.memref_squeeze %dma_start3A_7 : memref<1x125xi32, #tpu.memory_space<vmem>> -> memref<125xi32, #tpu.memory_space<vmem>>
    %dma_start3A_9 = arith.constant 0 : i32
    %dma_start3A_10 = arith.constant 0 : i32
    %dma_start3A_11 = tpu.memref_slice %arg2[%arg0, %dma_start3A_9, %dma_start3A_10] : memref<2x10000x64xf32, #tpu.memory_space<hbm>> -> memref<1x10000x64xf32, #tpu.memory_space<hbm>>
    %dma_start3A_12 = tpu.memref_squeeze %dma_start3A_11 : memref<1x10000x64xf32, #tpu.memory_space<hbm>> -> memref<10000x64xf32, #tpu.memory_space<hbm>>
    %dma_start3A_13 = arith.constant 0 : i32
    %dma_start3A_14 = arith.constant 0 : i32
    %dma_start3A_15 = tpu.memref_slice %dma_start3A_12[%dma_start3A_13, %dma_start3A_14] : memref<10000x64xf32, #tpu.memory_space<hbm>> -> memref<10000x64xf32, #tpu.memory_space<hbm>>
    tpu.enqueue_indirect_dma source(%dma_start3A_15 : memref<10000x64xf32, #tpu.memory_space<hbm>>) target(%dma_start3A_5 : memref<125x64xf32, #tpu.memory_space<vmem>>) offsets(%dma_start3A_8 : memref<125xi32, #tpu.memory_space<vmem>>) semaphore(%arg11 : memref<!tpu.dma_semaphore, #tpu.memory_space<semaphore_mem>>)
    %dma_start3A_16 = arith.constant 1 : i32
    %dma_start3A_17 = arith.constant 1 : i32
    %dma_start3A_18 = arith.constant 0 : i32
    %dma_start3A_19 = arith.constant 0 : i32
    %dma_start3A_20 = tpu.memref_slice %arg9[%dma_start3A_17, %dma_start3A_18, %dma_start3A_19] : memref<5x125x64xf32, #tpu.memory_space<vmem>> -> memref<1x125x64xf32, #tpu.memory_space<vmem>>
    %dma_start3A_21 = tpu.memref_squeeze %dma_start3A_20 : memref<1x125x64xf32, #tpu.memory_space<vmem>> -> memref<125x64xf32, #tpu.memory_space<vmem>>
    %dma_start3A_22 = arith.constant 0 : i32
    %dma_start3A_23 = tpu.memref_slice %arg7[%dma_start3A_16, %dma_start3A_22] : memref<160x125xi32, #tpu.memory_space<vmem>> -> memref<1x125xi32, #tpu.memory_space<vmem>>
    %dma_start3A_24 = tpu.memref_squeeze %dma_start3A_23 : memref<1x125xi32, #tpu.memory_space<vmem>> -> memref<125xi32, #tpu.memory_space<vmem>>
    %dma_start3A_25 = arith.constant 0 : i32
    %dma_start3A_26 = arith.constant 0 : i32
    %dma_start3A_27 = tpu.memref_slice %arg2[%arg0, %dma_start3A_25, %dma_start3A_26] : memref<2x10000x64xf32, #tpu.memory_space<hbm>> -> memref<1x10000x64xf32, #tpu.memory_space<hbm>>
    %dma_start3A_28 = tpu.memref_squeeze %dma_start3A_27 : memref<1x10000x64xf32, #tpu.memory_space<hbm>> -> memref<10000x64xf32, #tpu.memory_space<hbm>>
    %dma_start3A_29 = arith.constant 0 : i32
    %dma_start3A_30 = arith.constant 0 : i32
    %dma_start3A_31 = tpu.memref_slice %dma_start3A_28[%dma_start3A_29, %dma_start3A_30] : memref<10000x64xf32, #tpu.memory_space<hbm>> -> memref<10000x64xf32, #tpu.memory_space<hbm>>
    tpu.enqueue_indirect_dma source(%dma_start3A_31 : memref<10000x64xf32, #tpu.memory_space<hbm>>) target(%dma_start3A_21 : memref<125x64xf32, #tpu.memory_space<vmem>>) offsets(%dma_start3A_24 : memref<125xi32, #tpu.memory_space<vmem>>) semaphore(%arg12 : memref<!tpu.dma_semaphore, #tpu.memory_space<semaphore_mem>>)
    %dma_start3A_32 = arith.constant 2 : i32
    %dma_start3A_33 = arith.constant 2 : i32
    %dma_start3A_34 = arith.constant 0 : i32
    %dma_start3A_35 = arith.constant 0 : i32
    %dma_start3A_36 = tpu.memref_slice %arg9[%dma_start3A_33, %dma_start3A_34, %dma_start3A_35] : memref<5x125x64xf32, #tpu.memory_space<vmem>> -> memref<1x125x64xf32, #tpu.memory_space<vmem>>
    %dma_start3A_37 = tpu.memref_squeeze %dma_start3A_36 : memref<1x125x64xf32, #tpu.memory_space<vmem>> -> memref<125x64xf32, #tpu.memory_space<vmem>>
    %dma_start3A_38 = arith.constant 0 : i32
    %dma_start3A_39 = tpu.memref_slice %arg7[%dma_start3A_32, %dma_start3A_38] : memref<160x125xi32, #tpu.memory_space<vmem>> -> memref<1x125xi32, #tpu.memory_space<vmem>>
    %dma_start3A_40 = tpu.memref_squeeze %dma_start3A_39 : memref<1x125xi32, #tpu.memory_space<vmem>> -> memref<125xi32, #tpu.memory_space<vmem>>
    %dma_start3A_41 = arith.constant 0 : i32
    %dma_start3A_42 = arith.constant 0 : i32
    %dma_start3A_43 = tpu.memref_slice %arg2[%arg0, %dma_start3A_41, %dma_start3A_42] : memref<2x10000x64xf32, #tpu.memory_space<hbm>> -> memref<1x10000x64xf32, #tpu.memory_space<hbm>>
    %dma_start3A_44 = tpu.memref_squeeze %dma_start3A_43 : memref<1x10000x64xf32, #tpu.memory_space<hbm>> -> memref<10000x64xf32, #tpu.memory_space<hbm>>
    %dma_start3A_45 = arith.constant 0 : i32
    %dma_start3A_46 = arith.constant 0 : i32
    %dma_start3A_47 = tpu.memref_slice %dma_start3A_44[%dma_start3A_45, %dma_start3A_46] : memref<10000x64xf32, #tpu.memory_space<hbm>> -> memref<10000x64xf32, #tpu.memory_space<hbm>>
    tpu.enqueue_indirect_dma source(%dma_start3A_47 : memref<10000x64xf32, #tpu.memory_space<hbm>>) target(%dma_start3A_37 : memref<125x64xf32, #tpu.memory_space<vmem>>) offsets(%dma_start3A_40 : memref<125xi32, #tpu.memory_space<vmem>>) semaphore(%arg13 : memref<!tpu.dma_semaphore, #tpu.memory_space<semaphore_mem>>)
    %dma_start3A_48 = arith.constant 3 : i32
    %dma_start3A_49 = arith.constant 3 : i32
    %dma_start3A_50 = arith.constant 0 : i32
    %dma_start3A_51 = arith.constant 0 : i32
    %dma_start3A_52 = tpu.memref_slice %arg9[%dma_start3A_49, %dma_start3A_50, %dma_start3A_51] : memref<5x125x64xf32, #tpu.memory_space<vmem>> -> memref<1x125x64xf32, #tpu.memory_space<vmem>>
    %dma_start3A_53 = tpu.memref_squeeze %dma_start3A_52 : memref<1x125x64xf32, #tpu.memory_space<vmem>> -> memref<125x64xf32, #tpu.memory_space<vmem>>
    %dma_start3A_54 = arith.constant 0 : i32
    %dma_start3A_55 = tpu.memref_slice %arg7[%dma_start3A_48, %dma_start3A_54] : memref<160x125xi32, #tpu.memory_space<vmem>> -> memref<1x125xi32, #tpu.memory_space<vmem>>
    %dma_start3A_56 = tpu.memref_squeeze %dma_start3A_55 : memref<1x125xi32, #tpu.memory_space<vmem>> -> memref<125xi32, #tpu.memory_space<vmem>>
    %dma_start3A_57 = arith.constant 0 : i32
    %dma_start3A_58 = arith.constant 0 : i32
    %dma_start3A_59 = tpu.memref_slice %arg2[%arg0, %dma_start3A_57, %dma_start3A_58] : memref<2x10000x64xf32, #tpu.memory_space<hbm>> -> memref<1x10000x64xf32, #tpu.memory_space<hbm>>
    %dma_start3A_60 = tpu.memref_squeeze %dma_start3A_59 : memref<1x10000x64xf32, #tpu.memory_space<hbm>> -> memref<10000x64xf32, #tpu.memory_space<hbm>>
    %dma_start3A_61 = arith.constant 0 : i32
    %dma_start3A_62 = arith.constant 0 : i32
    %dma_start3A_63 = tpu.memref_slice %dma_start3A_60[%dma_start3A_61, %dma_start3A_62] : memref<10000x64xf32, #tpu.memory_space<hbm>> -> memref<10000x64xf32, #tpu.memory_space<hbm>>
    tpu.enqueue_indirect_dma source(%dma_start3A_63 : memref<10000x64xf32, #tpu.memory_space<hbm>>) target(%dma_start3A_53 : memref<125x64xf32, #tpu.memory_space<vmem>>) offsets(%dma_start3A_56 : memref<125xi32, #tpu.memory_space<vmem>>) semaphore(%arg14 : memref<!tpu.dma_semaphore, #tpu.memory_space<semaphore_mem>>)
    %scan3A = arith.constant 0 : i32
    %scan3A_64 = arith.constant 0 : i32
    %scan3A_65 = arith.constant 32 : i32
    %scan3A_66 = arith.addi %scan3A_64, %scan3A_65 : i32
    %scan3A_67 = arith.constant 1 : i32
    %scan3A_68 = scf.for %scan3A_134 = %scan3A_64 to %scan3A_66 step %scan3A_67 iter_args(%scan3A_135 = %scan3A) -> (i32)  : i32 {
      %mul3A_136 = arith.constant 5 : i32
      %mul3A_137 = arith.muli %scan3A_134, %mul3A_136 : i32
      %add3A = arith.constant 0 : i32
      %add3A_138 = arith.addi %mul3A_137, %add3A : i32
      %dma_wait3A_139 = arith.constant 0 : i32
      %dma_wait3A_140 = arith.constant 0 : i32
      %dma_wait3A_141 = arith.constant 0 : i32
      %dma_wait3A_142 = tpu.memref_slice %arg9[%dma_wait3A_139, %dma_wait3A_140, %dma_wait3A_141] : memref<5x125x64xf32, #tpu.memory_space<vmem>> -> memref<1x125x64xf32, #tpu.memory_space<vmem>>
      %dma_wait3A_143 = tpu.memref_squeeze %dma_wait3A_142 : memref<1x125x64xf32, #tpu.memory_space<vmem>> -> memref<125x64xf32, #tpu.memory_space<vmem>>
      %dma_wait3A_144 = arith.constant 0 : i32
      %dma_wait3A_145 = tpu.memref_slice %arg7[%add3A_138, %dma_wait3A_144] : memref<160x125xi32, #tpu.memory_space<vmem>> -> memref<1x125xi32, #tpu.memory_space<vmem>>
      %dma_wait3A_146 = tpu.memref_squeeze %dma_wait3A_145 : memref<1x125xi32, #tpu.memory_space<vmem>> -> memref<125xi32, #tpu.memory_space<vmem>>
      %dma_wait3A_147 = arith.constant 0 : i32
      %dma_wait3A_148 = arith.constant 0 : i32
      %dma_wait3A_149 = tpu.memref_slice %arg2[%arg0, %dma_wait3A_147, %dma_wait3A_148] : memref<2x10000x64xf32, #tpu.memory_space<hbm>> -> memref<1x10000x64xf32, #tpu.memory_space<hbm>>
      %dma_wait3A_150 = tpu.memref_squeeze %dma_wait3A_149 : memref<1x10000x64xf32, #tpu.memory_space<hbm>> -> memref<10000x64xf32, #tpu.memory_space<hbm>>
      %dma_wait3A_151 = arith.constant 0 : i32
      %dma_wait3A_152 = arith.constant 0 : i32
      %dma_wait3A_153 = tpu.memref_slice %dma_wait3A_150[%dma_wait3A_151, %dma_wait3A_152] : memref<10000x64xf32, #tpu.memory_space<hbm>> -> memref<10000x64xf32, #tpu.memory_space<hbm>>
      tpu.wait_indirect_dma semaphore(%arg11 : memref<!tpu.dma_semaphore, #tpu.memory_space<semaphore_mem>>) src(%dma_wait3A_153 : memref<10000x64xf32, #tpu.memory_space<hbm>>) dst(%dma_wait3A_143 : memref<125x64xf32, #tpu.memory_space<vmem>>)
      %dma_start3A_154 = arith.constant 0 : i32
      %dma_start3A_155 = arith.constant 0 : i32
      %dma_start3A_156 = arith.constant 0 : i32
      %dma_start3A_157 = tpu.memref_slice %arg9[%dma_start3A_154, %dma_start3A_155, %dma_start3A_156] : memref<5x125x64xf32, #tpu.memory_space<vmem>> -> memref<1x125x64xf32, #tpu.memory_space<vmem>>
      %dma_start3A_158 = tpu.memref_squeeze %dma_start3A_157 : memref<1x125x64xf32, #tpu.memory_space<vmem>> -> memref<125x64xf32, #tpu.memory_space<vmem>>
      %dma_start3A_159 = arith.constant 0 : i32
      %dma_start3A_160 = tpu.memref_slice %arg8[%add3A_138, %dma_start3A_159] : memref<160x125xi32, #tpu.memory_space<vmem>> -> memref<1x125xi32, #tpu.memory_space<vmem>>
      %dma_start3A_161 = tpu.memref_squeeze %dma_start3A_160 : memref<1x125xi32, #tpu.memory_space<vmem>> -> memref<125xi32, #tpu.memory_space<vmem>>
      %dma_start3A_162 = arith.constant 0 : i32
      %dma_start3A_163 = arith.constant 0 : i32
      %dma_start3A_164 = tpu.memref_slice %arg10[%dma_start3A_162, %dma_start3A_163] : memref<10240x64xf32, #tpu.memory_space<vmem_shared>> -> memref<10240x64xf32, #tpu.memory_space<vmem_shared>>
      tpu.enqueue_indirect_dma source(%dma_start3A_158 : memref<125x64xf32, #tpu.memory_space<vmem>>) target(%dma_start3A_164 : memref<10240x64xf32, #tpu.memory_space<vmem_shared>>) offsets(%dma_start3A_161 : memref<125xi32, #tpu.memory_space<vmem>>) semaphore(%arg16 : memref<!tpu.dma_semaphore, #tpu.memory_space<semaphore_mem>>) {add = true}
      %add3A_165 = arith.constant 4 : i32
      %add3A_166 = arith.addi %add3A_138, %add3A_165 : i32
      %lt3A = arith.constant 160 : i32
      %lt3A_167 = arith.cmpi slt, %add3A_166, %lt3A : i32
      %convert_element_type3A = arith.extui %lt3A_167 : i1 to i32
      %cond3A = arith.constant 0 : i32
      %cond3A_168 = arith.cmpi ne, %convert_element_type3A, %cond3A : i32
      scf.if %cond3A_168 {
        %ge3A = arith.constant 5 : i32
        %ge3A_318 = arith.cmpi sge, %add3A_166, %ge3A : i32
        %convert_element_type3A_319 = arith.extui %ge3A_318 : i1 to i32
        %cond3A_320 = arith.constant 0 : i32
        %cond3A_321 = arith.cmpi ne, %convert_element_type3A_319, %cond3A_320 : i32
        scf.if %cond3A_321 {
          %sub3A = arith.constant 5 : i32
          %sub3A_337 = arith.subi %add3A_166, %sub3A : i32
          %dma_wait3A_338 = arith.constant 4 : i32
          %dma_wait3A_339 = arith.constant 0 : i32
          %dma_wait3A_340 = arith.constant 0 : i32
          %dma_wait3A_341 = tpu.memref_slice %arg9[%dma_wait3A_338, %dma_wait3A_339, %dma_wait3A_340] : memref<5x125x64xf32, #tpu.memory_space<vmem>> -> memref<1x125x64xf32, #tpu.memory_space<vmem>>
          %dma_wait3A_342 = tpu.memref_squeeze %dma_wait3A_341 : memref<1x125x64xf32, #tpu.memory_space<vmem>> -> memref<125x64xf32, #tpu.memory_space<vmem>>
          %dma_wait3A_343 = arith.constant 0 : i32
          %dma_wait3A_344 = tpu.memref_slice %arg8[%sub3A_337, %dma_wait3A_343] : memref<160x125xi32, #tpu.memory_space<vmem>> -> memref<1x125xi32, #tpu.memory_space<vmem>>
          %dma_wait3A_345 = tpu.memref_squeeze %dma_wait3A_344 : memref<1x125xi32, #tpu.memory_space<vmem>> -> memref<125xi32, #tpu.memory_space<vmem>>
          %dma_wait3A_346 = arith.constant 0 : i32
          %dma_wait3A_347 = arith.constant 0 : i32
          %dma_wait3A_348 = tpu.memref_slice %arg10[%dma_wait3A_346, %dma_wait3A_347] : memref<10240x64xf32, #tpu.memory_space<vmem_shared>> -> memref<10240x64xf32, #tpu.memory_space<vmem_shared>>
          tpu.wait_indirect_dma semaphore(%arg20 : memref<!tpu.dma_semaphore, #tpu.memory_space<semaphore_mem>>) src(%dma_wait3A_342 : memref<125x64xf32, #tpu.memory_space<vmem>>) dst(%dma_wait3A_348 : memref<10240x64xf32, #tpu.memory_space<vmem_shared>>)
        } else {
        }
        %dma_start3A_322 = arith.constant 4 : i32
        %dma_start3A_323 = arith.constant 0 : i32
        %dma_start3A_324 = arith.constant 0 : i32
        %dma_start3A_325 = tpu.memref_slice %arg9[%dma_start3A_322, %dma_start3A_323, %dma_start3A_324] : memref<5x125x64xf32, #tpu.memory_space<vmem>> -> memref<1x125x64xf32, #tpu.memory_space<vmem>>
        %dma_start3A_326 = tpu.memref_squeeze %dma_start3A_325 : memref<1x125x64xf32, #tpu.memory_space<vmem>> -> memref<125x64xf32, #tpu.memory_space<vmem>>
        %dma_start3A_327 = arith.constant 0 : i32
        %dma_start3A_328 = tpu.memref_slice %arg7[%add3A_166, %dma_start3A_327] : memref<160x125xi32, #tpu.memory_space<vmem>> -> memref<1x125xi32, #tpu.memory_space<vmem>>
        %dma_start3A_329 = tpu.memref_squeeze %dma_start3A_328 : memref<1x125xi32, #tpu.memory_space<vmem>> -> memref<125xi32, #tpu.memory_space<vmem>>
        %dma_start3A_330 = arith.constant 0 : i32
        %dma_start3A_331 = arith.constant 0 : i32
        %dma_start3A_332 = tpu.memref_slice %arg2[%arg0, %dma_start3A_330, %dma_start3A_331] : memref<2x10000x64xf32, #tpu.memory_space<hbm>> -> memref<1x10000x64xf32, #tpu.memory_space<hbm>>
        %dma_start3A_333 = tpu.memref_squeeze %dma_start3A_332 : memref<1x10000x64xf32, #tpu.memory_space<hbm>> -> memref<10000x64xf32, #tpu.memory_space<hbm>>
        %dma_start3A_334 = arith.constant 0 : i32
        %dma_start3A_335 = arith.constant 0 : i32
        %dma_start3A_336 = tpu.memref_slice %dma_start3A_333[%dma_start3A_334, %dma_start3A_335] : memref<10000x64xf32, #tpu.memory_space<hbm>> -> memref<10000x64xf32, #tpu.memory_space<hbm>>
        tpu.enqueue_indirect_dma source(%dma_start3A_336 : memref<10000x64xf32, #tpu.memory_space<hbm>>) target(%dma_start3A_326 : memref<125x64xf32, #tpu.memory_space<vmem>>) offsets(%dma_start3A_329 : memref<125xi32, #tpu.memory_space<vmem>>) semaphore(%arg15 : memref<!tpu.dma_semaphore, #tpu.memory_space<semaphore_mem>>)
      } else {
      }
      %mul3A_169 = arith.constant 5 : i32
      %mul3A_170 = arith.muli %scan3A_134, %mul3A_169 : i32
      %add3A_171 = arith.constant 1 : i32
      %add3A_172 = arith.addi %mul3A_170, %add3A_171 : i32
      %dma_wait3A_173 = arith.constant 1 : i32
      %dma_wait3A_174 = arith.constant 0 : i32
      %dma_wait3A_175 = arith.constant 0 : i32
      %dma_wait3A_176 = tpu.memref_slice %arg9[%dma_wait3A_173, %dma_wait3A_174, %dma_wait3A_175] : memref<5x125x64xf32, #tpu.memory_space<vmem>> -> memref<1x125x64xf32, #tpu.memory_space<vmem>>
      %dma_wait3A_177 = tpu.memref_squeeze %dma_wait3A_176 : memref<1x125x64xf32, #tpu.memory_space<vmem>> -> memref<125x64xf32, #tpu.memory_space<vmem>>
      %dma_wait3A_178 = arith.constant 0 : i32
      %dma_wait3A_179 = tpu.memref_slice %arg7[%add3A_172, %dma_wait3A_178] : memref<160x125xi32, #tpu.memory_space<vmem>> -> memref<1x125xi32, #tpu.memory_space<vmem>>
      %dma_wait3A_180 = tpu.memref_squeeze %dma_wait3A_179 : memref<1x125xi32, #tpu.memory_space<vmem>> -> memref<125xi32, #tpu.memory_space<vmem>>
      %dma_wait3A_181 = arith.constant 0 : i32
      %dma_wait3A_182 = arith.constant 0 : i32
      %dma_wait3A_183 = tpu.memref_slice %arg2[%arg0, %dma_wait3A_181, %dma_wait3A_182] : memref<2x10000x64xf32, #tpu.memory_space<hbm>> -> memref<1x10000x64xf32, #tpu.memory_space<hbm>>
      %dma_wait3A_184 = tpu.memref_squeeze %dma_wait3A_183 : memref<1x10000x64xf32, #tpu.memory_space<hbm>> -> memref<10000x64xf32, #tpu.memory_space<hbm>>
      %dma_wait3A_185 = arith.constant 0 : i32
      %dma_wait3A_186 = arith.constant 0 : i32
      %dma_wait3A_187 = tpu.memref_slice %dma_wait3A_184[%dma_wait3A_185, %dma_wait3A_186] : memref<10000x64xf32, #tpu.memory_space<hbm>> -> memref<10000x64xf32, #tpu.memory_space<hbm>>
      tpu.wait_indirect_dma semaphore(%arg12 : memref<!tpu.dma_semaphore, #tpu.memory_space<semaphore_mem>>) src(%dma_wait3A_187 : memref<10000x64xf32, #tpu.memory_space<hbm>>) dst(%dma_wait3A_177 : memref<125x64xf32, #tpu.memory_space<vmem>>)
      %dma_start3A_188 = arith.constant 1 : i32
      %dma_start3A_189 = arith.constant 0 : i32
      %dma_start3A_190 = arith.constant 0 : i32
      %dma_start3A_191 = tpu.memref_slice %arg9[%dma_start3A_188, %dma_start3A_189, %dma_start3A_190] : memref<5x125x64xf32, #tpu.memory_space<vmem>> -> memref<1x125x64xf32, #tpu.memory_space<vmem>>
      %dma_start3A_192 = tpu.memref_squeeze %dma_start3A_191 : memref<1x125x64xf32, #tpu.memory_space<vmem>> -> memref<125x64xf32, #tpu.memory_space<vmem>>
      %dma_start3A_193 = arith.constant 0 : i32
      %dma_start3A_194 = tpu.memref_slice %arg8[%add3A_172, %dma_start3A_193] : memref<160x125xi32, #tpu.memory_space<vmem>> -> memref<1x125xi32, #tpu.memory_space<vmem>>
      %dma_start3A_195 = tpu.memref_squeeze %dma_start3A_194 : memref<1x125xi32, #tpu.memory_space<vmem>> -> memref<125xi32, #tpu.memory_space<vmem>>
      %dma_start3A_196 = arith.constant 0 : i32
      %dma_start3A_197 = arith.constant 0 : i32
      %dma_start3A_198 = tpu.memref_slice %arg10[%dma_start3A_196, %dma_start3A_197] : memref<10240x64xf32, #tpu.memory_space<vmem_shared>> -> memref<10240x64xf32, #tpu.memory_space<vmem_shared>>
      tpu.enqueue_indirect_dma source(%dma_start3A_192 : memref<125x64xf32, #tpu.memory_space<vmem>>) target(%dma_start3A_198 : memref<10240x64xf32, #tpu.memory_space<vmem_shared>>) offsets(%dma_start3A_195 : memref<125xi32, #tpu.memory_space<vmem>>) semaphore(%arg17 : memref<!tpu.dma_semaphore, #tpu.memory_space<semaphore_mem>>) {add = true}
      %add3A_199 = arith.constant 4 : i32
      %add3A_200 = arith.addi %add3A_172, %add3A_199 : i32
      %lt3A_201 = arith.constant 160 : i32
      %lt3A_202 = arith.cmpi slt, %add3A_200, %lt3A_201 : i32
      %convert_element_type3A_203 = arith.extui %lt3A_202 : i1 to i32
      %cond3A_204 = arith.constant 0 : i32
      %cond3A_205 = arith.cmpi ne, %convert_element_type3A_203, %cond3A_204 : i32
      scf.if %cond3A_205 {
        %ge3A = arith.constant 5 : i32
        %ge3A_318 = arith.cmpi sge, %add3A_200, %ge3A : i32
        %convert_element_type3A_319 = arith.extui %ge3A_318 : i1 to i32
        %cond3A_320 = arith.constant 0 : i32
        %cond3A_321 = arith.cmpi ne, %convert_element_type3A_319, %cond3A_320 : i32
        scf.if %cond3A_321 {
          %sub3A = arith.constant 5 : i32
          %sub3A_337 = arith.subi %add3A_200, %sub3A : i32
          %dma_wait3A_338 = arith.constant 0 : i32
          %dma_wait3A_339 = arith.constant 0 : i32
          %dma_wait3A_340 = arith.constant 0 : i32
          %dma_wait3A_341 = tpu.memref_slice %arg9[%dma_wait3A_338, %dma_wait3A_339, %dma_wait3A_340] : memref<5x125x64xf32, #tpu.memory_space<vmem>> -> memref<1x125x64xf32, #tpu.memory_space<vmem>>
          %dma_wait3A_342 = tpu.memref_squeeze %dma_wait3A_341 : memref<1x125x64xf32, #tpu.memory_space<vmem>> -> memref<125x64xf32, #tpu.memory_space<vmem>>
          %dma_wait3A_343 = arith.constant 0 : i32
          %dma_wait3A_344 = tpu.memref_slice %arg8[%sub3A_337, %dma_wait3A_343] : memref<160x125xi32, #tpu.memory_space<vmem>> -> memref<1x125xi32, #tpu.memory_space<vmem>>
          %dma_wait3A_345 = tpu.memref_squeeze %dma_wait3A_344 : memref<1x125xi32, #tpu.memory_space<vmem>> -> memref<125xi32, #tpu.memory_space<vmem>>
          %dma_wait3A_346 = arith.constant 0 : i32
          %dma_wait3A_347 = arith.constant 0 : i32
          %dma_wait3A_348 = tpu.memref_slice %arg10[%dma_wait3A_346, %dma_wait3A_347] : memref<10240x64xf32, #tpu.memory_space<vmem_shared>> -> memref<10240x64xf32, #tpu.memory_space<vmem_shared>>
          tpu.wait_indirect_dma semaphore(%arg16 : memref<!tpu.dma_semaphore, #tpu.memory_space<semaphore_mem>>) src(%dma_wait3A_342 : memref<125x64xf32, #tpu.memory_space<vmem>>) dst(%dma_wait3A_348 : memref<10240x64xf32, #tpu.memory_space<vmem_shared>>)
        } else {
        }
        %dma_start3A_322 = arith.constant 0 : i32
        %dma_start3A_323 = arith.constant 0 : i32
        %dma_start3A_324 = arith.constant 0 : i32
        %dma_start3A_325 = tpu.memref_slice %arg9[%dma_start3A_322, %dma_start3A_323, %dma_start3A_324] : memref<5x125x64xf32, #tpu.memory_space<vmem>> -> memref<1x125x64xf32, #tpu.memory_space<vmem>>
        %dma_start3A_326 = tpu.memref_squeeze %dma_start3A_325 : memref<1x125x64xf32, #tpu.memory_space<vmem>> -> memref<125x64xf32, #tpu.memory_space<vmem>>
        %dma_start3A_327 = arith.constant 0 : i32
        %dma_start3A_328 = tpu.memref_slice %arg7[%add3A_200, %dma_start3A_327] : memref<160x125xi32, #tpu.memory_space<vmem>> -> memref<1x125xi32, #tpu.memory_space<vmem>>
        %dma_start3A_329 = tpu.memref_squeeze %dma_start3A_328 : memref<1x125xi32, #tpu.memory_space<vmem>> -> memref<125xi32, #tpu.memory_space<vmem>>
        %dma_start3A_330 = arith.constant 0 : i32
        %dma_start3A_331 = arith.constant 0 : i32
        %dma_start3A_332 = tpu.memref_slice %arg2[%arg0, %dma_start3A_330, %dma_start3A_331] : memref<2x10000x64xf32, #tpu.memory_space<hbm>> -> memref<1x10000x64xf32, #tpu.memory_space<hbm>>
        %dma_start3A_333 = tpu.memref_squeeze %dma_start3A_332 : memref<1x10000x64xf32, #tpu.memory_space<hbm>> -> memref<10000x64xf32, #tpu.memory_space<hbm>>
        %dma_start3A_334 = arith.constant 0 : i32
        %dma_start3A_335 = arith.constant 0 : i32
        %dma_start3A_336 = tpu.memref_slice %dma_start3A_333[%dma_start3A_334, %dma_start3A_335] : memref<10000x64xf32, #tpu.memory_space<hbm>> -> memref<10000x64xf32, #tpu.memory_space<hbm>>
        tpu.enqueue_indirect_dma source(%dma_start3A_336 : memref<10000x64xf32, #tpu.memory_space<hbm>>) target(%dma_start3A_326 : memref<125x64xf32, #tpu.memory_space<vmem>>) offsets(%dma_start3A_329 : memref<125xi32, #tpu.memory_space<vmem>>) semaphore(%arg11 : memref<!tpu.dma_semaphore, #tpu.memory_space<semaphore_mem>>)
      } else {
      }
      %mul3A_206 = arith.constant 5 : i32
      %mul3A_207 = arith.muli %scan3A_134, %mul3A_206 : i32
      %add3A_208 = arith.constant 2 : i32
      %add3A_209 = arith.addi %mul3A_207, %add3A_208 : i32
      %dma_wait3A_210 = arith.constant 2 : i32
      %dma_wait3A_211 = arith.constant 0 : i32
      %dma_wait3A_212 = arith.constant 0 : i32
      %dma_wait3A_213 = tpu.memref_slice %arg9[%dma_wait3A_210, %dma_wait3A_211, %dma_wait3A_212] : memref<5x125x64xf32, #tpu.memory_space<vmem>> -> memref<1x125x64xf32, #tpu.memory_space<vmem>>
      %dma_wait3A_214 = tpu.memref_squeeze %dma_wait3A_213 : memref<1x125x64xf32, #tpu.memory_space<vmem>> -> memref<125x64xf32, #tpu.memory_space<vmem>>
      %dma_wait3A_215 = arith.constant 0 : i32
      %dma_wait3A_216 = tpu.memref_slice %arg7[%add3A_209, %dma_wait3A_215] : memref<160x125xi32, #tpu.memory_space<vmem>> -> memref<1x125xi32, #tpu.memory_space<vmem>>
      %dma_wait3A_217 = tpu.memref_squeeze %dma_wait3A_216 : memref<1x125xi32, #tpu.memory_space<vmem>> -> memref<125xi32, #tpu.memory_space<vmem>>
      %dma_wait3A_218 = arith.constant 0 : i32
      %dma_wait3A_219 = arith.constant 0 : i32
      %dma_wait3A_220 = tpu.memref_slice %arg2[%arg0, %dma_wait3A_218, %dma_wait3A_219] : memref<2x10000x64xf32, #tpu.memory_space<hbm>> -> memref<1x10000x64xf32, #tpu.memory_space<hbm>>
      %dma_wait3A_221 = tpu.memref_squeeze %dma_wait3A_220 : memref<1x10000x64xf32, #tpu.memory_space<hbm>> -> memref<10000x64xf32, #tpu.memory_space<hbm>>
      %dma_wait3A_222 = arith.constant 0 : i32
      %dma_wait3A_223 = arith.constant 0 : i32
      %dma_wait3A_224 = tpu.memref_slice %dma_wait3A_221[%dma_wait3A_222, %dma_wait3A_223] : memref<10000x64xf32, #tpu.memory_space<hbm>> -> memref<10000x64xf32, #tpu.memory_space<hbm>>
      tpu.wait_indirect_dma semaphore(%arg13 : memref<!tpu.dma_semaphore, #tpu.memory_space<semaphore_mem>>) src(%dma_wait3A_224 : memref<10000x64xf32, #tpu.memory_space<hbm>>) dst(%dma_wait3A_214 : memref<125x64xf32, #tpu.memory_space<vmem>>)
      %dma_start3A_225 = arith.constant 2 : i32
      %dma_start3A_226 = arith.constant 0 : i32
      %dma_start3A_227 = arith.constant 0 : i32
      %dma_start3A_228 = tpu.memref_slice %arg9[%dma_start3A_225, %dma_start3A_226, %dma_start3A_227] : memref<5x125x64xf32, #tpu.memory_space<vmem>> -> memref<1x125x64xf32, #tpu.memory_space<vmem>>
      %dma_start3A_229 = tpu.memref_squeeze %dma_start3A_228 : memref<1x125x64xf32, #tpu.memory_space<vmem>> -> memref<125x64xf32, #tpu.memory_space<vmem>>
      %dma_start3A_230 = arith.constant 0 : i32
      %dma_start3A_231 = tpu.memref_slice %arg8[%add3A_209, %dma_start3A_230] : memref<160x125xi32, #tpu.memory_space<vmem>> -> memref<1x125xi32, #tpu.memory_space<vmem>>
      %dma_start3A_232 = tpu.memref_squeeze %dma_start3A_231 : memref<1x125xi32, #tpu.memory_space<vmem>> -> memref<125xi32, #tpu.memory_space<vmem>>
      %dma_start3A_233 = arith.constant 0 : i32
      %dma_start3A_234 = arith.constant 0 : i32
      %dma_start3A_235 = tpu.memref_slice %arg10[%dma_start3A_233, %dma_start3A_234] : memref<10240x64xf32, #tpu.memory_space<vmem_shared>> -> memref<10240x64xf32, #tpu.memory_space<vmem_shared>>
      tpu.enqueue_indirect_dma source(%dma_start3A_229 : memref<125x64xf32, #tpu.memory_space<vmem>>) target(%dma_start3A_235 : memref<10240x64xf32, #tpu.memory_space<vmem_shared>>) offsets(%dma_start3A_232 : memref<125xi32, #tpu.memory_space<vmem>>) semaphore(%arg18 : memref<!tpu.dma_semaphore, #tpu.memory_space<semaphore_mem>>) {add = true}
      %add3A_236 = arith.constant 4 : i32
      %add3A_237 = arith.addi %add3A_209, %add3A_236 : i32
      %lt3A_238 = arith.constant 160 : i32
      %lt3A_239 = arith.cmpi slt, %add3A_237, %lt3A_238 : i32
      %convert_element_type3A_240 = arith.extui %lt3A_239 : i1 to i32
      %cond3A_241 = arith.constant 0 : i32
      %cond3A_242 = arith.cmpi ne, %convert_element_type3A_240, %cond3A_241 : i32
      scf.if %cond3A_242 {
        %ge3A = arith.constant 5 : i32
        %ge3A_318 = arith.cmpi sge, %add3A_237, %ge3A : i32
        %convert_element_type3A_319 = arith.extui %ge3A_318 : i1 to i32
        %cond3A_320 = arith.constant 0 : i32
        %cond3A_321 = arith.cmpi ne, %convert_element_type3A_319, %cond3A_320 : i32
        scf.if %cond3A_321 {
          %sub3A = arith.constant 5 : i32
          %sub3A_337 = arith.subi %add3A_237, %sub3A : i32
          %dma_wait3A_338 = arith.constant 1 : i32
          %dma_wait3A_339 = arith.constant 0 : i32
          %dma_wait3A_340 = arith.constant 0 : i32
          %dma_wait3A_341 = tpu.memref_slice %arg9[%dma_wait3A_338, %dma_wait3A_339, %dma_wait3A_340] : memref<5x125x64xf32, #tpu.memory_space<vmem>> -> memref<1x125x64xf32, #tpu.memory_space<vmem>>
          %dma_wait3A_342 = tpu.memref_squeeze %dma_wait3A_341 : memref<1x125x64xf32, #tpu.memory_space<vmem>> -> memref<125x64xf32, #tpu.memory_space<vmem>>
          %dma_wait3A_343 = arith.constant 0 : i32
          %dma_wait3A_344 = tpu.memref_slice %arg8[%sub3A_337, %dma_wait3A_343] : memref<160x125xi32, #tpu.memory_space<vmem>> -> memref<1x125xi32, #tpu.memory_space<vmem>>
          %dma_wait3A_345 = tpu.memref_squeeze %dma_wait3A_344 : memref<1x125xi32, #tpu.memory_space<vmem>> -> memref<125xi32, #tpu.memory_space<vmem>>
          %dma_wait3A_346 = arith.constant 0 : i32
          %dma_wait3A_347 = arith.constant 0 : i32
          %dma_wait3A_348 = tpu.memref_slice %arg10[%dma_wait3A_346, %dma_wait3A_347] : memref<10240x64xf32, #tpu.memory_space<vmem_shared>> -> memref<10240x64xf32, #tpu.memory_space<vmem_shared>>
          tpu.wait_indirect_dma semaphore(%arg17 : memref<!tpu.dma_semaphore, #tpu.memory_space<semaphore_mem>>) src(%dma_wait3A_342 : memref<125x64xf32, #tpu.memory_space<vmem>>) dst(%dma_wait3A_348 : memref<10240x64xf32, #tpu.memory_space<vmem_shared>>)
        } else {
        }
        %dma_start3A_322 = arith.constant 1 : i32
        %dma_start3A_323 = arith.constant 0 : i32
        %dma_start3A_324 = arith.constant 0 : i32
        %dma_start3A_325 = tpu.memref_slice %arg9[%dma_start3A_322, %dma_start3A_323, %dma_start3A_324] : memref<5x125x64xf32, #tpu.memory_space<vmem>> -> memref<1x125x64xf32, #tpu.memory_space<vmem>>
        %dma_start3A_326 = tpu.memref_squeeze %dma_start3A_325 : memref<1x125x64xf32, #tpu.memory_space<vmem>> -> memref<125x64xf32, #tpu.memory_space<vmem>>
        %dma_start3A_327 = arith.constant 0 : i32
        %dma_start3A_328 = tpu.memref_slice %arg7[%add3A_237, %dma_start3A_327] : memref<160x125xi32, #tpu.memory_space<vmem>> -> memref<1x125xi32, #tpu.memory_space<vmem>>
        %dma_start3A_329 = tpu.memref_squeeze %dma_start3A_328 : memref<1x125xi32, #tpu.memory_space<vmem>> -> memref<125xi32, #tpu.memory_space<vmem>>
        %dma_start3A_330 = arith.constant 0 : i32
        %dma_start3A_331 = arith.constant 0 : i32
        %dma_start3A_332 = tpu.memref_slice %arg2[%arg0, %dma_start3A_330, %dma_start3A_331] : memref<2x10000x64xf32, #tpu.memory_space<hbm>> -> memref<1x10000x64xf32, #tpu.memory_space<hbm>>
        %dma_start3A_333 = tpu.memref_squeeze %dma_start3A_332 : memref<1x10000x64xf32, #tpu.memory_space<hbm>> -> memref<10000x64xf32, #tpu.memory_space<hbm>>
        %dma_start3A_334 = arith.constant 0 : i32
        %dma_start3A_335 = arith.constant 0 : i32
        %dma_start3A_336 = tpu.memref_slice %dma_start3A_333[%dma_start3A_334, %dma_start3A_335] : memref<10000x64xf32, #tpu.memory_space<hbm>> -> memref<10000x64xf32, #tpu.memory_space<hbm>>
        tpu.enqueue_indirect_dma source(%dma_start3A_336 : memref<10000x64xf32, #tpu.memory_space<hbm>>) target(%dma_start3A_326 : memref<125x64xf32, #tpu.memory_space<vmem>>) offsets(%dma_start3A_329 : memref<125xi32, #tpu.memory_space<vmem>>) semaphore(%arg12 : memref<!tpu.dma_semaphore, #tpu.memory_space<semaphore_mem>>)
      } else {
      }
      %mul3A_243 = arith.constant 5 : i32
      %mul3A_244 = arith.muli %scan3A_134, %mul3A_243 : i32
      %add3A_245 = arith.constant 3 : i32
      %add3A_246 = arith.addi %mul3A_244, %add3A_245 : i32
      %dma_wait3A_247 = arith.constant 3 : i32
      %dma_wait3A_248 = arith.constant 0 : i32
      %dma_wait3A_249 = arith.constant 0 : i32
      %dma_wait3A_250 = tpu.memref_slice %arg9[%dma_wait3A_247, %dma_wait3A_248, %dma_wait3A_249] : memref<5x125x64xf32, #tpu.memory_space<vmem>> -> memref<1x125x64xf32, #tpu.memory_space<vmem>>
      %dma_wait3A_251 = tpu.memref_squeeze %dma_wait3A_250 : memref<1x125x64xf32, #tpu.memory_space<vmem>> -> memref<125x64xf32, #tpu.memory_space<vmem>>
      %dma_wait3A_252 = arith.constant 0 : i32
      %dma_wait3A_253 = tpu.memref_slice %arg7[%add3A_246, %dma_wait3A_252] : memref<160x125xi32, #tpu.memory_space<vmem>> -> memref<1x125xi32, #tpu.memory_space<vmem>>
      %dma_wait3A_254 = tpu.memref_squeeze %dma_wait3A_253 : memref<1x125xi32, #tpu.memory_space<vmem>> -> memref<125xi32, #tpu.memory_space<vmem>>
      %dma_wait3A_255 = arith.constant 0 : i32
      %dma_wait3A_256 = arith.constant 0 : i32
      %dma_wait3A_257 = tpu.memref_slice %arg2[%arg0, %dma_wait3A_255, %dma_wait3A_256] : memref<2x10000x64xf32, #tpu.memory_space<hbm>> -> memref<1x10000x64xf32, #tpu.memory_space<hbm>>
      %dma_wait3A_258 = tpu.memref_squeeze %dma_wait3A_257 : memref<1x10000x64xf32, #tpu.memory_space<hbm>> -> memref<10000x64xf32, #tpu.memory_space<hbm>>
      %dma_wait3A_259 = arith.constant 0 : i32
      %dma_wait3A_260 = arith.constant 0 : i32
      %dma_wait3A_261 = tpu.memref_slice %dma_wait3A_258[%dma_wait3A_259, %dma_wait3A_260] : memref<10000x64xf32, #tpu.memory_space<hbm>> -> memref<10000x64xf32, #tpu.memory_space<hbm>>
      tpu.wait_indirect_dma semaphore(%arg14 : memref<!tpu.dma_semaphore, #tpu.memory_space<semaphore_mem>>) src(%dma_wait3A_261 : memref<10000x64xf32, #tpu.memory_space<hbm>>) dst(%dma_wait3A_251 : memref<125x64xf32, #tpu.memory_space<vmem>>)
      %dma_start3A_262 = arith.constant 3 : i32
      %dma_start3A_263 = arith.constant 0 : i32
      %dma_start3A_264 = arith.constant 0 : i32
      %dma_start3A_265 = tpu.memref_slice %arg9[%dma_start3A_262, %dma_start3A_263, %dma_start3A_264] : memref<5x125x64xf32, #tpu.memory_space<vmem>> -> memref<1x125x64xf32, #tpu.memory_space<vmem>>
      %dma_start3A_266 = tpu.memref_squeeze %dma_start3A_265 : memref<1x125x64xf32, #tpu.memory_space<vmem>> -> memref<125x64xf32, #tpu.memory_space<vmem>>
      %dma_start3A_267 = arith.constant 0 : i32
      %dma_start3A_268 = tpu.memref_slice %arg8[%add3A_246, %dma_start3A_267] : memref<160x125xi32, #tpu.memory_space<vmem>> -> memref<1x125xi32, #tpu.memory_space<vmem>>
      %dma_start3A_269 = tpu.memref_squeeze %dma_start3A_268 : memref<1x125xi32, #tpu.memory_space<vmem>> -> memref<125xi32, #tpu.memory_space<vmem>>
      %dma_start3A_270 = arith.constant 0 : i32
      %dma_start3A_271 = arith.constant 0 : i32
      %dma_start3A_272 = tpu.memref_slice %arg10[%dma_start3A_270, %dma_start3A_271] : memref<10240x64xf32, #tpu.memory_space<vmem_shared>> -> memref<10240x64xf32, #tpu.memory_space<vmem_shared>>
      tpu.enqueue_indirect_dma source(%dma_start3A_266 : memref<125x64xf32, #tpu.memory_space<vmem>>) target(%dma_start3A_272 : memref<10240x64xf32, #tpu.memory_space<vmem_shared>>) offsets(%dma_start3A_269 : memref<125xi32, #tpu.memory_space<vmem>>) semaphore(%arg19 : memref<!tpu.dma_semaphore, #tpu.memory_space<semaphore_mem>>) {add = true}
      %add3A_273 = arith.constant 4 : i32
      %add3A_274 = arith.addi %add3A_246, %add3A_273 : i32
      %lt3A_275 = arith.constant 160 : i32
      %lt3A_276 = arith.cmpi slt, %add3A_274, %lt3A_275 : i32
      %convert_element_type3A_277 = arith.extui %lt3A_276 : i1 to i32
      %cond3A_278 = arith.constant 0 : i32
      %cond3A_279 = arith.cmpi ne, %convert_element_type3A_277, %cond3A_278 : i32
      scf.if %cond3A_279 {
        %ge3A = arith.constant 5 : i32
        %ge3A_318 = arith.cmpi sge, %add3A_274, %ge3A : i32
        %convert_element_type3A_319 = arith.extui %ge3A_318 : i1 to i32
        %cond3A_320 = arith.constant 0 : i32
        %cond3A_321 = arith.cmpi ne, %convert_element_type3A_319, %cond3A_320 : i32
        scf.if %cond3A_321 {
          %sub3A = arith.constant 5 : i32
          %sub3A_337 = arith.subi %add3A_274, %sub3A : i32
          %dma_wait3A_338 = arith.constant 2 : i32
          %dma_wait3A_339 = arith.constant 0 : i32
          %dma_wait3A_340 = arith.constant 0 : i32
          %dma_wait3A_341 = tpu.memref_slice %arg9[%dma_wait3A_338, %dma_wait3A_339, %dma_wait3A_340] : memref<5x125x64xf32, #tpu.memory_space<vmem>> -> memref<1x125x64xf32, #tpu.memory_space<vmem>>
          %dma_wait3A_342 = tpu.memref_squeeze %dma_wait3A_341 : memref<1x125x64xf32, #tpu.memory_space<vmem>> -> memref<125x64xf32, #tpu.memory_space<vmem>>
          %dma_wait3A_343 = arith.constant 0 : i32
          %dma_wait3A_344 = tpu.memref_slice %arg8[%sub3A_337, %dma_wait3A_343] : memref<160x125xi32, #tpu.memory_space<vmem>> -> memref<1x125xi32, #tpu.memory_space<vmem>>
          %dma_wait3A_345 = tpu.memref_squeeze %dma_wait3A_344 : memref<1x125xi32, #tpu.memory_space<vmem>> -> memref<125xi32, #tpu.memory_space<vmem>>
          %dma_wait3A_346 = arith.constant 0 : i32
          %dma_wait3A_347 = arith.constant 0 : i32
          %dma_wait3A_348 = tpu.memref_slice %arg10[%dma_wait3A_346, %dma_wait3A_347] : memref<10240x64xf32, #tpu.memory_space<vmem_shared>> -> memref<10240x64xf32, #tpu.memory_space<vmem_shared>>
          tpu.wait_indirect_dma semaphore(%arg18 : memref<!tpu.dma_semaphore, #tpu.memory_space<semaphore_mem>>) src(%dma_wait3A_342 : memref<125x64xf32, #tpu.memory_space<vmem>>) dst(%dma_wait3A_348 : memref<10240x64xf32, #tpu.memory_space<vmem_shared>>)
        } else {
        }
        %dma_start3A_322 = arith.constant 2 : i32
        %dma_start3A_323 = arith.constant 0 : i32
        %dma_start3A_324 = arith.constant 0 : i32
        %dma_start3A_325 = tpu.memref_slice %arg9[%dma_start3A_322, %dma_start3A_323, %dma_start3A_324] : memref<5x125x64xf32, #tpu.memory_space<vmem>> -> memref<1x125x64xf32, #tpu.memory_space<vmem>>
        %dma_start3A_326 = tpu.memref_squeeze %dma_start3A_325 : memref<1x125x64xf32, #tpu.memory_space<vmem>> -> memref<125x64xf32, #tpu.memory_space<vmem>>
        %dma_start3A_327 = arith.constant 0 : i32
        %dma_start3A_328 = tpu.memref_slice %arg7[%add3A_274, %dma_start3A_327] : memref<160x125xi32, #tpu.memory_space<vmem>> -> memref<1x125xi32, #tpu.memory_space<vmem>>
        %dma_start3A_329 = tpu.memref_squeeze %dma_start3A_328 : memref<1x125xi32, #tpu.memory_space<vmem>> -> memref<125xi32, #tpu.memory_space<vmem>>
        %dma_start3A_330 = arith.constant 0 : i32
        %dma_start3A_331 = arith.constant 0 : i32
        %dma_start3A_332 = tpu.memref_slice %arg2[%arg0, %dma_start3A_330, %dma_start3A_331] : memref<2x10000x64xf32, #tpu.memory_space<hbm>> -> memref<1x10000x64xf32, #tpu.memory_space<hbm>>
        %dma_start3A_333 = tpu.memref_squeeze %dma_start3A_332 : memref<1x10000x64xf32, #tpu.memory_space<hbm>> -> memref<10000x64xf32, #tpu.memory_space<hbm>>
        %dma_start3A_334 = arith.constant 0 : i32
        %dma_start3A_335 = arith.constant 0 : i32
        %dma_start3A_336 = tpu.memref_slice %dma_start3A_333[%dma_start3A_334, %dma_start3A_335] : memref<10000x64xf32, #tpu.memory_space<hbm>> -> memref<10000x64xf32, #tpu.memory_space<hbm>>
        tpu.enqueue_indirect_dma source(%dma_start3A_336 : memref<10000x64xf32, #tpu.memory_space<hbm>>) target(%dma_start3A_326 : memref<125x64xf32, #tpu.memory_space<vmem>>) offsets(%dma_start3A_329 : memref<125xi32, #tpu.memory_space<vmem>>) semaphore(%arg13 : memref<!tpu.dma_semaphore, #tpu.memory_space<semaphore_mem>>)
      } else {
      }
      %mul3A_280 = arith.constant 5 : i32
      %mul3A_281 = arith.muli %scan3A_134, %mul3A_280 : i32
      %add3A_282 = arith.constant 4 : i32
      %add3A_283 = arith.addi %mul3A_281, %add3A_282 : i32
      %dma_wait3A_284 = arith.constant 4 : i32
      %dma_wait3A_285 = arith.constant 0 : i32
      %dma_wait3A_286 = arith.constant 0 : i32
      %dma_wait3A_287 = tpu.memref_slice %arg9[%dma_wait3A_284, %dma_wait3A_285, %dma_wait3A_286] : memref<5x125x64xf32, #tpu.memory_space<vmem>> -> memref<1x125x64xf32, #tpu.memory_space<vmem>>
      %dma_wait3A_288 = tpu.memref_squeeze %dma_wait3A_287 : memref<1x125x64xf32, #tpu.memory_space<vmem>> -> memref<125x64xf32, #tpu.memory_space<vmem>>
      %dma_wait3A_289 = arith.constant 0 : i32
      %dma_wait3A_290 = tpu.memref_slice %arg7[%add3A_283, %dma_wait3A_289] : memref<160x125xi32, #tpu.memory_space<vmem>> -> memref<1x125xi32, #tpu.memory_space<vmem>>
      %dma_wait3A_291 = tpu.memref_squeeze %dma_wait3A_290 : memref<1x125xi32, #tpu.memory_space<vmem>> -> memref<125xi32, #tpu.memory_space<vmem>>
      %dma_wait3A_292 = arith.constant 0 : i32
      %dma_wait3A_293 = arith.constant 0 : i32
      %dma_wait3A_294 = tpu.memref_slice %arg2[%arg0, %dma_wait3A_292, %dma_wait3A_293] : memref<2x10000x64xf32, #tpu.memory_space<hbm>> -> memref<1x10000x64xf32, #tpu.memory_space<hbm>>
      %dma_wait3A_295 = tpu.memref_squeeze %dma_wait3A_294 : memref<1x10000x64xf32, #tpu.memory_space<hbm>> -> memref<10000x64xf32, #tpu.memory_space<hbm>>
      %dma_wait3A_296 = arith.constant 0 : i32
      %dma_wait3A_297 = arith.constant 0 : i32
      %dma_wait3A_298 = tpu.memref_slice %dma_wait3A_295[%dma_wait3A_296, %dma_wait3A_297] : memref<10000x64xf32, #tpu.memory_space<hbm>> -> memref<10000x64xf32, #tpu.memory_space<hbm>>
      tpu.wait_indirect_dma semaphore(%arg15 : memref<!tpu.dma_semaphore, #tpu.memory_space<semaphore_mem>>) src(%dma_wait3A_298 : memref<10000x64xf32, #tpu.memory_space<hbm>>) dst(%dma_wait3A_288 : memref<125x64xf32, #tpu.memory_space<vmem>>)
      %dma_start3A_299 = arith.constant 4 : i32
      %dma_start3A_300 = arith.constant 0 : i32
      %dma_start3A_301 = arith.constant 0 : i32
      %dma_start3A_302 = tpu.memref_slice %arg9[%dma_start3A_299, %dma_start3A_300, %dma_start3A_301] : memref<5x125x64xf32, #tpu.memory_space<vmem>> -> memref<1x125x64xf32, #tpu.memory_space<vmem>>
      %dma_start3A_303 = tpu.memref_squeeze %dma_start3A_302 : memref<1x125x64xf32, #tpu.memory_space<vmem>> -> memref<125x64xf32, #tpu.memory_space<vmem>>
      %dma_start3A_304 = arith.constant 0 : i32
      %dma_start3A_305 = tpu.memref_slice %arg8[%add3A_283, %dma_start3A_304] : memref<160x125xi32, #tpu.memory_space<vmem>> -> memref<1x125xi32, #tpu.memory_space<vmem>>
      %dma_start3A_306 = tpu.memref_squeeze %dma_start3A_305 : memref<1x125xi32, #tpu.memory_space<vmem>> -> memref<125xi32, #tpu.memory_space<vmem>>
      %dma_start3A_307 = arith.constant 0 : i32
      %dma_start3A_308 = arith.constant 0 : i32
      %dma_start3A_309 = tpu.memref_slice %arg10[%dma_start3A_307, %dma_start3A_308] : memref<10240x64xf32, #tpu.memory_space<vmem_shared>> -> memref<10240x64xf32, #tpu.memory_space<vmem_shared>>
      tpu.enqueue_indirect_dma source(%dma_start3A_303 : memref<125x64xf32, #tpu.memory_space<vmem>>) target(%dma_start3A_309 : memref<10240x64xf32, #tpu.memory_space<vmem_shared>>) offsets(%dma_start3A_306 : memref<125xi32, #tpu.memory_space<vmem>>) semaphore(%arg20 : memref<!tpu.dma_semaphore, #tpu.memory_space<semaphore_mem>>) {add = true}
      %add3A_310 = arith.constant 4 : i32
      %add3A_311 = arith.addi %add3A_283, %add3A_310 : i32
      %lt3A_312 = arith.constant 160 : i32
      %lt3A_313 = arith.cmpi slt, %add3A_311, %lt3A_312 : i32
      %convert_element_type3A_314 = arith.extui %lt3A_313 : i1 to i32
      %cond3A_315 = arith.constant 0 : i32
      %cond3A_316 = arith.cmpi ne, %convert_element_type3A_314, %cond3A_315 : i32
      scf.if %cond3A_316 {
        %ge3A = arith.constant 5 : i32
        %ge3A_318 = arith.cmpi sge, %add3A_311, %ge3A : i32
        %convert_element_type3A_319 = arith.extui %ge3A_318 : i1 to i32
        %cond3A_320 = arith.constant 0 : i32
        %cond3A_321 = arith.cmpi ne, %convert_element_type3A_319, %cond3A_320 : i32
        scf.if %cond3A_321 {
          %sub3A = arith.constant 5 : i32
          %sub3A_337 = arith.subi %add3A_311, %sub3A : i32
          %dma_wait3A_338 = arith.constant 3 : i32
          %dma_wait3A_339 = arith.constant 0 : i32
          %dma_wait3A_340 = arith.constant 0 : i32
          %dma_wait3A_341 = tpu.memref_slice %arg9[%dma_wait3A_338, %dma_wait3A_339, %dma_wait3A_340] : memref<5x125x64xf32, #tpu.memory_space<vmem>> -> memref<1x125x64xf32, #tpu.memory_space<vmem>>
          %dma_wait3A_342 = tpu.memref_squeeze %dma_wait3A_341 : memref<1x125x64xf32, #tpu.memory_space<vmem>> -> memref<125x64xf32, #tpu.memory_space<vmem>>
          %dma_wait3A_343 = arith.constant 0 : i32
          %dma_wait3A_344 = tpu.memref_slice %arg8[%sub3A_337, %dma_wait3A_343] : memref<160x125xi32, #tpu.memory_space<vmem>> -> memref<1x125xi32, #tpu.memory_space<vmem>>
          %dma_wait3A_345 = tpu.memref_squeeze %dma_wait3A_344 : memref<1x125xi32, #tpu.memory_space<vmem>> -> memref<125xi32, #tpu.memory_space<vmem>>
          %dma_wait3A_346 = arith.constant 0 : i32
          %dma_wait3A_347 = arith.constant 0 : i32
          %dma_wait3A_348 = tpu.memref_slice %arg10[%dma_wait3A_346, %dma_wait3A_347] : memref<10240x64xf32, #tpu.memory_space<vmem_shared>> -> memref<10240x64xf32, #tpu.memory_space<vmem_shared>>
          tpu.wait_indirect_dma semaphore(%arg19 : memref<!tpu.dma_semaphore, #tpu.memory_space<semaphore_mem>>) src(%dma_wait3A_342 : memref<125x64xf32, #tpu.memory_space<vmem>>) dst(%dma_wait3A_348 : memref<10240x64xf32, #tpu.memory_space<vmem_shared>>)
        } else {
        }
        %dma_start3A_322 = arith.constant 3 : i32
        %dma_start3A_323 = arith.constant 0 : i32
        %dma_start3A_324 = arith.constant 0 : i32
        %dma_start3A_325 = tpu.memref_slice %arg9[%dma_start3A_322, %dma_start3A_323, %dma_start3A_324] : memref<5x125x64xf32, #tpu.memory_space<vmem>> -> memref<1x125x64xf32, #tpu.memory_space<vmem>>
        %dma_start3A_326 = tpu.memref_squeeze %dma_start3A_325 : memref<1x125x64xf32, #tpu.memory_space<vmem>> -> memref<125x64xf32, #tpu.memory_space<vmem>>
        %dma_start3A_327 = arith.constant 0 : i32
        %dma_start3A_328 = tpu.memref_slice %arg7[%add3A_311, %dma_start3A_327] : memref<160x125xi32, #tpu.memory_space<vmem>> -> memref<1x125xi32, #tpu.memory_space<vmem>>
        %dma_start3A_329 = tpu.memref_squeeze %dma_start3A_328 : memref<1x125xi32, #tpu.memory_space<vmem>> -> memref<125xi32, #tpu.memory_space<vmem>>
        %dma_start3A_330 = arith.constant 0 : i32
        %dma_start3A_331 = arith.constant 0 : i32
        %dma_start3A_332 = tpu.memref_slice %arg2[%arg0, %dma_start3A_330, %dma_start3A_331] : memref<2x10000x64xf32, #tpu.memory_space<hbm>> -> memref<1x10000x64xf32, #tpu.memory_space<hbm>>
        %dma_start3A_333 = tpu.memref_squeeze %dma_start3A_332 : memref<1x10000x64xf32, #tpu.memory_space<hbm>> -> memref<10000x64xf32, #tpu.memory_space<hbm>>
        %dma_start3A_334 = arith.constant 0 : i32
        %dma_start3A_335 = arith.constant 0 : i32
        %dma_start3A_336 = tpu.memref_slice %dma_start3A_333[%dma_start3A_334, %dma_start3A_335] : memref<10000x64xf32, #tpu.memory_space<hbm>> -> memref<10000x64xf32, #tpu.memory_space<hbm>>
        tpu.enqueue_indirect_dma source(%dma_start3A_336 : memref<10000x64xf32, #tpu.memory_space<hbm>>) target(%dma_start3A_326 : memref<125x64xf32, #tpu.memory_space<vmem>>) offsets(%dma_start3A_329 : memref<125xi32, #tpu.memory_space<vmem>>) semaphore(%arg14 : memref<!tpu.dma_semaphore, #tpu.memory_space<semaphore_mem>>)
      } else {
      }
      %scan3A_317 = arith.constant 0 : i32
      scf.yield %scan3A_317 : i32
    }
    %scan3A_69 = arith.constant 32 : i32
    %dma_wait3A = arith.constant 0 : i32
    %dma_wait3A_70 = arith.constant 155 : i32
    %dma_wait3A_71 = arith.constant 0 : i32
    %dma_wait3A_72 = arith.constant 0 : i32
    %dma_wait3A_73 = tpu.memref_slice %arg9[%dma_wait3A, %dma_wait3A_71, %dma_wait3A_72] : memref<5x125x64xf32, #tpu.memory_space<vmem>> -> memref<1x125x64xf32, #tpu.memory_space<vmem>>
    %dma_wait3A_74 = tpu.memref_squeeze %dma_wait3A_73 : memref<1x125x64xf32, #tpu.memory_space<vmem>> -> memref<125x64xf32, #tpu.memory_space<vmem>>
    %dma_wait3A_75 = arith.constant 0 : i32
    %dma_wait3A_76 = tpu.memref_slice %arg8[%dma_wait3A_70, %dma_wait3A_75] : memref<160x125xi32, #tpu.memory_space<vmem>> -> memref<1x125xi32, #tpu.memory_space<vmem>>
    %dma_wait3A_77 = tpu.memref_squeeze %dma_wait3A_76 : memref<1x125xi32, #tpu.memory_space<vmem>> -> memref<125xi32, #tpu.memory_space<vmem>>
    %dma_wait3A_78 = arith.constant 0 : i32
    %dma_wait3A_79 = arith.constant 0 : i32
    %dma_wait3A_80 = tpu.memref_slice %arg10[%dma_wait3A_78, %dma_wait3A_79] : memref<10240x64xf32, #tpu.memory_space<vmem_shared>> -> memref<10240x64xf32, #tpu.memory_space<vmem_shared>>
    tpu.wait_indirect_dma semaphore(%arg16 : memref<!tpu.dma_semaphore, #tpu.memory_space<semaphore_mem>>) src(%dma_wait3A_74 : memref<125x64xf32, #tpu.memory_space<vmem>>) dst(%dma_wait3A_80 : memref<10240x64xf32, #tpu.memory_space<vmem_shared>>)
    %dma_wait3A_81 = arith.constant 1 : i32
    %dma_wait3A_82 = arith.constant 156 : i32
    %dma_wait3A_83 = arith.constant 0 : i32
    %dma_wait3A_84 = arith.constant 0 : i32
    %dma_wait3A_85 = tpu.memref_slice %arg9[%dma_wait3A_81, %dma_wait3A_83, %dma_wait3A_84] : memref<5x125x64xf32, #tpu.memory_space<vmem>> -> memref<1x125x64xf32, #tpu.memory_space<vmem>>
    %dma_wait3A_86 = tpu.memref_squeeze %dma_wait3A_85 : memref<1x125x64xf32, #tpu.memory_space<vmem>> -> memref<125x64xf32, #tpu.memory_space<vmem>>
    %dma_wait3A_87 = arith.constant 0 : i32
    %dma_wait3A_88 = tpu.memref_slice %arg8[%dma_wait3A_82, %dma_wait3A_87] : memref<160x125xi32, #tpu.memory_space<vmem>> -> memref<1x125xi32, #tpu.memory_space<vmem>>
    %dma_wait3A_89 = tpu.memref_squeeze %dma_wait3A_88 : memref<1x125xi32, #tpu.memory_space<vmem>> -> memref<125xi32, #tpu.memory_space<vmem>>
    %dma_wait3A_90 = arith.constant 0 : i32
    %dma_wait3A_91 = arith.constant 0 : i32
    %dma_wait3A_92 = tpu.memref_slice %arg10[%dma_wait3A_90, %dma_wait3A_91] : memref<10240x64xf32, #tpu.memory_space<vmem_shared>> -> memref<10240x64xf32, #tpu.memory_space<vmem_shared>>
    tpu.wait_indirect_dma semaphore(%arg17 : memref<!tpu.dma_semaphore, #tpu.memory_space<semaphore_mem>>) src(%dma_wait3A_86 : memref<125x64xf32, #tpu.memory_space<vmem>>) dst(%dma_wait3A_92 : memref<10240x64xf32, #tpu.memory_space<vmem_shared>>)
    %dma_wait3A_93 = arith.constant 2 : i32
    %dma_wait3A_94 = arith.constant 157 : i32
    %dma_wait3A_95 = arith.constant 0 : i32
    %dma_wait3A_96 = arith.constant 0 : i32
    %dma_wait3A_97 = tpu.memref_slice %arg9[%dma_wait3A_93, %dma_wait3A_95, %dma_wait3A_96] : memref<5x125x64xf32, #tpu.memory_space<vmem>> -> memref<1x125x64xf32, #tpu.memory_space<vmem>>
    %dma_wait3A_98 = tpu.memref_squeeze %dma_wait3A_97 : memref<1x125x64xf32, #tpu.memory_space<vmem>> -> memref<125x64xf32, #tpu.memory_space<vmem>>
    %dma_wait3A_99 = arith.constant 0 : i32
    %dma_wait3A_100 = tpu.memref_slice %arg8[%dma_wait3A_94, %dma_wait3A_99] : memref<160x125xi32, #tpu.memory_space<vmem>> -> memref<1x125xi32, #tpu.memory_space<vmem>>
    %dma_wait3A_101 = tpu.memref_squeeze %dma_wait3A_100 : memref<1x125xi32, #tpu.memory_space<vmem>> -> memref<125xi32, #tpu.memory_space<vmem>>
    %dma_wait3A_102 = arith.constant 0 : i32
    %dma_wait3A_103 = arith.constant 0 : i32
    %dma_wait3A_104 = tpu.memref_slice %arg10[%dma_wait3A_102, %dma_wait3A_103] : memref<10240x64xf32, #tpu.memory_space<vmem_shared>> -> memref<10240x64xf32, #tpu.memory_space<vmem_shared>>
    tpu.wait_indirect_dma semaphore(%arg18 : memref<!tpu.dma_semaphore, #tpu.memory_space<semaphore_mem>>) src(%dma_wait3A_98 : memref<125x64xf32, #tpu.memory_space<vmem>>) dst(%dma_wait3A_104 : memref<10240x64xf32, #tpu.memory_space<vmem_shared>>)
    %dma_wait3A_105 = arith.constant 3 : i32
    %dma_wait3A_106 = arith.constant 158 : i32
    %dma_wait3A_107 = arith.constant 0 : i32
    %dma_wait3A_108 = arith.constant 0 : i32
    %dma_wait3A_109 = tpu.memref_slice %arg9[%dma_wait3A_105, %dma_wait3A_107, %dma_wait3A_108] : memref<5x125x64xf32, #tpu.memory_space<vmem>> -> memref<1x125x64xf32, #tpu.memory_space<vmem>>
    %dma_wait3A_110 = tpu.memref_squeeze %dma_wait3A_109 : memref<1x125x64xf32, #tpu.memory_space<vmem>> -> memref<125x64xf32, #tpu.memory_space<vmem>>
    %dma_wait3A_111 = arith.constant 0 : i32
    %dma_wait3A_112 = tpu.memref_slice %arg8[%dma_wait3A_106, %dma_wait3A_111] : memref<160x125xi32, #tpu.memory_space<vmem>> -> memref<1x125xi32, #tpu.memory_space<vmem>>
    %dma_wait3A_113 = tpu.memref_squeeze %dma_wait3A_112 : memref<1x125xi32, #tpu.memory_space<vmem>> -> memref<125xi32, #tpu.memory_space<vmem>>
    %dma_wait3A_114 = arith.constant 0 : i32
    %dma_wait3A_115 = arith.constant 0 : i32
    %dma_wait3A_116 = tpu.memref_slice %arg10[%dma_wait3A_114, %dma_wait3A_115] : memref<10240x64xf32, #tpu.memory_space<vmem_shared>> -> memref<10240x64xf32, #tpu.memory_space<vmem_shared>>
    tpu.wait_indirect_dma semaphore(%arg19 : memref<!tpu.dma_semaphore, #tpu.memory_space<semaphore_mem>>) src(%dma_wait3A_110 : memref<125x64xf32, #tpu.memory_space<vmem>>) dst(%dma_wait3A_116 : memref<10240x64xf32, #tpu.memory_space<vmem_shared>>)
    %dma_wait3A_117 = arith.constant 4 : i32
    %dma_wait3A_118 = arith.constant 159 : i32
    %dma_wait3A_119 = arith.constant 0 : i32
    %dma_wait3A_120 = arith.constant 0 : i32
    %dma_wait3A_121 = tpu.memref_slice %arg9[%dma_wait3A_117, %dma_wait3A_119, %dma_wait3A_120] : memref<5x125x64xf32, #tpu.memory_space<vmem>> -> memref<1x125x64xf32, #tpu.memory_space<vmem>>
    %dma_wait3A_122 = tpu.memref_squeeze %dma_wait3A_121 : memref<1x125x64xf32, #tpu.memory_space<vmem>> -> memref<125x64xf32, #tpu.memory_space<vmem>>
    %dma_wait3A_123 = arith.constant 0 : i32
    %dma_wait3A_124 = tpu.memref_slice %arg8[%dma_wait3A_118, %dma_wait3A_123] : memref<160x125xi32, #tpu.memory_space<vmem>> -> memref<1x125xi32, #tpu.memory_space<vmem>>
    %dma_wait3A_125 = tpu.memref_squeeze %dma_wait3A_124 : memref<1x125xi32, #tpu.memory_space<vmem>> -> memref<125xi32, #tpu.memory_space<vmem>>
    %dma_wait3A_126 = arith.constant 0 : i32
    %dma_wait3A_127 = arith.constant 0 : i32
    %dma_wait3A_128 = tpu.memref_slice %arg10[%dma_wait3A_126, %dma_wait3A_127] : memref<10240x64xf32, #tpu.memory_space<vmem_shared>> -> memref<10240x64xf32, #tpu.memory_space<vmem_shared>>
    tpu.wait_indirect_dma semaphore(%arg20 : memref<!tpu.dma_semaphore, #tpu.memory_space<semaphore_mem>>) src(%dma_wait3A_122 : memref<125x64xf32, #tpu.memory_space<vmem>>) dst(%dma_wait3A_128 : memref<10240x64xf32, #tpu.memory_space<vmem_shared>>)
    %barrier3A_129 = arith.constant 0 : index
    tpu.barrier barrier_id(%barrier3A_129)
    %mul3A_130 = arith.constant 640 : i32
    %mul3A_131 = arith.muli %arg1, %mul3A_130 : i32
    %mul3A_132 = arith.constant 640 : i32
    %mul3A_133 = arith.muli %arg1, %mul3A_132 : i32
    "tpu.region"() ({
      %run_scoped3A = tpu.sem_alloc : memref<!tpu.dma_semaphore, #tpu.memory_space<semaphore_mem>>
      %dma_start3A_134 = arith.constant 0 : i32
      %dma_start3A_135 = tpu.memref_slice %arg6[%arg0, %mul3A_133, %dma_start3A_134] : memref<2x10240x64xf32, #tpu.memory_space<hbm>> -> memref<1x640x64xf32, #tpu.memory_space<hbm>>
      %dma_start3A_136 = tpu.memref_squeeze %dma_start3A_135 : memref<1x640x64xf32, #tpu.memory_space<hbm>> -> memref<640x64xf32, #tpu.memory_space<hbm>>
      %dma_start3A_137 = arith.constant 0 : i32
      %dma_start3A_138 = tpu.memref_slice %arg10[%mul3A_131, %dma_start3A_137] : memref<10240x64xf32, #tpu.memory_space<vmem_shared>> -> memref<640x64xf32, #tpu.memory_space<vmem_shared>>
      tpu.enqueue_dma source(%dma_start3A_138 : memref<640x64xf32, #tpu.memory_space<vmem_shared>>) target(%dma_start3A_136 : memref<640x64xf32, #tpu.memory_space<hbm>>) target_semaphore(%run_scoped3A : memref<!tpu.dma_semaphore, #tpu.memory_space<semaphore_mem>>)
      %dma_wait3A_139 = arith.constant 0 : i32
      %dma_wait3A_140 = tpu.memref_slice %arg6[%arg0, %mul3A_133, %dma_wait3A_139] : memref<2x10240x64xf32, #tpu.memory_space<hbm>> -> memref<1x640x64xf32, #tpu.memory_space<hbm>>
      %dma_wait3A_141 = tpu.memref_squeeze %dma_wait3A_140 : memref<1x640x64xf32, #tpu.memory_space<hbm>> -> memref<640x64xf32, #tpu.memory_space<hbm>>
      %dma_wait3A_142 = arith.constant 0 : i32
      %dma_wait3A_143 = tpu.memref_slice %arg10[%mul3A_131, %dma_wait3A_142] : memref<10240x64xf32, #tpu.memory_space<vmem_shared>> -> memref<640x64xf32, #tpu.memory_space<vmem_shared>>
      tpu.wait_dma2 semaphore(%run_scoped3A : memref<!tpu.dma_semaphore, #tpu.memory_space<semaphore_mem>>) src(%dma_wait3A_143 : memref<640x64xf32, #tpu.memory_space<vmem_shared>>) dst(%dma_wait3A_141 : memref<640x64xf32, #tpu.memory_space<hbm>>)
      tpu.yield
    }) : () -> ()
    return
  }
}

#map = affine_map<(d0, d1) -> (0, 0, 0)>
#map1 = affine_map<(d0, d1) -> (0, 0)>
module attributes {stable_mosaic.version = 14 : i64} {
  func.func @agg(%arg0: i32, %arg1: i32, %arg2: memref<2x10000x64xf32, #tpu.memory_space<hbm>>, %arg3: memref<16x160x125xi32, #tpu.memory_space<hbm>>, %arg4: memref<16x160x125xi32, #tpu.memory_space<hbm>>, %arg5: memref<640x64xf32, #tpu.memory_space<hbm>>, %arg6: memref<2x10240x64xf32, #tpu.memory_space<hbm>>, %arg7: memref<160x125xi32, #tpu.memory_space<vmem>>, %arg8: memref<160x125xi32, #tpu.memory_space<vmem>>, %arg9: memref<5x125x64xf32, #tpu.memory_space<vmem>>, %arg10: memref<10240x64xf32, #tpu.memory_space<vmem_shared>>, %arg11: memref<!tpu.dma_semaphore, #tpu.memory_space<semaphore_mem>>, %arg12: memref<!tpu.dma_semaphore, #tpu.memory_space<semaphore_mem>>, %arg13: memref<!tpu.dma_semaphore, #tpu.memory_space<semaphore_mem>>, %arg14: memref<!tpu.dma_semaphore, #tpu.memory_space<semaphore_mem>>, %arg15: memref<!tpu.dma_semaphore, #tpu.memory_space<semaphore_mem>>, %arg16: memref<!tpu.dma_semaphore, #tpu.memory_space<semaphore_mem>>, %arg17: memref<!tpu.dma_semaphore, #tpu.memory_space<semaphore_mem>>, %arg18: memref<!tpu.dma_semaphore, #tpu.memory_space<semaphore_mem>>, %arg19: memref<!tpu.dma_semaphore, #tpu.memory_space<semaphore_mem>>, %arg20: memref<!tpu.dma_semaphore, #tpu.memory_space<semaphore_mem>>) attributes {dimension_semantics = [#tpu.dimension_semantics<core_parallel>, #tpu.dimension_semantics<subcore_parallel>], iteration_bounds = array<i64: 2, 16>, scalar_prefetch = 0 : i64, scratch_operands = 14 : i64, tpu.core_type = #tpu.core_type<sc_vector_subcore>, window_params = [{transform_indices = #map}, {transform_indices = #map}, {transform_indices = #map}, {transform_indices = #map1}, {transform_indices = #map}]} {
    %mul3A = arith.constant 640 : i32
    %mul3A_0 = arith.muli %arg1, %mul3A : i32
    "tpu.region"() ({
      %run_scoped3A = tpu.sem_alloc : memref<!tpu.dma_semaphore, #tpu.memory_space<semaphore_mem>>
      %dma_start3A_134 = arith.constant 0 : i32
      %dma_start3A_135 = tpu.memref_slice %arg10[%mul3A_0, %dma_start3A_134] : memref<10240x64xf32, #tpu.memory_space<vmem_shared>> -> memref<640x64xf32, #tpu.memory_space<vmem_shared>>
      tpu.enqueue_dma source(%arg5 : memref<640x64xf32, #tpu.memory_space<hbm>>) target(%dma_start3A_135 : memref<640x64xf32, #tpu.memory_space<vmem_shared>>) target_semaphore(%run_scoped3A : memref<!tpu.dma_semaphore, #tpu.memory_space<semaphore_mem>>)
      %dma_wait3A_136 = arith.constant 0 : i32
      %dma_wait3A_137 = tpu.memref_slice %arg10[%mul3A_0, %dma_wait3A_136] : memref<10240x64xf32, #tpu.memory_space<vmem_shared>> -> memref<640x64xf32, #tpu.memory_space<vmem_shared>>
      tpu.wait_dma2 semaphore(%run_scoped3A : memref<!tpu.dma_semaphore, #tpu.memory_space<semaphore_mem>>) src(%arg5 : memref<640x64xf32, #tpu.memory_space<hbm>>) dst(%dma_wait3A_137 : memref<640x64xf32, #tpu.memory_space<vmem_shared>>)
      tpu.yield
    }) : () -> ()
    "tpu.region"() ({
      %run_scoped3A = tpu.sem_alloc : memref<!tpu.dma_semaphore, #tpu.memory_space<semaphore_mem>>
      %dma_start3A_134 = arith.constant 0 : i32
      %dma_start3A_135 = arith.constant 0 : i32
      %dma_start3A_136 = tpu.memref_slice %arg3[%arg1, %dma_start3A_134, %dma_start3A_135] : memref<16x160x125xi32, #tpu.memory_space<hbm>> -> memref<1x160x125xi32, #tpu.memory_space<hbm>>
      %dma_start3A_137 = tpu.memref_squeeze %dma_start3A_136 : memref<1x160x125xi32, #tpu.memory_space<hbm>> -> memref<160x125xi32, #tpu.memory_space<hbm>>
      %dma_start3A_138 = arith.constant 0 : i32
      %dma_start3A_139 = arith.constant 0 : i32
      %dma_start3A_140 = tpu.memref_slice %arg3[%arg1, %dma_start3A_138, %dma_start3A_139] : memref<16x160x125xi32, #tpu.memory_space<hbm>> -> memref<1x160x125xi32, #tpu.memory_space<hbm>>
      %dma_start3A_141 = tpu.memref_squeeze %dma_start3A_140 : memref<1x160x125xi32, #tpu.memory_space<hbm>> -> memref<160x125xi32, #tpu.memory_space<hbm>>
      tpu.enqueue_dma source(%dma_start3A_141 : memref<160x125xi32, #tpu.memory_space<hbm>>) target(%arg7 : memref<160x125xi32, #tpu.memory_space<vmem>>) target_semaphore(%run_scoped3A : memref<!tpu.dma_semaphore, #tpu.memory_space<semaphore_mem>>)
      %dma_wait3A_142 = arith.constant 0 : i32
      %dma_wait3A_143 = arith.constant 0 : i32
      %dma_wait3A_144 = tpu.memref_slice %arg3[%arg1, %dma_wait3A_142, %dma_wait3A_143] : memref<16x160x125xi32, #tpu.memory_space<hbm>> -> memref<1x160x125xi32, #tpu.memory_space<hbm>>
      %dma_wait3A_145 = tpu.memref_squeeze %dma_wait3A_144 : memref<1x160x125xi32, #tpu.memory_space<hbm>> -> memref<160x125xi32, #tpu.memory_space<hbm>>
      %dma_wait3A_146 = arith.constant 0 : i32
      %dma_wait3A_147 = arith.constant 0 : i32
      %dma_wait3A_148 = tpu.memref_slice %arg3[%arg1, %dma_wait3A_146, %dma_wait3A_147] : memref<16x160x125xi32, #tpu.memory_space<hbm>> -> memref<1x160x125xi32, #tpu.memory_space<hbm>>
      %dma_wait3A_149 = tpu.memref_squeeze %dma_wait3A_148 : memref<1x160x125xi32, #tpu.memory_space<hbm>> -> memref<160x125xi32, #tpu.memory_space<hbm>>
      tpu.wait_dma2 semaphore(%run_scoped3A : memref<!tpu.dma_semaphore, #tpu.memory_space<semaphore_mem>>) src(%dma_wait3A_149 : memref<160x125xi32, #tpu.memory_space<hbm>>) dst(%arg7 : memref<160x125xi32, #tpu.memory_space<vmem>>)
      tpu.yield
    }) : () -> ()
    "tpu.region"() ({
      %run_scoped3A = tpu.sem_alloc : memref<!tpu.dma_semaphore, #tpu.memory_space<semaphore_mem>>
      %dma_start3A_134 = arith.constant 0 : i32
      %dma_start3A_135 = arith.constant 0 : i32
      %dma_start3A_136 = tpu.memref_slice %arg4[%arg1, %dma_start3A_134, %dma_start3A_135] : memref<16x160x125xi32, #tpu.memory_space<hbm>> -> memref<1x160x125xi32, #tpu.memory_space<hbm>>
      %dma_start3A_137 = tpu.memref_squeeze %dma_start3A_136 : memref<1x160x125xi32, #tpu.memory_space<hbm>> -> memref<160x125xi32, #tpu.memory_space<hbm>>
      %dma_start3A_138 = arith.constant 0 : i32
      %dma_start3A_139 = arith.constant 0 : i32
      %dma_start3A_140 = tpu.memref_slice %arg4[%arg1, %dma_start3A_138, %dma_start3A_139] : memref<16x160x125xi32, #tpu.memory_space<hbm>> -> memref<1x160x125xi32, #tpu.memory_space<hbm>>
      %dma_start3A_141 = tpu.memref_squeeze %dma_start3A_140 : memref<1x160x125xi32, #tpu.memory_space<hbm>> -> memref<160x125xi32, #tpu.memory_space<hbm>>
      tpu.enqueue_dma source(%dma_start3A_141 : memref<160x125xi32, #tpu.memory_space<hbm>>) target(%arg8 : memref<160x125xi32, #tpu.memory_space<vmem>>) target_semaphore(%run_scoped3A : memref<!tpu.dma_semaphore, #tpu.memory_space<semaphore_mem>>)
      %dma_wait3A_142 = arith.constant 0 : i32
      %dma_wait3A_143 = arith.constant 0 : i32
      %dma_wait3A_144 = tpu.memref_slice %arg4[%arg1, %dma_wait3A_142, %dma_wait3A_143] : memref<16x160x125xi32, #tpu.memory_space<hbm>> -> memref<1x160x125xi32, #tpu.memory_space<hbm>>
      %dma_wait3A_145 = tpu.memref_squeeze %dma_wait3A_144 : memref<1x160x125xi32, #tpu.memory_space<hbm>> -> memref<160x125xi32, #tpu.memory_space<hbm>>
      %dma_wait3A_146 = arith.constant 0 : i32
      %dma_wait3A_147 = arith.constant 0 : i32
      %dma_wait3A_148 = tpu.memref_slice %arg4[%arg1, %dma_wait3A_146, %dma_wait3A_147] : memref<16x160x125xi32, #tpu.memory_space<hbm>> -> memref<1x160x125xi32, #tpu.memory_space<hbm>>
      %dma_wait3A_149 = tpu.memref_squeeze %dma_wait3A_148 : memref<1x160x125xi32, #tpu.memory_space<hbm>> -> memref<160x125xi32, #tpu.memory_space<hbm>>
      tpu.wait_dma2 semaphore(%run_scoped3A : memref<!tpu.dma_semaphore, #tpu.memory_space<semaphore_mem>>) src(%dma_wait3A_149 : memref<160x125xi32, #tpu.memory_space<hbm>>) dst(%arg8 : memref<160x125xi32, #tpu.memory_space<vmem>>)
      tpu.yield
    }) : () -> ()
    %barrier3A = arith.constant 0 : index
    tpu.barrier barrier_id(%barrier3A)
    %dma_start3A = arith.constant 0 : i32
    %dma_start3A_1 = arith.constant 0 : i32
    %dma_start3A_2 = arith.constant 0 : i32
    %dma_start3A_3 = arith.constant 0 : i32
    %dma_start3A_4 = tpu.memref_slice %arg9[%dma_start3A_1, %dma_start3A_2, %dma_start3A_3] : memref<5x125x64xf32, #tpu.memory_space<vmem>> -> memref<1x125x64xf32, #tpu.memory_space<vmem>>
    %dma_start3A_5 = tpu.memref_squeeze %dma_start3A_4 : memref<1x125x64xf32, #tpu.memory_space<vmem>> -> memref<125x64xf32, #tpu.memory_space<vmem>>
    %dma_start3A_6 = arith.constant 0 : i32
    %dma_start3A_7 = tpu.memref_slice %arg7[%dma_start3A, %dma_start3A_6] : memref<160x125xi32, #tpu.memory_space<vmem>> -> memref<1x125xi32, #tpu.memory_space<vmem>>
    %dma_start3A_8 = tpu.memref_squeeze %dma_start3A_7 : memref<1x125xi32, #tpu.memory_space<vmem>> -> memref<125xi32, #tpu.memory_space<vmem>>
    %dma_start3A_9 = arith.constant 0 : i32
    %dma_start3A_10 = arith.constant 0 : i32
    %dma_start3A_11 = tpu.memref_slice %arg2[%arg0, %dma_start3A_9, %dma_start3A_10] : memref<2x10000x64xf32, #tpu.memory_space<hbm>> -> memref<1x10000x64xf32, #tpu.memory_space<hbm>>
    %dma_start3A_12 = tpu.memref_squeeze %dma_start3A_11 : memref<1x10000x64xf32, #tpu.memory_space<hbm>> -> memref<10000x64xf32, #tpu.memory_space<hbm>>
    %dma_start3A_13 = arith.constant 0 : i32
    %dma_start3A_14 = arith.constant 0 : i32
    %dma_start3A_15 = tpu.memref_slice %dma_start3A_12[%dma_start3A_13, %dma_start3A_14] : memref<10000x64xf32, #tpu.memory_space<hbm>> -> memref<10000x64xf32, #tpu.memory_space<hbm>>
    tpu.enqueue_indirect_dma source(%dma_start3A_15 : memref<10000x64xf32, #tpu.memory_space<hbm>>) target(%dma_start3A_5 : memref<125x64xf32, #tpu.memory_space<vmem>>) offsets(%dma_start3A_8 : memref<125xi32, #tpu.memory_space<vmem>>) semaphore(%arg11 : memref<!tpu.dma_semaphore, #tpu.memory_space<semaphore_mem>>)
    %dma_start3A_16 = arith.constant 1 : i32
    %dma_start3A_17 = arith.constant 1 : i32
    %dma_start3A_18 = arith.constant 0 : i32
    %dma_start3A_19 = arith.constant 0 : i32
    %dma_start3A_20 = tpu.memref_slice %arg9[%dma_start3A_17, %dma_start3A_18, %dma_start3A_19] : memref<5x125x64xf32, #tpu.memory_space<vmem>> -> memref<1x125x64xf32, #tpu.memory_space<vmem>>
    %dma_start3A_21 = tpu.memref_squeeze %dma_start3A_20 : memref<1x125x64xf32, #tpu.memory_space<vmem>> -> memref<125x64xf32, #tpu.memory_space<vmem>>
    %dma_start3A_22 = arith.constant 0 : i32
    %dma_start3A_23 = tpu.memref_slice %arg7[%dma_start3A_16, %dma_start3A_22] : memref<160x125xi32, #tpu.memory_space<vmem>> -> memref<1x125xi32, #tpu.memory_space<vmem>>
    %dma_start3A_24 = tpu.memref_squeeze %dma_start3A_23 : memref<1x125xi32, #tpu.memory_space<vmem>> -> memref<125xi32, #tpu.memory_space<vmem>>
    %dma_start3A_25 = arith.constant 0 : i32
    %dma_start3A_26 = arith.constant 0 : i32
    %dma_start3A_27 = tpu.memref_slice %arg2[%arg0, %dma_start3A_25, %dma_start3A_26] : memref<2x10000x64xf32, #tpu.memory_space<hbm>> -> memref<1x10000x64xf32, #tpu.memory_space<hbm>>
    %dma_start3A_28 = tpu.memref_squeeze %dma_start3A_27 : memref<1x10000x64xf32, #tpu.memory_space<hbm>> -> memref<10000x64xf32, #tpu.memory_space<hbm>>
    %dma_start3A_29 = arith.constant 0 : i32
    %dma_start3A_30 = arith.constant 0 : i32
    %dma_start3A_31 = tpu.memref_slice %dma_start3A_28[%dma_start3A_29, %dma_start3A_30] : memref<10000x64xf32, #tpu.memory_space<hbm>> -> memref<10000x64xf32, #tpu.memory_space<hbm>>
    tpu.enqueue_indirect_dma source(%dma_start3A_31 : memref<10000x64xf32, #tpu.memory_space<hbm>>) target(%dma_start3A_21 : memref<125x64xf32, #tpu.memory_space<vmem>>) offsets(%dma_start3A_24 : memref<125xi32, #tpu.memory_space<vmem>>) semaphore(%arg12 : memref<!tpu.dma_semaphore, #tpu.memory_space<semaphore_mem>>)
    %dma_start3A_32 = arith.constant 2 : i32
    %dma_start3A_33 = arith.constant 2 : i32
    %dma_start3A_34 = arith.constant 0 : i32
    %dma_start3A_35 = arith.constant 0 : i32
    %dma_start3A_36 = tpu.memref_slice %arg9[%dma_start3A_33, %dma_start3A_34, %dma_start3A_35] : memref<5x125x64xf32, #tpu.memory_space<vmem>> -> memref<1x125x64xf32, #tpu.memory_space<vmem>>
    %dma_start3A_37 = tpu.memref_squeeze %dma_start3A_36 : memref<1x125x64xf32, #tpu.memory_space<vmem>> -> memref<125x64xf32, #tpu.memory_space<vmem>>
    %dma_start3A_38 = arith.constant 0 : i32
    %dma_start3A_39 = tpu.memref_slice %arg7[%dma_start3A_32, %dma_start3A_38] : memref<160x125xi32, #tpu.memory_space<vmem>> -> memref<1x125xi32, #tpu.memory_space<vmem>>
    %dma_start3A_40 = tpu.memref_squeeze %dma_start3A_39 : memref<1x125xi32, #tpu.memory_space<vmem>> -> memref<125xi32, #tpu.memory_space<vmem>>
    %dma_start3A_41 = arith.constant 0 : i32
    %dma_start3A_42 = arith.constant 0 : i32
    %dma_start3A_43 = tpu.memref_slice %arg2[%arg0, %dma_start3A_41, %dma_start3A_42] : memref<2x10000x64xf32, #tpu.memory_space<hbm>> -> memref<1x10000x64xf32, #tpu.memory_space<hbm>>
    %dma_start3A_44 = tpu.memref_squeeze %dma_start3A_43 : memref<1x10000x64xf32, #tpu.memory_space<hbm>> -> memref<10000x64xf32, #tpu.memory_space<hbm>>
    %dma_start3A_45 = arith.constant 0 : i32
    %dma_start3A_46 = arith.constant 0 : i32
    %dma_start3A_47 = tpu.memref_slice %dma_start3A_44[%dma_start3A_45, %dma_start3A_46] : memref<10000x64xf32, #tpu.memory_space<hbm>> -> memref<10000x64xf32, #tpu.memory_space<hbm>>
    tpu.enqueue_indirect_dma source(%dma_start3A_47 : memref<10000x64xf32, #tpu.memory_space<hbm>>) target(%dma_start3A_37 : memref<125x64xf32, #tpu.memory_space<vmem>>) offsets(%dma_start3A_40 : memref<125xi32, #tpu.memory_space<vmem>>) semaphore(%arg13 : memref<!tpu.dma_semaphore, #tpu.memory_space<semaphore_mem>>)
    %dma_start3A_48 = arith.constant 3 : i32
    %dma_start3A_49 = arith.constant 3 : i32
    %dma_start3A_50 = arith.constant 0 : i32
    %dma_start3A_51 = arith.constant 0 : i32
    %dma_start3A_52 = tpu.memref_slice %arg9[%dma_start3A_49, %dma_start3A_50, %dma_start3A_51] : memref<5x125x64xf32, #tpu.memory_space<vmem>> -> memref<1x125x64xf32, #tpu.memory_space<vmem>>
    %dma_start3A_53 = tpu.memref_squeeze %dma_start3A_52 : memref<1x125x64xf32, #tpu.memory_space<vmem>> -> memref<125x64xf32, #tpu.memory_space<vmem>>
    %dma_start3A_54 = arith.constant 0 : i32
    %dma_start3A_55 = tpu.memref_slice %arg7[%dma_start3A_48, %dma_start3A_54] : memref<160x125xi32, #tpu.memory_space<vmem>> -> memref<1x125xi32, #tpu.memory_space<vmem>>
    %dma_start3A_56 = tpu.memref_squeeze %dma_start3A_55 : memref<1x125xi32, #tpu.memory_space<vmem>> -> memref<125xi32, #tpu.memory_space<vmem>>
    %dma_start3A_57 = arith.constant 0 : i32
    %dma_start3A_58 = arith.constant 0 : i32
    %dma_start3A_59 = tpu.memref_slice %arg2[%arg0, %dma_start3A_57, %dma_start3A_58] : memref<2x10000x64xf32, #tpu.memory_space<hbm>> -> memref<1x10000x64xf32, #tpu.memory_space<hbm>>
    %dma_start3A_60 = tpu.memref_squeeze %dma_start3A_59 : memref<1x10000x64xf32, #tpu.memory_space<hbm>> -> memref<10000x64xf32, #tpu.memory_space<hbm>>
    %dma_start3A_61 = arith.constant 0 : i32
    %dma_start3A_62 = arith.constant 0 : i32
    %dma_start3A_63 = tpu.memref_slice %dma_start3A_60[%dma_start3A_61, %dma_start3A_62] : memref<10000x64xf32, #tpu.memory_space<hbm>> -> memref<10000x64xf32, #tpu.memory_space<hbm>>
    tpu.enqueue_indirect_dma source(%dma_start3A_63 : memref<10000x64xf32, #tpu.memory_space<hbm>>) target(%dma_start3A_53 : memref<125x64xf32, #tpu.memory_space<vmem>>) offsets(%dma_start3A_56 : memref<125xi32, #tpu.memory_space<vmem>>) semaphore(%arg14 : memref<!tpu.dma_semaphore, #tpu.memory_space<semaphore_mem>>)
    %scan3A = arith.constant 0 : i32
    %scan3A_64 = arith.constant 0 : i32
    %scan3A_65 = arith.constant 32 : i32
    %scan3A_66 = arith.addi %scan3A_64, %scan3A_65 : i32
    %scan3A_67 = arith.constant 1 : i32
    %scan3A_68 = scf.for %scan3A_134 = %scan3A_64 to %scan3A_66 step %scan3A_67 iter_args(%scan3A_135 = %scan3A) -> (i32)  : i32 {
      %mul3A_136 = arith.constant 5 : i32
      %mul3A_137 = arith.muli %scan3A_134, %mul3A_136 : i32
      %add3A = arith.constant 0 : i32
      %add3A_138 = arith.addi %mul3A_137, %add3A : i32
      %dma_wait3A_139 = arith.constant 0 : i32
      %dma_wait3A_140 = arith.constant 0 : i32
      %dma_wait3A_141 = arith.constant 0 : i32
      %dma_wait3A_142 = tpu.memref_slice %arg9[%dma_wait3A_139, %dma_wait3A_140, %dma_wait3A_141] : memref<5x125x64xf32, #tpu.memory_space<vmem>> -> memref<1x125x64xf32, #tpu.memory_space<vmem>>
      %dma_wait3A_143 = tpu.memref_squeeze %dma_wait3A_142 : memref<1x125x64xf32, #tpu.memory_space<vmem>> -> memref<125x64xf32, #tpu.memory_space<vmem>>
      %dma_wait3A_144 = arith.constant 0 : i32
      %dma_wait3A_145 = tpu.memref_slice %arg7[%add3A_138, %dma_wait3A_144] : memref<160x125xi32, #tpu.memory_space<vmem>> -> memref<1x125xi32, #tpu.memory_space<vmem>>
      %dma_wait3A_146 = tpu.memref_squeeze %dma_wait3A_145 : memref<1x125xi32, #tpu.memory_space<vmem>> -> memref<125xi32, #tpu.memory_space<vmem>>
      %dma_wait3A_147 = arith.constant 0 : i32
      %dma_wait3A_148 = arith.constant 0 : i32
      %dma_wait3A_149 = tpu.memref_slice %arg2[%arg0, %dma_wait3A_147, %dma_wait3A_148] : memref<2x10000x64xf32, #tpu.memory_space<hbm>> -> memref<1x10000x64xf32, #tpu.memory_space<hbm>>
      %dma_wait3A_150 = tpu.memref_squeeze %dma_wait3A_149 : memref<1x10000x64xf32, #tpu.memory_space<hbm>> -> memref<10000x64xf32, #tpu.memory_space<hbm>>
      %dma_wait3A_151 = arith.constant 0 : i32
      %dma_wait3A_152 = arith.constant 0 : i32
      %dma_wait3A_153 = tpu.memref_slice %dma_wait3A_150[%dma_wait3A_151, %dma_wait3A_152] : memref<10000x64xf32, #tpu.memory_space<hbm>> -> memref<10000x64xf32, #tpu.memory_space<hbm>>
      tpu.wait_indirect_dma semaphore(%arg11 : memref<!tpu.dma_semaphore, #tpu.memory_space<semaphore_mem>>) src(%dma_wait3A_153 : memref<10000x64xf32, #tpu.memory_space<hbm>>) dst(%dma_wait3A_143 : memref<125x64xf32, #tpu.memory_space<vmem>>)
      %dma_start3A_154 = arith.constant 0 : i32
      %dma_start3A_155 = arith.constant 0 : i32
      %dma_start3A_156 = arith.constant 0 : i32
      %dma_start3A_157 = tpu.memref_slice %arg9[%dma_start3A_154, %dma_start3A_155, %dma_start3A_156] : memref<5x125x64xf32, #tpu.memory_space<vmem>> -> memref<1x125x64xf32, #tpu.memory_space<vmem>>
      %dma_start3A_158 = tpu.memref_squeeze %dma_start3A_157 : memref<1x125x64xf32, #tpu.memory_space<vmem>> -> memref<125x64xf32, #tpu.memory_space<vmem>>
      %dma_start3A_159 = arith.constant 0 : i32
      %dma_start3A_160 = tpu.memref_slice %arg8[%add3A_138, %dma_start3A_159] : memref<160x125xi32, #tpu.memory_space<vmem>> -> memref<1x125xi32, #tpu.memory_space<vmem>>
      %dma_start3A_161 = tpu.memref_squeeze %dma_start3A_160 : memref<1x125xi32, #tpu.memory_space<vmem>> -> memref<125xi32, #tpu.memory_space<vmem>>
      %dma_start3A_162 = arith.constant 0 : i32
      %dma_start3A_163 = arith.constant 0 : i32
      %dma_start3A_164 = tpu.memref_slice %arg10[%dma_start3A_162, %dma_start3A_163] : memref<10240x64xf32, #tpu.memory_space<vmem_shared>> -> memref<10240x64xf32, #tpu.memory_space<vmem_shared>>
      tpu.enqueue_indirect_dma source(%dma_start3A_158 : memref<125x64xf32, #tpu.memory_space<vmem>>) target(%dma_start3A_164 : memref<10240x64xf32, #tpu.memory_space<vmem_shared>>) offsets(%dma_start3A_161 : memref<125xi32, #tpu.memory_space<vmem>>) semaphore(%arg16 : memref<!tpu.dma_semaphore, #tpu.memory_space<semaphore_mem>>) {add = true}
      %add3A_165 = arith.constant 4 : i32
      %add3A_166 = arith.addi %add3A_138, %add3A_165 : i32
      %lt3A = arith.constant 160 : i32
      %lt3A_167 = arith.cmpi slt, %add3A_166, %lt3A : i32
      %convert_element_type3A = arith.extui %lt3A_167 : i1 to i32
      %cond3A = arith.constant 0 : i32
      %cond3A_168 = arith.cmpi ne, %convert_element_type3A, %cond3A : i32
      scf.if %cond3A_168 {
        %ge3A = arith.constant 5 : i32
        %ge3A_318 = arith.cmpi sge, %add3A_166, %ge3A : i32
        %convert_element_type3A_319 = arith.extui %ge3A_318 : i1 to i32
        %cond3A_320 = arith.constant 0 : i32
        %cond3A_321 = arith.cmpi ne, %convert_element_type3A_319, %cond3A_320 : i32
        scf.if %cond3A_321 {
          %sub3A = arith.constant 5 : i32
          %sub3A_337 = arith.subi %add3A_166, %sub3A : i32
          %dma_wait3A_338 = arith.constant 4 : i32
          %dma_wait3A_339 = arith.constant 0 : i32
          %dma_wait3A_340 = arith.constant 0 : i32
          %dma_wait3A_341 = tpu.memref_slice %arg9[%dma_wait3A_338, %dma_wait3A_339, %dma_wait3A_340] : memref<5x125x64xf32, #tpu.memory_space<vmem>> -> memref<1x125x64xf32, #tpu.memory_space<vmem>>
          %dma_wait3A_342 = tpu.memref_squeeze %dma_wait3A_341 : memref<1x125x64xf32, #tpu.memory_space<vmem>> -> memref<125x64xf32, #tpu.memory_space<vmem>>
          %dma_wait3A_343 = arith.constant 0 : i32
          %dma_wait3A_344 = tpu.memref_slice %arg8[%sub3A_337, %dma_wait3A_343] : memref<160x125xi32, #tpu.memory_space<vmem>> -> memref<1x125xi32, #tpu.memory_space<vmem>>
          %dma_wait3A_345 = tpu.memref_squeeze %dma_wait3A_344 : memref<1x125xi32, #tpu.memory_space<vmem>> -> memref<125xi32, #tpu.memory_space<vmem>>
          %dma_wait3A_346 = arith.constant 0 : i32
          %dma_wait3A_347 = arith.constant 0 : i32
          %dma_wait3A_348 = tpu.memref_slice %arg10[%dma_wait3A_346, %dma_wait3A_347] : memref<10240x64xf32, #tpu.memory_space<vmem_shared>> -> memref<10240x64xf32, #tpu.memory_space<vmem_shared>>
          tpu.wait_indirect_dma semaphore(%arg20 : memref<!tpu.dma_semaphore, #tpu.memory_space<semaphore_mem>>) src(%dma_wait3A_342 : memref<125x64xf32, #tpu.memory_space<vmem>>) dst(%dma_wait3A_348 : memref<10240x64xf32, #tpu.memory_space<vmem_shared>>)
        } else {
        }
        %dma_start3A_322 = arith.constant 4 : i32
        %dma_start3A_323 = arith.constant 0 : i32
        %dma_start3A_324 = arith.constant 0 : i32
        %dma_start3A_325 = tpu.memref_slice %arg9[%dma_start3A_322, %dma_start3A_323, %dma_start3A_324] : memref<5x125x64xf32, #tpu.memory_space<vmem>> -> memref<1x125x64xf32, #tpu.memory_space<vmem>>
        %dma_start3A_326 = tpu.memref_squeeze %dma_start3A_325 : memref<1x125x64xf32, #tpu.memory_space<vmem>> -> memref<125x64xf32, #tpu.memory_space<vmem>>
        %dma_start3A_327 = arith.constant 0 : i32
        %dma_start3A_328 = tpu.memref_slice %arg7[%add3A_166, %dma_start3A_327] : memref<160x125xi32, #tpu.memory_space<vmem>> -> memref<1x125xi32, #tpu.memory_space<vmem>>
        %dma_start3A_329 = tpu.memref_squeeze %dma_start3A_328 : memref<1x125xi32, #tpu.memory_space<vmem>> -> memref<125xi32, #tpu.memory_space<vmem>>
        %dma_start3A_330 = arith.constant 0 : i32
        %dma_start3A_331 = arith.constant 0 : i32
        %dma_start3A_332 = tpu.memref_slice %arg2[%arg0, %dma_start3A_330, %dma_start3A_331] : memref<2x10000x64xf32, #tpu.memory_space<hbm>> -> memref<1x10000x64xf32, #tpu.memory_space<hbm>>
        %dma_start3A_333 = tpu.memref_squeeze %dma_start3A_332 : memref<1x10000x64xf32, #tpu.memory_space<hbm>> -> memref<10000x64xf32, #tpu.memory_space<hbm>>
        %dma_start3A_334 = arith.constant 0 : i32
        %dma_start3A_335 = arith.constant 0 : i32
        %dma_start3A_336 = tpu.memref_slice %dma_start3A_333[%dma_start3A_334, %dma_start3A_335] : memref<10000x64xf32, #tpu.memory_space<hbm>> -> memref<10000x64xf32, #tpu.memory_space<hbm>>
        tpu.enqueue_indirect_dma source(%dma_start3A_336 : memref<10000x64xf32, #tpu.memory_space<hbm>>) target(%dma_start3A_326 : memref<125x64xf32, #tpu.memory_space<vmem>>) offsets(%dma_start3A_329 : memref<125xi32, #tpu.memory_space<vmem>>) semaphore(%arg15 : memref<!tpu.dma_semaphore, #tpu.memory_space<semaphore_mem>>)
      } else {
      }
      %mul3A_169 = arith.constant 5 : i32
      %mul3A_170 = arith.muli %scan3A_134, %mul3A_169 : i32
      %add3A_171 = arith.constant 1 : i32
      %add3A_172 = arith.addi %mul3A_170, %add3A_171 : i32
      %dma_wait3A_173 = arith.constant 1 : i32
      %dma_wait3A_174 = arith.constant 0 : i32
      %dma_wait3A_175 = arith.constant 0 : i32
      %dma_wait3A_176 = tpu.memref_slice %arg9[%dma_wait3A_173, %dma_wait3A_174, %dma_wait3A_175] : memref<5x125x64xf32, #tpu.memory_space<vmem>> -> memref<1x125x64xf32, #tpu.memory_space<vmem>>
      %dma_wait3A_177 = tpu.memref_squeeze %dma_wait3A_176 : memref<1x125x64xf32, #tpu.memory_space<vmem>> -> memref<125x64xf32, #tpu.memory_space<vmem>>
      %dma_wait3A_178 = arith.constant 0 : i32
      %dma_wait3A_179 = tpu.memref_slice %arg7[%add3A_172, %dma_wait3A_178] : memref<160x125xi32, #tpu.memory_space<vmem>> -> memref<1x125xi32, #tpu.memory_space<vmem>>
      %dma_wait3A_180 = tpu.memref_squeeze %dma_wait3A_179 : memref<1x125xi32, #tpu.memory_space<vmem>> -> memref<125xi32, #tpu.memory_space<vmem>>
      %dma_wait3A_181 = arith.constant 0 : i32
      %dma_wait3A_182 = arith.constant 0 : i32
      %dma_wait3A_183 = tpu.memref_slice %arg2[%arg0, %dma_wait3A_181, %dma_wait3A_182] : memref<2x10000x64xf32, #tpu.memory_space<hbm>> -> memref<1x10000x64xf32, #tpu.memory_space<hbm>>
      %dma_wait3A_184 = tpu.memref_squeeze %dma_wait3A_183 : memref<1x10000x64xf32, #tpu.memory_space<hbm>> -> memref<10000x64xf32, #tpu.memory_space<hbm>>
      %dma_wait3A_185 = arith.constant 0 : i32
      %dma_wait3A_186 = arith.constant 0 : i32
      %dma_wait3A_187 = tpu.memref_slice %dma_wait3A_184[%dma_wait3A_185, %dma_wait3A_186] : memref<10000x64xf32, #tpu.memory_space<hbm>> -> memref<10000x64xf32, #tpu.memory_space<hbm>>
      tpu.wait_indirect_dma semaphore(%arg12 : memref<!tpu.dma_semaphore, #tpu.memory_space<semaphore_mem>>) src(%dma_wait3A_187 : memref<10000x64xf32, #tpu.memory_space<hbm>>) dst(%dma_wait3A_177 : memref<125x64xf32, #tpu.memory_space<vmem>>)
      %dma_start3A_188 = arith.constant 1 : i32
      %dma_start3A_189 = arith.constant 0 : i32
      %dma_start3A_190 = arith.constant 0 : i32
      %dma_start3A_191 = tpu.memref_slice %arg9[%dma_start3A_188, %dma_start3A_189, %dma_start3A_190] : memref<5x125x64xf32, #tpu.memory_space<vmem>> -> memref<1x125x64xf32, #tpu.memory_space<vmem>>
      %dma_start3A_192 = tpu.memref_squeeze %dma_start3A_191 : memref<1x125x64xf32, #tpu.memory_space<vmem>> -> memref<125x64xf32, #tpu.memory_space<vmem>>
      %dma_start3A_193 = arith.constant 0 : i32
      %dma_start3A_194 = tpu.memref_slice %arg8[%add3A_172, %dma_start3A_193] : memref<160x125xi32, #tpu.memory_space<vmem>> -> memref<1x125xi32, #tpu.memory_space<vmem>>
      %dma_start3A_195 = tpu.memref_squeeze %dma_start3A_194 : memref<1x125xi32, #tpu.memory_space<vmem>> -> memref<125xi32, #tpu.memory_space<vmem>>
      %dma_start3A_196 = arith.constant 0 : i32
      %dma_start3A_197 = arith.constant 0 : i32
      %dma_start3A_198 = tpu.memref_slice %arg10[%dma_start3A_196, %dma_start3A_197] : memref<10240x64xf32, #tpu.memory_space<vmem_shared>> -> memref<10240x64xf32, #tpu.memory_space<vmem_shared>>
      tpu.enqueue_indirect_dma source(%dma_start3A_192 : memref<125x64xf32, #tpu.memory_space<vmem>>) target(%dma_start3A_198 : memref<10240x64xf32, #tpu.memory_space<vmem_shared>>) offsets(%dma_start3A_195 : memref<125xi32, #tpu.memory_space<vmem>>) semaphore(%arg17 : memref<!tpu.dma_semaphore, #tpu.memory_space<semaphore_mem>>) {add = true}
      %add3A_199 = arith.constant 4 : i32
      %add3A_200 = arith.addi %add3A_172, %add3A_199 : i32
      %lt3A_201 = arith.constant 160 : i32
      %lt3A_202 = arith.cmpi slt, %add3A_200, %lt3A_201 : i32
      %convert_element_type3A_203 = arith.extui %lt3A_202 : i1 to i32
      %cond3A_204 = arith.constant 0 : i32
      %cond3A_205 = arith.cmpi ne, %convert_element_type3A_203, %cond3A_204 : i32
      scf.if %cond3A_205 {
        %ge3A = arith.constant 5 : i32
        %ge3A_318 = arith.cmpi sge, %add3A_200, %ge3A : i32
        %convert_element_type3A_319 = arith.extui %ge3A_318 : i1 to i32
        %cond3A_320 = arith.constant 0 : i32
        %cond3A_321 = arith.cmpi ne, %convert_element_type3A_319, %cond3A_320 : i32
        scf.if %cond3A_321 {
          %sub3A = arith.constant 5 : i32
          %sub3A_337 = arith.subi %add3A_200, %sub3A : i32
          %dma_wait3A_338 = arith.constant 0 : i32
          %dma_wait3A_339 = arith.constant 0 : i32
          %dma_wait3A_340 = arith.constant 0 : i32
          %dma_wait3A_341 = tpu.memref_slice %arg9[%dma_wait3A_338, %dma_wait3A_339, %dma_wait3A_340] : memref<5x125x64xf32, #tpu.memory_space<vmem>> -> memref<1x125x64xf32, #tpu.memory_space<vmem>>
          %dma_wait3A_342 = tpu.memref_squeeze %dma_wait3A_341 : memref<1x125x64xf32, #tpu.memory_space<vmem>> -> memref<125x64xf32, #tpu.memory_space<vmem>>
          %dma_wait3A_343 = arith.constant 0 : i32
          %dma_wait3A_344 = tpu.memref_slice %arg8[%sub3A_337, %dma_wait3A_343] : memref<160x125xi32, #tpu.memory_space<vmem>> -> memref<1x125xi32, #tpu.memory_space<vmem>>
          %dma_wait3A_345 = tpu.memref_squeeze %dma_wait3A_344 : memref<1x125xi32, #tpu.memory_space<vmem>> -> memref<125xi32, #tpu.memory_space<vmem>>
          %dma_wait3A_346 = arith.constant 0 : i32
          %dma_wait3A_347 = arith.constant 0 : i32
          %dma_wait3A_348 = tpu.memref_slice %arg10[%dma_wait3A_346, %dma_wait3A_347] : memref<10240x64xf32, #tpu.memory_space<vmem_shared>> -> memref<10240x64xf32, #tpu.memory_space<vmem_shared>>
          tpu.wait_indirect_dma semaphore(%arg16 : memref<!tpu.dma_semaphore, #tpu.memory_space<semaphore_mem>>) src(%dma_wait3A_342 : memref<125x64xf32, #tpu.memory_space<vmem>>) dst(%dma_wait3A_348 : memref<10240x64xf32, #tpu.memory_space<vmem_shared>>)
        } else {
        }
        %dma_start3A_322 = arith.constant 0 : i32
        %dma_start3A_323 = arith.constant 0 : i32
        %dma_start3A_324 = arith.constant 0 : i32
        %dma_start3A_325 = tpu.memref_slice %arg9[%dma_start3A_322, %dma_start3A_323, %dma_start3A_324] : memref<5x125x64xf32, #tpu.memory_space<vmem>> -> memref<1x125x64xf32, #tpu.memory_space<vmem>>
        %dma_start3A_326 = tpu.memref_squeeze %dma_start3A_325 : memref<1x125x64xf32, #tpu.memory_space<vmem>> -> memref<125x64xf32, #tpu.memory_space<vmem>>
        %dma_start3A_327 = arith.constant 0 : i32
        %dma_start3A_328 = tpu.memref_slice %arg7[%add3A_200, %dma_start3A_327] : memref<160x125xi32, #tpu.memory_space<vmem>> -> memref<1x125xi32, #tpu.memory_space<vmem>>
        %dma_start3A_329 = tpu.memref_squeeze %dma_start3A_328 : memref<1x125xi32, #tpu.memory_space<vmem>> -> memref<125xi32, #tpu.memory_space<vmem>>
        %dma_start3A_330 = arith.constant 0 : i32
        %dma_start3A_331 = arith.constant 0 : i32
        %dma_start3A_332 = tpu.memref_slice %arg2[%arg0, %dma_start3A_330, %dma_start3A_331] : memref<2x10000x64xf32, #tpu.memory_space<hbm>> -> memref<1x10000x64xf32, #tpu.memory_space<hbm>>
        %dma_start3A_333 = tpu.memref_squeeze %dma_start3A_332 : memref<1x10000x64xf32, #tpu.memory_space<hbm>> -> memref<10000x64xf32, #tpu.memory_space<hbm>>
        %dma_start3A_334 = arith.constant 0 : i32
        %dma_start3A_335 = arith.constant 0 : i32
        %dma_start3A_336 = tpu.memref_slice %dma_start3A_333[%dma_start3A_334, %dma_start3A_335] : memref<10000x64xf32, #tpu.memory_space<hbm>> -> memref<10000x64xf32, #tpu.memory_space<hbm>>
        tpu.enqueue_indirect_dma source(%dma_start3A_336 : memref<10000x64xf32, #tpu.memory_space<hbm>>) target(%dma_start3A_326 : memref<125x64xf32, #tpu.memory_space<vmem>>) offsets(%dma_start3A_329 : memref<125xi32, #tpu.memory_space<vmem>>) semaphore(%arg11 : memref<!tpu.dma_semaphore, #tpu.memory_space<semaphore_mem>>)
      } else {
      }
      %mul3A_206 = arith.constant 5 : i32
      %mul3A_207 = arith.muli %scan3A_134, %mul3A_206 : i32
      %add3A_208 = arith.constant 2 : i32
      %add3A_209 = arith.addi %mul3A_207, %add3A_208 : i32
      %dma_wait3A_210 = arith.constant 2 : i32
      %dma_wait3A_211 = arith.constant 0 : i32
      %dma_wait3A_212 = arith.constant 0 : i32
      %dma_wait3A_213 = tpu.memref_slice %arg9[%dma_wait3A_210, %dma_wait3A_211, %dma_wait3A_212] : memref<5x125x64xf32, #tpu.memory_space<vmem>> -> memref<1x125x64xf32, #tpu.memory_space<vmem>>
      %dma_wait3A_214 = tpu.memref_squeeze %dma_wait3A_213 : memref<1x125x64xf32, #tpu.memory_space<vmem>> -> memref<125x64xf32, #tpu.memory_space<vmem>>
      %dma_wait3A_215 = arith.constant 0 : i32
      %dma_wait3A_216 = tpu.memref_slice %arg7[%add3A_209, %dma_wait3A_215] : memref<160x125xi32, #tpu.memory_space<vmem>> -> memref<1x125xi32, #tpu.memory_space<vmem>>
      %dma_wait3A_217 = tpu.memref_squeeze %dma_wait3A_216 : memref<1x125xi32, #tpu.memory_space<vmem>> -> memref<125xi32, #tpu.memory_space<vmem>>
      %dma_wait3A_218 = arith.constant 0 : i32
      %dma_wait3A_219 = arith.constant 0 : i32
      %dma_wait3A_220 = tpu.memref_slice %arg2[%arg0, %dma_wait3A_218, %dma_wait3A_219] : memref<2x10000x64xf32, #tpu.memory_space<hbm>> -> memref<1x10000x64xf32, #tpu.memory_space<hbm>>
      %dma_wait3A_221 = tpu.memref_squeeze %dma_wait3A_220 : memref<1x10000x64xf32, #tpu.memory_space<hbm>> -> memref<10000x64xf32, #tpu.memory_space<hbm>>
      %dma_wait3A_222 = arith.constant 0 : i32
      %dma_wait3A_223 = arith.constant 0 : i32
      %dma_wait3A_224 = tpu.memref_slice %dma_wait3A_221[%dma_wait3A_222, %dma_wait3A_223] : memref<10000x64xf32, #tpu.memory_space<hbm>> -> memref<10000x64xf32, #tpu.memory_space<hbm>>
      tpu.wait_indirect_dma semaphore(%arg13 : memref<!tpu.dma_semaphore, #tpu.memory_space<semaphore_mem>>) src(%dma_wait3A_224 : memref<10000x64xf32, #tpu.memory_space<hbm>>) dst(%dma_wait3A_214 : memref<125x64xf32, #tpu.memory_space<vmem>>)
      %dma_start3A_225 = arith.constant 2 : i32
      %dma_start3A_226 = arith.constant 0 : i32
      %dma_start3A_227 = arith.constant 0 : i32
      %dma_start3A_228 = tpu.memref_slice %arg9[%dma_start3A_225, %dma_start3A_226, %dma_start3A_227] : memref<5x125x64xf32, #tpu.memory_space<vmem>> -> memref<1x125x64xf32, #tpu.memory_space<vmem>>
      %dma_start3A_229 = tpu.memref_squeeze %dma_start3A_228 : memref<1x125x64xf32, #tpu.memory_space<vmem>> -> memref<125x64xf32, #tpu.memory_space<vmem>>
      %dma_start3A_230 = arith.constant 0 : i32
      %dma_start3A_231 = tpu.memref_slice %arg8[%add3A_209, %dma_start3A_230] : memref<160x125xi32, #tpu.memory_space<vmem>> -> memref<1x125xi32, #tpu.memory_space<vmem>>
      %dma_start3A_232 = tpu.memref_squeeze %dma_start3A_231 : memref<1x125xi32, #tpu.memory_space<vmem>> -> memref<125xi32, #tpu.memory_space<vmem>>
      %dma_start3A_233 = arith.constant 0 : i32
      %dma_start3A_234 = arith.constant 0 : i32
      %dma_start3A_235 = tpu.memref_slice %arg10[%dma_start3A_233, %dma_start3A_234] : memref<10240x64xf32, #tpu.memory_space<vmem_shared>> -> memref<10240x64xf32, #tpu.memory_space<vmem_shared>>
      tpu.enqueue_indirect_dma source(%dma_start3A_229 : memref<125x64xf32, #tpu.memory_space<vmem>>) target(%dma_start3A_235 : memref<10240x64xf32, #tpu.memory_space<vmem_shared>>) offsets(%dma_start3A_232 : memref<125xi32, #tpu.memory_space<vmem>>) semaphore(%arg18 : memref<!tpu.dma_semaphore, #tpu.memory_space<semaphore_mem>>) {add = true}
      %add3A_236 = arith.constant 4 : i32
      %add3A_237 = arith.addi %add3A_209, %add3A_236 : i32
      %lt3A_238 = arith.constant 160 : i32
      %lt3A_239 = arith.cmpi slt, %add3A_237, %lt3A_238 : i32
      %convert_element_type3A_240 = arith.extui %lt3A_239 : i1 to i32
      %cond3A_241 = arith.constant 0 : i32
      %cond3A_242 = arith.cmpi ne, %convert_element_type3A_240, %cond3A_241 : i32
      scf.if %cond3A_242 {
        %ge3A = arith.constant 5 : i32
        %ge3A_318 = arith.cmpi sge, %add3A_237, %ge3A : i32
        %convert_element_type3A_319 = arith.extui %ge3A_318 : i1 to i32
        %cond3A_320 = arith.constant 0 : i32
        %cond3A_321 = arith.cmpi ne, %convert_element_type3A_319, %cond3A_320 : i32
        scf.if %cond3A_321 {
          %sub3A = arith.constant 5 : i32
          %sub3A_337 = arith.subi %add3A_237, %sub3A : i32
          %dma_wait3A_338 = arith.constant 1 : i32
          %dma_wait3A_339 = arith.constant 0 : i32
          %dma_wait3A_340 = arith.constant 0 : i32
          %dma_wait3A_341 = tpu.memref_slice %arg9[%dma_wait3A_338, %dma_wait3A_339, %dma_wait3A_340] : memref<5x125x64xf32, #tpu.memory_space<vmem>> -> memref<1x125x64xf32, #tpu.memory_space<vmem>>
          %dma_wait3A_342 = tpu.memref_squeeze %dma_wait3A_341 : memref<1x125x64xf32, #tpu.memory_space<vmem>> -> memref<125x64xf32, #tpu.memory_space<vmem>>
          %dma_wait3A_343 = arith.constant 0 : i32
          %dma_wait3A_344 = tpu.memref_slice %arg8[%sub3A_337, %dma_wait3A_343] : memref<160x125xi32, #tpu.memory_space<vmem>> -> memref<1x125xi32, #tpu.memory_space<vmem>>
          %dma_wait3A_345 = tpu.memref_squeeze %dma_wait3A_344 : memref<1x125xi32, #tpu.memory_space<vmem>> -> memref<125xi32, #tpu.memory_space<vmem>>
          %dma_wait3A_346 = arith.constant 0 : i32
          %dma_wait3A_347 = arith.constant 0 : i32
          %dma_wait3A_348 = tpu.memref_slice %arg10[%dma_wait3A_346, %dma_wait3A_347] : memref<10240x64xf32, #tpu.memory_space<vmem_shared>> -> memref<10240x64xf32, #tpu.memory_space<vmem_shared>>
          tpu.wait_indirect_dma semaphore(%arg17 : memref<!tpu.dma_semaphore, #tpu.memory_space<semaphore_mem>>) src(%dma_wait3A_342 : memref<125x64xf32, #tpu.memory_space<vmem>>) dst(%dma_wait3A_348 : memref<10240x64xf32, #tpu.memory_space<vmem_shared>>)
        } else {
        }
        %dma_start3A_322 = arith.constant 1 : i32
        %dma_start3A_323 = arith.constant 0 : i32
        %dma_start3A_324 = arith.constant 0 : i32
        %dma_start3A_325 = tpu.memref_slice %arg9[%dma_start3A_322, %dma_start3A_323, %dma_start3A_324] : memref<5x125x64xf32, #tpu.memory_space<vmem>> -> memref<1x125x64xf32, #tpu.memory_space<vmem>>
        %dma_start3A_326 = tpu.memref_squeeze %dma_start3A_325 : memref<1x125x64xf32, #tpu.memory_space<vmem>> -> memref<125x64xf32, #tpu.memory_space<vmem>>
        %dma_start3A_327 = arith.constant 0 : i32
        %dma_start3A_328 = tpu.memref_slice %arg7[%add3A_237, %dma_start3A_327] : memref<160x125xi32, #tpu.memory_space<vmem>> -> memref<1x125xi32, #tpu.memory_space<vmem>>
        %dma_start3A_329 = tpu.memref_squeeze %dma_start3A_328 : memref<1x125xi32, #tpu.memory_space<vmem>> -> memref<125xi32, #tpu.memory_space<vmem>>
        %dma_start3A_330 = arith.constant 0 : i32
        %dma_start3A_331 = arith.constant 0 : i32
        %dma_start3A_332 = tpu.memref_slice %arg2[%arg0, %dma_start3A_330, %dma_start3A_331] : memref<2x10000x64xf32, #tpu.memory_space<hbm>> -> memref<1x10000x64xf32, #tpu.memory_space<hbm>>
        %dma_start3A_333 = tpu.memref_squeeze %dma_start3A_332 : memref<1x10000x64xf32, #tpu.memory_space<hbm>> -> memref<10000x64xf32, #tpu.memory_space<hbm>>
        %dma_start3A_334 = arith.constant 0 : i32
        %dma_start3A_335 = arith.constant 0 : i32
        %dma_start3A_336 = tpu.memref_slice %dma_start3A_333[%dma_start3A_334, %dma_start3A_335] : memref<10000x64xf32, #tpu.memory_space<hbm>> -> memref<10000x64xf32, #tpu.memory_space<hbm>>
        tpu.enqueue_indirect_dma source(%dma_start3A_336 : memref<10000x64xf32, #tpu.memory_space<hbm>>) target(%dma_start3A_326 : memref<125x64xf32, #tpu.memory_space<vmem>>) offsets(%dma_start3A_329 : memref<125xi32, #tpu.memory_space<vmem>>) semaphore(%arg12 : memref<!tpu.dma_semaphore, #tpu.memory_space<semaphore_mem>>)
      } else {
      }
      %mul3A_243 = arith.constant 5 : i32
      %mul3A_244 = arith.muli %scan3A_134, %mul3A_243 : i32
      %add3A_245 = arith.constant 3 : i32
      %add3A_246 = arith.addi %mul3A_244, %add3A_245 : i32
      %dma_wait3A_247 = arith.constant 3 : i32
      %dma_wait3A_248 = arith.constant 0 : i32
      %dma_wait3A_249 = arith.constant 0 : i32
      %dma_wait3A_250 = tpu.memref_slice %arg9[%dma_wait3A_247, %dma_wait3A_248, %dma_wait3A_249] : memref<5x125x64xf32, #tpu.memory_space<vmem>> -> memref<1x125x64xf32, #tpu.memory_space<vmem>>
      %dma_wait3A_251 = tpu.memref_squeeze %dma_wait3A_250 : memref<1x125x64xf32, #tpu.memory_space<vmem>> -> memref<125x64xf32, #tpu.memory_space<vmem>>
      %dma_wait3A_252 = arith.constant 0 : i32
      %dma_wait3A_253 = tpu.memref_slice %arg7[%add3A_246, %dma_wait3A_252] : memref<160x125xi32, #tpu.memory_space<vmem>> -> memref<1x125xi32, #tpu.memory_space<vmem>>
      %dma_wait3A_254 = tpu.memref_squeeze %dma_wait3A_253 : memref<1x125xi32, #tpu.memory_space<vmem>> -> memref<125xi32, #tpu.memory_space<vmem>>
      %dma_wait3A_255 = arith.constant 0 : i32
      %dma_wait3A_256 = arith.constant 0 : i32
      %dma_wait3A_257 = tpu.memref_slice %arg2[%arg0, %dma_wait3A_255, %dma_wait3A_256] : memref<2x10000x64xf32, #tpu.memory_space<hbm>> -> memref<1x10000x64xf32, #tpu.memory_space<hbm>>
      %dma_wait3A_258 = tpu.memref_squeeze %dma_wait3A_257 : memref<1x10000x64xf32, #tpu.memory_space<hbm>> -> memref<10000x64xf32, #tpu.memory_space<hbm>>
      %dma_wait3A_259 = arith.constant 0 : i32
      %dma_wait3A_260 = arith.constant 0 : i32
      %dma_wait3A_261 = tpu.memref_slice %dma_wait3A_258[%dma_wait3A_259, %dma_wait3A_260] : memref<10000x64xf32, #tpu.memory_space<hbm>> -> memref<10000x64xf32, #tpu.memory_space<hbm>>
      tpu.wait_indirect_dma semaphore(%arg14 : memref<!tpu.dma_semaphore, #tpu.memory_space<semaphore_mem>>) src(%dma_wait3A_261 : memref<10000x64xf32, #tpu.memory_space<hbm>>) dst(%dma_wait3A_251 : memref<125x64xf32, #tpu.memory_space<vmem>>)
      %dma_start3A_262 = arith.constant 3 : i32
      %dma_start3A_263 = arith.constant 0 : i32
      %dma_start3A_264 = arith.constant 0 : i32
      %dma_start3A_265 = tpu.memref_slice %arg9[%dma_start3A_262, %dma_start3A_263, %dma_start3A_264] : memref<5x125x64xf32, #tpu.memory_space<vmem>> -> memref<1x125x64xf32, #tpu.memory_space<vmem>>
      %dma_start3A_266 = tpu.memref_squeeze %dma_start3A_265 : memref<1x125x64xf32, #tpu.memory_space<vmem>> -> memref<125x64xf32, #tpu.memory_space<vmem>>
      %dma_start3A_267 = arith.constant 0 : i32
      %dma_start3A_268 = tpu.memref_slice %arg8[%add3A_246, %dma_start3A_267] : memref<160x125xi32, #tpu.memory_space<vmem>> -> memref<1x125xi32, #tpu.memory_space<vmem>>
      %dma_start3A_269 = tpu.memref_squeeze %dma_start3A_268 : memref<1x125xi32, #tpu.memory_space<vmem>> -> memref<125xi32, #tpu.memory_space<vmem>>
      %dma_start3A_270 = arith.constant 0 : i32
      %dma_start3A_271 = arith.constant 0 : i32
      %dma_start3A_272 = tpu.memref_slice %arg10[%dma_start3A_270, %dma_start3A_271] : memref<10240x64xf32, #tpu.memory_space<vmem_shared>> -> memref<10240x64xf32, #tpu.memory_space<vmem_shared>>
      tpu.enqueue_indirect_dma source(%dma_start3A_266 : memref<125x64xf32, #tpu.memory_space<vmem>>) target(%dma_start3A_272 : memref<10240x64xf32, #tpu.memory_space<vmem_shared>>) offsets(%dma_start3A_269 : memref<125xi32, #tpu.memory_space<vmem>>) semaphore(%arg19 : memref<!tpu.dma_semaphore, #tpu.memory_space<semaphore_mem>>) {add = true}
      %add3A_273 = arith.constant 4 : i32
      %add3A_274 = arith.addi %add3A_246, %add3A_273 : i32
      %lt3A_275 = arith.constant 160 : i32
      %lt3A_276 = arith.cmpi slt, %add3A_274, %lt3A_275 : i32
      %convert_element_type3A_277 = arith.extui %lt3A_276 : i1 to i32
      %cond3A_278 = arith.constant 0 : i32
      %cond3A_279 = arith.cmpi ne, %convert_element_type3A_277, %cond3A_278 : i32
      scf.if %cond3A_279 {
        %ge3A = arith.constant 5 : i32
        %ge3A_318 = arith.cmpi sge, %add3A_274, %ge3A : i32
        %convert_element_type3A_319 = arith.extui %ge3A_318 : i1 to i32
        %cond3A_320 = arith.constant 0 : i32
        %cond3A_321 = arith.cmpi ne, %convert_element_type3A_319, %cond3A_320 : i32
        scf.if %cond3A_321 {
          %sub3A = arith.constant 5 : i32
          %sub3A_337 = arith.subi %add3A_274, %sub3A : i32
          %dma_wait3A_338 = arith.constant 2 : i32
          %dma_wait3A_339 = arith.constant 0 : i32
          %dma_wait3A_340 = arith.constant 0 : i32
          %dma_wait3A_341 = tpu.memref_slice %arg9[%dma_wait3A_338, %dma_wait3A_339, %dma_wait3A_340] : memref<5x125x64xf32, #tpu.memory_space<vmem>> -> memref<1x125x64xf32, #tpu.memory_space<vmem>>
          %dma_wait3A_342 = tpu.memref_squeeze %dma_wait3A_341 : memref<1x125x64xf32, #tpu.memory_space<vmem>> -> memref<125x64xf32, #tpu.memory_space<vmem>>
          %dma_wait3A_343 = arith.constant 0 : i32
          %dma_wait3A_344 = tpu.memref_slice %arg8[%sub3A_337, %dma_wait3A_343] : memref<160x125xi32, #tpu.memory_space<vmem>> -> memref<1x125xi32, #tpu.memory_space<vmem>>
          %dma_wait3A_345 = tpu.memref_squeeze %dma_wait3A_344 : memref<1x125xi32, #tpu.memory_space<vmem>> -> memref<125xi32, #tpu.memory_space<vmem>>
          %dma_wait3A_346 = arith.constant 0 : i32
          %dma_wait3A_347 = arith.constant 0 : i32
          %dma_wait3A_348 = tpu.memref_slice %arg10[%dma_wait3A_346, %dma_wait3A_347] : memref<10240x64xf32, #tpu.memory_space<vmem_shared>> -> memref<10240x64xf32, #tpu.memory_space<vmem_shared>>
          tpu.wait_indirect_dma semaphore(%arg18 : memref<!tpu.dma_semaphore, #tpu.memory_space<semaphore_mem>>) src(%dma_wait3A_342 : memref<125x64xf32, #tpu.memory_space<vmem>>) dst(%dma_wait3A_348 : memref<10240x64xf32, #tpu.memory_space<vmem_shared>>)
        } else {
        }
        %dma_start3A_322 = arith.constant 2 : i32
        %dma_start3A_323 = arith.constant 0 : i32
        %dma_start3A_324 = arith.constant 0 : i32
        %dma_start3A_325 = tpu.memref_slice %arg9[%dma_start3A_322, %dma_start3A_323, %dma_start3A_324] : memref<5x125x64xf32, #tpu.memory_space<vmem>> -> memref<1x125x64xf32, #tpu.memory_space<vmem>>
        %dma_start3A_326 = tpu.memref_squeeze %dma_start3A_325 : memref<1x125x64xf32, #tpu.memory_space<vmem>> -> memref<125x64xf32, #tpu.memory_space<vmem>>
        %dma_start3A_327 = arith.constant 0 : i32
        %dma_start3A_328 = tpu.memref_slice %arg7[%add3A_274, %dma_start3A_327] : memref<160x125xi32, #tpu.memory_space<vmem>> -> memref<1x125xi32, #tpu.memory_space<vmem>>
        %dma_start3A_329 = tpu.memref_squeeze %dma_start3A_328 : memref<1x125xi32, #tpu.memory_space<vmem>> -> memref<125xi32, #tpu.memory_space<vmem>>
        %dma_start3A_330 = arith.constant 0 : i32
        %dma_start3A_331 = arith.constant 0 : i32
        %dma_start3A_332 = tpu.memref_slice %arg2[%arg0, %dma_start3A_330, %dma_start3A_331] : memref<2x10000x64xf32, #tpu.memory_space<hbm>> -> memref<1x10000x64xf32, #tpu.memory_space<hbm>>
        %dma_start3A_333 = tpu.memref_squeeze %dma_start3A_332 : memref<1x10000x64xf32, #tpu.memory_space<hbm>> -> memref<10000x64xf32, #tpu.memory_space<hbm>>
        %dma_start3A_334 = arith.constant 0 : i32
        %dma_start3A_335 = arith.constant 0 : i32
        %dma_start3A_336 = tpu.memref_slice %dma_start3A_333[%dma_start3A_334, %dma_start3A_335] : memref<10000x64xf32, #tpu.memory_space<hbm>> -> memref<10000x64xf32, #tpu.memory_space<hbm>>
        tpu.enqueue_indirect_dma source(%dma_start3A_336 : memref<10000x64xf32, #tpu.memory_space<hbm>>) target(%dma_start3A_326 : memref<125x64xf32, #tpu.memory_space<vmem>>) offsets(%dma_start3A_329 : memref<125xi32, #tpu.memory_space<vmem>>) semaphore(%arg13 : memref<!tpu.dma_semaphore, #tpu.memory_space<semaphore_mem>>)
      } else {
      }
      %mul3A_280 = arith.constant 5 : i32
      %mul3A_281 = arith.muli %scan3A_134, %mul3A_280 : i32
      %add3A_282 = arith.constant 4 : i32
      %add3A_283 = arith.addi %mul3A_281, %add3A_282 : i32
      %dma_wait3A_284 = arith.constant 4 : i32
      %dma_wait3A_285 = arith.constant 0 : i32
      %dma_wait3A_286 = arith.constant 0 : i32
      %dma_wait3A_287 = tpu.memref_slice %arg9[%dma_wait3A_284, %dma_wait3A_285, %dma_wait3A_286] : memref<5x125x64xf32, #tpu.memory_space<vmem>> -> memref<1x125x64xf32, #tpu.memory_space<vmem>>
      %dma_wait3A_288 = tpu.memref_squeeze %dma_wait3A_287 : memref<1x125x64xf32, #tpu.memory_space<vmem>> -> memref<125x64xf32, #tpu.memory_space<vmem>>
      %dma_wait3A_289 = arith.constant 0 : i32
      %dma_wait3A_290 = tpu.memref_slice %arg7[%add3A_283, %dma_wait3A_289] : memref<160x125xi32, #tpu.memory_space<vmem>> -> memref<1x125xi32, #tpu.memory_space<vmem>>
      %dma_wait3A_291 = tpu.memref_squeeze %dma_wait3A_290 : memref<1x125xi32, #tpu.memory_space<vmem>> -> memref<125xi32, #tpu.memory_space<vmem>>
      %dma_wait3A_292 = arith.constant 0 : i32
      %dma_wait3A_293 = arith.constant 0 : i32
      %dma_wait3A_294 = tpu.memref_slice %arg2[%arg0, %dma_wait3A_292, %dma_wait3A_293] : memref<2x10000x64xf32, #tpu.memory_space<hbm>> -> memref<1x10000x64xf32, #tpu.memory_space<hbm>>
      %dma_wait3A_295 = tpu.memref_squeeze %dma_wait3A_294 : memref<1x10000x64xf32, #tpu.memory_space<hbm>> -> memref<10000x64xf32, #tpu.memory_space<hbm>>
      %dma_wait3A_296 = arith.constant 0 : i32
      %dma_wait3A_297 = arith.constant 0 : i32
      %dma_wait3A_298 = tpu.memref_slice %dma_wait3A_295[%dma_wait3A_296, %dma_wait3A_297] : memref<10000x64xf32, #tpu.memory_space<hbm>> -> memref<10000x64xf32, #tpu.memory_space<hbm>>
      tpu.wait_indirect_dma semaphore(%arg15 : memref<!tpu.dma_semaphore, #tpu.memory_space<semaphore_mem>>) src(%dma_wait3A_298 : memref<10000x64xf32, #tpu.memory_space<hbm>>) dst(%dma_wait3A_288 : memref<125x64xf32, #tpu.memory_space<vmem>>)
      %dma_start3A_299 = arith.constant 4 : i32
      %dma_start3A_300 = arith.constant 0 : i32
      %dma_start3A_301 = arith.constant 0 : i32
      %dma_start3A_302 = tpu.memref_slice %arg9[%dma_start3A_299, %dma_start3A_300, %dma_start3A_301] : memref<5x125x64xf32, #tpu.memory_space<vmem>> -> memref<1x125x64xf32, #tpu.memory_space<vmem>>
      %dma_start3A_303 = tpu.memref_squeeze %dma_start3A_302 : memref<1x125x64xf32, #tpu.memory_space<vmem>> -> memref<125x64xf32, #tpu.memory_space<vmem>>
      %dma_start3A_304 = arith.constant 0 : i32
      %dma_start3A_305 = tpu.memref_slice %arg8[%add3A_283, %dma_start3A_304] : memref<160x125xi32, #tpu.memory_space<vmem>> -> memref<1x125xi32, #tpu.memory_space<vmem>>
      %dma_start3A_306 = tpu.memref_squeeze %dma_start3A_305 : memref<1x125xi32, #tpu.memory_space<vmem>> -> memref<125xi32, #tpu.memory_space<vmem>>
      %dma_start3A_307 = arith.constant 0 : i32
      %dma_start3A_308 = arith.constant 0 : i32
      %dma_start3A_309 = tpu.memref_slice %arg10[%dma_start3A_307, %dma_start3A_308] : memref<10240x64xf32, #tpu.memory_space<vmem_shared>> -> memref<10240x64xf32, #tpu.memory_space<vmem_shared>>
      tpu.enqueue_indirect_dma source(%dma_start3A_303 : memref<125x64xf32, #tpu.memory_space<vmem>>) target(%dma_start3A_309 : memref<10240x64xf32, #tpu.memory_space<vmem_shared>>) offsets(%dma_start3A_306 : memref<125xi32, #tpu.memory_space<vmem>>) semaphore(%arg20 : memref<!tpu.dma_semaphore, #tpu.memory_space<semaphore_mem>>) {add = true}
      %add3A_310 = arith.constant 4 : i32
      %add3A_311 = arith.addi %add3A_283, %add3A_310 : i32
      %lt3A_312 = arith.constant 160 : i32
      %lt3A_313 = arith.cmpi slt, %add3A_311, %lt3A_312 : i32
      %convert_element_type3A_314 = arith.extui %lt3A_313 : i1 to i32
      %cond3A_315 = arith.constant 0 : i32
      %cond3A_316 = arith.cmpi ne, %convert_element_type3A_314, %cond3A_315 : i32
      scf.if %cond3A_316 {
        %ge3A = arith.constant 5 : i32
        %ge3A_318 = arith.cmpi sge, %add3A_311, %ge3A : i32
        %convert_element_type3A_319 = arith.extui %ge3A_318 : i1 to i32
        %cond3A_320 = arith.constant 0 : i32
        %cond3A_321 = arith.cmpi ne, %convert_element_type3A_319, %cond3A_320 : i32
        scf.if %cond3A_321 {
          %sub3A = arith.constant 5 : i32
          %sub3A_337 = arith.subi %add3A_311, %sub3A : i32
          %dma_wait3A_338 = arith.constant 3 : i32
          %dma_wait3A_339 = arith.constant 0 : i32
          %dma_wait3A_340 = arith.constant 0 : i32
          %dma_wait3A_341 = tpu.memref_slice %arg9[%dma_wait3A_338, %dma_wait3A_339, %dma_wait3A_340] : memref<5x125x64xf32, #tpu.memory_space<vmem>> -> memref<1x125x64xf32, #tpu.memory_space<vmem>>
          %dma_wait3A_342 = tpu.memref_squeeze %dma_wait3A_341 : memref<1x125x64xf32, #tpu.memory_space<vmem>> -> memref<125x64xf32, #tpu.memory_space<vmem>>
          %dma_wait3A_343 = arith.constant 0 : i32
          %dma_wait3A_344 = tpu.memref_slice %arg8[%sub3A_337, %dma_wait3A_343] : memref<160x125xi32, #tpu.memory_space<vmem>> -> memref<1x125xi32, #tpu.memory_space<vmem>>
          %dma_wait3A_345 = tpu.memref_squeeze %dma_wait3A_344 : memref<1x125xi32, #tpu.memory_space<vmem>> -> memref<125xi32, #tpu.memory_space<vmem>>
          %dma_wait3A_346 = arith.constant 0 : i32
          %dma_wait3A_347 = arith.constant 0 : i32
          %dma_wait3A_348 = tpu.memref_slice %arg10[%dma_wait3A_346, %dma_wait3A_347] : memref<10240x64xf32, #tpu.memory_space<vmem_shared>> -> memref<10240x64xf32, #tpu.memory_space<vmem_shared>>
          tpu.wait_indirect_dma semaphore(%arg19 : memref<!tpu.dma_semaphore, #tpu.memory_space<semaphore_mem>>) src(%dma_wait3A_342 : memref<125x64xf32, #tpu.memory_space<vmem>>) dst(%dma_wait3A_348 : memref<10240x64xf32, #tpu.memory_space<vmem_shared>>)
        } else {
        }
        %dma_start3A_322 = arith.constant 3 : i32
        %dma_start3A_323 = arith.constant 0 : i32
        %dma_start3A_324 = arith.constant 0 : i32
        %dma_start3A_325 = tpu.memref_slice %arg9[%dma_start3A_322, %dma_start3A_323, %dma_start3A_324] : memref<5x125x64xf32, #tpu.memory_space<vmem>> -> memref<1x125x64xf32, #tpu.memory_space<vmem>>
        %dma_start3A_326 = tpu.memref_squeeze %dma_start3A_325 : memref<1x125x64xf32, #tpu.memory_space<vmem>> -> memref<125x64xf32, #tpu.memory_space<vmem>>
        %dma_start3A_327 = arith.constant 0 : i32
        %dma_start3A_328 = tpu.memref_slice %arg7[%add3A_311, %dma_start3A_327] : memref<160x125xi32, #tpu.memory_space<vmem>> -> memref<1x125xi32, #tpu.memory_space<vmem>>
        %dma_start3A_329 = tpu.memref_squeeze %dma_start3A_328 : memref<1x125xi32, #tpu.memory_space<vmem>> -> memref<125xi32, #tpu.memory_space<vmem>>
        %dma_start3A_330 = arith.constant 0 : i32
        %dma_start3A_331 = arith.constant 0 : i32
        %dma_start3A_332 = tpu.memref_slice %arg2[%arg0, %dma_start3A_330, %dma_start3A_331] : memref<2x10000x64xf32, #tpu.memory_space<hbm>> -> memref<1x10000x64xf32, #tpu.memory_space<hbm>>
        %dma_start3A_333 = tpu.memref_squeeze %dma_start3A_332 : memref<1x10000x64xf32, #tpu.memory_space<hbm>> -> memref<10000x64xf32, #tpu.memory_space<hbm>>
        %dma_start3A_334 = arith.constant 0 : i32
        %dma_start3A_335 = arith.constant 0 : i32
        %dma_start3A_336 = tpu.memref_slice %dma_start3A_333[%dma_start3A_334, %dma_start3A_335] : memref<10000x64xf32, #tpu.memory_space<hbm>> -> memref<10000x64xf32, #tpu.memory_space<hbm>>
        tpu.enqueue_indirect_dma source(%dma_start3A_336 : memref<10000x64xf32, #tpu.memory_space<hbm>>) target(%dma_start3A_326 : memref<125x64xf32, #tpu.memory_space<vmem>>) offsets(%dma_start3A_329 : memref<125xi32, #tpu.memory_space<vmem>>) semaphore(%arg14 : memref<!tpu.dma_semaphore, #tpu.memory_space<semaphore_mem>>)
      } else {
      }
      %scan3A_317 = arith.constant 0 : i32
      scf.yield %scan3A_317 : i32
    }
    %scan3A_69 = arith.constant 32 : i32
    %dma_wait3A = arith.constant 0 : i32
    %dma_wait3A_70 = arith.constant 155 : i32
    %dma_wait3A_71 = arith.constant 0 : i32
    %dma_wait3A_72 = arith.constant 0 : i32
    %dma_wait3A_73 = tpu.memref_slice %arg9[%dma_wait3A, %dma_wait3A_71, %dma_wait3A_72] : memref<5x125x64xf32, #tpu.memory_space<vmem>> -> memref<1x125x64xf32, #tpu.memory_space<vmem>>
    %dma_wait3A_74 = tpu.memref_squeeze %dma_wait3A_73 : memref<1x125x64xf32, #tpu.memory_space<vmem>> -> memref<125x64xf32, #tpu.memory_space<vmem>>
    %dma_wait3A_75 = arith.constant 0 : i32
    %dma_wait3A_76 = tpu.memref_slice %arg8[%dma_wait3A_70, %dma_wait3A_75] : memref<160x125xi32, #tpu.memory_space<vmem>> -> memref<1x125xi32, #tpu.memory_space<vmem>>
    %dma_wait3A_77 = tpu.memref_squeeze %dma_wait3A_76 : memref<1x125xi32, #tpu.memory_space<vmem>> -> memref<125xi32, #tpu.memory_space<vmem>>
    %dma_wait3A_78 = arith.constant 0 : i32
    %dma_wait3A_79 = arith.constant 0 : i32
    %dma_wait3A_80 = tpu.memref_slice %arg10[%dma_wait3A_78, %dma_wait3A_79] : memref<10240x64xf32, #tpu.memory_space<vmem_shared>> -> memref<10240x64xf32, #tpu.memory_space<vmem_shared>>
    tpu.wait_indirect_dma semaphore(%arg16 : memref<!tpu.dma_semaphore, #tpu.memory_space<semaphore_mem>>) src(%dma_wait3A_74 : memref<125x64xf32, #tpu.memory_space<vmem>>) dst(%dma_wait3A_80 : memref<10240x64xf32, #tpu.memory_space<vmem_shared>>)
    %dma_wait3A_81 = arith.constant 1 : i32
    %dma_wait3A_82 = arith.constant 156 : i32
    %dma_wait3A_83 = arith.constant 0 : i32
    %dma_wait3A_84 = arith.constant 0 : i32
    %dma_wait3A_85 = tpu.memref_slice %arg9[%dma_wait3A_81, %dma_wait3A_83, %dma_wait3A_84] : memref<5x125x64xf32, #tpu.memory_space<vmem>> -> memref<1x125x64xf32, #tpu.memory_space<vmem>>
    %dma_wait3A_86 = tpu.memref_squeeze %dma_wait3A_85 : memref<1x125x64xf32, #tpu.memory_space<vmem>> -> memref<125x64xf32, #tpu.memory_space<vmem>>
    %dma_wait3A_87 = arith.constant 0 : i32
    %dma_wait3A_88 = tpu.memref_slice %arg8[%dma_wait3A_82, %dma_wait3A_87] : memref<160x125xi32, #tpu.memory_space<vmem>> -> memref<1x125xi32, #tpu.memory_space<vmem>>
    %dma_wait3A_89 = tpu.memref_squeeze %dma_wait3A_88 : memref<1x125xi32, #tpu.memory_space<vmem>> -> memref<125xi32, #tpu.memory_space<vmem>>
    %dma_wait3A_90 = arith.constant 0 : i32
    %dma_wait3A_91 = arith.constant 0 : i32
    %dma_wait3A_92 = tpu.memref_slice %arg10[%dma_wait3A_90, %dma_wait3A_91] : memref<10240x64xf32, #tpu.memory_space<vmem_shared>> -> memref<10240x64xf32, #tpu.memory_space<vmem_shared>>
    tpu.wait_indirect_dma semaphore(%arg17 : memref<!tpu.dma_semaphore, #tpu.memory_space<semaphore_mem>>) src(%dma_wait3A_86 : memref<125x64xf32, #tpu.memory_space<vmem>>) dst(%dma_wait3A_92 : memref<10240x64xf32, #tpu.memory_space<vmem_shared>>)
    %dma_wait3A_93 = arith.constant 2 : i32
    %dma_wait3A_94 = arith.constant 157 : i32
    %dma_wait3A_95 = arith.constant 0 : i32
    %dma_wait3A_96 = arith.constant 0 : i32
    %dma_wait3A_97 = tpu.memref_slice %arg9[%dma_wait3A_93, %dma_wait3A_95, %dma_wait3A_96] : memref<5x125x64xf32, #tpu.memory_space<vmem>> -> memref<1x125x64xf32, #tpu.memory_space<vmem>>
    %dma_wait3A_98 = tpu.memref_squeeze %dma_wait3A_97 : memref<1x125x64xf32, #tpu.memory_space<vmem>> -> memref<125x64xf32, #tpu.memory_space<vmem>>
    %dma_wait3A_99 = arith.constant 0 : i32
    %dma_wait3A_100 = tpu.memref_slice %arg8[%dma_wait3A_94, %dma_wait3A_99] : memref<160x125xi32, #tpu.memory_space<vmem>> -> memref<1x125xi32, #tpu.memory_space<vmem>>
    %dma_wait3A_101 = tpu.memref_squeeze %dma_wait3A_100 : memref<1x125xi32, #tpu.memory_space<vmem>> -> memref<125xi32, #tpu.memory_space<vmem>>
    %dma_wait3A_102 = arith.constant 0 : i32
    %dma_wait3A_103 = arith.constant 0 : i32
    %dma_wait3A_104 = tpu.memref_slice %arg10[%dma_wait3A_102, %dma_wait3A_103] : memref<10240x64xf32, #tpu.memory_space<vmem_shared>> -> memref<10240x64xf32, #tpu.memory_space<vmem_shared>>
    tpu.wait_indirect_dma semaphore(%arg18 : memref<!tpu.dma_semaphore, #tpu.memory_space<semaphore_mem>>) src(%dma_wait3A_98 : memref<125x64xf32, #tpu.memory_space<vmem>>) dst(%dma_wait3A_104 : memref<10240x64xf32, #tpu.memory_space<vmem_shared>>)
    %dma_wait3A_105 = arith.constant 3 : i32
    %dma_wait3A_106 = arith.constant 158 : i32
    %dma_wait3A_107 = arith.constant 0 : i32
    %dma_wait3A_108 = arith.constant 0 : i32
    %dma_wait3A_109 = tpu.memref_slice %arg9[%dma_wait3A_105, %dma_wait3A_107, %dma_wait3A_108] : memref<5x125x64xf32, #tpu.memory_space<vmem>> -> memref<1x125x64xf32, #tpu.memory_space<vmem>>
    %dma_wait3A_110 = tpu.memref_squeeze %dma_wait3A_109 : memref<1x125x64xf32, #tpu.memory_space<vmem>> -> memref<125x64xf32, #tpu.memory_space<vmem>>
    %dma_wait3A_111 = arith.constant 0 : i32
    %dma_wait3A_112 = tpu.memref_slice %arg8[%dma_wait3A_106, %dma_wait3A_111] : memref<160x125xi32, #tpu.memory_space<vmem>> -> memref<1x125xi32, #tpu.memory_space<vmem>>
    %dma_wait3A_113 = tpu.memref_squeeze %dma_wait3A_112 : memref<1x125xi32, #tpu.memory_space<vmem>> -> memref<125xi32, #tpu.memory_space<vmem>>
    %dma_wait3A_114 = arith.constant 0 : i32
    %dma_wait3A_115 = arith.constant 0 : i32
    %dma_wait3A_116 = tpu.memref_slice %arg10[%dma_wait3A_114, %dma_wait3A_115] : memref<10240x64xf32, #tpu.memory_space<vmem_shared>> -> memref<10240x64xf32, #tpu.memory_space<vmem_shared>>
    tpu.wait_indirect_dma semaphore(%arg19 : memref<!tpu.dma_semaphore, #tpu.memory_space<semaphore_mem>>) src(%dma_wait3A_110 : memref<125x64xf32, #tpu.memory_space<vmem>>) dst(%dma_wait3A_116 : memref<10240x64xf32, #tpu.memory_space<vmem_shared>>)
    %dma_wait3A_117 = arith.constant 4 : i32
    %dma_wait3A_118 = arith.constant 159 : i32
    %dma_wait3A_119 = arith.constant 0 : i32
    %dma_wait3A_120 = arith.constant 0 : i32
    %dma_wait3A_121 = tpu.memref_slice %arg9[%dma_wait3A_117, %dma_wait3A_119, %dma_wait3A_120] : memref<5x125x64xf32, #tpu.memory_space<vmem>> -> memref<1x125x64xf32, #tpu.memory_space<vmem>>
    %dma_wait3A_122 = tpu.memref_squeeze %dma_wait3A_121 : memref<1x125x64xf32, #tpu.memory_space<vmem>> -> memref<125x64xf32, #tpu.memory_space<vmem>>
    %dma_wait3A_123 = arith.constant 0 : i32
    %dma_wait3A_124 = tpu.memref_slice %arg8[%dma_wait3A_118, %dma_wait3A_123] : memref<160x125xi32, #tpu.memory_space<vmem>> -> memref<1x125xi32, #tpu.memory_space<vmem>>
    %dma_wait3A_125 = tpu.memref_squeeze %dma_wait3A_124 : memref<1x125xi32, #tpu.memory_space<vmem>> -> memref<125xi32, #tpu.memory_space<vmem>>
    %dma_wait3A_126 = arith.constant 0 : i32
    %dma_wait3A_127 = arith.constant 0 : i32
    %dma_wait3A_128 = tpu.memref_slice %arg10[%dma_wait3A_126, %dma_wait3A_127] : memref<10240x64xf32, #tpu.memory_space<vmem_shared>> -> memref<10240x64xf32, #tpu.memory_space<vmem_shared>>
    tpu.wait_indirect_dma semaphore(%arg20 : memref<!tpu.dma_semaphore, #tpu.memory_space<semaphore_mem>>) src(%dma_wait3A_122 : memref<125x64xf32, #tpu.memory_space<vmem>>) dst(%dma_wait3A_128 : memref<10240x64xf32, #tpu.memory_space<vmem_shared>>)
    %barrier3A_129 = arith.constant 0 : index
    tpu.barrier barrier_id(%barrier3A_129)
    %mul3A_130 = arith.constant 640 : i32
    %mul3A_131 = arith.muli %arg1, %mul3A_130 : i32
    %mul3A_132 = arith.constant 640 : i32
    %mul3A_133 = arith.muli %arg1, %mul3A_132 : i32
    "tpu.region"() ({
      %run_scoped3A = tpu.sem_alloc : memref<!tpu.dma_semaphore, #tpu.memory_space<semaphore_mem>>
      %dma_start3A_134 = arith.constant 0 : i32
      %dma_start3A_135 = tpu.memref_slice %arg6[%arg0, %mul3A_133, %dma_start3A_134] : memref<2x10240x64xf32, #tpu.memory_space<hbm>> -> memref<1x640x64xf32, #tpu.memory_space<hbm>>
      %dma_start3A_136 = tpu.memref_squeeze %dma_start3A_135 : memref<1x640x64xf32, #tpu.memory_space<hbm>> -> memref<640x64xf32, #tpu.memory_space<hbm>>
      %dma_start3A_137 = arith.constant 0 : i32
      %dma_start3A_138 = tpu.memref_slice %arg10[%mul3A_131, %dma_start3A_137] : memref<10240x64xf32, #tpu.memory_space<vmem_shared>> -> memref<640x64xf32, #tpu.memory_space<vmem_shared>>
      tpu.enqueue_dma source(%dma_start3A_138 : memref<640x64xf32, #tpu.memory_space<vmem_shared>>) target(%dma_start3A_136 : memref<640x64xf32, #tpu.memory_space<hbm>>) target_semaphore(%run_scoped3A : memref<!tpu.dma_semaphore, #tpu.memory_space<semaphore_mem>>)
      %dma_wait3A_139 = arith.constant 0 : i32
      %dma_wait3A_140 = tpu.memref_slice %arg6[%arg0, %mul3A_133, %dma_wait3A_139] : memref<2x10240x64xf32, #tpu.memory_space<hbm>> -> memref<1x640x64xf32, #tpu.memory_space<hbm>>
      %dma_wait3A_141 = tpu.memref_squeeze %dma_wait3A_140 : memref<1x640x64xf32, #tpu.memory_space<hbm>> -> memref<640x64xf32, #tpu.memory_space<hbm>>
      %dma_wait3A_142 = arith.constant 0 : i32
      %dma_wait3A_143 = tpu.memref_slice %arg10[%mul3A_131, %dma_wait3A_142] : memref<10240x64xf32, #tpu.memory_space<vmem_shared>> -> memref<640x64xf32, #tpu.memory_space<vmem_shared>>
      tpu.wait_dma2 semaphore(%run_scoped3A : memref<!tpu.dma_semaphore, #tpu.memory_space<semaphore_mem>>) src(%dma_wait3A_143 : memref<640x64xf32, #tpu.memory_space<vmem_shared>>) dst(%dma_wait3A_141 : memref<640x64xf32, #tpu.memory_space<hbm>>)
      tpu.yield
    }) : () -> ()
    return
  }
}

#map = affine_map<(d0, d1) -> (0, 0, 0)>
#map1 = affine_map<(d0, d1) -> (0, 0)>
module attributes {stable_mosaic.version = 14 : i64} {
  func.func @agg(%arg0: i32, %arg1: i32, %arg2: memref<2x10000x32xf32, #tpu.memory_space<hbm>>, %arg3: memref<16x160x125xi32, #tpu.memory_space<hbm>>, %arg4: memref<16x160x125xi32, #tpu.memory_space<hbm>>, %arg5: memref<640x32xf32, #tpu.memory_space<hbm>>, %arg6: memref<2x10240x32xf32, #tpu.memory_space<hbm>>, %arg7: memref<160x125xi32, #tpu.memory_space<vmem>>, %arg8: memref<160x125xi32, #tpu.memory_space<vmem>>, %arg9: memref<5x125x32xf32, #tpu.memory_space<vmem>>, %arg10: memref<10240x32xf32, #tpu.memory_space<vmem_shared>>, %arg11: memref<!tpu.dma_semaphore, #tpu.memory_space<semaphore_mem>>, %arg12: memref<!tpu.dma_semaphore, #tpu.memory_space<semaphore_mem>>, %arg13: memref<!tpu.dma_semaphore, #tpu.memory_space<semaphore_mem>>, %arg14: memref<!tpu.dma_semaphore, #tpu.memory_space<semaphore_mem>>, %arg15: memref<!tpu.dma_semaphore, #tpu.memory_space<semaphore_mem>>, %arg16: memref<!tpu.dma_semaphore, #tpu.memory_space<semaphore_mem>>, %arg17: memref<!tpu.dma_semaphore, #tpu.memory_space<semaphore_mem>>, %arg18: memref<!tpu.dma_semaphore, #tpu.memory_space<semaphore_mem>>, %arg19: memref<!tpu.dma_semaphore, #tpu.memory_space<semaphore_mem>>, %arg20: memref<!tpu.dma_semaphore, #tpu.memory_space<semaphore_mem>>) attributes {dimension_semantics = [#tpu.dimension_semantics<core_parallel>, #tpu.dimension_semantics<subcore_parallel>], iteration_bounds = array<i64: 2, 16>, scalar_prefetch = 0 : i64, scratch_operands = 14 : i64, tpu.core_type = #tpu.core_type<sc_vector_subcore>, window_params = [{transform_indices = #map}, {transform_indices = #map}, {transform_indices = #map}, {transform_indices = #map1}, {transform_indices = #map}]} {
    %mul3A = arith.constant 640 : i32
    %mul3A_0 = arith.muli %arg1, %mul3A : i32
    "tpu.region"() ({
      %run_scoped3A = tpu.sem_alloc : memref<!tpu.dma_semaphore, #tpu.memory_space<semaphore_mem>>
      %dma_start3A_134 = arith.constant 0 : i32
      %dma_start3A_135 = tpu.memref_slice %arg10[%mul3A_0, %dma_start3A_134] : memref<10240x32xf32, #tpu.memory_space<vmem_shared>> -> memref<640x32xf32, #tpu.memory_space<vmem_shared>>
      tpu.enqueue_dma source(%arg5 : memref<640x32xf32, #tpu.memory_space<hbm>>) target(%dma_start3A_135 : memref<640x32xf32, #tpu.memory_space<vmem_shared>>) target_semaphore(%run_scoped3A : memref<!tpu.dma_semaphore, #tpu.memory_space<semaphore_mem>>)
      %dma_wait3A_136 = arith.constant 0 : i32
      %dma_wait3A_137 = tpu.memref_slice %arg10[%mul3A_0, %dma_wait3A_136] : memref<10240x32xf32, #tpu.memory_space<vmem_shared>> -> memref<640x32xf32, #tpu.memory_space<vmem_shared>>
      tpu.wait_dma2 semaphore(%run_scoped3A : memref<!tpu.dma_semaphore, #tpu.memory_space<semaphore_mem>>) src(%arg5 : memref<640x32xf32, #tpu.memory_space<hbm>>) dst(%dma_wait3A_137 : memref<640x32xf32, #tpu.memory_space<vmem_shared>>)
      tpu.yield
    }) : () -> ()
    "tpu.region"() ({
      %run_scoped3A = tpu.sem_alloc : memref<!tpu.dma_semaphore, #tpu.memory_space<semaphore_mem>>
      %dma_start3A_134 = arith.constant 0 : i32
      %dma_start3A_135 = arith.constant 0 : i32
      %dma_start3A_136 = tpu.memref_slice %arg3[%arg1, %dma_start3A_134, %dma_start3A_135] : memref<16x160x125xi32, #tpu.memory_space<hbm>> -> memref<1x160x125xi32, #tpu.memory_space<hbm>>
      %dma_start3A_137 = tpu.memref_squeeze %dma_start3A_136 : memref<1x160x125xi32, #tpu.memory_space<hbm>> -> memref<160x125xi32, #tpu.memory_space<hbm>>
      %dma_start3A_138 = arith.constant 0 : i32
      %dma_start3A_139 = arith.constant 0 : i32
      %dma_start3A_140 = tpu.memref_slice %arg3[%arg1, %dma_start3A_138, %dma_start3A_139] : memref<16x160x125xi32, #tpu.memory_space<hbm>> -> memref<1x160x125xi32, #tpu.memory_space<hbm>>
      %dma_start3A_141 = tpu.memref_squeeze %dma_start3A_140 : memref<1x160x125xi32, #tpu.memory_space<hbm>> -> memref<160x125xi32, #tpu.memory_space<hbm>>
      tpu.enqueue_dma source(%dma_start3A_141 : memref<160x125xi32, #tpu.memory_space<hbm>>) target(%arg7 : memref<160x125xi32, #tpu.memory_space<vmem>>) target_semaphore(%run_scoped3A : memref<!tpu.dma_semaphore, #tpu.memory_space<semaphore_mem>>)
      %dma_wait3A_142 = arith.constant 0 : i32
      %dma_wait3A_143 = arith.constant 0 : i32
      %dma_wait3A_144 = tpu.memref_slice %arg3[%arg1, %dma_wait3A_142, %dma_wait3A_143] : memref<16x160x125xi32, #tpu.memory_space<hbm>> -> memref<1x160x125xi32, #tpu.memory_space<hbm>>
      %dma_wait3A_145 = tpu.memref_squeeze %dma_wait3A_144 : memref<1x160x125xi32, #tpu.memory_space<hbm>> -> memref<160x125xi32, #tpu.memory_space<hbm>>
      %dma_wait3A_146 = arith.constant 0 : i32
      %dma_wait3A_147 = arith.constant 0 : i32
      %dma_wait3A_148 = tpu.memref_slice %arg3[%arg1, %dma_wait3A_146, %dma_wait3A_147] : memref<16x160x125xi32, #tpu.memory_space<hbm>> -> memref<1x160x125xi32, #tpu.memory_space<hbm>>
      %dma_wait3A_149 = tpu.memref_squeeze %dma_wait3A_148 : memref<1x160x125xi32, #tpu.memory_space<hbm>> -> memref<160x125xi32, #tpu.memory_space<hbm>>
      tpu.wait_dma2 semaphore(%run_scoped3A : memref<!tpu.dma_semaphore, #tpu.memory_space<semaphore_mem>>) src(%dma_wait3A_149 : memref<160x125xi32, #tpu.memory_space<hbm>>) dst(%arg7 : memref<160x125xi32, #tpu.memory_space<vmem>>)
      tpu.yield
    }) : () -> ()
    "tpu.region"() ({
      %run_scoped3A = tpu.sem_alloc : memref<!tpu.dma_semaphore, #tpu.memory_space<semaphore_mem>>
      %dma_start3A_134 = arith.constant 0 : i32
      %dma_start3A_135 = arith.constant 0 : i32
      %dma_start3A_136 = tpu.memref_slice %arg4[%arg1, %dma_start3A_134, %dma_start3A_135] : memref<16x160x125xi32, #tpu.memory_space<hbm>> -> memref<1x160x125xi32, #tpu.memory_space<hbm>>
      %dma_start3A_137 = tpu.memref_squeeze %dma_start3A_136 : memref<1x160x125xi32, #tpu.memory_space<hbm>> -> memref<160x125xi32, #tpu.memory_space<hbm>>
      %dma_start3A_138 = arith.constant 0 : i32
      %dma_start3A_139 = arith.constant 0 : i32
      %dma_start3A_140 = tpu.memref_slice %arg4[%arg1, %dma_start3A_138, %dma_start3A_139] : memref<16x160x125xi32, #tpu.memory_space<hbm>> -> memref<1x160x125xi32, #tpu.memory_space<hbm>>
      %dma_start3A_141 = tpu.memref_squeeze %dma_start3A_140 : memref<1x160x125xi32, #tpu.memory_space<hbm>> -> memref<160x125xi32, #tpu.memory_space<hbm>>
      tpu.enqueue_dma source(%dma_start3A_141 : memref<160x125xi32, #tpu.memory_space<hbm>>) target(%arg8 : memref<160x125xi32, #tpu.memory_space<vmem>>) target_semaphore(%run_scoped3A : memref<!tpu.dma_semaphore, #tpu.memory_space<semaphore_mem>>)
      %dma_wait3A_142 = arith.constant 0 : i32
      %dma_wait3A_143 = arith.constant 0 : i32
      %dma_wait3A_144 = tpu.memref_slice %arg4[%arg1, %dma_wait3A_142, %dma_wait3A_143] : memref<16x160x125xi32, #tpu.memory_space<hbm>> -> memref<1x160x125xi32, #tpu.memory_space<hbm>>
      %dma_wait3A_145 = tpu.memref_squeeze %dma_wait3A_144 : memref<1x160x125xi32, #tpu.memory_space<hbm>> -> memref<160x125xi32, #tpu.memory_space<hbm>>
      %dma_wait3A_146 = arith.constant 0 : i32
      %dma_wait3A_147 = arith.constant 0 : i32
      %dma_wait3A_148 = tpu.memref_slice %arg4[%arg1, %dma_wait3A_146, %dma_wait3A_147] : memref<16x160x125xi32, #tpu.memory_space<hbm>> -> memref<1x160x125xi32, #tpu.memory_space<hbm>>
      %dma_wait3A_149 = tpu.memref_squeeze %dma_wait3A_148 : memref<1x160x125xi32, #tpu.memory_space<hbm>> -> memref<160x125xi32, #tpu.memory_space<hbm>>
      tpu.wait_dma2 semaphore(%run_scoped3A : memref<!tpu.dma_semaphore, #tpu.memory_space<semaphore_mem>>) src(%dma_wait3A_149 : memref<160x125xi32, #tpu.memory_space<hbm>>) dst(%arg8 : memref<160x125xi32, #tpu.memory_space<vmem>>)
      tpu.yield
    }) : () -> ()
    %barrier3A = arith.constant 0 : index
    tpu.barrier barrier_id(%barrier3A)
    %dma_start3A = arith.constant 0 : i32
    %dma_start3A_1 = arith.constant 0 : i32
    %dma_start3A_2 = arith.constant 0 : i32
    %dma_start3A_3 = arith.constant 0 : i32
    %dma_start3A_4 = tpu.memref_slice %arg9[%dma_start3A_1, %dma_start3A_2, %dma_start3A_3] : memref<5x125x32xf32, #tpu.memory_space<vmem>> -> memref<1x125x32xf32, #tpu.memory_space<vmem>>
    %dma_start3A_5 = tpu.memref_squeeze %dma_start3A_4 : memref<1x125x32xf32, #tpu.memory_space<vmem>> -> memref<125x32xf32, #tpu.memory_space<vmem>>
    %dma_start3A_6 = arith.constant 0 : i32
    %dma_start3A_7 = tpu.memref_slice %arg7[%dma_start3A, %dma_start3A_6] : memref<160x125xi32, #tpu.memory_space<vmem>> -> memref<1x125xi32, #tpu.memory_space<vmem>>
    %dma_start3A_8 = tpu.memref_squeeze %dma_start3A_7 : memref<1x125xi32, #tpu.memory_space<vmem>> -> memref<125xi32, #tpu.memory_space<vmem>>
    %dma_start3A_9 = arith.constant 0 : i32
    %dma_start3A_10 = arith.constant 0 : i32
    %dma_start3A_11 = tpu.memref_slice %arg2[%arg0, %dma_start3A_9, %dma_start3A_10] : memref<2x10000x32xf32, #tpu.memory_space<hbm>> -> memref<1x10000x32xf32, #tpu.memory_space<hbm>>
    %dma_start3A_12 = tpu.memref_squeeze %dma_start3A_11 : memref<1x10000x32xf32, #tpu.memory_space<hbm>> -> memref<10000x32xf32, #tpu.memory_space<hbm>>
    %dma_start3A_13 = arith.constant 0 : i32
    %dma_start3A_14 = arith.constant 0 : i32
    %dma_start3A_15 = tpu.memref_slice %dma_start3A_12[%dma_start3A_13, %dma_start3A_14] : memref<10000x32xf32, #tpu.memory_space<hbm>> -> memref<10000x32xf32, #tpu.memory_space<hbm>>
    tpu.enqueue_indirect_dma source(%dma_start3A_15 : memref<10000x32xf32, #tpu.memory_space<hbm>>) target(%dma_start3A_5 : memref<125x32xf32, #tpu.memory_space<vmem>>) offsets(%dma_start3A_8 : memref<125xi32, #tpu.memory_space<vmem>>) semaphore(%arg11 : memref<!tpu.dma_semaphore, #tpu.memory_space<semaphore_mem>>)
    %dma_start3A_16 = arith.constant 1 : i32
    %dma_start3A_17 = arith.constant 1 : i32
    %dma_start3A_18 = arith.constant 0 : i32
    %dma_start3A_19 = arith.constant 0 : i32
    %dma_start3A_20 = tpu.memref_slice %arg9[%dma_start3A_17, %dma_start3A_18, %dma_start3A_19] : memref<5x125x32xf32, #tpu.memory_space<vmem>> -> memref<1x125x32xf32, #tpu.memory_space<vmem>>
    %dma_start3A_21 = tpu.memref_squeeze %dma_start3A_20 : memref<1x125x32xf32, #tpu.memory_space<vmem>> -> memref<125x32xf32, #tpu.memory_space<vmem>>
    %dma_start3A_22 = arith.constant 0 : i32
    %dma_start3A_23 = tpu.memref_slice %arg7[%dma_start3A_16, %dma_start3A_22] : memref<160x125xi32, #tpu.memory_space<vmem>> -> memref<1x125xi32, #tpu.memory_space<vmem>>
    %dma_start3A_24 = tpu.memref_squeeze %dma_start3A_23 : memref<1x125xi32, #tpu.memory_space<vmem>> -> memref<125xi32, #tpu.memory_space<vmem>>
    %dma_start3A_25 = arith.constant 0 : i32
    %dma_start3A_26 = arith.constant 0 : i32
    %dma_start3A_27 = tpu.memref_slice %arg2[%arg0, %dma_start3A_25, %dma_start3A_26] : memref<2x10000x32xf32, #tpu.memory_space<hbm>> -> memref<1x10000x32xf32, #tpu.memory_space<hbm>>
    %dma_start3A_28 = tpu.memref_squeeze %dma_start3A_27 : memref<1x10000x32xf32, #tpu.memory_space<hbm>> -> memref<10000x32xf32, #tpu.memory_space<hbm>>
    %dma_start3A_29 = arith.constant 0 : i32
    %dma_start3A_30 = arith.constant 0 : i32
    %dma_start3A_31 = tpu.memref_slice %dma_start3A_28[%dma_start3A_29, %dma_start3A_30] : memref<10000x32xf32, #tpu.memory_space<hbm>> -> memref<10000x32xf32, #tpu.memory_space<hbm>>
    tpu.enqueue_indirect_dma source(%dma_start3A_31 : memref<10000x32xf32, #tpu.memory_space<hbm>>) target(%dma_start3A_21 : memref<125x32xf32, #tpu.memory_space<vmem>>) offsets(%dma_start3A_24 : memref<125xi32, #tpu.memory_space<vmem>>) semaphore(%arg12 : memref<!tpu.dma_semaphore, #tpu.memory_space<semaphore_mem>>)
    %dma_start3A_32 = arith.constant 2 : i32
    %dma_start3A_33 = arith.constant 2 : i32
    %dma_start3A_34 = arith.constant 0 : i32
    %dma_start3A_35 = arith.constant 0 : i32
    %dma_start3A_36 = tpu.memref_slice %arg9[%dma_start3A_33, %dma_start3A_34, %dma_start3A_35] : memref<5x125x32xf32, #tpu.memory_space<vmem>> -> memref<1x125x32xf32, #tpu.memory_space<vmem>>
    %dma_start3A_37 = tpu.memref_squeeze %dma_start3A_36 : memref<1x125x32xf32, #tpu.memory_space<vmem>> -> memref<125x32xf32, #tpu.memory_space<vmem>>
    %dma_start3A_38 = arith.constant 0 : i32
    %dma_start3A_39 = tpu.memref_slice %arg7[%dma_start3A_32, %dma_start3A_38] : memref<160x125xi32, #tpu.memory_space<vmem>> -> memref<1x125xi32, #tpu.memory_space<vmem>>
    %dma_start3A_40 = tpu.memref_squeeze %dma_start3A_39 : memref<1x125xi32, #tpu.memory_space<vmem>> -> memref<125xi32, #tpu.memory_space<vmem>>
    %dma_start3A_41 = arith.constant 0 : i32
    %dma_start3A_42 = arith.constant 0 : i32
    %dma_start3A_43 = tpu.memref_slice %arg2[%arg0, %dma_start3A_41, %dma_start3A_42] : memref<2x10000x32xf32, #tpu.memory_space<hbm>> -> memref<1x10000x32xf32, #tpu.memory_space<hbm>>
    %dma_start3A_44 = tpu.memref_squeeze %dma_start3A_43 : memref<1x10000x32xf32, #tpu.memory_space<hbm>> -> memref<10000x32xf32, #tpu.memory_space<hbm>>
    %dma_start3A_45 = arith.constant 0 : i32
    %dma_start3A_46 = arith.constant 0 : i32
    %dma_start3A_47 = tpu.memref_slice %dma_start3A_44[%dma_start3A_45, %dma_start3A_46] : memref<10000x32xf32, #tpu.memory_space<hbm>> -> memref<10000x32xf32, #tpu.memory_space<hbm>>
    tpu.enqueue_indirect_dma source(%dma_start3A_47 : memref<10000x32xf32, #tpu.memory_space<hbm>>) target(%dma_start3A_37 : memref<125x32xf32, #tpu.memory_space<vmem>>) offsets(%dma_start3A_40 : memref<125xi32, #tpu.memory_space<vmem>>) semaphore(%arg13 : memref<!tpu.dma_semaphore, #tpu.memory_space<semaphore_mem>>)
    %dma_start3A_48 = arith.constant 3 : i32
    %dma_start3A_49 = arith.constant 3 : i32
    %dma_start3A_50 = arith.constant 0 : i32
    %dma_start3A_51 = arith.constant 0 : i32
    %dma_start3A_52 = tpu.memref_slice %arg9[%dma_start3A_49, %dma_start3A_50, %dma_start3A_51] : memref<5x125x32xf32, #tpu.memory_space<vmem>> -> memref<1x125x32xf32, #tpu.memory_space<vmem>>
    %dma_start3A_53 = tpu.memref_squeeze %dma_start3A_52 : memref<1x125x32xf32, #tpu.memory_space<vmem>> -> memref<125x32xf32, #tpu.memory_space<vmem>>
    %dma_start3A_54 = arith.constant 0 : i32
    %dma_start3A_55 = tpu.memref_slice %arg7[%dma_start3A_48, %dma_start3A_54] : memref<160x125xi32, #tpu.memory_space<vmem>> -> memref<1x125xi32, #tpu.memory_space<vmem>>
    %dma_start3A_56 = tpu.memref_squeeze %dma_start3A_55 : memref<1x125xi32, #tpu.memory_space<vmem>> -> memref<125xi32, #tpu.memory_space<vmem>>
    %dma_start3A_57 = arith.constant 0 : i32
    %dma_start3A_58 = arith.constant 0 : i32
    %dma_start3A_59 = tpu.memref_slice %arg2[%arg0, %dma_start3A_57, %dma_start3A_58] : memref<2x10000x32xf32, #tpu.memory_space<hbm>> -> memref<1x10000x32xf32, #tpu.memory_space<hbm>>
    %dma_start3A_60 = tpu.memref_squeeze %dma_start3A_59 : memref<1x10000x32xf32, #tpu.memory_space<hbm>> -> memref<10000x32xf32, #tpu.memory_space<hbm>>
    %dma_start3A_61 = arith.constant 0 : i32
    %dma_start3A_62 = arith.constant 0 : i32
    %dma_start3A_63 = tpu.memref_slice %dma_start3A_60[%dma_start3A_61, %dma_start3A_62] : memref<10000x32xf32, #tpu.memory_space<hbm>> -> memref<10000x32xf32, #tpu.memory_space<hbm>>
    tpu.enqueue_indirect_dma source(%dma_start3A_63 : memref<10000x32xf32, #tpu.memory_space<hbm>>) target(%dma_start3A_53 : memref<125x32xf32, #tpu.memory_space<vmem>>) offsets(%dma_start3A_56 : memref<125xi32, #tpu.memory_space<vmem>>) semaphore(%arg14 : memref<!tpu.dma_semaphore, #tpu.memory_space<semaphore_mem>>)
    %scan3A = arith.constant 0 : i32
    %scan3A_64 = arith.constant 0 : i32
    %scan3A_65 = arith.constant 32 : i32
    %scan3A_66 = arith.addi %scan3A_64, %scan3A_65 : i32
    %scan3A_67 = arith.constant 1 : i32
    %scan3A_68 = scf.for %scan3A_134 = %scan3A_64 to %scan3A_66 step %scan3A_67 iter_args(%scan3A_135 = %scan3A) -> (i32)  : i32 {
      %mul3A_136 = arith.constant 5 : i32
      %mul3A_137 = arith.muli %scan3A_134, %mul3A_136 : i32
      %add3A = arith.constant 0 : i32
      %add3A_138 = arith.addi %mul3A_137, %add3A : i32
      %dma_wait3A_139 = arith.constant 0 : i32
      %dma_wait3A_140 = arith.constant 0 : i32
      %dma_wait3A_141 = arith.constant 0 : i32
      %dma_wait3A_142 = tpu.memref_slice %arg9[%dma_wait3A_139, %dma_wait3A_140, %dma_wait3A_141] : memref<5x125x32xf32, #tpu.memory_space<vmem>> -> memref<1x125x32xf32, #tpu.memory_space<vmem>>
      %dma_wait3A_143 = tpu.memref_squeeze %dma_wait3A_142 : memref<1x125x32xf32, #tpu.memory_space<vmem>> -> memref<125x32xf32, #tpu.memory_space<vmem>>
      %dma_wait3A_144 = arith.constant 0 : i32
      %dma_wait3A_145 = tpu.memref_slice %arg7[%add3A_138, %dma_wait3A_144] : memref<160x125xi32, #tpu.memory_space<vmem>> -> memref<1x125xi32, #tpu.memory_space<vmem>>
      %dma_wait3A_146 = tpu.memref_squeeze %dma_wait3A_145 : memref<1x125xi32, #tpu.memory_space<vmem>> -> memref<125xi32, #tpu.memory_space<vmem>>
      %dma_wait3A_147 = arith.constant 0 : i32
      %dma_wait3A_148 = arith.constant 0 : i32
      %dma_wait3A_149 = tpu.memref_slice %arg2[%arg0, %dma_wait3A_147, %dma_wait3A_148] : memref<2x10000x32xf32, #tpu.memory_space<hbm>> -> memref<1x10000x32xf32, #tpu.memory_space<hbm>>
      %dma_wait3A_150 = tpu.memref_squeeze %dma_wait3A_149 : memref<1x10000x32xf32, #tpu.memory_space<hbm>> -> memref<10000x32xf32, #tpu.memory_space<hbm>>
      %dma_wait3A_151 = arith.constant 0 : i32
      %dma_wait3A_152 = arith.constant 0 : i32
      %dma_wait3A_153 = tpu.memref_slice %dma_wait3A_150[%dma_wait3A_151, %dma_wait3A_152] : memref<10000x32xf32, #tpu.memory_space<hbm>> -> memref<10000x32xf32, #tpu.memory_space<hbm>>
      tpu.wait_indirect_dma semaphore(%arg11 : memref<!tpu.dma_semaphore, #tpu.memory_space<semaphore_mem>>) src(%dma_wait3A_153 : memref<10000x32xf32, #tpu.memory_space<hbm>>) dst(%dma_wait3A_143 : memref<125x32xf32, #tpu.memory_space<vmem>>)
      %dma_start3A_154 = arith.constant 0 : i32
      %dma_start3A_155 = arith.constant 0 : i32
      %dma_start3A_156 = arith.constant 0 : i32
      %dma_start3A_157 = tpu.memref_slice %arg9[%dma_start3A_154, %dma_start3A_155, %dma_start3A_156] : memref<5x125x32xf32, #tpu.memory_space<vmem>> -> memref<1x125x32xf32, #tpu.memory_space<vmem>>
      %dma_start3A_158 = tpu.memref_squeeze %dma_start3A_157 : memref<1x125x32xf32, #tpu.memory_space<vmem>> -> memref<125x32xf32, #tpu.memory_space<vmem>>
      %dma_start3A_159 = arith.constant 0 : i32
      %dma_start3A_160 = tpu.memref_slice %arg8[%add3A_138, %dma_start3A_159] : memref<160x125xi32, #tpu.memory_space<vmem>> -> memref<1x125xi32, #tpu.memory_space<vmem>>
      %dma_start3A_161 = tpu.memref_squeeze %dma_start3A_160 : memref<1x125xi32, #tpu.memory_space<vmem>> -> memref<125xi32, #tpu.memory_space<vmem>>
      %dma_start3A_162 = arith.constant 0 : i32
      %dma_start3A_163 = arith.constant 0 : i32
      %dma_start3A_164 = tpu.memref_slice %arg10[%dma_start3A_162, %dma_start3A_163] : memref<10240x32xf32, #tpu.memory_space<vmem_shared>> -> memref<10240x32xf32, #tpu.memory_space<vmem_shared>>
      tpu.enqueue_indirect_dma source(%dma_start3A_158 : memref<125x32xf32, #tpu.memory_space<vmem>>) target(%dma_start3A_164 : memref<10240x32xf32, #tpu.memory_space<vmem_shared>>) offsets(%dma_start3A_161 : memref<125xi32, #tpu.memory_space<vmem>>) semaphore(%arg16 : memref<!tpu.dma_semaphore, #tpu.memory_space<semaphore_mem>>) {add = true}
      %add3A_165 = arith.constant 4 : i32
      %add3A_166 = arith.addi %add3A_138, %add3A_165 : i32
      %lt3A = arith.constant 160 : i32
      %lt3A_167 = arith.cmpi slt, %add3A_166, %lt3A : i32
      %convert_element_type3A = arith.extui %lt3A_167 : i1 to i32
      %cond3A = arith.constant 0 : i32
      %cond3A_168 = arith.cmpi ne, %convert_element_type3A, %cond3A : i32
      scf.if %cond3A_168 {
        %ge3A = arith.constant 5 : i32
        %ge3A_318 = arith.cmpi sge, %add3A_166, %ge3A : i32
        %convert_element_type3A_319 = arith.extui %ge3A_318 : i1 to i32
        %cond3A_320 = arith.constant 0 : i32
        %cond3A_321 = arith.cmpi ne, %convert_element_type3A_319, %cond3A_320 : i32
        scf.if %cond3A_321 {
          %sub3A = arith.constant 5 : i32
          %sub3A_337 = arith.subi %add3A_166, %sub3A : i32
          %dma_wait3A_338 = arith.constant 4 : i32
          %dma_wait3A_339 = arith.constant 0 : i32
          %dma_wait3A_340 = arith.constant 0 : i32
          %dma_wait3A_341 = tpu.memref_slice %arg9[%dma_wait3A_338, %dma_wait3A_339, %dma_wait3A_340] : memref<5x125x32xf32, #tpu.memory_space<vmem>> -> memref<1x125x32xf32, #tpu.memory_space<vmem>>
          %dma_wait3A_342 = tpu.memref_squeeze %dma_wait3A_341 : memref<1x125x32xf32, #tpu.memory_space<vmem>> -> memref<125x32xf32, #tpu.memory_space<vmem>>
          %dma_wait3A_343 = arith.constant 0 : i32
          %dma_wait3A_344 = tpu.memref_slice %arg8[%sub3A_337, %dma_wait3A_343] : memref<160x125xi32, #tpu.memory_space<vmem>> -> memref<1x125xi32, #tpu.memory_space<vmem>>
          %dma_wait3A_345 = tpu.memref_squeeze %dma_wait3A_344 : memref<1x125xi32, #tpu.memory_space<vmem>> -> memref<125xi32, #tpu.memory_space<vmem>>
          %dma_wait3A_346 = arith.constant 0 : i32
          %dma_wait3A_347 = arith.constant 0 : i32
          %dma_wait3A_348 = tpu.memref_slice %arg10[%dma_wait3A_346, %dma_wait3A_347] : memref<10240x32xf32, #tpu.memory_space<vmem_shared>> -> memref<10240x32xf32, #tpu.memory_space<vmem_shared>>
          tpu.wait_indirect_dma semaphore(%arg20 : memref<!tpu.dma_semaphore, #tpu.memory_space<semaphore_mem>>) src(%dma_wait3A_342 : memref<125x32xf32, #tpu.memory_space<vmem>>) dst(%dma_wait3A_348 : memref<10240x32xf32, #tpu.memory_space<vmem_shared>>)
        } else {
        }
        %dma_start3A_322 = arith.constant 4 : i32
        %dma_start3A_323 = arith.constant 0 : i32
        %dma_start3A_324 = arith.constant 0 : i32
        %dma_start3A_325 = tpu.memref_slice %arg9[%dma_start3A_322, %dma_start3A_323, %dma_start3A_324] : memref<5x125x32xf32, #tpu.memory_space<vmem>> -> memref<1x125x32xf32, #tpu.memory_space<vmem>>
        %dma_start3A_326 = tpu.memref_squeeze %dma_start3A_325 : memref<1x125x32xf32, #tpu.memory_space<vmem>> -> memref<125x32xf32, #tpu.memory_space<vmem>>
        %dma_start3A_327 = arith.constant 0 : i32
        %dma_start3A_328 = tpu.memref_slice %arg7[%add3A_166, %dma_start3A_327] : memref<160x125xi32, #tpu.memory_space<vmem>> -> memref<1x125xi32, #tpu.memory_space<vmem>>
        %dma_start3A_329 = tpu.memref_squeeze %dma_start3A_328 : memref<1x125xi32, #tpu.memory_space<vmem>> -> memref<125xi32, #tpu.memory_space<vmem>>
        %dma_start3A_330 = arith.constant 0 : i32
        %dma_start3A_331 = arith.constant 0 : i32
        %dma_start3A_332 = tpu.memref_slice %arg2[%arg0, %dma_start3A_330, %dma_start3A_331] : memref<2x10000x32xf32, #tpu.memory_space<hbm>> -> memref<1x10000x32xf32, #tpu.memory_space<hbm>>
        %dma_start3A_333 = tpu.memref_squeeze %dma_start3A_332 : memref<1x10000x32xf32, #tpu.memory_space<hbm>> -> memref<10000x32xf32, #tpu.memory_space<hbm>>
        %dma_start3A_334 = arith.constant 0 : i32
        %dma_start3A_335 = arith.constant 0 : i32
        %dma_start3A_336 = tpu.memref_slice %dma_start3A_333[%dma_start3A_334, %dma_start3A_335] : memref<10000x32xf32, #tpu.memory_space<hbm>> -> memref<10000x32xf32, #tpu.memory_space<hbm>>
        tpu.enqueue_indirect_dma source(%dma_start3A_336 : memref<10000x32xf32, #tpu.memory_space<hbm>>) target(%dma_start3A_326 : memref<125x32xf32, #tpu.memory_space<vmem>>) offsets(%dma_start3A_329 : memref<125xi32, #tpu.memory_space<vmem>>) semaphore(%arg15 : memref<!tpu.dma_semaphore, #tpu.memory_space<semaphore_mem>>)
      } else {
      }
      %mul3A_169 = arith.constant 5 : i32
      %mul3A_170 = arith.muli %scan3A_134, %mul3A_169 : i32
      %add3A_171 = arith.constant 1 : i32
      %add3A_172 = arith.addi %mul3A_170, %add3A_171 : i32
      %dma_wait3A_173 = arith.constant 1 : i32
      %dma_wait3A_174 = arith.constant 0 : i32
      %dma_wait3A_175 = arith.constant 0 : i32
      %dma_wait3A_176 = tpu.memref_slice %arg9[%dma_wait3A_173, %dma_wait3A_174, %dma_wait3A_175] : memref<5x125x32xf32, #tpu.memory_space<vmem>> -> memref<1x125x32xf32, #tpu.memory_space<vmem>>
      %dma_wait3A_177 = tpu.memref_squeeze %dma_wait3A_176 : memref<1x125x32xf32, #tpu.memory_space<vmem>> -> memref<125x32xf32, #tpu.memory_space<vmem>>
      %dma_wait3A_178 = arith.constant 0 : i32
      %dma_wait3A_179 = tpu.memref_slice %arg7[%add3A_172, %dma_wait3A_178] : memref<160x125xi32, #tpu.memory_space<vmem>> -> memref<1x125xi32, #tpu.memory_space<vmem>>
      %dma_wait3A_180 = tpu.memref_squeeze %dma_wait3A_179 : memref<1x125xi32, #tpu.memory_space<vmem>> -> memref<125xi32, #tpu.memory_space<vmem>>
      %dma_wait3A_181 = arith.constant 0 : i32
      %dma_wait3A_182 = arith.constant 0 : i32
      %dma_wait3A_183 = tpu.memref_slice %arg2[%arg0, %dma_wait3A_181, %dma_wait3A_182] : memref<2x10000x32xf32, #tpu.memory_space<hbm>> -> memref<1x10000x32xf32, #tpu.memory_space<hbm>>
      %dma_wait3A_184 = tpu.memref_squeeze %dma_wait3A_183 : memref<1x10000x32xf32, #tpu.memory_space<hbm>> -> memref<10000x32xf32, #tpu.memory_space<hbm>>
      %dma_wait3A_185 = arith.constant 0 : i32
      %dma_wait3A_186 = arith.constant 0 : i32
      %dma_wait3A_187 = tpu.memref_slice %dma_wait3A_184[%dma_wait3A_185, %dma_wait3A_186] : memref<10000x32xf32, #tpu.memory_space<hbm>> -> memref<10000x32xf32, #tpu.memory_space<hbm>>
      tpu.wait_indirect_dma semaphore(%arg12 : memref<!tpu.dma_semaphore, #tpu.memory_space<semaphore_mem>>) src(%dma_wait3A_187 : memref<10000x32xf32, #tpu.memory_space<hbm>>) dst(%dma_wait3A_177 : memref<125x32xf32, #tpu.memory_space<vmem>>)
      %dma_start3A_188 = arith.constant 1 : i32
      %dma_start3A_189 = arith.constant 0 : i32
      %dma_start3A_190 = arith.constant 0 : i32
      %dma_start3A_191 = tpu.memref_slice %arg9[%dma_start3A_188, %dma_start3A_189, %dma_start3A_190] : memref<5x125x32xf32, #tpu.memory_space<vmem>> -> memref<1x125x32xf32, #tpu.memory_space<vmem>>
      %dma_start3A_192 = tpu.memref_squeeze %dma_start3A_191 : memref<1x125x32xf32, #tpu.memory_space<vmem>> -> memref<125x32xf32, #tpu.memory_space<vmem>>
      %dma_start3A_193 = arith.constant 0 : i32
      %dma_start3A_194 = tpu.memref_slice %arg8[%add3A_172, %dma_start3A_193] : memref<160x125xi32, #tpu.memory_space<vmem>> -> memref<1x125xi32, #tpu.memory_space<vmem>>
      %dma_start3A_195 = tpu.memref_squeeze %dma_start3A_194 : memref<1x125xi32, #tpu.memory_space<vmem>> -> memref<125xi32, #tpu.memory_space<vmem>>
      %dma_start3A_196 = arith.constant 0 : i32
      %dma_start3A_197 = arith.constant 0 : i32
      %dma_start3A_198 = tpu.memref_slice %arg10[%dma_start3A_196, %dma_start3A_197] : memref<10240x32xf32, #tpu.memory_space<vmem_shared>> -> memref<10240x32xf32, #tpu.memory_space<vmem_shared>>
      tpu.enqueue_indirect_dma source(%dma_start3A_192 : memref<125x32xf32, #tpu.memory_space<vmem>>) target(%dma_start3A_198 : memref<10240x32xf32, #tpu.memory_space<vmem_shared>>) offsets(%dma_start3A_195 : memref<125xi32, #tpu.memory_space<vmem>>) semaphore(%arg17 : memref<!tpu.dma_semaphore, #tpu.memory_space<semaphore_mem>>) {add = true}
      %add3A_199 = arith.constant 4 : i32
      %add3A_200 = arith.addi %add3A_172, %add3A_199 : i32
      %lt3A_201 = arith.constant 160 : i32
      %lt3A_202 = arith.cmpi slt, %add3A_200, %lt3A_201 : i32
      %convert_element_type3A_203 = arith.extui %lt3A_202 : i1 to i32
      %cond3A_204 = arith.constant 0 : i32
      %cond3A_205 = arith.cmpi ne, %convert_element_type3A_203, %cond3A_204 : i32
      scf.if %cond3A_205 {
        %ge3A = arith.constant 5 : i32
        %ge3A_318 = arith.cmpi sge, %add3A_200, %ge3A : i32
        %convert_element_type3A_319 = arith.extui %ge3A_318 : i1 to i32
        %cond3A_320 = arith.constant 0 : i32
        %cond3A_321 = arith.cmpi ne, %convert_element_type3A_319, %cond3A_320 : i32
        scf.if %cond3A_321 {
          %sub3A = arith.constant 5 : i32
          %sub3A_337 = arith.subi %add3A_200, %sub3A : i32
          %dma_wait3A_338 = arith.constant 0 : i32
          %dma_wait3A_339 = arith.constant 0 : i32
          %dma_wait3A_340 = arith.constant 0 : i32
          %dma_wait3A_341 = tpu.memref_slice %arg9[%dma_wait3A_338, %dma_wait3A_339, %dma_wait3A_340] : memref<5x125x32xf32, #tpu.memory_space<vmem>> -> memref<1x125x32xf32, #tpu.memory_space<vmem>>
          %dma_wait3A_342 = tpu.memref_squeeze %dma_wait3A_341 : memref<1x125x32xf32, #tpu.memory_space<vmem>> -> memref<125x32xf32, #tpu.memory_space<vmem>>
          %dma_wait3A_343 = arith.constant 0 : i32
          %dma_wait3A_344 = tpu.memref_slice %arg8[%sub3A_337, %dma_wait3A_343] : memref<160x125xi32, #tpu.memory_space<vmem>> -> memref<1x125xi32, #tpu.memory_space<vmem>>
          %dma_wait3A_345 = tpu.memref_squeeze %dma_wait3A_344 : memref<1x125xi32, #tpu.memory_space<vmem>> -> memref<125xi32, #tpu.memory_space<vmem>>
          %dma_wait3A_346 = arith.constant 0 : i32
          %dma_wait3A_347 = arith.constant 0 : i32
          %dma_wait3A_348 = tpu.memref_slice %arg10[%dma_wait3A_346, %dma_wait3A_347] : memref<10240x32xf32, #tpu.memory_space<vmem_shared>> -> memref<10240x32xf32, #tpu.memory_space<vmem_shared>>
          tpu.wait_indirect_dma semaphore(%arg16 : memref<!tpu.dma_semaphore, #tpu.memory_space<semaphore_mem>>) src(%dma_wait3A_342 : memref<125x32xf32, #tpu.memory_space<vmem>>) dst(%dma_wait3A_348 : memref<10240x32xf32, #tpu.memory_space<vmem_shared>>)
        } else {
        }
        %dma_start3A_322 = arith.constant 0 : i32
        %dma_start3A_323 = arith.constant 0 : i32
        %dma_start3A_324 = arith.constant 0 : i32
        %dma_start3A_325 = tpu.memref_slice %arg9[%dma_start3A_322, %dma_start3A_323, %dma_start3A_324] : memref<5x125x32xf32, #tpu.memory_space<vmem>> -> memref<1x125x32xf32, #tpu.memory_space<vmem>>
        %dma_start3A_326 = tpu.memref_squeeze %dma_start3A_325 : memref<1x125x32xf32, #tpu.memory_space<vmem>> -> memref<125x32xf32, #tpu.memory_space<vmem>>
        %dma_start3A_327 = arith.constant 0 : i32
        %dma_start3A_328 = tpu.memref_slice %arg7[%add3A_200, %dma_start3A_327] : memref<160x125xi32, #tpu.memory_space<vmem>> -> memref<1x125xi32, #tpu.memory_space<vmem>>
        %dma_start3A_329 = tpu.memref_squeeze %dma_start3A_328 : memref<1x125xi32, #tpu.memory_space<vmem>> -> memref<125xi32, #tpu.memory_space<vmem>>
        %dma_start3A_330 = arith.constant 0 : i32
        %dma_start3A_331 = arith.constant 0 : i32
        %dma_start3A_332 = tpu.memref_slice %arg2[%arg0, %dma_start3A_330, %dma_start3A_331] : memref<2x10000x32xf32, #tpu.memory_space<hbm>> -> memref<1x10000x32xf32, #tpu.memory_space<hbm>>
        %dma_start3A_333 = tpu.memref_squeeze %dma_start3A_332 : memref<1x10000x32xf32, #tpu.memory_space<hbm>> -> memref<10000x32xf32, #tpu.memory_space<hbm>>
        %dma_start3A_334 = arith.constant 0 : i32
        %dma_start3A_335 = arith.constant 0 : i32
        %dma_start3A_336 = tpu.memref_slice %dma_start3A_333[%dma_start3A_334, %dma_start3A_335] : memref<10000x32xf32, #tpu.memory_space<hbm>> -> memref<10000x32xf32, #tpu.memory_space<hbm>>
        tpu.enqueue_indirect_dma source(%dma_start3A_336 : memref<10000x32xf32, #tpu.memory_space<hbm>>) target(%dma_start3A_326 : memref<125x32xf32, #tpu.memory_space<vmem>>) offsets(%dma_start3A_329 : memref<125xi32, #tpu.memory_space<vmem>>) semaphore(%arg11 : memref<!tpu.dma_semaphore, #tpu.memory_space<semaphore_mem>>)
      } else {
      }
      %mul3A_206 = arith.constant 5 : i32
      %mul3A_207 = arith.muli %scan3A_134, %mul3A_206 : i32
      %add3A_208 = arith.constant 2 : i32
      %add3A_209 = arith.addi %mul3A_207, %add3A_208 : i32
      %dma_wait3A_210 = arith.constant 2 : i32
      %dma_wait3A_211 = arith.constant 0 : i32
      %dma_wait3A_212 = arith.constant 0 : i32
      %dma_wait3A_213 = tpu.memref_slice %arg9[%dma_wait3A_210, %dma_wait3A_211, %dma_wait3A_212] : memref<5x125x32xf32, #tpu.memory_space<vmem>> -> memref<1x125x32xf32, #tpu.memory_space<vmem>>
      %dma_wait3A_214 = tpu.memref_squeeze %dma_wait3A_213 : memref<1x125x32xf32, #tpu.memory_space<vmem>> -> memref<125x32xf32, #tpu.memory_space<vmem>>
      %dma_wait3A_215 = arith.constant 0 : i32
      %dma_wait3A_216 = tpu.memref_slice %arg7[%add3A_209, %dma_wait3A_215] : memref<160x125xi32, #tpu.memory_space<vmem>> -> memref<1x125xi32, #tpu.memory_space<vmem>>
      %dma_wait3A_217 = tpu.memref_squeeze %dma_wait3A_216 : memref<1x125xi32, #tpu.memory_space<vmem>> -> memref<125xi32, #tpu.memory_space<vmem>>
      %dma_wait3A_218 = arith.constant 0 : i32
      %dma_wait3A_219 = arith.constant 0 : i32
      %dma_wait3A_220 = tpu.memref_slice %arg2[%arg0, %dma_wait3A_218, %dma_wait3A_219] : memref<2x10000x32xf32, #tpu.memory_space<hbm>> -> memref<1x10000x32xf32, #tpu.memory_space<hbm>>
      %dma_wait3A_221 = tpu.memref_squeeze %dma_wait3A_220 : memref<1x10000x32xf32, #tpu.memory_space<hbm>> -> memref<10000x32xf32, #tpu.memory_space<hbm>>
      %dma_wait3A_222 = arith.constant 0 : i32
      %dma_wait3A_223 = arith.constant 0 : i32
      %dma_wait3A_224 = tpu.memref_slice %dma_wait3A_221[%dma_wait3A_222, %dma_wait3A_223] : memref<10000x32xf32, #tpu.memory_space<hbm>> -> memref<10000x32xf32, #tpu.memory_space<hbm>>
      tpu.wait_indirect_dma semaphore(%arg13 : memref<!tpu.dma_semaphore, #tpu.memory_space<semaphore_mem>>) src(%dma_wait3A_224 : memref<10000x32xf32, #tpu.memory_space<hbm>>) dst(%dma_wait3A_214 : memref<125x32xf32, #tpu.memory_space<vmem>>)
      %dma_start3A_225 = arith.constant 2 : i32
      %dma_start3A_226 = arith.constant 0 : i32
      %dma_start3A_227 = arith.constant 0 : i32
      %dma_start3A_228 = tpu.memref_slice %arg9[%dma_start3A_225, %dma_start3A_226, %dma_start3A_227] : memref<5x125x32xf32, #tpu.memory_space<vmem>> -> memref<1x125x32xf32, #tpu.memory_space<vmem>>
      %dma_start3A_229 = tpu.memref_squeeze %dma_start3A_228 : memref<1x125x32xf32, #tpu.memory_space<vmem>> -> memref<125x32xf32, #tpu.memory_space<vmem>>
      %dma_start3A_230 = arith.constant 0 : i32
      %dma_start3A_231 = tpu.memref_slice %arg8[%add3A_209, %dma_start3A_230] : memref<160x125xi32, #tpu.memory_space<vmem>> -> memref<1x125xi32, #tpu.memory_space<vmem>>
      %dma_start3A_232 = tpu.memref_squeeze %dma_start3A_231 : memref<1x125xi32, #tpu.memory_space<vmem>> -> memref<125xi32, #tpu.memory_space<vmem>>
      %dma_start3A_233 = arith.constant 0 : i32
      %dma_start3A_234 = arith.constant 0 : i32
      %dma_start3A_235 = tpu.memref_slice %arg10[%dma_start3A_233, %dma_start3A_234] : memref<10240x32xf32, #tpu.memory_space<vmem_shared>> -> memref<10240x32xf32, #tpu.memory_space<vmem_shared>>
      tpu.enqueue_indirect_dma source(%dma_start3A_229 : memref<125x32xf32, #tpu.memory_space<vmem>>) target(%dma_start3A_235 : memref<10240x32xf32, #tpu.memory_space<vmem_shared>>) offsets(%dma_start3A_232 : memref<125xi32, #tpu.memory_space<vmem>>) semaphore(%arg18 : memref<!tpu.dma_semaphore, #tpu.memory_space<semaphore_mem>>) {add = true}
      %add3A_236 = arith.constant 4 : i32
      %add3A_237 = arith.addi %add3A_209, %add3A_236 : i32
      %lt3A_238 = arith.constant 160 : i32
      %lt3A_239 = arith.cmpi slt, %add3A_237, %lt3A_238 : i32
      %convert_element_type3A_240 = arith.extui %lt3A_239 : i1 to i32
      %cond3A_241 = arith.constant 0 : i32
      %cond3A_242 = arith.cmpi ne, %convert_element_type3A_240, %cond3A_241 : i32
      scf.if %cond3A_242 {
        %ge3A = arith.constant 5 : i32
        %ge3A_318 = arith.cmpi sge, %add3A_237, %ge3A : i32
        %convert_element_type3A_319 = arith.extui %ge3A_318 : i1 to i32
        %cond3A_320 = arith.constant 0 : i32
        %cond3A_321 = arith.cmpi ne, %convert_element_type3A_319, %cond3A_320 : i32
        scf.if %cond3A_321 {
          %sub3A = arith.constant 5 : i32
          %sub3A_337 = arith.subi %add3A_237, %sub3A : i32
          %dma_wait3A_338 = arith.constant 1 : i32
          %dma_wait3A_339 = arith.constant 0 : i32
          %dma_wait3A_340 = arith.constant 0 : i32
          %dma_wait3A_341 = tpu.memref_slice %arg9[%dma_wait3A_338, %dma_wait3A_339, %dma_wait3A_340] : memref<5x125x32xf32, #tpu.memory_space<vmem>> -> memref<1x125x32xf32, #tpu.memory_space<vmem>>
          %dma_wait3A_342 = tpu.memref_squeeze %dma_wait3A_341 : memref<1x125x32xf32, #tpu.memory_space<vmem>> -> memref<125x32xf32, #tpu.memory_space<vmem>>
          %dma_wait3A_343 = arith.constant 0 : i32
          %dma_wait3A_344 = tpu.memref_slice %arg8[%sub3A_337, %dma_wait3A_343] : memref<160x125xi32, #tpu.memory_space<vmem>> -> memref<1x125xi32, #tpu.memory_space<vmem>>
          %dma_wait3A_345 = tpu.memref_squeeze %dma_wait3A_344 : memref<1x125xi32, #tpu.memory_space<vmem>> -> memref<125xi32, #tpu.memory_space<vmem>>
          %dma_wait3A_346 = arith.constant 0 : i32
          %dma_wait3A_347 = arith.constant 0 : i32
          %dma_wait3A_348 = tpu.memref_slice %arg10[%dma_wait3A_346, %dma_wait3A_347] : memref<10240x32xf32, #tpu.memory_space<vmem_shared>> -> memref<10240x32xf32, #tpu.memory_space<vmem_shared>>
          tpu.wait_indirect_dma semaphore(%arg17 : memref<!tpu.dma_semaphore, #tpu.memory_space<semaphore_mem>>) src(%dma_wait3A_342 : memref<125x32xf32, #tpu.memory_space<vmem>>) dst(%dma_wait3A_348 : memref<10240x32xf32, #tpu.memory_space<vmem_shared>>)
        } else {
        }
        %dma_start3A_322 = arith.constant 1 : i32
        %dma_start3A_323 = arith.constant 0 : i32
        %dma_start3A_324 = arith.constant 0 : i32
        %dma_start3A_325 = tpu.memref_slice %arg9[%dma_start3A_322, %dma_start3A_323, %dma_start3A_324] : memref<5x125x32xf32, #tpu.memory_space<vmem>> -> memref<1x125x32xf32, #tpu.memory_space<vmem>>
        %dma_start3A_326 = tpu.memref_squeeze %dma_start3A_325 : memref<1x125x32xf32, #tpu.memory_space<vmem>> -> memref<125x32xf32, #tpu.memory_space<vmem>>
        %dma_start3A_327 = arith.constant 0 : i32
        %dma_start3A_328 = tpu.memref_slice %arg7[%add3A_237, %dma_start3A_327] : memref<160x125xi32, #tpu.memory_space<vmem>> -> memref<1x125xi32, #tpu.memory_space<vmem>>
        %dma_start3A_329 = tpu.memref_squeeze %dma_start3A_328 : memref<1x125xi32, #tpu.memory_space<vmem>> -> memref<125xi32, #tpu.memory_space<vmem>>
        %dma_start3A_330 = arith.constant 0 : i32
        %dma_start3A_331 = arith.constant 0 : i32
        %dma_start3A_332 = tpu.memref_slice %arg2[%arg0, %dma_start3A_330, %dma_start3A_331] : memref<2x10000x32xf32, #tpu.memory_space<hbm>> -> memref<1x10000x32xf32, #tpu.memory_space<hbm>>
        %dma_start3A_333 = tpu.memref_squeeze %dma_start3A_332 : memref<1x10000x32xf32, #tpu.memory_space<hbm>> -> memref<10000x32xf32, #tpu.memory_space<hbm>>
        %dma_start3A_334 = arith.constant 0 : i32
        %dma_start3A_335 = arith.constant 0 : i32
        %dma_start3A_336 = tpu.memref_slice %dma_start3A_333[%dma_start3A_334, %dma_start3A_335] : memref<10000x32xf32, #tpu.memory_space<hbm>> -> memref<10000x32xf32, #tpu.memory_space<hbm>>
        tpu.enqueue_indirect_dma source(%dma_start3A_336 : memref<10000x32xf32, #tpu.memory_space<hbm>>) target(%dma_start3A_326 : memref<125x32xf32, #tpu.memory_space<vmem>>) offsets(%dma_start3A_329 : memref<125xi32, #tpu.memory_space<vmem>>) semaphore(%arg12 : memref<!tpu.dma_semaphore, #tpu.memory_space<semaphore_mem>>)
      } else {
      }
      %mul3A_243 = arith.constant 5 : i32
      %mul3A_244 = arith.muli %scan3A_134, %mul3A_243 : i32
      %add3A_245 = arith.constant 3 : i32
      %add3A_246 = arith.addi %mul3A_244, %add3A_245 : i32
      %dma_wait3A_247 = arith.constant 3 : i32
      %dma_wait3A_248 = arith.constant 0 : i32
      %dma_wait3A_249 = arith.constant 0 : i32
      %dma_wait3A_250 = tpu.memref_slice %arg9[%dma_wait3A_247, %dma_wait3A_248, %dma_wait3A_249] : memref<5x125x32xf32, #tpu.memory_space<vmem>> -> memref<1x125x32xf32, #tpu.memory_space<vmem>>
      %dma_wait3A_251 = tpu.memref_squeeze %dma_wait3A_250 : memref<1x125x32xf32, #tpu.memory_space<vmem>> -> memref<125x32xf32, #tpu.memory_space<vmem>>
      %dma_wait3A_252 = arith.constant 0 : i32
      %dma_wait3A_253 = tpu.memref_slice %arg7[%add3A_246, %dma_wait3A_252] : memref<160x125xi32, #tpu.memory_space<vmem>> -> memref<1x125xi32, #tpu.memory_space<vmem>>
      %dma_wait3A_254 = tpu.memref_squeeze %dma_wait3A_253 : memref<1x125xi32, #tpu.memory_space<vmem>> -> memref<125xi32, #tpu.memory_space<vmem>>
      %dma_wait3A_255 = arith.constant 0 : i32
      %dma_wait3A_256 = arith.constant 0 : i32
      %dma_wait3A_257 = tpu.memref_slice %arg2[%arg0, %dma_wait3A_255, %dma_wait3A_256] : memref<2x10000x32xf32, #tpu.memory_space<hbm>> -> memref<1x10000x32xf32, #tpu.memory_space<hbm>>
      %dma_wait3A_258 = tpu.memref_squeeze %dma_wait3A_257 : memref<1x10000x32xf32, #tpu.memory_space<hbm>> -> memref<10000x32xf32, #tpu.memory_space<hbm>>
      %dma_wait3A_259 = arith.constant 0 : i32
      %dma_wait3A_260 = arith.constant 0 : i32
      %dma_wait3A_261 = tpu.memref_slice %dma_wait3A_258[%dma_wait3A_259, %dma_wait3A_260] : memref<10000x32xf32, #tpu.memory_space<hbm>> -> memref<10000x32xf32, #tpu.memory_space<hbm>>
      tpu.wait_indirect_dma semaphore(%arg14 : memref<!tpu.dma_semaphore, #tpu.memory_space<semaphore_mem>>) src(%dma_wait3A_261 : memref<10000x32xf32, #tpu.memory_space<hbm>>) dst(%dma_wait3A_251 : memref<125x32xf32, #tpu.memory_space<vmem>>)
      %dma_start3A_262 = arith.constant 3 : i32
      %dma_start3A_263 = arith.constant 0 : i32
      %dma_start3A_264 = arith.constant 0 : i32
      %dma_start3A_265 = tpu.memref_slice %arg9[%dma_start3A_262, %dma_start3A_263, %dma_start3A_264] : memref<5x125x32xf32, #tpu.memory_space<vmem>> -> memref<1x125x32xf32, #tpu.memory_space<vmem>>
      %dma_start3A_266 = tpu.memref_squeeze %dma_start3A_265 : memref<1x125x32xf32, #tpu.memory_space<vmem>> -> memref<125x32xf32, #tpu.memory_space<vmem>>
      %dma_start3A_267 = arith.constant 0 : i32
      %dma_start3A_268 = tpu.memref_slice %arg8[%add3A_246, %dma_start3A_267] : memref<160x125xi32, #tpu.memory_space<vmem>> -> memref<1x125xi32, #tpu.memory_space<vmem>>
      %dma_start3A_269 = tpu.memref_squeeze %dma_start3A_268 : memref<1x125xi32, #tpu.memory_space<vmem>> -> memref<125xi32, #tpu.memory_space<vmem>>
      %dma_start3A_270 = arith.constant 0 : i32
      %dma_start3A_271 = arith.constant 0 : i32
      %dma_start3A_272 = tpu.memref_slice %arg10[%dma_start3A_270, %dma_start3A_271] : memref<10240x32xf32, #tpu.memory_space<vmem_shared>> -> memref<10240x32xf32, #tpu.memory_space<vmem_shared>>
      tpu.enqueue_indirect_dma source(%dma_start3A_266 : memref<125x32xf32, #tpu.memory_space<vmem>>) target(%dma_start3A_272 : memref<10240x32xf32, #tpu.memory_space<vmem_shared>>) offsets(%dma_start3A_269 : memref<125xi32, #tpu.memory_space<vmem>>) semaphore(%arg19 : memref<!tpu.dma_semaphore, #tpu.memory_space<semaphore_mem>>) {add = true}
      %add3A_273 = arith.constant 4 : i32
      %add3A_274 = arith.addi %add3A_246, %add3A_273 : i32
      %lt3A_275 = arith.constant 160 : i32
      %lt3A_276 = arith.cmpi slt, %add3A_274, %lt3A_275 : i32
      %convert_element_type3A_277 = arith.extui %lt3A_276 : i1 to i32
      %cond3A_278 = arith.constant 0 : i32
      %cond3A_279 = arith.cmpi ne, %convert_element_type3A_277, %cond3A_278 : i32
      scf.if %cond3A_279 {
        %ge3A = arith.constant 5 : i32
        %ge3A_318 = arith.cmpi sge, %add3A_274, %ge3A : i32
        %convert_element_type3A_319 = arith.extui %ge3A_318 : i1 to i32
        %cond3A_320 = arith.constant 0 : i32
        %cond3A_321 = arith.cmpi ne, %convert_element_type3A_319, %cond3A_320 : i32
        scf.if %cond3A_321 {
          %sub3A = arith.constant 5 : i32
          %sub3A_337 = arith.subi %add3A_274, %sub3A : i32
          %dma_wait3A_338 = arith.constant 2 : i32
          %dma_wait3A_339 = arith.constant 0 : i32
          %dma_wait3A_340 = arith.constant 0 : i32
          %dma_wait3A_341 = tpu.memref_slice %arg9[%dma_wait3A_338, %dma_wait3A_339, %dma_wait3A_340] : memref<5x125x32xf32, #tpu.memory_space<vmem>> -> memref<1x125x32xf32, #tpu.memory_space<vmem>>
          %dma_wait3A_342 = tpu.memref_squeeze %dma_wait3A_341 : memref<1x125x32xf32, #tpu.memory_space<vmem>> -> memref<125x32xf32, #tpu.memory_space<vmem>>
          %dma_wait3A_343 = arith.constant 0 : i32
          %dma_wait3A_344 = tpu.memref_slice %arg8[%sub3A_337, %dma_wait3A_343] : memref<160x125xi32, #tpu.memory_space<vmem>> -> memref<1x125xi32, #tpu.memory_space<vmem>>
          %dma_wait3A_345 = tpu.memref_squeeze %dma_wait3A_344 : memref<1x125xi32, #tpu.memory_space<vmem>> -> memref<125xi32, #tpu.memory_space<vmem>>
          %dma_wait3A_346 = arith.constant 0 : i32
          %dma_wait3A_347 = arith.constant 0 : i32
          %dma_wait3A_348 = tpu.memref_slice %arg10[%dma_wait3A_346, %dma_wait3A_347] : memref<10240x32xf32, #tpu.memory_space<vmem_shared>> -> memref<10240x32xf32, #tpu.memory_space<vmem_shared>>
          tpu.wait_indirect_dma semaphore(%arg18 : memref<!tpu.dma_semaphore, #tpu.memory_space<semaphore_mem>>) src(%dma_wait3A_342 : memref<125x32xf32, #tpu.memory_space<vmem>>) dst(%dma_wait3A_348 : memref<10240x32xf32, #tpu.memory_space<vmem_shared>>)
        } else {
        }
        %dma_start3A_322 = arith.constant 2 : i32
        %dma_start3A_323 = arith.constant 0 : i32
        %dma_start3A_324 = arith.constant 0 : i32
        %dma_start3A_325 = tpu.memref_slice %arg9[%dma_start3A_322, %dma_start3A_323, %dma_start3A_324] : memref<5x125x32xf32, #tpu.memory_space<vmem>> -> memref<1x125x32xf32, #tpu.memory_space<vmem>>
        %dma_start3A_326 = tpu.memref_squeeze %dma_start3A_325 : memref<1x125x32xf32, #tpu.memory_space<vmem>> -> memref<125x32xf32, #tpu.memory_space<vmem>>
        %dma_start3A_327 = arith.constant 0 : i32
        %dma_start3A_328 = tpu.memref_slice %arg7[%add3A_274, %dma_start3A_327] : memref<160x125xi32, #tpu.memory_space<vmem>> -> memref<1x125xi32, #tpu.memory_space<vmem>>
        %dma_start3A_329 = tpu.memref_squeeze %dma_start3A_328 : memref<1x125xi32, #tpu.memory_space<vmem>> -> memref<125xi32, #tpu.memory_space<vmem>>
        %dma_start3A_330 = arith.constant 0 : i32
        %dma_start3A_331 = arith.constant 0 : i32
        %dma_start3A_332 = tpu.memref_slice %arg2[%arg0, %dma_start3A_330, %dma_start3A_331] : memref<2x10000x32xf32, #tpu.memory_space<hbm>> -> memref<1x10000x32xf32, #tpu.memory_space<hbm>>
        %dma_start3A_333 = tpu.memref_squeeze %dma_start3A_332 : memref<1x10000x32xf32, #tpu.memory_space<hbm>> -> memref<10000x32xf32, #tpu.memory_space<hbm>>
        %dma_start3A_334 = arith.constant 0 : i32
        %dma_start3A_335 = arith.constant 0 : i32
        %dma_start3A_336 = tpu.memref_slice %dma_start3A_333[%dma_start3A_334, %dma_start3A_335] : memref<10000x32xf32, #tpu.memory_space<hbm>> -> memref<10000x32xf32, #tpu.memory_space<hbm>>
        tpu.enqueue_indirect_dma source(%dma_start3A_336 : memref<10000x32xf32, #tpu.memory_space<hbm>>) target(%dma_start3A_326 : memref<125x32xf32, #tpu.memory_space<vmem>>) offsets(%dma_start3A_329 : memref<125xi32, #tpu.memory_space<vmem>>) semaphore(%arg13 : memref<!tpu.dma_semaphore, #tpu.memory_space<semaphore_mem>>)
      } else {
      }
      %mul3A_280 = arith.constant 5 : i32
      %mul3A_281 = arith.muli %scan3A_134, %mul3A_280 : i32
      %add3A_282 = arith.constant 4 : i32
      %add3A_283 = arith.addi %mul3A_281, %add3A_282 : i32
      %dma_wait3A_284 = arith.constant 4 : i32
      %dma_wait3A_285 = arith.constant 0 : i32
      %dma_wait3A_286 = arith.constant 0 : i32
      %dma_wait3A_287 = tpu.memref_slice %arg9[%dma_wait3A_284, %dma_wait3A_285, %dma_wait3A_286] : memref<5x125x32xf32, #tpu.memory_space<vmem>> -> memref<1x125x32xf32, #tpu.memory_space<vmem>>
      %dma_wait3A_288 = tpu.memref_squeeze %dma_wait3A_287 : memref<1x125x32xf32, #tpu.memory_space<vmem>> -> memref<125x32xf32, #tpu.memory_space<vmem>>
      %dma_wait3A_289 = arith.constant 0 : i32
      %dma_wait3A_290 = tpu.memref_slice %arg7[%add3A_283, %dma_wait3A_289] : memref<160x125xi32, #tpu.memory_space<vmem>> -> memref<1x125xi32, #tpu.memory_space<vmem>>
      %dma_wait3A_291 = tpu.memref_squeeze %dma_wait3A_290 : memref<1x125xi32, #tpu.memory_space<vmem>> -> memref<125xi32, #tpu.memory_space<vmem>>
      %dma_wait3A_292 = arith.constant 0 : i32
      %dma_wait3A_293 = arith.constant 0 : i32
      %dma_wait3A_294 = tpu.memref_slice %arg2[%arg0, %dma_wait3A_292, %dma_wait3A_293] : memref<2x10000x32xf32, #tpu.memory_space<hbm>> -> memref<1x10000x32xf32, #tpu.memory_space<hbm>>
      %dma_wait3A_295 = tpu.memref_squeeze %dma_wait3A_294 : memref<1x10000x32xf32, #tpu.memory_space<hbm>> -> memref<10000x32xf32, #tpu.memory_space<hbm>>
      %dma_wait3A_296 = arith.constant 0 : i32
      %dma_wait3A_297 = arith.constant 0 : i32
      %dma_wait3A_298 = tpu.memref_slice %dma_wait3A_295[%dma_wait3A_296, %dma_wait3A_297] : memref<10000x32xf32, #tpu.memory_space<hbm>> -> memref<10000x32xf32, #tpu.memory_space<hbm>>
      tpu.wait_indirect_dma semaphore(%arg15 : memref<!tpu.dma_semaphore, #tpu.memory_space<semaphore_mem>>) src(%dma_wait3A_298 : memref<10000x32xf32, #tpu.memory_space<hbm>>) dst(%dma_wait3A_288 : memref<125x32xf32, #tpu.memory_space<vmem>>)
      %dma_start3A_299 = arith.constant 4 : i32
      %dma_start3A_300 = arith.constant 0 : i32
      %dma_start3A_301 = arith.constant 0 : i32
      %dma_start3A_302 = tpu.memref_slice %arg9[%dma_start3A_299, %dma_start3A_300, %dma_start3A_301] : memref<5x125x32xf32, #tpu.memory_space<vmem>> -> memref<1x125x32xf32, #tpu.memory_space<vmem>>
      %dma_start3A_303 = tpu.memref_squeeze %dma_start3A_302 : memref<1x125x32xf32, #tpu.memory_space<vmem>> -> memref<125x32xf32, #tpu.memory_space<vmem>>
      %dma_start3A_304 = arith.constant 0 : i32
      %dma_start3A_305 = tpu.memref_slice %arg8[%add3A_283, %dma_start3A_304] : memref<160x125xi32, #tpu.memory_space<vmem>> -> memref<1x125xi32, #tpu.memory_space<vmem>>
      %dma_start3A_306 = tpu.memref_squeeze %dma_start3A_305 : memref<1x125xi32, #tpu.memory_space<vmem>> -> memref<125xi32, #tpu.memory_space<vmem>>
      %dma_start3A_307 = arith.constant 0 : i32
      %dma_start3A_308 = arith.constant 0 : i32
      %dma_start3A_309 = tpu.memref_slice %arg10[%dma_start3A_307, %dma_start3A_308] : memref<10240x32xf32, #tpu.memory_space<vmem_shared>> -> memref<10240x32xf32, #tpu.memory_space<vmem_shared>>
      tpu.enqueue_indirect_dma source(%dma_start3A_303 : memref<125x32xf32, #tpu.memory_space<vmem>>) target(%dma_start3A_309 : memref<10240x32xf32, #tpu.memory_space<vmem_shared>>) offsets(%dma_start3A_306 : memref<125xi32, #tpu.memory_space<vmem>>) semaphore(%arg20 : memref<!tpu.dma_semaphore, #tpu.memory_space<semaphore_mem>>) {add = true}
      %add3A_310 = arith.constant 4 : i32
      %add3A_311 = arith.addi %add3A_283, %add3A_310 : i32
      %lt3A_312 = arith.constant 160 : i32
      %lt3A_313 = arith.cmpi slt, %add3A_311, %lt3A_312 : i32
      %convert_element_type3A_314 = arith.extui %lt3A_313 : i1 to i32
      %cond3A_315 = arith.constant 0 : i32
      %cond3A_316 = arith.cmpi ne, %convert_element_type3A_314, %cond3A_315 : i32
      scf.if %cond3A_316 {
        %ge3A = arith.constant 5 : i32
        %ge3A_318 = arith.cmpi sge, %add3A_311, %ge3A : i32
        %convert_element_type3A_319 = arith.extui %ge3A_318 : i1 to i32
        %cond3A_320 = arith.constant 0 : i32
        %cond3A_321 = arith.cmpi ne, %convert_element_type3A_319, %cond3A_320 : i32
        scf.if %cond3A_321 {
          %sub3A = arith.constant 5 : i32
          %sub3A_337 = arith.subi %add3A_311, %sub3A : i32
          %dma_wait3A_338 = arith.constant 3 : i32
          %dma_wait3A_339 = arith.constant 0 : i32
          %dma_wait3A_340 = arith.constant 0 : i32
          %dma_wait3A_341 = tpu.memref_slice %arg9[%dma_wait3A_338, %dma_wait3A_339, %dma_wait3A_340] : memref<5x125x32xf32, #tpu.memory_space<vmem>> -> memref<1x125x32xf32, #tpu.memory_space<vmem>>
          %dma_wait3A_342 = tpu.memref_squeeze %dma_wait3A_341 : memref<1x125x32xf32, #tpu.memory_space<vmem>> -> memref<125x32xf32, #tpu.memory_space<vmem>>
          %dma_wait3A_343 = arith.constant 0 : i32
          %dma_wait3A_344 = tpu.memref_slice %arg8[%sub3A_337, %dma_wait3A_343] : memref<160x125xi32, #tpu.memory_space<vmem>> -> memref<1x125xi32, #tpu.memory_space<vmem>>
          %dma_wait3A_345 = tpu.memref_squeeze %dma_wait3A_344 : memref<1x125xi32, #tpu.memory_space<vmem>> -> memref<125xi32, #tpu.memory_space<vmem>>
          %dma_wait3A_346 = arith.constant 0 : i32
          %dma_wait3A_347 = arith.constant 0 : i32
          %dma_wait3A_348 = tpu.memref_slice %arg10[%dma_wait3A_346, %dma_wait3A_347] : memref<10240x32xf32, #tpu.memory_space<vmem_shared>> -> memref<10240x32xf32, #tpu.memory_space<vmem_shared>>
          tpu.wait_indirect_dma semaphore(%arg19 : memref<!tpu.dma_semaphore, #tpu.memory_space<semaphore_mem>>) src(%dma_wait3A_342 : memref<125x32xf32, #tpu.memory_space<vmem>>) dst(%dma_wait3A_348 : memref<10240x32xf32, #tpu.memory_space<vmem_shared>>)
        } else {
        }
        %dma_start3A_322 = arith.constant 3 : i32
        %dma_start3A_323 = arith.constant 0 : i32
        %dma_start3A_324 = arith.constant 0 : i32
        %dma_start3A_325 = tpu.memref_slice %arg9[%dma_start3A_322, %dma_start3A_323, %dma_start3A_324] : memref<5x125x32xf32, #tpu.memory_space<vmem>> -> memref<1x125x32xf32, #tpu.memory_space<vmem>>
        %dma_start3A_326 = tpu.memref_squeeze %dma_start3A_325 : memref<1x125x32xf32, #tpu.memory_space<vmem>> -> memref<125x32xf32, #tpu.memory_space<vmem>>
        %dma_start3A_327 = arith.constant 0 : i32
        %dma_start3A_328 = tpu.memref_slice %arg7[%add3A_311, %dma_start3A_327] : memref<160x125xi32, #tpu.memory_space<vmem>> -> memref<1x125xi32, #tpu.memory_space<vmem>>
        %dma_start3A_329 = tpu.memref_squeeze %dma_start3A_328 : memref<1x125xi32, #tpu.memory_space<vmem>> -> memref<125xi32, #tpu.memory_space<vmem>>
        %dma_start3A_330 = arith.constant 0 : i32
        %dma_start3A_331 = arith.constant 0 : i32
        %dma_start3A_332 = tpu.memref_slice %arg2[%arg0, %dma_start3A_330, %dma_start3A_331] : memref<2x10000x32xf32, #tpu.memory_space<hbm>> -> memref<1x10000x32xf32, #tpu.memory_space<hbm>>
        %dma_start3A_333 = tpu.memref_squeeze %dma_start3A_332 : memref<1x10000x32xf32, #tpu.memory_space<hbm>> -> memref<10000x32xf32, #tpu.memory_space<hbm>>
        %dma_start3A_334 = arith.constant 0 : i32
        %dma_start3A_335 = arith.constant 0 : i32
        %dma_start3A_336 = tpu.memref_slice %dma_start3A_333[%dma_start3A_334, %dma_start3A_335] : memref<10000x32xf32, #tpu.memory_space<hbm>> -> memref<10000x32xf32, #tpu.memory_space<hbm>>
        tpu.enqueue_indirect_dma source(%dma_start3A_336 : memref<10000x32xf32, #tpu.memory_space<hbm>>) target(%dma_start3A_326 : memref<125x32xf32, #tpu.memory_space<vmem>>) offsets(%dma_start3A_329 : memref<125xi32, #tpu.memory_space<vmem>>) semaphore(%arg14 : memref<!tpu.dma_semaphore, #tpu.memory_space<semaphore_mem>>)
      } else {
      }
      %scan3A_317 = arith.constant 0 : i32
      scf.yield %scan3A_317 : i32
    }
    %scan3A_69 = arith.constant 32 : i32
    %dma_wait3A = arith.constant 0 : i32
    %dma_wait3A_70 = arith.constant 155 : i32
    %dma_wait3A_71 = arith.constant 0 : i32
    %dma_wait3A_72 = arith.constant 0 : i32
    %dma_wait3A_73 = tpu.memref_slice %arg9[%dma_wait3A, %dma_wait3A_71, %dma_wait3A_72] : memref<5x125x32xf32, #tpu.memory_space<vmem>> -> memref<1x125x32xf32, #tpu.memory_space<vmem>>
    %dma_wait3A_74 = tpu.memref_squeeze %dma_wait3A_73 : memref<1x125x32xf32, #tpu.memory_space<vmem>> -> memref<125x32xf32, #tpu.memory_space<vmem>>
    %dma_wait3A_75 = arith.constant 0 : i32
    %dma_wait3A_76 = tpu.memref_slice %arg8[%dma_wait3A_70, %dma_wait3A_75] : memref<160x125xi32, #tpu.memory_space<vmem>> -> memref<1x125xi32, #tpu.memory_space<vmem>>
    %dma_wait3A_77 = tpu.memref_squeeze %dma_wait3A_76 : memref<1x125xi32, #tpu.memory_space<vmem>> -> memref<125xi32, #tpu.memory_space<vmem>>
    %dma_wait3A_78 = arith.constant 0 : i32
    %dma_wait3A_79 = arith.constant 0 : i32
    %dma_wait3A_80 = tpu.memref_slice %arg10[%dma_wait3A_78, %dma_wait3A_79] : memref<10240x32xf32, #tpu.memory_space<vmem_shared>> -> memref<10240x32xf32, #tpu.memory_space<vmem_shared>>
    tpu.wait_indirect_dma semaphore(%arg16 : memref<!tpu.dma_semaphore, #tpu.memory_space<semaphore_mem>>) src(%dma_wait3A_74 : memref<125x32xf32, #tpu.memory_space<vmem>>) dst(%dma_wait3A_80 : memref<10240x32xf32, #tpu.memory_space<vmem_shared>>)
    %dma_wait3A_81 = arith.constant 1 : i32
    %dma_wait3A_82 = arith.constant 156 : i32
    %dma_wait3A_83 = arith.constant 0 : i32
    %dma_wait3A_84 = arith.constant 0 : i32
    %dma_wait3A_85 = tpu.memref_slice %arg9[%dma_wait3A_81, %dma_wait3A_83, %dma_wait3A_84] : memref<5x125x32xf32, #tpu.memory_space<vmem>> -> memref<1x125x32xf32, #tpu.memory_space<vmem>>
    %dma_wait3A_86 = tpu.memref_squeeze %dma_wait3A_85 : memref<1x125x32xf32, #tpu.memory_space<vmem>> -> memref<125x32xf32, #tpu.memory_space<vmem>>
    %dma_wait3A_87 = arith.constant 0 : i32
    %dma_wait3A_88 = tpu.memref_slice %arg8[%dma_wait3A_82, %dma_wait3A_87] : memref<160x125xi32, #tpu.memory_space<vmem>> -> memref<1x125xi32, #tpu.memory_space<vmem>>
    %dma_wait3A_89 = tpu.memref_squeeze %dma_wait3A_88 : memref<1x125xi32, #tpu.memory_space<vmem>> -> memref<125xi32, #tpu.memory_space<vmem>>
    %dma_wait3A_90 = arith.constant 0 : i32
    %dma_wait3A_91 = arith.constant 0 : i32
    %dma_wait3A_92 = tpu.memref_slice %arg10[%dma_wait3A_90, %dma_wait3A_91] : memref<10240x32xf32, #tpu.memory_space<vmem_shared>> -> memref<10240x32xf32, #tpu.memory_space<vmem_shared>>
    tpu.wait_indirect_dma semaphore(%arg17 : memref<!tpu.dma_semaphore, #tpu.memory_space<semaphore_mem>>) src(%dma_wait3A_86 : memref<125x32xf32, #tpu.memory_space<vmem>>) dst(%dma_wait3A_92 : memref<10240x32xf32, #tpu.memory_space<vmem_shared>>)
    %dma_wait3A_93 = arith.constant 2 : i32
    %dma_wait3A_94 = arith.constant 157 : i32
    %dma_wait3A_95 = arith.constant 0 : i32
    %dma_wait3A_96 = arith.constant 0 : i32
    %dma_wait3A_97 = tpu.memref_slice %arg9[%dma_wait3A_93, %dma_wait3A_95, %dma_wait3A_96] : memref<5x125x32xf32, #tpu.memory_space<vmem>> -> memref<1x125x32xf32, #tpu.memory_space<vmem>>
    %dma_wait3A_98 = tpu.memref_squeeze %dma_wait3A_97 : memref<1x125x32xf32, #tpu.memory_space<vmem>> -> memref<125x32xf32, #tpu.memory_space<vmem>>
    %dma_wait3A_99 = arith.constant 0 : i32
    %dma_wait3A_100 = tpu.memref_slice %arg8[%dma_wait3A_94, %dma_wait3A_99] : memref<160x125xi32, #tpu.memory_space<vmem>> -> memref<1x125xi32, #tpu.memory_space<vmem>>
    %dma_wait3A_101 = tpu.memref_squeeze %dma_wait3A_100 : memref<1x125xi32, #tpu.memory_space<vmem>> -> memref<125xi32, #tpu.memory_space<vmem>>
    %dma_wait3A_102 = arith.constant 0 : i32
    %dma_wait3A_103 = arith.constant 0 : i32
    %dma_wait3A_104 = tpu.memref_slice %arg10[%dma_wait3A_102, %dma_wait3A_103] : memref<10240x32xf32, #tpu.memory_space<vmem_shared>> -> memref<10240x32xf32, #tpu.memory_space<vmem_shared>>
    tpu.wait_indirect_dma semaphore(%arg18 : memref<!tpu.dma_semaphore, #tpu.memory_space<semaphore_mem>>) src(%dma_wait3A_98 : memref<125x32xf32, #tpu.memory_space<vmem>>) dst(%dma_wait3A_104 : memref<10240x32xf32, #tpu.memory_space<vmem_shared>>)
    %dma_wait3A_105 = arith.constant 3 : i32
    %dma_wait3A_106 = arith.constant 158 : i32
    %dma_wait3A_107 = arith.constant 0 : i32
    %dma_wait3A_108 = arith.constant 0 : i32
    %dma_wait3A_109 = tpu.memref_slice %arg9[%dma_wait3A_105, %dma_wait3A_107, %dma_wait3A_108] : memref<5x125x32xf32, #tpu.memory_space<vmem>> -> memref<1x125x32xf32, #tpu.memory_space<vmem>>
    %dma_wait3A_110 = tpu.memref_squeeze %dma_wait3A_109 : memref<1x125x32xf32, #tpu.memory_space<vmem>> -> memref<125x32xf32, #tpu.memory_space<vmem>>
    %dma_wait3A_111 = arith.constant 0 : i32
    %dma_wait3A_112 = tpu.memref_slice %arg8[%dma_wait3A_106, %dma_wait3A_111] : memref<160x125xi32, #tpu.memory_space<vmem>> -> memref<1x125xi32, #tpu.memory_space<vmem>>
    %dma_wait3A_113 = tpu.memref_squeeze %dma_wait3A_112 : memref<1x125xi32, #tpu.memory_space<vmem>> -> memref<125xi32, #tpu.memory_space<vmem>>
    %dma_wait3A_114 = arith.constant 0 : i32
    %dma_wait3A_115 = arith.constant 0 : i32
    %dma_wait3A_116 = tpu.memref_slice %arg10[%dma_wait3A_114, %dma_wait3A_115] : memref<10240x32xf32, #tpu.memory_space<vmem_shared>> -> memref<10240x32xf32, #tpu.memory_space<vmem_shared>>
    tpu.wait_indirect_dma semaphore(%arg19 : memref<!tpu.dma_semaphore, #tpu.memory_space<semaphore_mem>>) src(%dma_wait3A_110 : memref<125x32xf32, #tpu.memory_space<vmem>>) dst(%dma_wait3A_116 : memref<10240x32xf32, #tpu.memory_space<vmem_shared>>)
    %dma_wait3A_117 = arith.constant 4 : i32
    %dma_wait3A_118 = arith.constant 159 : i32
    %dma_wait3A_119 = arith.constant 0 : i32
    %dma_wait3A_120 = arith.constant 0 : i32
    %dma_wait3A_121 = tpu.memref_slice %arg9[%dma_wait3A_117, %dma_wait3A_119, %dma_wait3A_120] : memref<5x125x32xf32, #tpu.memory_space<vmem>> -> memref<1x125x32xf32, #tpu.memory_space<vmem>>
    %dma_wait3A_122 = tpu.memref_squeeze %dma_wait3A_121 : memref<1x125x32xf32, #tpu.memory_space<vmem>> -> memref<125x32xf32, #tpu.memory_space<vmem>>
    %dma_wait3A_123 = arith.constant 0 : i32
    %dma_wait3A_124 = tpu.memref_slice %arg8[%dma_wait3A_118, %dma_wait3A_123] : memref<160x125xi32, #tpu.memory_space<vmem>> -> memref<1x125xi32, #tpu.memory_space<vmem>>
    %dma_wait3A_125 = tpu.memref_squeeze %dma_wait3A_124 : memref<1x125xi32, #tpu.memory_space<vmem>> -> memref<125xi32, #tpu.memory_space<vmem>>
    %dma_wait3A_126 = arith.constant 0 : i32
    %dma_wait3A_127 = arith.constant 0 : i32
    %dma_wait3A_128 = tpu.memref_slice %arg10[%dma_wait3A_126, %dma_wait3A_127] : memref<10240x32xf32, #tpu.memory_space<vmem_shared>> -> memref<10240x32xf32, #tpu.memory_space<vmem_shared>>
    tpu.wait_indirect_dma semaphore(%arg20 : memref<!tpu.dma_semaphore, #tpu.memory_space<semaphore_mem>>) src(%dma_wait3A_122 : memref<125x32xf32, #tpu.memory_space<vmem>>) dst(%dma_wait3A_128 : memref<10240x32xf32, #tpu.memory_space<vmem_shared>>)
    %barrier3A_129 = arith.constant 0 : index
    tpu.barrier barrier_id(%barrier3A_129)
    %mul3A_130 = arith.constant 640 : i32
    %mul3A_131 = arith.muli %arg1, %mul3A_130 : i32
    %mul3A_132 = arith.constant 640 : i32
    %mul3A_133 = arith.muli %arg1, %mul3A_132 : i32
    "tpu.region"() ({
      %run_scoped3A = tpu.sem_alloc : memref<!tpu.dma_semaphore, #tpu.memory_space<semaphore_mem>>
      %dma_start3A_134 = arith.constant 0 : i32
      %dma_start3A_135 = tpu.memref_slice %arg6[%arg0, %mul3A_133, %dma_start3A_134] : memref<2x10240x32xf32, #tpu.memory_space<hbm>> -> memref<1x640x32xf32, #tpu.memory_space<hbm>>
      %dma_start3A_136 = tpu.memref_squeeze %dma_start3A_135 : memref<1x640x32xf32, #tpu.memory_space<hbm>> -> memref<640x32xf32, #tpu.memory_space<hbm>>
      %dma_start3A_137 = arith.constant 0 : i32
      %dma_start3A_138 = tpu.memref_slice %arg10[%mul3A_131, %dma_start3A_137] : memref<10240x32xf32, #tpu.memory_space<vmem_shared>> -> memref<640x32xf32, #tpu.memory_space<vmem_shared>>
      tpu.enqueue_dma source(%dma_start3A_138 : memref<640x32xf32, #tpu.memory_space<vmem_shared>>) target(%dma_start3A_136 : memref<640x32xf32, #tpu.memory_space<hbm>>) target_semaphore(%run_scoped3A : memref<!tpu.dma_semaphore, #tpu.memory_space<semaphore_mem>>)
      %dma_wait3A_139 = arith.constant 0 : i32
      %dma_wait3A_140 = tpu.memref_slice %arg6[%arg0, %mul3A_133, %dma_wait3A_139] : memref<2x10240x32xf32, #tpu.memory_space<hbm>> -> memref<1x640x32xf32, #tpu.memory_space<hbm>>
      %dma_wait3A_141 = tpu.memref_squeeze %dma_wait3A_140 : memref<1x640x32xf32, #tpu.memory_space<hbm>> -> memref<640x32xf32, #tpu.memory_space<hbm>>
      %dma_wait3A_142 = arith.constant 0 : i32
      %dma_wait3A_143 = tpu.memref_slice %arg10[%mul3A_131, %dma_wait3A_142] : memref<10240x32xf32, #tpu.memory_space<vmem_shared>> -> memref<640x32xf32, #tpu.memory_space<vmem_shared>>
      tpu.wait_dma2 semaphore(%run_scoped3A : memref<!tpu.dma_semaphore, #tpu.memory_space<semaphore_mem>>) src(%dma_wait3A_143 : memref<640x32xf32, #tpu.memory_space<vmem_shared>>) dst(%dma_wait3A_141 : memref<640x32xf32, #tpu.memory_space<hbm>>)
      tpu.yield
    }) : () -> ()
    return
  }
}

module attributes {stable_mosaic.version = 14 : i64} {
  func.func @_mm_body(%arg0: i32, %arg1: memref<2000x128xf32, #tpu.memory_space<vmem>>, %arg2: memref<2x64x128xf32, #tpu.memory_space<vmem>>, %arg3: memref<2x2000x64xf32, #tpu.memory_space<vmem>>) attributes {dimension_semantics = [#tpu.dimension_semantics<arbitrary>], iteration_bounds = array<i64: 5>, scalar_prefetch = 0 : i64, scratch_operands = 0 : i64, tpu.core_type = #tpu.core_type<tc>, window_params = [{transform_indices = @transform_0, window_bounds = array<i64: 2000, 128>}, {pipeline_mode = #tpu.pipeline_mode<synchronous>, transform_indices = @transform_1, window_bounds = array<i64: 2, 64, 128>}, {transform_indices = @transform_2, window_bounds = array<i64: 2, 2000, 64>}]} {
    %get3A = arith.constant 0 : index
    %get3A_0 = arith.constant 0 : index
    %get3A_1 = vector.load %arg1[%get3A, %get3A_0] : memref<2000x128xf32, #tpu.memory_space<vmem>>, vector<2000x128xf32>
    %get3A_2 = arith.constant 0 : index
    %get3A_3 = arith.constant 0 : index
    %get3A_4 = arith.constant 0 : index
    %get3A_5 = vector.load %arg2[%get3A_2, %get3A_3, %get3A_4] : memref<2x64x128xf32, #tpu.memory_space<vmem>>, vector<1x64x128xf32>
    %get3A_6 = vector.shape_cast %get3A_5 : vector<1x64x128xf32> to vector<64x128xf32>
    %dot_general3A = arith.constant dense<0.000000e+00> : vector<2000x64xf32>
    %dot_general3A_7 = tpu.matmul %get3A_1, %get3A_6, %dot_general3A {dimension_numbers = #tpu.dot_dimension_numbers<[1], [1], [0], [0], [0, 0, 1, 0], [], []>, transpose_lhs_hint = false} : vector<2000x128xf32>, vector<64x128xf32>, vector<2000x64xf32> -> vector<2000x64xf32>
    %swap3A = arith.constant 0 : index
    %swap3A_8 = arith.constant 0 : index
    %swap3A_9 = arith.constant 0 : index
    %swap3A_10 = vector.load %arg3[%swap3A, %swap3A_8, %swap3A_9] : memref<2x2000x64xf32, #tpu.memory_space<vmem>>, vector<1x2000x64xf32>
    %swap3A_11 = vector.shape_cast %swap3A_10 : vector<1x2000x64xf32> to vector<2000x64xf32>
    %swap3A_12 = vector.shape_cast %dot_general3A_7 : vector<2000x64xf32> to vector<1x2000x64xf32>
    tpu.vector_store %arg3[%swap3A, %swap3A_8, %swap3A_9], %swap3A_12 {strides = array<i32>} : memref<2x2000x64xf32, #tpu.memory_space<vmem>>, vector<1x2000x64xf32>,
    %get3A_13 = arith.constant 1 : index
    %get3A_14 = arith.constant 0 : index
    %get3A_15 = arith.constant 0 : index
    %get3A_16 = vector.load %arg2[%get3A_13, %get3A_14, %get3A_15] : memref<2x64x128xf32, #tpu.memory_space<vmem>>, vector<1x64x128xf32>
    %get3A_17 = vector.shape_cast %get3A_16 : vector<1x64x128xf32> to vector<64x128xf32>
    %dot_general3A_18 = arith.constant dense<0.000000e+00> : vector<2000x64xf32>
    %dot_general3A_19 = tpu.matmul %get3A_1, %get3A_17, %dot_general3A_18 {dimension_numbers = #tpu.dot_dimension_numbers<[1], [1], [0], [0], [0, 0, 1, 0], [], []>, transpose_lhs_hint = false} : vector<2000x128xf32>, vector<64x128xf32>, vector<2000x64xf32> -> vector<2000x64xf32>
    %swap3A_20 = arith.constant 1 : index
    %swap3A_21 = arith.constant 0 : index
    %swap3A_22 = arith.constant 0 : index
    %swap3A_23 = vector.load %arg3[%swap3A_20, %swap3A_21, %swap3A_22] : memref<2x2000x64xf32, #tpu.memory_space<vmem>>, vector<1x2000x64xf32>
    %swap3A_24 = vector.shape_cast %swap3A_23 : vector<1x2000x64xf32> to vector<2000x64xf32>
    %swap3A_25 = vector.shape_cast %dot_general3A_19 : vector<2000x64xf32> to vector<1x2000x64xf32>
    tpu.vector_store %arg3[%swap3A_20, %swap3A_21, %swap3A_22], %swap3A_25 {strides = array<i32>} : memref<2x2000x64xf32, #tpu.memory_space<vmem>>, vector<1x2000x64xf32>,
    return
  }
  func.func @transform_0(%arg0: i32) -> (i32, i32) {
    %c0_i32 = arith.constant 0 : i32
    %c0_i32_0 = arith.constant 0 : i32
    return %arg0, %c0_i32 : i32, i32
  }
  func.func @transform_1(%arg0: i32) -> (i32, i32, i32) {
    %c0_i32 = arith.constant 0 : i32
    %c0_i32_0 = arith.constant 0 : i32
    %c0_i32_1 = arith.constant 0 : i32
    %c0_i32_2 = arith.constant 0 : i32
    return %c0_i32, %c0_i32_0, %c0_i32_1 : i32, i32, i32
  }
  func.func @transform_2(%arg0: i32) -> (i32, i32, i32) {
    %c0_i32 = arith.constant 0 : i32
    %c0_i32_0 = arith.constant 0 : i32
    %c0_i32_1 = arith.constant 0 : i32
    return %c0_i32, %arg0, %c0_i32_0 : i32, i32, i32
  }
}

module attributes {stable_mosaic.version = 14 : i64} {
  func.func @_fused_body(%arg0: i32, %arg1: memref<1x2000x64xf32, #tpu.memory_space<vmem>>, %arg2: memref<1x2000x64xf32, #tpu.memory_space<vmem>>, %arg3: memref<1x2000x64xf32, #tpu.memory_space<vmem>>, %arg4: memref<1x2000x64xf32, #tpu.memory_space<vmem>>, %arg5: memref<1x128xf32, #tpu.memory_space<vmem>>, %arg6: memref<2x64x128xf32, #tpu.memory_space<vmem>>, %arg7: memref<2x2000x64xf32, #tpu.memory_space<vmem>>) attributes {dimension_semantics = [#tpu.dimension_semantics<arbitrary>], iteration_bounds = array<i64: 5>, scalar_prefetch = 0 : i64, scratch_operands = 0 : i64, tpu.core_type = #tpu.core_type<tc>, window_params = [{transform_indices = @transform_0, window_bounds = array<i64: 1, 2000, 64>}, {transform_indices = @transform_1, window_bounds = array<i64: 1, 2000, 64>}, {transform_indices = @transform_2, window_bounds = array<i64: 1, 2000, 64>}, {transform_indices = @transform_3, window_bounds = array<i64: 1, 2000, 64>}, {pipeline_mode = #tpu.pipeline_mode<synchronous>, transform_indices = @transform_4, window_bounds = array<i64: 1, 128>}, {pipeline_mode = #tpu.pipeline_mode<synchronous>, transform_indices = @transform_5, window_bounds = array<i64: 2, 64, 128>}, {transform_indices = @transform_6, window_bounds = array<i64: 2, 2000, 64>}]} {
    %get3A = arith.constant 0 : index
    %get3A_0 = arith.constant 0 : index
    %get3A_1 = arith.constant 0 : index
    %get3A_2 = vector.load %arg1[%get3A, %get3A_0, %get3A_1] : memref<1x2000x64xf32, #tpu.memory_space<vmem>>, vector<1x2000x64xf32>
    %get3A_3 = vector.shape_cast %get3A_2 : vector<1x2000x64xf32> to vector<2000x64xf32>
    %get3A_4 = arith.constant 0 : index
    %get3A_5 = arith.constant 0 : index
    %get3A_6 = arith.constant 0 : index
    %get3A_7 = vector.load %arg3[%get3A_4, %get3A_5, %get3A_6] : memref<1x2000x64xf32, #tpu.memory_space<vmem>>, vector<1x2000x64xf32>
    %get3A_8 = vector.shape_cast %get3A_7 : vector<1x2000x64xf32> to vector<2000x64xf32>
    %add3A = arith.addf %get3A_3, %get3A_8 : vector<2000x64xf32>
    %get3A_9 = arith.constant 0 : index
    %get3A_10 = arith.constant 0 : index
    %get3A_11 = arith.constant 0 : index
    %get3A_12 = vector.load %arg2[%get3A_9, %get3A_10, %get3A_11] : memref<1x2000x64xf32, #tpu.memory_space<vmem>>, vector<1x2000x64xf32>
    %get3A_13 = vector.shape_cast %get3A_12 : vector<1x2000x64xf32> to vector<2000x64xf32>
    %get3A_14 = arith.constant 0 : index
    %get3A_15 = arith.constant 0 : index
    %get3A_16 = arith.constant 0 : index
    %get3A_17 = vector.load %arg4[%get3A_14, %get3A_15, %get3A_16] : memref<1x2000x64xf32, #tpu.memory_space<vmem>>, vector<1x2000x64xf32>
    %get3A_18 = vector.shape_cast %get3A_17 : vector<1x2000x64xf32> to vector<2000x64xf32>
    %add3A_19 = arith.addf %get3A_13, %get3A_18 : vector<2000x64xf32>
    %concatenate3A = tpu.concatenate %add3A, %add3A_19 in 1 : vector<2000x64xf32>, vector<2000x64xf32> -> vector<2000x128xf32>
    %get3A_20 = arith.constant 0 : index
    %get3A_21 = arith.constant 0 : index
    %get3A_22 = vector.load %arg5[%get3A_20, %get3A_21] : memref<1x128xf32, #tpu.memory_space<vmem>>, vector<1x128xf32>
    %add3A_23 = vector.broadcast %get3A_22 : vector<1x128xf32> to vector<2000x128xf32>
    %add3A_24 = arith.addf %concatenate3A, %add3A_23 : vector<2000x128xf32>
    %max3A = arith.constant 0.000000e+00 : f32
    %max3A_25 = vector.broadcast %max3A : f32 to vector<2000x128xf32>
    %max3A_26 = arith.maximumf %add3A_24, %max3A_25 : vector<2000x128xf32>
    %get3A_27 = arith.constant 0 : index
    %get3A_28 = arith.constant 0 : index
    %get3A_29 = arith.constant 0 : index
    %get3A_30 = vector.load %arg6[%get3A_27, %get3A_28, %get3A_29] : memref<2x64x128xf32, #tpu.memory_space<vmem>>, vector<1x64x128xf32>
    %get3A_31 = vector.shape_cast %get3A_30 : vector<1x64x128xf32> to vector<64x128xf32>
    %dot_general3A = arith.constant dense<0.000000e+00> : vector<2000x64xf32>
    %dot_general3A_32 = tpu.matmul %max3A_26, %get3A_31, %dot_general3A {dimension_numbers = #tpu.dot_dimension_numbers<[1], [1], [0], [0], [0, 0, 1, 0], [], []>, transpose_lhs_hint = false} : vector<2000x128xf32>, vector<64x128xf32>, vector<2000x64xf32> -> vector<2000x64xf32>
    %swap3A = arith.constant 0 : index
    %swap3A_33 = arith.constant 0 : index
    %swap3A_34 = arith.constant 0 : index
    %swap3A_35 = vector.load %arg7[%swap3A, %swap3A_33, %swap3A_34] : memref<2x2000x64xf32, #tpu.memory_space<vmem>>, vector<1x2000x64xf32>
    %swap3A_36 = vector.shape_cast %swap3A_35 : vector<1x2000x64xf32> to vector<2000x64xf32>
    %swap3A_37 = vector.shape_cast %dot_general3A_32 : vector<2000x64xf32> to vector<1x2000x64xf32>
    tpu.vector_store %arg7[%swap3A, %swap3A_33, %swap3A_34], %swap3A_37 {strides = array<i32>} : memref<2x2000x64xf32, #tpu.memory_space<vmem>>, vector<1x2000x64xf32>,
    %get3A_38 = arith.constant 1 : index
    %get3A_39 = arith.constant 0 : index
    %get3A_40 = arith.constant 0 : index
    %get3A_41 = vector.load %arg6[%get3A_38, %get3A_39, %get3A_40] : memref<2x64x128xf32, #tpu.memory_space<vmem>>, vector<1x64x128xf32>
    %get3A_42 = vector.shape_cast %get3A_41 : vector<1x64x128xf32> to vector<64x128xf32>
    %dot_general3A_43 = arith.constant dense<0.000000e+00> : vector<2000x64xf32>
    %dot_general3A_44 = tpu.matmul %max3A_26, %get3A_42, %dot_general3A_43 {dimension_numbers = #tpu.dot_dimension_numbers<[1], [1], [0], [0], [0, 0, 1, 0], [], []>, transpose_lhs_hint = false} : vector<2000x128xf32>, vector<64x128xf32>, vector<2000x64xf32> -> vector<2000x64xf32>
    %swap3A_45 = arith.constant 1 : index
    %swap3A_46 = arith.constant 0 : index
    %swap3A_47 = arith.constant 0 : index
    %swap3A_48 = vector.load %arg7[%swap3A_45, %swap3A_46, %swap3A_47] : memref<2x2000x64xf32, #tpu.memory_space<vmem>>, vector<1x2000x64xf32>
    %swap3A_49 = vector.shape_cast %swap3A_48 : vector<1x2000x64xf32> to vector<2000x64xf32>
    %swap3A_50 = vector.shape_cast %dot_general3A_44 : vector<2000x64xf32> to vector<1x2000x64xf32>
    tpu.vector_store %arg7[%swap3A_45, %swap3A_46, %swap3A_47], %swap3A_50 {strides = array<i32>} : memref<2x2000x64xf32, #tpu.memory_space<vmem>>, vector<1x2000x64xf32>,
    return
  }
  func.func @transform_0(%arg0: i32) -> (i32, i32, i32) {
    %c0_i32 = arith.constant 0 : i32
    %c0_i32_0 = arith.constant 0 : i32
    %c0_i32_1 = arith.constant 0 : i32
    return %c0_i32, %arg0, %c0_i32_0 : i32, i32, i32
  }
  func.func @transform_1(%arg0: i32) -> (i32, i32, i32) {
    %c1_i32 = arith.constant 1 : i32
    %c0_i32 = arith.constant 0 : i32
    %c0_i32_0 = arith.constant 0 : i32
    return %c1_i32, %arg0, %c0_i32 : i32, i32, i32
  }
  func.func @transform_2(%arg0: i32) -> (i32, i32, i32) {
    %c0_i32 = arith.constant 0 : i32
    %c0_i32_0 = arith.constant 0 : i32
    %c0_i32_1 = arith.constant 0 : i32
    return %c0_i32, %arg0, %c0_i32_0 : i32, i32, i32
  }
  func.func @transform_3(%arg0: i32) -> (i32, i32, i32) {
    %c1_i32 = arith.constant 1 : i32
    %c0_i32 = arith.constant 0 : i32
    %c0_i32_0 = arith.constant 0 : i32
    return %c1_i32, %arg0, %c0_i32 : i32, i32, i32
  }
  func.func @transform_4(%arg0: i32) -> (i32, i32) {
    %c0_i32 = arith.constant 0 : i32
    %c0_i32_0 = arith.constant 0 : i32
    %c0_i32_1 = arith.constant 0 : i32
    return %c0_i32, %c0_i32_0 : i32, i32
  }
  func.func @transform_5(%arg0: i32) -> (i32, i32, i32) {
    %c0_i32 = arith.constant 0 : i32
    %c0_i32_0 = arith.constant 0 : i32
    %c0_i32_1 = arith.constant 0 : i32
    %c0_i32_2 = arith.constant 0 : i32
    return %c0_i32, %c0_i32_0, %c0_i32_1 : i32, i32, i32
  }
  func.func @transform_6(%arg0: i32) -> (i32, i32, i32) {
    %c0_i32 = arith.constant 0 : i32
    %c0_i32_0 = arith.constant 0 : i32
    %c0_i32_1 = arith.constant 0 : i32
    return %c0_i32, %arg0, %c0_i32_0 : i32, i32, i32
  }
}

module attributes {stable_mosaic.version = 14 : i64} {
  func.func @_fused_body(%arg0: i32, %arg1: memref<1x2000x64xf32, #tpu.memory_space<vmem>>, %arg2: memref<1x2000x64xf32, #tpu.memory_space<vmem>>, %arg3: memref<1x2000x64xf32, #tpu.memory_space<vmem>>, %arg4: memref<1x2000x64xf32, #tpu.memory_space<vmem>>, %arg5: memref<1x128xf32, #tpu.memory_space<vmem>>, %arg6: memref<2x32x128xf32, #tpu.memory_space<vmem>>, %arg7: memref<2x2000x32xf32, #tpu.memory_space<vmem>>) attributes {dimension_semantics = [#tpu.dimension_semantics<arbitrary>], iteration_bounds = array<i64: 5>, scalar_prefetch = 0 : i64, scratch_operands = 0 : i64, tpu.core_type = #tpu.core_type<tc>, window_params = [{transform_indices = @transform_0, window_bounds = array<i64: 1, 2000, 64>}, {transform_indices = @transform_1, window_bounds = array<i64: 1, 2000, 64>}, {transform_indices = @transform_2, window_bounds = array<i64: 1, 2000, 64>}, {transform_indices = @transform_3, window_bounds = array<i64: 1, 2000, 64>}, {pipeline_mode = #tpu.pipeline_mode<synchronous>, transform_indices = @transform_4, window_bounds = array<i64: 1, 128>}, {pipeline_mode = #tpu.pipeline_mode<synchronous>, transform_indices = @transform_5, window_bounds = array<i64: 2, 32, 128>}, {transform_indices = @transform_6, window_bounds = array<i64: 2, 2000, 32>}]} {
    %get3A = arith.constant 0 : index
    %get3A_0 = arith.constant 0 : index
    %get3A_1 = arith.constant 0 : index
    %get3A_2 = vector.load %arg1[%get3A, %get3A_0, %get3A_1] : memref<1x2000x64xf32, #tpu.memory_space<vmem>>, vector<1x2000x64xf32>
    %get3A_3 = vector.shape_cast %get3A_2 : vector<1x2000x64xf32> to vector<2000x64xf32>
    %get3A_4 = arith.constant 0 : index
    %get3A_5 = arith.constant 0 : index
    %get3A_6 = arith.constant 0 : index
    %get3A_7 = vector.load %arg3[%get3A_4, %get3A_5, %get3A_6] : memref<1x2000x64xf32, #tpu.memory_space<vmem>>, vector<1x2000x64xf32>
    %get3A_8 = vector.shape_cast %get3A_7 : vector<1x2000x64xf32> to vector<2000x64xf32>
    %add3A = arith.addf %get3A_3, %get3A_8 : vector<2000x64xf32>
    %get3A_9 = arith.constant 0 : index
    %get3A_10 = arith.constant 0 : index
    %get3A_11 = arith.constant 0 : index
    %get3A_12 = vector.load %arg2[%get3A_9, %get3A_10, %get3A_11] : memref<1x2000x64xf32, #tpu.memory_space<vmem>>, vector<1x2000x64xf32>
    %get3A_13 = vector.shape_cast %get3A_12 : vector<1x2000x64xf32> to vector<2000x64xf32>
    %get3A_14 = arith.constant 0 : index
    %get3A_15 = arith.constant 0 : index
    %get3A_16 = arith.constant 0 : index
    %get3A_17 = vector.load %arg4[%get3A_14, %get3A_15, %get3A_16] : memref<1x2000x64xf32, #tpu.memory_space<vmem>>, vector<1x2000x64xf32>
    %get3A_18 = vector.shape_cast %get3A_17 : vector<1x2000x64xf32> to vector<2000x64xf32>
    %add3A_19 = arith.addf %get3A_13, %get3A_18 : vector<2000x64xf32>
    %concatenate3A = tpu.concatenate %add3A, %add3A_19 in 1 : vector<2000x64xf32>, vector<2000x64xf32> -> vector<2000x128xf32>
    %get3A_20 = arith.constant 0 : index
    %get3A_21 = arith.constant 0 : index
    %get3A_22 = vector.load %arg5[%get3A_20, %get3A_21] : memref<1x128xf32, #tpu.memory_space<vmem>>, vector<1x128xf32>
    %add3A_23 = vector.broadcast %get3A_22 : vector<1x128xf32> to vector<2000x128xf32>
    %add3A_24 = arith.addf %concatenate3A, %add3A_23 : vector<2000x128xf32>
    %max3A = arith.constant 0.000000e+00 : f32
    %max3A_25 = vector.broadcast %max3A : f32 to vector<2000x128xf32>
    %max3A_26 = arith.maximumf %add3A_24, %max3A_25 : vector<2000x128xf32>
    %get3A_27 = arith.constant 0 : index
    %get3A_28 = arith.constant 0 : index
    %get3A_29 = arith.constant 0 : index
    %get3A_30 = vector.load %arg6[%get3A_27, %get3A_28, %get3A_29] : memref<2x32x128xf32, #tpu.memory_space<vmem>>, vector<1x32x128xf32>
    %get3A_31 = vector.shape_cast %get3A_30 : vector<1x32x128xf32> to vector<32x128xf32>
    %dot_general3A = arith.constant dense<0.000000e+00> : vector<2000x32xf32>
    %dot_general3A_32 = tpu.matmul %max3A_26, %get3A_31, %dot_general3A {dimension_numbers = #tpu.dot_dimension_numbers<[1], [1], [0], [0], [0, 0, 1, 0], [], []>, transpose_lhs_hint = false} : vector<2000x128xf32>, vector<32x128xf32>, vector<2000x32xf32> -> vector<2000x32xf32>
    %swap3A = arith.constant 0 : index
    %swap3A_33 = arith.constant 0 : index
    %swap3A_34 = arith.constant 0 : index
    %swap3A_35 = vector.load %arg7[%swap3A, %swap3A_33, %swap3A_34] : memref<2x2000x32xf32, #tpu.memory_space<vmem>>, vector<1x2000x32xf32>
    %swap3A_36 = vector.shape_cast %swap3A_35 : vector<1x2000x32xf32> to vector<2000x32xf32>
    %swap3A_37 = vector.shape_cast %dot_general3A_32 : vector<2000x32xf32> to vector<1x2000x32xf32>
    tpu.vector_store %arg7[%swap3A, %swap3A_33, %swap3A_34], %swap3A_37 {strides = array<i32>} : memref<2x2000x32xf32, #tpu.memory_space<vmem>>, vector<1x2000x32xf32>,
    %get3A_38 = arith.constant 1 : index
    %get3A_39 = arith.constant 0 : index
    %get3A_40 = arith.constant 0 : index
    %get3A_41 = vector.load %arg6[%get3A_38, %get3A_39, %get3A_40] : memref<2x32x128xf32, #tpu.memory_space<vmem>>, vector<1x32x128xf32>
    %get3A_42 = vector.shape_cast %get3A_41 : vector<1x32x128xf32> to vector<32x128xf32>
    %dot_general3A_43 = arith.constant dense<0.000000e+00> : vector<2000x32xf32>
    %dot_general3A_44 = tpu.matmul %max3A_26, %get3A_42, %dot_general3A_43 {dimension_numbers = #tpu.dot_dimension_numbers<[1], [1], [0], [0], [0, 0, 1, 0], [], []>, transpose_lhs_hint = false} : vector<2000x128xf32>, vector<32x128xf32>, vector<2000x32xf32> -> vector<2000x32xf32>
    %swap3A_45 = arith.constant 1 : index
    %swap3A_46 = arith.constant 0 : index
    %swap3A_47 = arith.constant 0 : index
    %swap3A_48 = vector.load %arg7[%swap3A_45, %swap3A_46, %swap3A_47] : memref<2x2000x32xf32, #tpu.memory_space<vmem>>, vector<1x2000x32xf32>
    %swap3A_49 = vector.shape_cast %swap3A_48 : vector<1x2000x32xf32> to vector<2000x32xf32>
    %swap3A_50 = vector.shape_cast %dot_general3A_44 : vector<2000x32xf32> to vector<1x2000x32xf32>
    tpu.vector_store %arg7[%swap3A_45, %swap3A_46, %swap3A_47], %swap3A_50 {strides = array<i32>} : memref<2x2000x32xf32, #tpu.memory_space<vmem>>, vector<1x2000x32xf32>,
    return
  }
  func.func @transform_0(%arg0: i32) -> (i32, i32, i32) {
    %c0_i32 = arith.constant 0 : i32
    %c0_i32_0 = arith.constant 0 : i32
    %c0_i32_1 = arith.constant 0 : i32
    return %c0_i32, %arg0, %c0_i32_0 : i32, i32, i32
  }
  func.func @transform_1(%arg0: i32) -> (i32, i32, i32) {
    %c1_i32 = arith.constant 1 : i32
    %c0_i32 = arith.constant 0 : i32
    %c0_i32_0 = arith.constant 0 : i32
    return %c1_i32, %arg0, %c0_i32 : i32, i32, i32
  }
  func.func @transform_2(%arg0: i32) -> (i32, i32, i32) {
    %c0_i32 = arith.constant 0 : i32
    %c0_i32_0 = arith.constant 0 : i32
    %c0_i32_1 = arith.constant 0 : i32
    return %c0_i32, %arg0, %c0_i32_0 : i32, i32, i32
  }
  func.func @transform_3(%arg0: i32) -> (i32, i32, i32) {
    %c1_i32 = arith.constant 1 : i32
    %c0_i32 = arith.constant 0 : i32
    %c0_i32_0 = arith.constant 0 : i32
    return %c1_i32, %arg0, %c0_i32 : i32, i32, i32
  }
  func.func @transform_4(%arg0: i32) -> (i32, i32) {
    %c0_i32 = arith.constant 0 : i32
    %c0_i32_0 = arith.constant 0 : i32
    %c0_i32_1 = arith.constant 0 : i32
    return %c0_i32, %c0_i32_0 : i32, i32
  }
  func.func @transform_5(%arg0: i32) -> (i32, i32, i32) {
    %c0_i32 = arith.constant 0 : i32
    %c0_i32_0 = arith.constant 0 : i32
    %c0_i32_1 = arith.constant 0 : i32
    %c0_i32_2 = arith.constant 0 : i32
    return %c0_i32, %c0_i32_0, %c0_i32_1 : i32, i32, i32
  }
  func.func @transform_6(%arg0: i32) -> (i32, i32, i32) {
    %c0_i32 = arith.constant 0 : i32
    %c0_i32_0 = arith.constant 0 : i32
    %c0_i32_1 = arith.constant 0 : i32
    return %c0_i32, %arg0, %c0_i32_0 : i32, i32, i32
  }
}

module attributes {stable_mosaic.version = 14 : i64} {
  func.func @_final_body(%arg0: i32, %arg1: memref<1x2000x32xf32, #tpu.memory_space<vmem>>, %arg2: memref<1x2000x32xf32, #tpu.memory_space<vmem>>, %arg3: memref<1x2000x32xf32, #tpu.memory_space<vmem>>, %arg4: memref<1x2000x32xf32, #tpu.memory_space<vmem>>, %arg5: memref<1x64xf32, #tpu.memory_space<vmem>>, %arg6: memref<2000x40xf32, #tpu.memory_space<vmem>>) attributes {dimension_semantics = [#tpu.dimension_semantics<arbitrary>], iteration_bounds = array<i64: 5>, scalar_prefetch = 0 : i64, scratch_operands = 0 : i64, tpu.core_type = #tpu.core_type<tc>, window_params = [{transform_indices = @transform_0, window_bounds = array<i64: 1, 2000, 32>}, {transform_indices = @transform_1, window_bounds = array<i64: 1, 2000, 32>}, {transform_indices = @transform_2, window_bounds = array<i64: 1, 2000, 32>}, {transform_indices = @transform_3, window_bounds = array<i64: 1, 2000, 32>}, {pipeline_mode = #tpu.pipeline_mode<synchronous>, transform_indices = @transform_4, window_bounds = array<i64: 1, 64>}, {transform_indices = @transform_5, window_bounds = array<i64: 2000, 40>}]} {
    %get3A = arith.constant 0 : index
    %get3A_0 = arith.constant 0 : index
    %get3A_1 = arith.constant 0 : index
    %get3A_2 = vector.load %arg1[%get3A, %get3A_0, %get3A_1] : memref<1x2000x32xf32, #tpu.memory_space<vmem>>, vector<1x2000x32xf32>
    %get3A_3 = vector.shape_cast %get3A_2 : vector<1x2000x32xf32> to vector<2000x32xf32>
    %get3A_4 = arith.constant 0 : index
    %get3A_5 = arith.constant 0 : index
    %get3A_6 = arith.constant 0 : index
    %get3A_7 = vector.load %arg3[%get3A_4, %get3A_5, %get3A_6] : memref<1x2000x32xf32, #tpu.memory_space<vmem>>, vector<1x2000x32xf32>
    %get3A_8 = vector.shape_cast %get3A_7 : vector<1x2000x32xf32> to vector<2000x32xf32>
    %add3A = arith.addf %get3A_3, %get3A_8 : vector<2000x32xf32>
    %get3A_9 = arith.constant 0 : index
    %get3A_10 = arith.constant 0 : index
    %get3A_11 = arith.constant 0 : index
    %get3A_12 = vector.load %arg2[%get3A_9, %get3A_10, %get3A_11] : memref<1x2000x32xf32, #tpu.memory_space<vmem>>, vector<1x2000x32xf32>
    %get3A_13 = vector.shape_cast %get3A_12 : vector<1x2000x32xf32> to vector<2000x32xf32>
    %get3A_14 = arith.constant 0 : index
    %get3A_15 = arith.constant 0 : index
    %get3A_16 = arith.constant 0 : index
    %get3A_17 = vector.load %arg4[%get3A_14, %get3A_15, %get3A_16] : memref<1x2000x32xf32, #tpu.memory_space<vmem>>, vector<1x2000x32xf32>
    %get3A_18 = vector.shape_cast %get3A_17 : vector<1x2000x32xf32> to vector<2000x32xf32>
    %add3A_19 = arith.addf %get3A_13, %get3A_18 : vector<2000x32xf32>
    %concatenate3A = tpu.concatenate %add3A, %add3A_19 in 1 : vector<2000x32xf32>, vector<2000x32xf32> -> vector<2000x64xf32>
    %get3A_20 = arith.constant 0 : index
    %get3A_21 = arith.constant 0 : index
    %get3A_22 = vector.load %arg5[%get3A_20, %get3A_21] : memref<1x64xf32, #tpu.memory_space<vmem>>, vector<1x64xf32>
    %add3A_23 = vector.broadcast %get3A_22 : vector<1x64xf32> to vector<2000x64xf32>
    %add3A_24 = arith.addf %concatenate3A, %add3A_23 : vector<2000x64xf32>
    %slice3A = vector.extract_strided_slice %add3A_24 {offsets = [0, 0], sizes = [2000, 40], strides = [1, 1]} : vector<2000x64xf32> to vector<2000x40xf32>
    %swap3A = arith.constant 0 : index
    %swap3A_25 = arith.constant 0 : index
    %swap3A_26 = vector.load %arg6[%swap3A, %swap3A_25] : memref<2000x40xf32, #tpu.memory_space<vmem>>, vector<2000x40xf32>
    tpu.vector_store %arg6[%swap3A, %swap3A_25], %slice3A {strides = array<i32>} : memref<2000x40xf32, #tpu.memory_space<vmem>>, vector<2000x40xf32>,
    return
  }
  func.func @transform_0(%arg0: i32) -> (i32, i32, i32) {
    %c0_i32 = arith.constant 0 : i32
    %c0_i32_0 = arith.constant 0 : i32
    %c0_i32_1 = arith.constant 0 : i32
    return %c0_i32, %arg0, %c0_i32_0 : i32, i32, i32
  }
  func.func @transform_1(%arg0: i32) -> (i32, i32, i32) {
    %c1_i32 = arith.constant 1 : i32
    %c0_i32 = arith.constant 0 : i32
    %c0_i32_0 = arith.constant 0 : i32
    return %c1_i32, %arg0, %c0_i32 : i32, i32, i32
  }
  func.func @transform_2(%arg0: i32) -> (i32, i32, i32) {
    %c0_i32 = arith.constant 0 : i32
    %c0_i32_0 = arith.constant 0 : i32
    %c0_i32_1 = arith.constant 0 : i32
    return %c0_i32, %arg0, %c0_i32_0 : i32, i32, i32
  }
  func.func @transform_3(%arg0: i32) -> (i32, i32, i32) {
    %c1_i32 = arith.constant 1 : i32
    %c0_i32 = arith.constant 0 : i32
    %c0_i32_0 = arith.constant 0 : i32
    return %c1_i32, %arg0, %c0_i32 : i32, i32, i32
  }
  func.func @transform_4(%arg0: i32) -> (i32, i32) {
    %c0_i32 = arith.constant 0 : i32
    %c0_i32_0 = arith.constant 0 : i32
    %c0_i32_1 = arith.constant 0 : i32
    return %c0_i32, %c0_i32_0 : i32, i32
  }
  func.func @transform_5(%arg0: i32) -> (i32, i32) {
    %c0_i32 = arith.constant 0 : i32
    %c0_i32_0 = arith.constant 0 : i32
    return %arg0, %c0_i32 : i32, i32
  }
}

</mosaic_0001>

<sc_bundles>
// kernel: kernel.11.cloned.1.call-start
scs
__scs_entry_jumppad:
0x0: {  	(pc) =	sbr.rel $0x88, $3  }
0x1: {  	(tag) =	ssettag $0x0;
	lr =	simm.s32 $0x1  }
0x2: {  	[smem:$0x3F97] =	sst lr;
	_ =	strace $0xD0000000  }
0x3: {  	_ = 	snop  }
0x4: {  	_ = 	snop  }
0x5: {  	_ = 	snop  }
0x6: {  	_ = 	snop  }
0x7: {  	_ = 	snop  }
__scs_overlays_trampoline_lowered:
0x8: {  	[smem:$0x3FA6] =	sst s0  }
0x9: {  	[smem:$0x3FA7] =	sst s1  }
0xa: {  	[smem:$0x3FA8] =	sst s2  }
0xb: {  	[smem:$0x3FA9] =	sst s3  }
0xc: {  	[smem:$0x3FAA] =	sst s4  }
0xd: {  	[smem:$0x3FAB] =	sst s5  }
0xe: {  	[smem:$0x3FAC] =	sst s6  }
0xf: {  	[smem:$0x3FAD] =	sst s7  }
0x10: {  	[smem:$0x3FAE] =	sst s8  }
0x11: {  	[smem:$0x3FAF] =	sst s9;
	s0 =	simm.s32 @!p0 $0x0  }
0x12: {  	s1 =	sld [smem:$0x3F95];
	s0 =	simm.s32 @p0 $0x1  }
0x13: {  	[smem:$0x3FB0] =	sst s0;
	s0 =	simm.s32 @!p1 $0x0  }
0x14: {  	s2 =	sld [smem:$0x3F94];
	s0 =	simm.s32 @p1 $0x1  }
0x15: {  	[smem:$0x3FB1] =	sst s0;
	s0 =	simm.s32 @!p2 $0x0  }
0x16: {  	s3 =	sld [smem:$0x3FDB];
	s0 =	simm.s32 @p2 $0x1  }
0x17: {  	s4 =	simm.s32 $0x1BF5;
	[smem:$0x3FB3] =	sst s0  }
0x18: {  	s0 =	sld [smem:$0x3F96];
	_ =	swait.ge [sflag:s4], $0x0  }
0x19: {  	s7 =	sld [smem:$0x3F97]  }
0x1a: {  	s8 =	sadd.s32 $0xFFFFE003, lr  }
0x1b: {  	s9 =	sadd.s32 $0xFFFFFEF7, lr;
	s5 =	simm.s32 $0xFFFFFFFF;
	p2 =	slt.u32 s8, $0xFFFFF086  }
0x1c: {  	p1 =	slt.u32 s9, $0xF7A;
	s5 =	simm.s32 @!p2 $0x0  }
0x1d: {  	s5 =	simm.s32 @p1 $0x1;
	p0 =	seq.s32 s7, s2  }
0x1e: {  	s7 =	smul.u32 @!p0 $0xF7A, s2;
	p2 =	seq.s32 @!p0 s5, $0x0  }
0x1f: {  	s9 =	smul.u32 $0xF7A, s1;
	s8 =	simm.s32 @!p0 $0x1BF5;
	p2 =	por !p2, p0  }
0x20: {  	[sflag:s8] =	ssyncset.s32 @!p0 $0xFFFFF086;
	s6 =	sadd.s32 @!p0 s3, s7;
	s7 =	simm.s32 @!p0 $0x108  }
0x21: {  	s3 =	sadd.s32 s3, s9;
	s6 =	sadd.s32 @!p0 $0x88, s6;
	s7 =	simm.s32 @p2 $0x1082  }
0x22: {  	[simem:s7], [sflag:s8] =	dma.local @!p0 [hbm:s6], $0xF7A  }
0x23: {  	s9 =	sor.u32 $0xD0000000, s2;
	s6 =	simm.s32 $0x108;
	_ =	swait.ge @!p0 [sflag:s8], $0x0  }
0x24: {  	s3 =	sadd.s32 $0x88, s3;
	s6 =	simm.s32 @!p1 $0x1082;
	[sflag:s4] =	ssyncset.s32 $0xFFFFF086  }
0x25: {  	[simem:s6], [sflag:s4] =	dma.local [hbm:s3], $0xF7A  }
0x26: {  	[smem:$0x3F97] =	sst s1;
	(tag) =	ssettag s2;
	_ =	strace s9  }
0x27: {  	s1 =	sld [smem:$0x3FA7]  }
0x28: {  	s2 =	sld [smem:$0x3FA8]  }
0x29: {  	s4 =	sld [smem:$0x3FAA]  }
0x2a: {  	p0 =	seq.s32 s5, $0x0;
	s5 =	sld [smem:$0x3FAB]  }
0x2b: {  	s6 =	sld [smem:$0x3FAC]  }
0x2c: {  	s7 =	sld [smem:$0x3FAD]  }
0x2d: {  	s3 =	simm.s32 $0x108;
	s8 =	sld [smem:$0x3FAE]  }
0x2e: {  	s3 =	simm.s32 @!p0 $0x1082;
	s9 =	sld [smem:$0x3FAF]  }
0x2f: {  	lr =	sadd.s32 s0, s3;
	s0 =	sld [smem:$0x3FA6]  }
0x30: {  	s3 =	sld [smem:$0x3FA9]  }
0x31: {  	[smem:$0x3FB2] =	sst s10  }
0x32: {  	s10 =	sld [smem:$0x3FB0];
	_ =	sdelay $0x3  }
0x33: {  	p0 =	seq.s32 s10, $0x1;
	s10 =	sld [smem:$0x3FB2];
	_ =	sdelay $0x3  }
0x34: {  	[smem:$0x3FB2] =	sst s10  }
0x35: {  	s10 =	sld [smem:$0x3FB1];
	_ =	sdelay $0x3  }
0x36: {  	p1 =	seq.s32 s10, $0x1;
	s10 =	sld [smem:$0x3FB2];
	_ =	sdelay $0x3  }
0x37: {  	[smem:$0x3FB2] =	sst s10  }
0x38: {  	s10 =	sld [smem:$0x3FB3]  }
0x39: {  	_ = 	snop;
	(pc) =	sbr.ind lr, $3  }
0x3a: {  	_ = 	snop  }
0x3b: {  	_ = 	snop  }
0x3c: {  	p2 =	seq.s32 s10, $0x1;
	s10 =	sld [smem:$0x3FB2]  }
0x3d: {  	_ =	shalt  }
0x3e: {  	_ =	shalt  }
0x3f: {  	_ =	shalt  }
0x40: {  	_ =	shalt  }
0x41: {  	_ =	shalt  }
0x42: {  	_ =	shalt  }
0x43: {  	_ =	shalt  }
0x44: {  	_ =	shalt  }
0x45: {  	_ =	shalt  }
0x46: {  	_ =	shalt  }
0x47: {  	_ =	shalt  }
0x48: {  	_ =	shalt  }
0x49: {  	_ =	shalt  }
0x4a: {  	_ =	shalt  }
0x4b: {  	_ =	shalt  }
0x4c: {  	_ =	shalt  }
0x4d: {  	_ =	shalt  }
0x4e: {  	_ =	shalt  }
0x4f: {  	_ =	shalt  }
0x50: {  	_ =	shalt  }
0x51: {  	_ =	shalt  }
0x52: {  	_ =	shalt  }
0x53: {  	_ =	shalt  }
0x54: {  	_ =	shalt  }
0x55: {  	_ =	shalt  }
0x56: {  	_ =	shalt  }
0x57: {  	_ =	shalt  }
0x58: {  	_ =	shalt  }
0x59: {  	_ =	shalt  }
0x5a: {  	_ =	shalt  }
0x5b: {  	_ =	shalt  }
0x5c: {  	_ =	shalt  }
0x5d: {  	_ =	shalt  }
0x5e: {  	_ =	shalt  }
0x5f: {  	_ =	shalt  }
0x60: {  	_ =	shalt  }
0x61: {  	_ =	shalt  }
0x62: {  	_ =	shalt  }
0x63: {  	_ =	shalt  }
0x64: {  	_ =	shalt  }
0x65: {  	_ =	shalt  }
0x66: {  	_ =	shalt  }
0x67: {  	_ =	shalt  }
0x68: {  	_ =	shalt  }
0x69: {  	_ =	shalt  }
0x6a: {  	_ =	shalt  }
0x6b: {  	_ =	shalt  }
0x6c: {  	_ =	shalt  }
0x6d: {  	_ =	shalt  }
0x6e: {  	_ =	shalt  }
0x6f: {  	_ =	shalt  }
0x70: {  	_ =	shalt  }
0x71: {  	_ =	shalt  }
0x72: {  	_ =	shalt  }
0x73: {  	_ =	shalt  }
0x74: {  	_ =	shalt  }
0x75: {  	_ =	shalt  }
0x76: {  	_ =	shalt  }
0x77: {  	_ =	shalt  }
0x78: {  	_ =	shalt  }
0x79: {  	_ =	shalt  }
0x7a: {  	_ =	shalt  }
0x7b: {  	_ =	shalt  }
0x7c: {  	_ =	shalt  }
0x7d: {  	_ =	shalt  }
0x7e: {  	_ =	shalt  }
0x7f: {  	_ =	shalt  }
0x80: {  	_ =	shalt  }
0x81: {  	_ =	shalt  }
0x82: {  	_ =	shalt  }
0x83: {  	_ =	shalt  }
0x84: {  	_ =	shalt  }
0x85: {  	_ =	shalt  }
0x86: {  	_ =	shalt  }
0x87: {  	_ =	shalt  }
.Lfunc_end0:
.L_simem_size_0:
called_computation_lowered:
.L_overlay_start_0:
0x88: {  	s2 =	sld [smem:$0x3FD9]  }
0x89: {  	s3 =	sld [smem:$0x3FFE];
	_ =	sdelay $0x1  }
0x8a: {  	s1 =	srdreg.scid  }
0x8b: {  	s0 =	sand.u32 $0x1, s1  }
0x8c: {  	s17 =	sshll.u32 s0, $0xA;
	s2 =	sadd.s32 s3, s2  }
0x8d: {  	s2 =	sadd.s32 s2, s17  }
0x8e: {  	[smem:$0x3FBE] =	sst s2  }
0x8f: {  	_ = 	snop  }
0x90: {  	s2 =	sld [smem:$0x3FD0];
	(tm) =	ssettm $0x1  }
0x91: {  	s18 =	sld [smem:$0x3FFB];
	_ =	sdelay $0x3  }
0x92: {  	_ =	strace s18  }
0x93: {  	s3 =	sld [smem:$0x3FFC];
	_ =	sdelay $0x3  }
0x94: {  	_ =	strace s3  }
0x95: {  	s3 =	sld [smem:$0x3FFD];
	_ =	sdelay $0x3  }
0x96: {  	_ =	strace s3  }
0x97: {  	_ =	strace $0x8FFFFFFF  }
0x98: {  	s19 =	sld [smem:$0x3FDB];
	_ =	sdelay $0x1  }
0x99: {  	s4 =	simm.s32 $_scs_section_size  }
0x9a: {  	s5 =	simm.s32 $_size__tile_overlayer_lowered;
	s6 =	simm.s32 $_tile_overlayer_lowered  }
0x9b: {  	s22 =	simm.s32 $0x1BFF;
	s21 =	sshll.u32 s6, $0x1;
	s3 =	sadd.s32 s4, s19  }
0x9c: {  	s7 =	simm.s32 $0x0;
	s20 =	sshll.u32 s5, $0x1;
	s5 =	sadd.s32 s21, s3  }
0x9d: {  	[timem:s7], [sflag:s22] =	dma.local [hbm:s5], s20  }
0x9e: {  	_ =	swait.ge [sflag:s22], s20  }
0x9f: {  	s4 =	ssub.s32 $0x0, s20;
	[sflag:s22] =	ssyncset.done $0x0  }
0xa0: {  	[sflag:s22] =	ssyncadd.s32 s4;
	_ =	sdelay $0x1  }
0xa1: {  	s23 =	simm.s32 $0x1B8B  }
0xa2: {  	_ =	swait.ge [sflag:s23], $0x1  }
0xa3: {  	[sflag:s23] =	ssyncset.done $0x0  }
0xa4: {  	s25 =	simm.s32 $0x1B8E;
	s24 =	sld [smem:$0x3FFE];
	[sflag:s23] =	ssyncadd.s32 $0xFFFFFFFF  }
0xa5: {  	s26 =	simm.s32 $execute0_lowered;
	[smem:$0x3FD2] =	sst s25  }
0xa6: {  	s5 =	sshll.u32 s26, $0x1;
	_ =	strace $0x80000046;
	[dreg:$0x1] =	wrdreg $0xFFFFFFFF  }
0xa7: {  	s28 =	simm.s32 $_size_execute0_lowered;
	s3 =	sadd.s32 s3, s5;
	[dreg:$0x0] =	wrdreg $0x0  }
0xa8: {  	s5 =	sshll.u32 s28, $0x1;
	[dreg:$0x2] =	wrdreg s3  }
0xa9: {  	[dreg:$0x3] =	wrdreg s5  }
0xaa: {  	[dreg:$0x4] =	wrdreg $0xC0  }
0xab: {  	_ =	task [dreg:s7], $0x5FFFF  }
0xac: {  	[dreg:$0x1] =	wrdreg $0xFFFFFFFF  }
0xad: {  	[dreg:$0x0] =	wrdreg $0x60  }
0xae: {  	[dreg:$0x2] =	wrdreg s24  }
0xaf: {  	[dreg:$0x3] =	wrdreg s2  }
0xb0: {  	[dreg:$0x4] =	wrdreg $0x13C400  }
0xb1: {  	[dreg:$0x5] =	wrdreg $0x9  }
0xb2: {  	_ =	task.clear_ibuf [dreg:s7], $0x6FFFF;
	_ =	strace $0x90000046  }
0xb3: {  	s29 =	simm.s32 $0x9;
	_ =	strace $0x80000048  }
0xb4: {  	_ =	swait.ge [sflag:s29], $0x1  }
0xb5: {  	[sflag:s29] =	ssyncadd.s32 $0xFFFFFFFF  }
0xb6: {  	_ =	strace $0x90000048  }
0xb7: {  	_ =	sfence  }
0xb8: {  	s30 =	sld [smem:$0x0];
	_ =	sdelay $0x2  }
0xb9: {  	s31 =	sshll.u32 s1, $0xD;
	s1 =	sshrl.u32 s1, $0x2  }
0xba: {  	s3 =	sand.u32 $0x4000, s31;
	s1 =	sadd.s32 s1, s30  }
0xbb: {  	s0 =	sor.u32 s3, s0;
	s1 =	sshll.u32 s1, $0x11  }
0xbc: {  	s0 =	sor.u32 s1, s0  }
0xbd: {  	s0 =	sadd.s32 $0x8F2B, s0  }
0xbe: {  	[sflag:s0] =	ssyncadd.remote.s32 $0x1  }
0xbf: {  	_ =	sfence.sel $0xFFFF  }
0xc0: {  	[dreg:$0x0] =	wrdreg $0xFFFFFFFF;
	(pc) =	sbr.abs _section_cstart, $3  }
0xc1: {  	[dreg:$0x1] =	wrdreg $0xFFFFFFFF  }
0xc2: {  	_ =	task.clear_ibuf [dreg:s7], $0x2FFFF;
	_ =	strace $0x9FFFFFFF  }
0xc3: {  	(tm) =	ssettm $0x7FFFFFFF  }
tec
execute0_lowered:
.L_overlay_start_1:
0x0: {  	(tag) =	ssettag $0x1  }
0x1: {  	s0 =	rddreg [dreg:$0x0];
	s1 =	srdreg.scid  }
0x2: {  	s4 =	rddreg [dreg:$0x1];
	s11 =	stileid.u32  }
0x3: {  	s2 =	rddreg [dreg:$0x2];
	s3 =	simm.s32 $0x0;
	s12 =	simm.s32 $0xB  }
0x4: {  	s13 =	simm.s32 $0x5000;
	s14 =	simm.s32 $0x7D;
	s15 =	simm.s32 $0xA000  }
0x5: {  	s17 =	simm.s32 $0xBF40;
	s19 =	simm.s32 $0xDE80;
	s21 =	simm.s32 $0xFDC0  }
0x6: {  	s28 =	simm.s32 $0x6;
	s30 =	simm.s32 $0x3;
	s16 =	simm.s32 $0x4  }
0x7: {  	s20 =	simm.s32 $0x8;
	s31 =	simm.s32 $0x9;
	s6 =	smul.u32 $0xA00, s11  }
0x8: {  	s18 =	simm.s32 $0xA;
	s1 =	sand.u32 $0x1, s1;
	s7 =	smul.u32 $0xA000, s11  }
0x9: {  	[smem:$0x7FF] =	sst s3;
	s23 =	sadd.s32 $0x33600, s0;
	s5 =	smul.u32 $0x13880, s1  }
0xa: {  	s25 =	sshll.u32 s11, $0x6;
	s8 =	smul.u32 $0xA0000, s1;
	_ =	strace $0x80000047  }
0xb: {  	s1 =	ssub.s32 $0x2, s1;
	[dreg:$0x4] =	wrdreg s23;
	s23 =	simm.s32 $0x0  }
0xc: {  	s10 =	sadd.s32 s6, s0;
	s24 =	sshrl.u32 s1, $0x1;
	s26 =	sadd.s32 s7, s2  }
0xd: {  	s4 =	sadd.s32 s4, s6;
	s9 =	sadd.s32 s5, s0;
	s22 =	sadd.s32 s7, s8  }
0xe: {  	s1 =	ssub.s32 s1, s24;
	[dreg:$0x5] =	wrdreg s4;
	s29 =	sadd.s32 $0x2400, s10  }
.Ltmp0:
0xf: {  	s11 =	sshrl.u32 s26, $0x3;
	s24 =	simm.s32 $0x11D00;
	(pc) =	sbr.rel .LBB2_1-.Ltmp0, $4  }
0x10: {  	s26 =	simm.s32 $0x5;
	s5 =	sshrl.u32 s22, $0x3;
	[dreg:$0x6] =	wrdreg s29  }
0x11: {  	s8 =	sadd.s32 $0xC400, s9;
	s10 =	smax.u32 s1, $0x1;
	s0 =	sadd.s32 s5, s0  }
0x12: {  	s22 =	simm.s32 $0x1;
	s1 =	simm.s32 $0x7;
	s0 =	sadd.s32 $0x34A00, s0  }
0x13: {  	s5 =	sor.u32 $0x1C0B, s25;
	s25 =	simm.s32 $0x2;
	[dreg:$0x7] =	wrdreg s0  }
.LBB2_4:
0x14: {  	_ =	swait.ge [sflag:s26], $0x1F40  }
0x15: {  	[sflag:s26] =	ssyncset.done $0x0  }
0x16: {  	[sflag:s26] =	ssyncadd.s32 $0xFFFFE0C0  }
0x17: {  	[spmem:s2] =	stream.indirect.scatter.add.f32 [tilespmem:s24], [sflag:$0xA], $0x40, s4, s14, $0xb8;
	[tilespmem:$0x1DC40] =	vst v63  }
0x18: {  	_ =	swait.ge [sflag:s28], $0x1F40  }
0x19: {  	[sflag:s28] =	ssyncset.done $0x0  }
0x1a: {  	[sflag:s28] =	ssyncadd.s32 $0xFFFFE0C0  }
0x1b: {  	_ =	swait.ge [sflag:s1], $0x1F40  }
0x1c: {  	[sflag:s1] =	ssyncset.done $0x0  }
0x1d: {  	[sflag:s1] =	ssyncadd.s32 $0xFFFFE0C0  }
0x1e: {  	_ =	swait.ge [sflag:s20], $0x1F40  }
0x1f: {  	[sflag:s20] =	ssyncset.done $0x0  }
0x20: {  	[sflag:s20] =	ssyncadd.s32 $0xFFFFE0C0  }
0x21: {  	_ =	swait.ge [sflag:s31], $0x1F40  }
0x22: {  	[sflag:s31] =	ssyncset.done $0x0  }
0x23: {  	[sflag:s31] =	ssyncadd.s32 $0xFFFFE0C0  }
0x24: {  	_ =	swait.ge [sflag:s18], $0x1F40  }
0x25: {  	[sflag:s18] =	ssyncset.done $0x0  }
0x26: {  	s23 =	sadd.s32 $0x1, s23;
	[sflag:s18] =	ssyncadd.s32 $0xFFFFE0C0  }
0x27: {  	p0 =	sne.s32 s23, s10;
	[bflag:$0x0] =	sbarrier.arrive $0xFFFF  }
.Ltmp1:
0x28: {  	s0 =	rddreg [dreg:$0x7];
	(pc) =	sbr.rel @!p0 .LBB2_5-.Ltmp1, $4  }
0x29: {  	[hbm:s0], [sflag:s5] =	dma.local [spmem:s11], $0x1400  }
0x2a: {  	_ =	swait.ge [sflag:s12], $0x1400  }
0x2b: {  	[sflag:s12] =	ssyncset.done $0x0  }
0x2c: {  	[sflag:s12] =	ssyncadd.s32 $0xFFFFEC00  }
.LBB2_1:
0x2d: {  	s0 =	rddreg [dreg:$0x4]  }
0x2e: {  	[spmem:s11], [sflag:s5] =	dma.local [hbm:s0], $0x1400  }
0x2f: {  	_ =	swait.ge [sflag:s12], $0x1400  }
0x30: {  	[sflag:s12] =	ssyncset.done $0x0  }
0x31: {  	s7 =	rddreg [dreg:$0x5];
	[sflag:s12] =	ssyncadd.s32 $0xFFFFEC00  }
0x32: {  	[tilespmem:s3], [sflag:$0xB] =	stream.linear.gather [hbm4b:s7+s3], $0x5000, $0x38;
	[tilespmem:$0x1DC40] =	vst v63  }
0x33: {  	_ =	swait.ge [sflag:s12], $0x5000  }
0x34: {  	[sflag:s12] =	ssyncset.done $0x0  }
0x35: {  	s9 =	rddreg [dreg:$0x6];
	[sflag:s12] =	ssyncadd.s32 $0xFFFFB000  }
0x36: {  	[tilespmem:s13], [sflag:$0xB] =	stream.linear.gather [hbm4b:s9+s3], $0x5000, $0x38;
	[tilespmem:$0x1DC40] =	vst v63  }
0x37: {  	_ =	swait.ge [sflag:s12], $0x5000  }
0x38: {  	[sflag:s12] =	ssyncset.done $0x0  }
0x39: {  	[sflag:s12] =	ssyncadd.s32 $0xFFFFB000  }
0x3a: {  	[bflag:$0x0] =	sbarrier.arrive $0xFFFF  }
0x3b: {  	[tilespmem:s15], [sflag:$0x1] =	stream.indirect.gather [hbm4b:s8+s14], $0x40, s3, s14, $0xb8;
	[tilespmem:$0x1DC40] =	vst v63  }
0x3c: {  	s4 =	simm.s32 $0x80  }
0x3d: {  	[tilespmem:s17], [sflag:$0x2] =	stream.indirect.gather [hbm4b:s8+s14], $0x40, s4, s14, $0xb8;
	[tilespmem:$0x1DC40] =	vst v63  }
0x3e: {  	s6 =	simm.s32 $0x100  }
0x3f: {  	[tilespmem:s19], [sflag:$0x3] =	stream.indirect.gather [hbm4b:s8+s14], $0x40, s6, s14, $0xb8;
	[tilespmem:$0x1DC40] =	vst v63  }
0x40: {  	s7 =	simm.s32 $0x180  }
0x41: {  	[tilespmem:s21], [sflag:$0x4] =	stream.indirect.gather [hbm4b:s8+s14], $0x40, s7, s14, $0xb8;
	[tilespmem:$0x1DC40] =	vst v63  }
0x42: {  	_ =	swait.ge [sflag:s22], $0x1F40  }
0x43: {  	[sflag:s22] =	ssyncset.done $0x0  }
0x44: {  	[sflag:s22] =	ssyncadd.s32 $0xFFFFE0C0  }
0x45: {  	[spmem:s2] =	stream.indirect.scatter.add.f32 [tilespmem:s15], [sflag:$0x6], $0x40, s13, s14, $0xb8;
	[tilespmem:$0x1DC40] =	vst v63  }
0x46: {  	s9 =	simm.s32 $0x200  }
0x47: {  	[tilespmem:s24], [sflag:$0x5] =	stream.indirect.gather [hbm4b:s8+s14], $0x40, s9, s14, $0xb8;
	[tilespmem:$0x1DC40] =	vst v63  }
0x48: {  	_ =	swait.ge [sflag:s25], $0x1F40  }
0x49: {  	[sflag:s25] =	ssyncset.done $0x0  }
0x4a: {  	s4 =	simm.s32 $0x5080;
	[sflag:s25] =	ssyncadd.s32 $0xFFFFE0C0  }
0x4b: {  	[spmem:s2] =	stream.indirect.scatter.add.f32 [tilespmem:s17], [sflag:$0x7], $0x40, s4, s14, $0xb8;
	[tilespmem:$0x1DC40] =	vst v63  }
0x4c: {  	_ =	swait.ge [sflag:s28], $0x1F40  }
0x4d: {  	[sflag:s28] =	ssyncset.done $0x0  }
0x4e: {  	s6 =	simm.s32 $0x280;
	[sflag:s28] =	ssyncadd.s32 $0xFFFFE0C0  }
0x4f: {  	[tilespmem:s15], [sflag:$0x1] =	stream.indirect.gather [hbm4b:s8+s14], $0x40, s6, s14, $0xb8;
	[tilespmem:$0x1DC40] =	vst v63  }
0x50: {  	_ =	swait.ge [sflag:s30], $0x1F40  }
0x51: {  	[sflag:s30] =	ssyncset.done $0x0  }
0x52: {  	s7 =	simm.s32 $0x5100;
	[sflag:s30] =	ssyncadd.s32 $0xFFFFE0C0  }
0x53: {  	[spmem:s2] =	stream.indirect.scatter.add.f32 [tilespmem:s19], [sflag:$0x8], $0x40, s7, s14, $0xb8;
	[tilespmem:$0x1DC40] =	vst v63  }
0x54: {  	_ =	swait.ge [sflag:s1], $0x1F40  }
0x55: {  	[sflag:s1] =	ssyncset.done $0x0  }
0x56: {  	s9 =	simm.s32 $0x300;
	[sflag:s1] =	ssyncadd.s32 $0xFFFFE0C0  }
0x57: {  	[tilespmem:s17], [sflag:$0x2] =	stream.indirect.gather [hbm4b:s8+s14], $0x40, s9, s14, $0xb8;
	[tilespmem:$0x1DC40] =	vst v63  }
0x58: {  	_ =	swait.ge [sflag:s16], $0x1F40  }
0x59: {  	[sflag:s16] =	ssyncset.done $0x0  }
0x5a: {  	s4 =	simm.s32 $0x5180;
	[sflag:s16] =	ssyncadd.s32 $0xFFFFE0C0  }
0x5b: {  	[spmem:s2] =	stream.indirect.scatter.add.f32 [tilespmem:s21], [sflag:$0x9], $0x40, s4, s14, $0xb8;
	[tilespmem:$0x1DC40] =	vst v63  }
0x5c: {  	_ =	swait.ge [sflag:s20], $0x1F40  }
0x5d: {  	[sflag:s20] =	ssyncset.done $0x0  }
0x5e: {  	s6 =	simm.s32 $0x380;
	[sflag:s20] =	ssyncadd.s32 $0xFFFFE0C0  }
0x5f: {  	[tilespmem:s19], [sflag:$0x3] =	stream.indirect.gather [hbm4b:s8+s14], $0x40, s6, s14, $0xb8;
	[tilespmem:$0x1DC40] =	vst v63  }
0x60: {  	_ =	swait.ge [sflag:s26], $0x1F40  }
0x61: {  	[sflag:s26] =	ssyncset.done $0x0  }
0x62: {  	s7 =	simm.s32 $0x5200;
	[sflag:s26] =	ssyncadd.s32 $0xFFFFE0C0  }
0x63: {  	[spmem:s2] =	stream.indirect.scatter.add.f32 [tilespmem:s24], [sflag:$0xA], $0x40, s7, s14, $0xb8;
	[tilespmem:$0x1DC40] =	vst v63  }
0x64: {  	_ =	swait.ge [sflag:s31], $0x1F40  }
0x65: {  	[sflag:s31] =	ssyncset.done $0x0  }
0x66: {  	s29 =	simm.s32 $0x0;
	s9 =	simm.s32 $0x400;
	[sflag:s31] =	ssyncadd.s32 $0xFFFFE0C0  }
0x67: {  	[tilespmem:s21], [sflag:$0x4] =	stream.indirect.gather [hbm4b:s8+s14], $0x40, s9, s14, $0xb8;
	[tilespmem:$0x1DC40] =	vst v63  }
.LBB2_2:
0x68: {  	_ =	swait.ge [sflag:s22], $0x1F40  }
0x69: {  	s0 =	sshra.s32 s29, $0x2;
	[sflag:s22] =	ssyncset.done $0x0  }
0x6a: {  	s4 =	sadd.s32 $0x5280, s0;
	[sflag:s22] =	ssyncadd.s32 $0xFFFFE0C0  }
0x6b: {  	[spmem:s2] =	stream.indirect.scatter.add.f32 [tilespmem:s15], [sflag:$0x6], $0x40, s4, s14, $0xb8;
	[tilespmem:$0x1DC40] =	vst v63  }
0x6c: {  	_ =	swait.ge [sflag:s18], $0x1F40  }
0x6d: {  	[sflag:s18] =	ssyncset.done $0x0  }
0x6e: {  	s6 =	sadd.s32 $0x480, s0;
	[sflag:s18] =	ssyncadd.s32 $0xFFFFE0C0  }
0x6f: {  	[tilespmem:s24], [sflag:$0x5] =	stream.indirect.gather [hbm4b:s8+s14], $0x40, s6, s14, $0xb8;
	[tilespmem:$0x1DC40] =	vst v63  }
0x70: {  	_ =	swait.ge [sflag:s25], $0x1F40  }
0x71: {  	p0 =	seq.s32 s29, $0x12C00;
	[sflag:s25] =	ssyncset.done $0x0  }
0x72: {  	s7 =	sadd.s32 $0x5300, s0;
	s4 =	simm.s32 @p0 $0x3;
	[sflag:s25] =	ssyncadd.s32 $0xFFFFE0C0  }
0x73: {  	[spmem:s2] =	stream.indirect.scatter.add.f32 [tilespmem:s17], [sflag:$0x7], $0x40, s7, s14, $0xb8;
	[tilespmem:$0x1DC40] =	vst v63  }
0x74: {  	_ =	swait.ge @p0 [sflag:s4], $0x1F40  }
0x75: {  	[sflag:s4] =	ssyncset.done @p0 $0x0  }
0x76: {  	[sflag:s4] =	ssyncadd.s32 @p0 $0xFFFFE0C0;
	s4 =	sshra.s32 @p0 s29, $0x2  }
0x77: {  	s6 =	simm.s32 @p0 $0x7D;
	s7 =	simm.s32 @p0 $0xDE80;
	s4 =	sadd.s32 @p0 $0x5380, s4  }
0x78: {  	[spmem:s2] =	stream.indirect.scatter.add.f32 @p0 [tilespmem:s7], [sflag:$0x8], $0x40, s4, s6, $0xb8;
	[tilespmem:$0x1DC40] =	vst v63  }
0x79: {  	s4 =	simm.s32 @!p0 $0x6  }
0x7a: {  	_ =	swait.ge @!p0 [sflag:s4], $0x1F40  }
0x7b: {  	[sflag:s4] =	ssyncset.done @!p0 $0x0  }
0x7c: {  	[sflag:s4] =	ssyncadd.s32 @!p0 $0xFFFFE0C0;
	s4 =	sshra.s32 @!p0 s29, $0x2  }
0x7d: {  	s9 =	simm.s32 @!p0 $0xA000;
	s7 =	simm.s32 @!p0 $0x7D;
	s6 =	sadd.s32 @!p0 $0x500, s4  }
0x7e: {  	[tilespmem:s9], [sflag:$0x1] =	stream.indirect.gather @!p0 [hbm4b:s8+s7], $0x40, s6, s7, $0xb8;
	[tilespmem:$0x1DC40] =	vst v63  }
0x7f: {  	s6 =	simm.s32 @!p0 $0x3  }
0x80: {  	_ =	swait.ge @!p0 [sflag:s6], $0x1F40  }
0x81: {  	[sflag:s6] =	ssyncset.done @!p0 $0x0  }
0x82: {  	s9 =	simm.s32 @!p0 $0xDE80;
	[sflag:s6] =	ssyncadd.s32 @!p0 $0xFFFFE0C0;
	s6 =	sadd.s32 @!p0 $0x5380, s4  }
0x83: {  	[spmem:s2] =	stream.indirect.scatter.add.f32 @!p0 [tilespmem:s9], [sflag:$0x8], $0x40, s6, s7, $0xb8;
	[tilespmem:$0x1DC40] =	vst v63  }
0x84: {  	s6 =	simm.s32 @!p0 $0x7  }
0x85: {  	_ =	swait.ge @!p0 [sflag:s6], $0x1F40  }
0x86: {  	[sflag:s6] =	ssyncset.done @!p0 $0x0  }
0x87: {  	s4 =	sadd.s32 @!p0 $0x580, s4;
	[sflag:s6] =	ssyncadd.s32 @!p0 $0xFFFFE0C0;
	s6 =	simm.s32 @!p0 $0xBF40  }
0x88: {  	[tilespmem:s6], [sflag:$0x2] =	stream.indirect.gather @!p0 [hbm4b:s8+s7], $0x40, s4, s7, $0xb8;
	[tilespmem:$0x1DC40] =	vst v63  }
.Ltmp2:
0x89: {  	_ = 	snop;
	(pc) =	sbr.rel @p0 .LBB2_4-.Ltmp2, $4  }
0x8a: {  	_ =	swait.ge [sflag:s16], $0x1F40  }
0x8b: {  	[sflag:s16] =	ssyncset.done $0x0  }
0x8c: {  	s9 =	sadd.s32 $0x5400, s0;
	s4 =	sadd.s32 $0x5480, s0;
	[sflag:s16] =	ssyncadd.s32 $0xFFFFE0C0  }
0x8d: {  	[spmem:s2] =	stream.indirect.scatter.add.f32 [tilespmem:s21], [sflag:$0x9], $0x40, s9, s14, $0xb8;
	[tilespmem:$0x1DC40] =	vst v63  }
0x8e: {  	_ =	swait.ge [sflag:s20], $0x1F40  }
0x8f: {  	[sflag:s20] =	ssyncset.done $0x0  }
0x90: {  	s6 =	sadd.s32 $0x600, s0;
	[sflag:s20] =	ssyncadd.s32 $0xFFFFE0C0  }
0x91: {  	[tilespmem:s19], [sflag:$0x3] =	stream.indirect.gather [hbm4b:s8+s14], $0x40, s6, s14, $0xb8;
	[tilespmem:$0x1DC40] =	vst v63  }
0x92: {  	_ =	swait.ge [sflag:s26], $0x1F40  }
0x93: {  	[sflag:s26] =	ssyncset.done $0x0  }
0x94: {  	[sflag:s26] =	ssyncadd.s32 $0xFFFFE0C0  }
0x95: {  	[spmem:s2] =	stream.indirect.scatter.add.f32 [tilespmem:s24], [sflag:$0xA], $0x40, s4, s14, $0xb8;
	[tilespmem:$0x1DC40] =	vst v63  }
.Ltmp3:
0x96: {  	_ = 	snop;
	(pc) =	sbr.rel .LBB2_2-.Ltmp3, $4  }
0x97: {  	_ =	swait.ge [sflag:s31], $0x1F40  }
0x98: {  	[sflag:s31] =	ssyncset.done $0x0  }
0x99: {  	s9 =	sadd.s32 $0x680, s0;
	s29 =	sadd.s32 $0xA00, s29;
	[sflag:s31] =	ssyncadd.s32 $0xFFFFE0C0  }
0x9a: {  	[tilespmem:s21], [sflag:$0x4] =	stream.indirect.gather [hbm4b:s8+s14], $0x40, s9, s14, $0xb8;
	[tilespmem:$0x1DC40] =	vst v63  }
.LBB2_5:
0x9b: {  	_ =	sfence.sel $0x180000  }
0x9c: {  	[bflag:$0x0] =	sbarrier.arrive $0xFFFF  }
0x9d: {  	_ =	strace $0x90000047  }
0x9e: {  	s0 =	stileid.u32;
	[bflag:$0x2] =	sbarrier.arrive $0xFFFF  }
0x9f: {  	p0 =	sne.s32 s0, $0x0;
	s0 =	rddreg [dreg:$0x3]  }
0xa0: {  	s0 =	sadd.s32 @!p0 $0x100000, s0  }
0xa1: {  	[sflag:s0] =	ssyncadd.tile.s32 @!p0 $0x1;
	_ =	shalt  }
.Lfunc_end2:
_tile_overlayer_lowered:
.L_overlay_start_2:
0xa2: {  	(tag) =	ssettag $0x2  }
0xa3: {  	s0 =	rddreg [dreg:$0x0];
	s2 =	stileid.u32  }
0xa4: {  	s1 =	rddreg [dreg:$0x1];
	p0 =	sne.s32 s2, $0x0  }
0xa5: {  	s3 =	rddreg [dreg:$0x2];
	[bflag:$0x3] =	sbarrier.arrive $0xFFFF;
	s2 =	simm.s32 @!p0 $0x1C0B  }
0xa6: {  	[timem:s3], [sflag:s2] =	dma.local @!p0 [hbm:s0], s1  }
0xa7: {  	s0 =	simm.s32 @!p0 $0xB  }
0xa8: {  	_ =	swait.ge @!p0 [sflag:s0], s1  }
0xa9: {  	s1 =	ssub.s32 @!p0 $0x0, s1;
	[sflag:s0] =	ssyncset.done @!p0 $0x0  }
0xaa: {  	[sflag:s0] =	ssyncadd.s32 @!p0 s1  }
0xab: {  	[bflag:$0x3] =	sbarrier.arrive $0xFFFF  }
0xac: {  	_ =	shalt  }

// kernel: kernel.14.cloned.1.call-start
scs
__scs_entry_jumppad:
0x0: {  	(pc) =	sbr.rel $0x88, $3  }
0x1: {  	(tag) =	ssettag $0x0;
	lr =	simm.s32 $0x1  }
0x2: {  	[smem:$0x3F97] =	sst lr;
	_ =	strace $0xD0000000  }
0x3: {  	_ = 	snop  }
0x4: {  	_ = 	snop  }
0x5: {  	_ = 	snop  }
0x6: {  	_ = 	snop  }
0x7: {  	_ = 	snop  }
__scs_overlays_trampoline_lowered:
0x8: {  	[smem:$0x3FA6] =	sst s0  }
0x9: {  	[smem:$0x3FA7] =	sst s1  }
0xa: {  	[smem:$0x3FA8] =	sst s2  }
0xb: {  	[smem:$0x3FA9] =	sst s3  }
0xc: {  	[smem:$0x3FAA] =	sst s4  }
0xd: {  	[smem:$0x3FAB] =	sst s5  }
0xe: {  	[smem:$0x3FAC] =	sst s6  }
0xf: {  	[smem:$0x3FAD] =	sst s7  }
0x10: {  	[smem:$0x3FAE] =	sst s8  }
0x11: {  	[smem:$0x3FAF] =	sst s9;
	s0 =	simm.s32 @!p0 $0x0  }
0x12: {  	s1 =	sld [smem:$0x3F95];
	s0 =	simm.s32 @p0 $0x1  }
0x13: {  	[smem:$0x3FB0] =	sst s0;
	s0 =	simm.s32 @!p1 $0x0  }
0x14: {  	s2 =	sld [smem:$0x3F94];
	s0 =	simm.s32 @p1 $0x1  }
0x15: {  	[smem:$0x3FB1] =	sst s0;
	s0 =	simm.s32 @!p2 $0x0  }
0x16: {  	s3 =	sld [smem:$0x3FDB];
	s0 =	simm.s32 @p2 $0x1  }
0x17: {  	s4 =	simm.s32 $0x1BF5;
	[smem:$0x3FB3] =	sst s0  }
0x18: {  	s0 =	sld [smem:$0x3F96];
	_ =	swait.ge [sflag:s4], $0x0  }
0x19: {  	s7 =	sld [smem:$0x3F97]  }
0x1a: {  	s8 =	sadd.s32 $0xFFFFE003, lr  }
0x1b: {  	s9 =	sadd.s32 $0xFFFFFEF7, lr;
	s5 =	simm.s32 $0xFFFFFFFF;
	p2 =	slt.u32 s8, $0xFFFFF086  }
0x1c: {  	p1 =	slt.u32 s9, $0xF7A;
	s5 =	simm.s32 @!p2 $0x0  }
0x1d: {  	s5 =	simm.s32 @p1 $0x1;
	p0 =	seq.s32 s7, s2  }
0x1e: {  	s7 =	smul.u32 @!p0 $0xF7A, s2;
	p2 =	seq.s32 @!p0 s5, $0x0  }
0x1f: {  	s9 =	smul.u32 $0xF7A, s1;
	s8 =	simm.s32 @!p0 $0x1BF5;
	p2 =	por !p2, p0  }
0x20: {  	[sflag:s8] =	ssyncset.s32 @!p0 $0xFFFFF086;
	s6 =	sadd.s32 @!p0 s3, s7;
	s7 =	simm.s32 @!p0 $0x108  }
0x21: {  	s3 =	sadd.s32 s3, s9;
	s6 =	sadd.s32 @!p0 $0x88, s6;
	s7 =	simm.s32 @p2 $0x1082  }
0x22: {  	[simem:s7], [sflag:s8] =	dma.local @!p0 [hbm:s6], $0xF7A  }
0x23: {  	s9 =	sor.u32 $0xD0000000, s2;
	s6 =	simm.s32 $0x108;
	_ =	swait.ge @!p0 [sflag:s8], $0x0  }
0x24: {  	s3 =	sadd.s32 $0x88, s3;
	s6 =	simm.s32 @!p1 $0x1082;
	[sflag:s4] =	ssyncset.s32 $0xFFFFF086  }
0x25: {  	[simem:s6], [sflag:s4] =	dma.local [hbm:s3], $0xF7A  }
0x26: {  	[smem:$0x3F97] =	sst s1;
	(tag) =	ssettag s2;
	_ =	strace s9  }
0x27: {  	s1 =	sld [smem:$0x3FA7]  }
0x28: {  	s2 =	sld [smem:$0x3FA8]  }
0x29: {  	s4 =	sld [smem:$0x3FAA]  }
0x2a: {  	p0 =	seq.s32 s5, $0x0;
	s5 =	sld [smem:$0x3FAB]  }
0x2b: {  	s6 =	sld [smem:$0x3FAC]  }
0x2c: {  	s7 =	sld [smem:$0x3FAD]  }
0x2d: {  	s3 =	simm.s32 $0x108;
	s8 =	sld [smem:$0x3FAE]  }
0x2e: {  	s3 =	simm.s32 @!p0 $0x1082;
	s9 =	sld [smem:$0x3FAF]  }
0x2f: {  	lr =	sadd.s32 s0, s3;
	s0 =	sld [smem:$0x3FA6]  }
0x30: {  	s3 =	sld [smem:$0x3FA9]  }
0x31: {  	[smem:$0x3FB2] =	sst s10  }
0x32: {  	s10 =	sld [smem:$0x3FB0];
	_ =	sdelay $0x3  }
0x33: {  	p0 =	seq.s32 s10, $0x1;
	s10 =	sld [smem:$0x3FB2];
	_ =	sdelay $0x3  }
0x34: {  	[smem:$0x3FB2] =	sst s10  }
0x35: {  	s10 =	sld [smem:$0x3FB1];
	_ =	sdelay $0x3  }
0x36: {  	p1 =	seq.s32 s10, $0x1;
	s10 =	sld [smem:$0x3FB2];
	_ =	sdelay $0x3  }
0x37: {  	[smem:$0x3FB2] =	sst s10  }
0x38: {  	s10 =	sld [smem:$0x3FB3]  }
0x39: {  	_ = 	snop;
	(pc) =	sbr.ind lr, $3  }
0x3a: {  	_ = 	snop  }
0x3b: {  	_ = 	snop  }
0x3c: {  	p2 =	seq.s32 s10, $0x1;
	s10 =	sld [smem:$0x3FB2]  }
0x3d: {  	_ =	shalt  }
0x3e: {  	_ =	shalt  }
0x3f: {  	_ =	shalt  }
0x40: {  	_ =	shalt  }
0x41: {  	_ =	shalt  }
0x42: {  	_ =	shalt  }
0x43: {  	_ =	shalt  }
0x44: {  	_ =	shalt  }
0x45: {  	_ =	shalt  }
0x46: {  	_ =	shalt  }
0x47: {  	_ =	shalt  }
0x48: {  	_ =	shalt  }
0x49: {  	_ =	shalt  }
0x4a: {  	_ =	shalt  }
0x4b: {  	_ =	shalt  }
0x4c: {  	_ =	shalt  }
0x4d: {  	_ =	shalt  }
0x4e: {  	_ =	shalt  }
0x4f: {  	_ =	shalt  }
0x50: {  	_ =	shalt  }
0x51: {  	_ =	shalt  }
0x52: {  	_ =	shalt  }
0x53: {  	_ =	shalt  }
0x54: {  	_ =	shalt  }
0x55: {  	_ =	shalt  }
0x56: {  	_ =	shalt  }
0x57: {  	_ =	shalt  }
0x58: {  	_ =	shalt  }
0x59: {  	_ =	shalt  }
0x5a: {  	_ =	shalt  }
0x5b: {  	_ =	shalt  }
0x5c: {  	_ =	shalt  }
0x5d: {  	_ =	shalt  }
0x5e: {  	_ =	shalt  }
0x5f: {  	_ =	shalt  }
0x60: {  	_ =	shalt  }
0x61: {  	_ =	shalt  }
0x62: {  	_ =	shalt  }
0x63: {  	_ =	shalt  }
0x64: {  	_ =	shalt  }
0x65: {  	_ =	shalt  }
0x66: {  	_ =	shalt  }
0x67: {  	_ =	shalt  }
0x68: {  	_ =	shalt  }
0x69: {  	_ =	shalt  }
0x6a: {  	_ =	shalt  }
0x6b: {  	_ =	shalt  }
0x6c: {  	_ =	shalt  }
0x6d: {  	_ =	shalt  }
0x6e: {  	_ =	shalt  }
0x6f: {  	_ =	shalt  }
0x70: {  	_ =	shalt  }
0x71: {  	_ =	shalt  }
0x72: {  	_ =	shalt  }
0x73: {  	_ =	shalt  }
0x74: {  	_ =	shalt  }
0x75: {  	_ =	shalt  }
0x76: {  	_ =	shalt  }
0x77: {  	_ =	shalt  }
0x78: {  	_ =	shalt  }
0x79: {  	_ =	shalt  }
0x7a: {  	_ =	shalt  }
0x7b: {  	_ =	shalt  }
0x7c: {  	_ =	shalt  }
0x7d: {  	_ =	shalt  }
0x7e: {  	_ =	shalt  }
0x7f: {  	_ =	shalt  }
0x80: {  	_ =	shalt  }
0x81: {  	_ =	shalt  }
0x82: {  	_ =	shalt  }
0x83: {  	_ =	shalt  }
0x84: {  	_ =	shalt  }
0x85: {  	_ =	shalt  }
0x86: {  	_ =	shalt  }
0x87: {  	_ =	shalt  }
.Lfunc_end0:
.L_simem_size_0:
called_computation.1_lowered:
.L_overlay_start_0:
0x88: {  	s2 =	sld [smem:$0x3FD9]  }
0x89: {  	s3 =	sld [smem:$0x3FFE];
	_ =	sdelay $0x1  }
0x8a: {  	s1 =	srdreg.scid  }
0x8b: {  	s0 =	sand.u32 $0x1, s1  }
0x8c: {  	s17 =	sshll.u32 s0, $0xA;
	s2 =	sadd.s32 s3, s2  }
0x8d: {  	s2 =	sadd.s32 s2, s17  }
0x8e: {  	[smem:$0x3FBE] =	sst s2  }
0x8f: {  	_ = 	snop  }
0x90: {  	s2 =	sld [smem:$0x3FD0];
	(tm) =	ssettm $0x1  }
0x91: {  	s18 =	sld [smem:$0x3FFB];
	_ =	sdelay $0x3  }
0x92: {  	_ =	strace s18  }
0x93: {  	s3 =	sld [smem:$0x3FFC];
	_ =	sdelay $0x3  }
0x94: {  	_ =	strace s3  }
0x95: {  	s3 =	sld [smem:$0x3FFD];
	_ =	sdelay $0x3  }
0x96: {  	_ =	strace s3  }
0x97: {  	_ =	strace $0x8FFFFFFF  }
0x98: {  	s19 =	sld [smem:$0x3FDB];
	_ =	sdelay $0x1  }
0x99: {  	s4 =	simm.s32 $_scs_section_size  }
0x9a: {  	s5 =	simm.s32 $_size__tile_overlayer_lowered;
	s6 =	simm.s32 $_tile_overlayer_lowered  }
0x9b: {  	s22 =	simm.s32 $0x1BFF;
	s21 =	sshll.u32 s6, $0x1;
	s3 =	sadd.s32 s4, s19  }
0x9c: {  	s7 =	simm.s32 $0x0;
	s20 =	sshll.u32 s5, $0x1;
	s5 =	sadd.s32 s21, s3  }
0x9d: {  	[timem:s7], [sflag:s22] =	dma.local [hbm:s5], s20  }
0x9e: {  	_ =	swait.ge [sflag:s22], s20  }
0x9f: {  	s4 =	ssub.s32 $0x0, s20;
	[sflag:s22] =	ssyncset.done $0x0  }
0xa0: {  	[sflag:s22] =	ssyncadd.s32 s4;
	_ =	sdelay $0x1  }
0xa1: {  	s23 =	simm.s32 $0x1B8B  }
0xa2: {  	_ =	swait.ge [sflag:s23], $0x1  }
0xa3: {  	[sflag:s23] =	ssyncset.done $0x0  }
0xa4: {  	s25 =	simm.s32 $0x1B8E;
	s24 =	sld [smem:$0x3FFE];
	[sflag:s23] =	ssyncadd.s32 $0xFFFFFFFF  }
0xa5: {  	s26 =	simm.s32 $execute0_lowered;
	[smem:$0x3FD2] =	sst s25  }
0xa6: {  	s5 =	sshll.u32 s26, $0x1;
	_ =	strace $0x80000049;
	[dreg:$0x1] =	wrdreg $0xFFFFFFFF  }
0xa7: {  	s28 =	simm.s32 $_size_execute0_lowered;
	s3 =	sadd.s32 s3, s5;
	[dreg:$0x0] =	wrdreg $0x0  }
0xa8: {  	s5 =	sshll.u32 s28, $0x1;
	[dreg:$0x2] =	wrdreg s3  }
0xa9: {  	[dreg:$0x3] =	wrdreg s5  }
0xaa: {  	[dreg:$0x4] =	wrdreg $0xC0  }
0xab: {  	_ =	task [dreg:s7], $0x5FFFF  }
0xac: {  	[dreg:$0x1] =	wrdreg $0xFFFFFFFF  }
0xad: {  	[dreg:$0x0] =	wrdreg $0x60  }
0xae: {  	[dreg:$0x2] =	wrdreg s24  }
0xaf: {  	[dreg:$0x3] =	wrdreg s2  }
0xb0: {  	[dreg:$0x4] =	wrdreg $0x13C400  }
0xb1: {  	[dreg:$0x5] =	wrdreg $0x9  }
0xb2: {  	_ =	task.clear_ibuf [dreg:s7], $0x6FFFF;
	_ =	strace $0x90000049  }
0xb3: {  	s29 =	simm.s32 $0x9;
	_ =	strace $0x8000004B  }
0xb4: {  	_ =	swait.ge [sflag:s29], $0x1  }
0xb5: {  	[sflag:s29] =	ssyncadd.s32 $0xFFFFFFFF  }
0xb6: {  	_ =	strace $0x9000004B  }
0xb7: {  	_ =	sfence  }
0xb8: {  	s30 =	sld [smem:$0x0];
	_ =	sdelay $0x2  }
0xb9: {  	s31 =	sshll.u32 s1, $0xD;
	s1 =	sshrl.u32 s1, $0x2  }
0xba: {  	s3 =	sand.u32 $0x4000, s31;
	s1 =	sadd.s32 s1, s30  }
0xbb: {  	s0 =	sor.u32 s3, s0;
	s1 =	sshll.u32 s1, $0x11  }
0xbc: {  	s0 =	sor.u32 s1, s0  }
0xbd: {  	s0 =	sadd.s32 $0x8F2B, s0  }
0xbe: {  	[sflag:s0] =	ssyncadd.remote.s32 $0x1  }
0xbf: {  	_ =	sfence.sel $0xFFFF  }
0xc0: {  	[dreg:$0x0] =	wrdreg $0xFFFFFFFF;
	(pc) =	sbr.abs _section_cstart, $3  }
0xc1: {  	[dreg:$0x1] =	wrdreg $0xFFFFFFFF  }
0xc2: {  	_ =	task.clear_ibuf [dreg:s7], $0x2FFFF;
	_ =	strace $0x9FFFFFFF  }
0xc3: {  	(tm) =	ssettm $0x7FFFFFFF  }
tec
execute0_lowered:
.L_overlay_start_1:
0x0: {  	(tag) =	ssettag $0x1  }
0x1: {  	s0 =	rddreg [dreg:$0x0];
	s1 =	srdreg.scid  }
0x2: {  	s4 =	rddreg [dreg:$0x1];
	s11 =	stileid.u32  }
0x3: {  	s2 =	rddreg [dreg:$0x2];
	s3 =	simm.s32 $0x0;
	s12 =	simm.s32 $0xB  }
0x4: {  	s13 =	simm.s32 $0x5000;
	s14 =	simm.s32 $0x7D;
	s15 =	simm.s32 $0xA000  }
0x5: {  	s17 =	simm.s32 $0xBF40;
	s19 =	simm.s32 $0xDE80;
	s21 =	simm.s32 $0xFDC0  }
0x6: {  	s28 =	simm.s32 $0x6;
	s30 =	simm.s32 $0x3;
	s16 =	simm.s32 $0x4  }
0x7: {  	s20 =	simm.s32 $0x8;
	s31 =	simm.s32 $0x9;
	s6 =	smul.u32 $0xA00, s11  }
0x8: {  	s18 =	simm.s32 $0xA;
	s1 =	sand.u32 $0x1, s1;
	s7 =	smul.u32 $0xA000, s11  }
0x9: {  	[smem:$0x7FF] =	sst s3;
	s23 =	sadd.s32 $0x33600, s0;
	s5 =	smul.u32 $0x13880, s1  }
0xa: {  	s25 =	sshll.u32 s11, $0x6;
	s8 =	smul.u32 $0xA0000, s1;
	_ =	strace $0x8000004A  }
0xb: {  	s1 =	ssub.s32 $0x2, s1;
	[dreg:$0x4] =	wrdreg s23;
	s23 =	simm.s32 $0x0  }
0xc: {  	s10 =	sadd.s32 s6, s0;
	s24 =	sshrl.u32 s1, $0x1;
	s26 =	sadd.s32 s7, s2  }
0xd: {  	s4 =	sadd.s32 s4, s6;
	s9 =	sadd.s32 s5, s0;
	s22 =	sadd.s32 s7, s8  }
0xe: {  	s1 =	ssub.s32 s1, s24;
	[dreg:$0x5] =	wrdreg s4;
	s29 =	sadd.s32 $0x2400, s10  }
.Ltmp0:
0xf: {  	s11 =	sshrl.u32 s26, $0x3;
	s24 =	simm.s32 $0x11D00;
	(pc) =	sbr.rel .LBB2_1-.Ltmp0, $4  }
0x10: {  	s26 =	simm.s32 $0x5;
	s5 =	sshrl.u32 s22, $0x3;
	[dreg:$0x6] =	wrdreg s29  }
0x11: {  	s8 =	sadd.s32 $0xC400, s9;
	s10 =	smax.u32 s1, $0x1;
	s0 =	sadd.s32 s5, s0  }
0x12: {  	s22 =	simm.s32 $0x1;
	s1 =	simm.s32 $0x7;
	s0 =	sadd.s32 $0x34A00, s0  }
0x13: {  	s5 =	sor.u32 $0x1C0B, s25;
	s25 =	simm.s32 $0x2;
	[dreg:$0x7] =	wrdreg s0  }
.LBB2_4:
0x14: {  	_ =	swait.ge [sflag:s26], $0x1F40  }
0x15: {  	[sflag:s26] =	ssyncset.done $0x0  }
0x16: {  	[sflag:s26] =	ssyncadd.s32 $0xFFFFE0C0  }
0x17: {  	[spmem:s2] =	stream.indirect.scatter.add.f32 [tilespmem:s24], [sflag:$0xA], $0x40, s4, s14, $0xb8;
	[tilespmem:$0x1DC40] =	vst v63  }
0x18: {  	_ =	swait.ge [sflag:s28], $0x1F40  }
0x19: {  	[sflag:s28] =	ssyncset.done $0x0  }
0x1a: {  	[sflag:s28] =	ssyncadd.s32 $0xFFFFE0C0  }
0x1b: {  	_ =	swait.ge [sflag:s1], $0x1F40  }
0x1c: {  	[sflag:s1] =	ssyncset.done $0x0  }
0x1d: {  	[sflag:s1] =	ssyncadd.s32 $0xFFFFE0C0  }
0x1e: {  	_ =	swait.ge [sflag:s20], $0x1F40  }
0x1f: {  	[sflag:s20] =	ssyncset.done $0x0  }
0x20: {  	[sflag:s20] =	ssyncadd.s32 $0xFFFFE0C0  }
0x21: {  	_ =	swait.ge [sflag:s31], $0x1F40  }
0x22: {  	[sflag:s31] =	ssyncset.done $0x0  }
0x23: {  	[sflag:s31] =	ssyncadd.s32 $0xFFFFE0C0  }
0x24: {  	_ =	swait.ge [sflag:s18], $0x1F40  }
0x25: {  	[sflag:s18] =	ssyncset.done $0x0  }
0x26: {  	s23 =	sadd.s32 $0x1, s23;
	[sflag:s18] =	ssyncadd.s32 $0xFFFFE0C0  }
0x27: {  	p0 =	sne.s32 s23, s10;
	[bflag:$0x0] =	sbarrier.arrive $0xFFFF  }
.Ltmp1:
0x28: {  	s0 =	rddreg [dreg:$0x7];
	(pc) =	sbr.rel @!p0 .LBB2_5-.Ltmp1, $4  }
0x29: {  	[hbm:s0], [sflag:s5] =	dma.local [spmem:s11], $0x1400  }
0x2a: {  	_ =	swait.ge [sflag:s12], $0x1400  }
0x2b: {  	[sflag:s12] =	ssyncset.done $0x0  }
0x2c: {  	[sflag:s12] =	ssyncadd.s32 $0xFFFFEC00  }
.LBB2_1:
0x2d: {  	s0 =	rddreg [dreg:$0x4]  }
0x2e: {  	[spmem:s11], [sflag:s5] =	dma.local [hbm:s0], $0x1400  }
0x2f: {  	_ =	swait.ge [sflag:s12], $0x1400  }
0x30: {  	[sflag:s12] =	ssyncset.done $0x0  }
0x31: {  	s7 =	rddreg [dreg:$0x5];
	[sflag:s12] =	ssyncadd.s32 $0xFFFFEC00  }
0x32: {  	[tilespmem:s3], [sflag:$0xB] =	stream.linear.gather [hbm4b:s7+s3], $0x5000, $0x38;
	[tilespmem:$0x1DC40] =	vst v63  }
0x33: {  	_ =	swait.ge [sflag:s12], $0x5000  }
0x34: {  	[sflag:s12] =	ssyncset.done $0x0  }
0x35: {  	s9 =	rddreg [dreg:$0x6];
	[sflag:s12] =	ssyncadd.s32 $0xFFFFB000  }
0x36: {  	[tilespmem:s13], [sflag:$0xB] =	stream.linear.gather [hbm4b:s9+s3], $0x5000, $0x38;
	[tilespmem:$0x1DC40] =	vst v63  }
0x37: {  	_ =	swait.ge [sflag:s12], $0x5000  }
0x38: {  	[sflag:s12] =	ssyncset.done $0x0  }
0x39: {  	[sflag:s12] =	ssyncadd.s32 $0xFFFFB000  }
0x3a: {  	[bflag:$0x0] =	sbarrier.arrive $0xFFFF  }
0x3b: {  	[tilespmem:s15], [sflag:$0x1] =	stream.indirect.gather [hbm4b:s8+s14], $0x40, s3, s14, $0xb8;
	[tilespmem:$0x1DC40] =	vst v63  }
0x3c: {  	s4 =	simm.s32 $0x80  }
0x3d: {  	[tilespmem:s17], [sflag:$0x2] =	stream.indirect.gather [hbm4b:s8+s14], $0x40, s4, s14, $0xb8;
	[tilespmem:$0x1DC40] =	vst v63  }
0x3e: {  	s6 =	simm.s32 $0x100  }
0x3f: {  	[tilespmem:s19], [sflag:$0x3] =	stream.indirect.gather [hbm4b:s8+s14], $0x40, s6, s14, $0xb8;
	[tilespmem:$0x1DC40] =	vst v63  }
0x40: {  	s7 =	simm.s32 $0x180  }
0x41: {  	[tilespmem:s21], [sflag:$0x4] =	stream.indirect.gather [hbm4b:s8+s14], $0x40, s7, s14, $0xb8;
	[tilespmem:$0x1DC40] =	vst v63  }
0x42: {  	_ =	swait.ge [sflag:s22], $0x1F40  }
0x43: {  	[sflag:s22] =	ssyncset.done $0x0  }
0x44: {  	[sflag:s22] =	ssyncadd.s32 $0xFFFFE0C0  }
0x45: {  	[spmem:s2] =	stream.indirect.scatter.add.f32 [tilespmem:s15], [sflag:$0x6], $0x40, s13, s14, $0xb8;
	[tilespmem:$0x1DC40] =	vst v63  }
0x46: {  	s9 =	simm.s32 $0x200  }
0x47: {  	[tilespmem:s24], [sflag:$0x5] =	stream.indirect.gather [hbm4b:s8+s14], $0x40, s9, s14, $0xb8;
	[tilespmem:$0x1DC40] =	vst v63  }
0x48: {  	_ =	swait.ge [sflag:s25], $0x1F40  }
0x49: {  	[sflag:s25] =	ssyncset.done $0x0  }
0x4a: {  	s4 =	simm.s32 $0x5080;
	[sflag:s25] =	ssyncadd.s32 $0xFFFFE0C0  }
0x4b: {  	[spmem:s2] =	stream.indirect.scatter.add.f32 [tilespmem:s17], [sflag:$0x7], $0x40, s4, s14, $0xb8;
	[tilespmem:$0x1DC40] =	vst v63  }
0x4c: {  	_ =	swait.ge [sflag:s28], $0x1F40  }
0x4d: {  	[sflag:s28] =	ssyncset.done $0x0  }
0x4e: {  	s6 =	simm.s32 $0x280;
	[sflag:s28] =	ssyncadd.s32 $0xFFFFE0C0  }
0x4f: {  	[tilespmem:s15], [sflag:$0x1] =	stream.indirect.gather [hbm4b:s8+s14], $0x40, s6, s14, $0xb8;
	[tilespmem:$0x1DC40] =	vst v63  }
0x50: {  	_ =	swait.ge [sflag:s30], $0x1F40  }
0x51: {  	[sflag:s30] =	ssyncset.done $0x0  }
0x52: {  	s7 =	simm.s32 $0x5100;
	[sflag:s30] =	ssyncadd.s32 $0xFFFFE0C0  }
0x53: {  	[spmem:s2] =	stream.indirect.scatter.add.f32 [tilespmem:s19], [sflag:$0x8], $0x40, s7, s14, $0xb8;
	[tilespmem:$0x1DC40] =	vst v63  }
0x54: {  	_ =	swait.ge [sflag:s1], $0x1F40  }
0x55: {  	[sflag:s1] =	ssyncset.done $0x0  }
0x56: {  	s9 =	simm.s32 $0x300;
	[sflag:s1] =	ssyncadd.s32 $0xFFFFE0C0  }
0x57: {  	[tilespmem:s17], [sflag:$0x2] =	stream.indirect.gather [hbm4b:s8+s14], $0x40, s9, s14, $0xb8;
	[tilespmem:$0x1DC40] =	vst v63  }
0x58: {  	_ =	swait.ge [sflag:s16], $0x1F40  }
0x59: {  	[sflag:s16] =	ssyncset.done $0x0  }
0x5a: {  	s4 =	simm.s32 $0x5180;
	[sflag:s16] =	ssyncadd.s32 $0xFFFFE0C0  }
0x5b: {  	[spmem:s2] =	stream.indirect.scatter.add.f32 [tilespmem:s21], [sflag:$0x9], $0x40, s4, s14, $0xb8;
	[tilespmem:$0x1DC40] =	vst v63  }
0x5c: {  	_ =	swait.ge [sflag:s20], $0x1F40  }
0x5d: {  	[sflag:s20] =	ssyncset.done $0x0  }
0x5e: {  	s6 =	simm.s32 $0x380;
	[sflag:s20] =	ssyncadd.s32 $0xFFFFE0C0  }
0x5f: {  	[tilespmem:s19], [sflag:$0x3] =	stream.indirect.gather [hbm4b:s8+s14], $0x40, s6, s14, $0xb8;
	[tilespmem:$0x1DC40] =	vst v63  }
0x60: {  	_ =	swait.ge [sflag:s26], $0x1F40  }
0x61: {  	[sflag:s26] =	ssyncset.done $0x0  }
0x62: {  	s7 =	simm.s32 $0x5200;
	[sflag:s26] =	ssyncadd.s32 $0xFFFFE0C0  }
0x63: {  	[spmem:s2] =	stream.indirect.scatter.add.f32 [tilespmem:s24], [sflag:$0xA], $0x40, s7, s14, $0xb8;
	[tilespmem:$0x1DC40] =	vst v63  }
0x64: {  	_ =	swait.ge [sflag:s31], $0x1F40  }
0x65: {  	[sflag:s31] =	ssyncset.done $0x0  }
0x66: {  	s29 =	simm.s32 $0x0;
	s9 =	simm.s32 $0x400;
	[sflag:s31] =	ssyncadd.s32 $0xFFFFE0C0  }
0x67: {  	[tilespmem:s21], [sflag:$0x4] =	stream.indirect.gather [hbm4b:s8+s14], $0x40, s9, s14, $0xb8;
	[tilespmem:$0x1DC40] =	vst v63  }
.LBB2_2:
0x68: {  	_ =	swait.ge [sflag:s22], $0x1F40  }
0x69: {  	s0 =	sshra.s32 s29, $0x2;
	[sflag:s22] =	ssyncset.done $0x0  }
0x6a: {  	s4 =	sadd.s32 $0x5280, s0;
	[sflag:s22] =	ssyncadd.s32 $0xFFFFE0C0  }
0x6b: {  	[spmem:s2] =	stream.indirect.scatter.add.f32 [tilespmem:s15], [sflag:$0x6], $0x40, s4, s14, $0xb8;
	[tilespmem:$0x1DC40] =	vst v63  }
0x6c: {  	_ =	swait.ge [sflag:s18], $0x1F40  }
0x6d: {  	[sflag:s18] =	ssyncset.done $0x0  }
0x6e: {  	s6 =	sadd.s32 $0x480, s0;
	[sflag:s18] =	ssyncadd.s32 $0xFFFFE0C0  }
0x6f: {  	[tilespmem:s24], [sflag:$0x5] =	stream.indirect.gather [hbm4b:s8+s14], $0x40, s6, s14, $0xb8;
	[tilespmem:$0x1DC40] =	vst v63  }
0x70: {  	_ =	swait.ge [sflag:s25], $0x1F40  }
0x71: {  	p0 =	seq.s32 s29, $0x12C00;
	[sflag:s25] =	ssyncset.done $0x0  }
0x72: {  	s7 =	sadd.s32 $0x5300, s0;
	s4 =	simm.s32 @p0 $0x3;
	[sflag:s25] =	ssyncadd.s32 $0xFFFFE0C0  }
0x73: {  	[spmem:s2] =	stream.indirect.scatter.add.f32 [tilespmem:s17], [sflag:$0x7], $0x40, s7, s14, $0xb8;
	[tilespmem:$0x1DC40] =	vst v63  }
0x74: {  	_ =	swait.ge @p0 [sflag:s4], $0x1F40  }
0x75: {  	[sflag:s4] =	ssyncset.done @p0 $0x0  }
0x76: {  	[sflag:s4] =	ssyncadd.s32 @p0 $0xFFFFE0C0;
	s4 =	sshra.s32 @p0 s29, $0x2  }
0x77: {  	s6 =	simm.s32 @p0 $0x7D;
	s7 =	simm.s32 @p0 $0xDE80;
	s4 =	sadd.s32 @p0 $0x5380, s4  }
0x78: {  	[spmem:s2] =	stream.indirect.scatter.add.f32 @p0 [tilespmem:s7], [sflag:$0x8], $0x40, s4, s6, $0xb8;
	[tilespmem:$0x1DC40] =	vst v63  }
0x79: {  	s4 =	simm.s32 @!p0 $0x6  }
0x7a: {  	_ =	swait.ge @!p0 [sflag:s4], $0x1F40  }
0x7b: {  	[sflag:s4] =	ssyncset.done @!p0 $0x0  }
0x7c: {  	[sflag:s4] =	ssyncadd.s32 @!p0 $0xFFFFE0C0;
	s4 =	sshra.s32 @!p0 s29, $0x2  }
0x7d: {  	s9 =	simm.s32 @!p0 $0xA000;
	s7 =	simm.s32 @!p0 $0x7D;
	s6 =	sadd.s32 @!p0 $0x500, s4  }
0x7e: {  	[tilespmem:s9], [sflag:$0x1] =	stream.indirect.gather @!p0 [hbm4b:s8+s7], $0x40, s6, s7, $0xb8;
	[tilespmem:$0x1DC40] =	vst v63  }
0x7f: {  	s6 =	simm.s32 @!p0 $0x3  }
0x80: {  	_ =	swait.ge @!p0 [sflag:s6], $0x1F40  }
0x81: {  	[sflag:s6] =	ssyncset.done @!p0 $0x0  }
0x82: {  	s9 =	simm.s32 @!p0 $0xDE80;
	[sflag:s6] =	ssyncadd.s32 @!p0 $0xFFFFE0C0;
	s6 =	sadd.s32 @!p0 $0x5380, s4  }
0x83: {  	[spmem:s2] =	stream.indirect.scatter.add.f32 @!p0 [tilespmem:s9], [sflag:$0x8], $0x40, s6, s7, $0xb8;
	[tilespmem:$0x1DC40] =	vst v63  }
0x84: {  	s6 =	simm.s32 @!p0 $0x7  }
0x85: {  	_ =	swait.ge @!p0 [sflag:s6], $0x1F40  }
0x86: {  	[sflag:s6] =	ssyncset.done @!p0 $0x0  }
0x87: {  	s4 =	sadd.s32 @!p0 $0x580, s4;
	[sflag:s6] =	ssyncadd.s32 @!p0 $0xFFFFE0C0;
	s6 =	simm.s32 @!p0 $0xBF40  }
0x88: {  	[tilespmem:s6], [sflag:$0x2] =	stream.indirect.gather @!p0 [hbm4b:s8+s7], $0x40, s4, s7, $0xb8;
	[tilespmem:$0x1DC40] =	vst v63  }
.Ltmp2:
0x89: {  	_ = 	snop;
	(pc) =	sbr.rel @p0 .LBB2_4-.Ltmp2, $4  }
0x8a: {  	_ =	swait.ge [sflag:s16], $0x1F40  }
0x8b: {  	[sflag:s16] =	ssyncset.done $0x0  }
0x8c: {  	s9 =	sadd.s32 $0x5400, s0;
	s4 =	sadd.s32 $0x5480, s0;
	[sflag:s16] =	ssyncadd.s32 $0xFFFFE0C0  }
0x8d: {  	[spmem:s2] =	stream.indirect.scatter.add.f32 [tilespmem:s21], [sflag:$0x9], $0x40, s9, s14, $0xb8;
	[tilespmem:$0x1DC40] =	vst v63  }
0x8e: {  	_ =	swait.ge [sflag:s20], $0x1F40  }
0x8f: {  	[sflag:s20] =	ssyncset.done $0x0  }
0x90: {  	s6 =	sadd.s32 $0x600, s0;
	[sflag:s20] =	ssyncadd.s32 $0xFFFFE0C0  }
0x91: {  	[tilespmem:s19], [sflag:$0x3] =	stream.indirect.gather [hbm4b:s8+s14], $0x40, s6, s14, $0xb8;
	[tilespmem:$0x1DC40] =	vst v63  }
0x92: {  	_ =	swait.ge [sflag:s26], $0x1F40  }
0x93: {  	[sflag:s26] =	ssyncset.done $0x0  }
0x94: {  	[sflag:s26] =	ssyncadd.s32 $0xFFFFE0C0  }
0x95: {  	[spmem:s2] =	stream.indirect.scatter.add.f32 [tilespmem:s24], [sflag:$0xA], $0x40, s4, s14, $0xb8;
	[tilespmem:$0x1DC40] =	vst v63  }
.Ltmp3:
0x96: {  	_ = 	snop;
	(pc) =	sbr.rel .LBB2_2-.Ltmp3, $4  }
0x97: {  	_ =	swait.ge [sflag:s31], $0x1F40  }
0x98: {  	[sflag:s31] =	ssyncset.done $0x0  }
0x99: {  	s9 =	sadd.s32 $0x680, s0;
	s29 =	sadd.s32 $0xA00, s29;
	[sflag:s31] =	ssyncadd.s32 $0xFFFFE0C0  }
0x9a: {  	[tilespmem:s21], [sflag:$0x4] =	stream.indirect.gather [hbm4b:s8+s14], $0x40, s9, s14, $0xb8;
	[tilespmem:$0x1DC40] =	vst v63  }
.LBB2_5:
0x9b: {  	_ =	sfence.sel $0x180000  }
0x9c: {  	[bflag:$0x0] =	sbarrier.arrive $0xFFFF  }
0x9d: {  	_ =	strace $0x9000004A  }
0x9e: {  	s0 =	stileid.u32;
	[bflag:$0x2] =	sbarrier.arrive $0xFFFF  }
0x9f: {  	p0 =	sne.s32 s0, $0x0;
	s0 =	rddreg [dreg:$0x3]  }
0xa0: {  	s0 =	sadd.s32 @!p0 $0x100000, s0  }
0xa1: {  	[sflag:s0] =	ssyncadd.tile.s32 @!p0 $0x1;
	_ =	shalt  }
.Lfunc_end2:
_tile_overlayer_lowered:
.L_overlay_start_2:
0xa2: {  	(tag) =	ssettag $0x2  }
0xa3: {  	s0 =	rddreg [dreg:$0x0];
	s2 =	stileid.u32  }
0xa4: {  	s1 =	rddreg [dreg:$0x1];
	p0 =	sne.s32 s2, $0x0  }
0xa5: {  	s3 =	rddreg [dreg:$0x2];
	[bflag:$0x3] =	sbarrier.arrive $0xFFFF;
	s2 =	simm.s32 @!p0 $0x1C0B  }
0xa6: {  	[timem:s3], [sflag:s2] =	dma.local @!p0 [hbm:s0], s1  }
0xa7: {  	s0 =	simm.s32 @!p0 $0xB  }
0xa8: {  	_ =	swait.ge @!p0 [sflag:s0], s1  }
0xa9: {  	s1 =	ssub.s32 @!p0 $0x0, s1;
	[sflag:s0] =	ssyncset.done @!p0 $0x0  }
0xaa: {  	[sflag:s0] =	ssyncadd.s32 @!p0 s1  }
0xab: {  	[bflag:$0x3] =	sbarrier.arrive $0xFFFF  }
0xac: {  	_ =	shalt  }

// kernel: kernel.17.cloned.1.call-start
scs
__scs_entry_jumppad:
0x0: {  	(pc) =	sbr.rel $0x88, $3  }
0x1: {  	(tag) =	ssettag $0x0;
	lr =	simm.s32 $0x1  }
0x2: {  	[smem:$0x3F97] =	sst lr;
	_ =	strace $0xD0000000  }
0x3: {  	_ = 	snop  }
0x4: {  	_ = 	snop  }
0x5: {  	_ = 	snop  }
0x6: {  	_ = 	snop  }
0x7: {  	_ = 	snop  }
__scs_overlays_trampoline_lowered:
0x8: {  	[smem:$0x3FA6] =	sst s0  }
0x9: {  	[smem:$0x3FA7] =	sst s1  }
0xa: {  	[smem:$0x3FA8] =	sst s2  }
0xb: {  	[smem:$0x3FA9] =	sst s3  }
0xc: {  	[smem:$0x3FAA] =	sst s4  }
0xd: {  	[smem:$0x3FAB] =	sst s5  }
0xe: {  	[smem:$0x3FAC] =	sst s6  }
0xf: {  	[smem:$0x3FAD] =	sst s7  }
0x10: {  	[smem:$0x3FAE] =	sst s8  }
0x11: {  	[smem:$0x3FAF] =	sst s9;
	s0 =	simm.s32 @!p0 $0x0  }
0x12: {  	s1 =	sld [smem:$0x3F95];
	s0 =	simm.s32 @p0 $0x1  }
0x13: {  	[smem:$0x3FB0] =	sst s0;
	s0 =	simm.s32 @!p1 $0x0  }
0x14: {  	s2 =	sld [smem:$0x3F94];
	s0 =	simm.s32 @p1 $0x1  }
0x15: {  	[smem:$0x3FB1] =	sst s0;
	s0 =	simm.s32 @!p2 $0x0  }
0x16: {  	s3 =	sld [smem:$0x3FDB];
	s0 =	simm.s32 @p2 $0x1  }
0x17: {  	s4 =	simm.s32 $0x1BF5;
	[smem:$0x3FB3] =	sst s0  }
0x18: {  	s0 =	sld [smem:$0x3F96];
	_ =	swait.ge [sflag:s4], $0x0  }
0x19: {  	s7 =	sld [smem:$0x3F97]  }
0x1a: {  	s8 =	sadd.s32 $0xFFFFE003, lr  }
0x1b: {  	s9 =	sadd.s32 $0xFFFFFEF7, lr;
	s5 =	simm.s32 $0xFFFFFFFF;
	p2 =	slt.u32 s8, $0xFFFFF086  }
0x1c: {  	p1 =	slt.u32 s9, $0xF7A;
	s5 =	simm.s32 @!p2 $0x0  }
0x1d: {  	s5 =	simm.s32 @p1 $0x1;
	p0 =	seq.s32 s7, s2  }
0x1e: {  	s7 =	smul.u32 @!p0 $0xF7A, s2;
	p2 =	seq.s32 @!p0 s5, $0x0  }
0x1f: {  	s9 =	smul.u32 $0xF7A, s1;
	s8 =	simm.s32 @!p0 $0x1BF5;
	p2 =	por !p2, p0  }
0x20: {  	[sflag:s8] =	ssyncset.s32 @!p0 $0xFFFFF086;
	s6 =	sadd.s32 @!p0 s3, s7;
	s7 =	simm.s32 @!p0 $0x108  }
0x21: {  	s3 =	sadd.s32 s3, s9;
	s6 =	sadd.s32 @!p0 $0x88, s6;
	s7 =	simm.s32 @p2 $0x1082  }
0x22: {  	[simem:s7], [sflag:s8] =	dma.local @!p0 [hbm:s6], $0xF7A  }
0x23: {  	s9 =	sor.u32 $0xD0000000, s2;
	s6 =	simm.s32 $0x108;
	_ =	swait.ge @!p0 [sflag:s8], $0x0  }
0x24: {  	s3 =	sadd.s32 $0x88, s3;
	s6 =	simm.s32 @!p1 $0x1082;
	[sflag:s4] =	ssyncset.s32 $0xFFFFF086  }
0x25: {  	[simem:s6], [sflag:s4] =	dma.local [hbm:s3], $0xF7A  }
0x26: {  	[smem:$0x3F97] =	sst s1;
	(tag) =	ssettag s2;
	_ =	strace s9  }
0x27: {  	s1 =	sld [smem:$0x3FA7]  }
0x28: {  	s2 =	sld [smem:$0x3FA8]  }
0x29: {  	s4 =	sld [smem:$0x3FAA]  }
0x2a: {  	p0 =	seq.s32 s5, $0x0;
	s5 =	sld [smem:$0x3FAB]  }
0x2b: {  	s6 =	sld [smem:$0x3FAC]  }
0x2c: {  	s7 =	sld [smem:$0x3FAD]  }
0x2d: {  	s3 =	simm.s32 $0x108;
	s8 =	sld [smem:$0x3FAE]  }
0x2e: {  	s3 =	simm.s32 @!p0 $0x1082;
	s9 =	sld [smem:$0x3FAF]  }
0x2f: {  	lr =	sadd.s32 s0, s3;
	s0 =	sld [smem:$0x3FA6]  }
0x30: {  	s3 =	sld [smem:$0x3FA9]  }
0x31: {  	[smem:$0x3FB2] =	sst s10  }
0x32: {  	s10 =	sld [smem:$0x3FB0];
	_ =	sdelay $0x3  }
0x33: {  	p0 =	seq.s32 s10, $0x1;
	s10 =	sld [smem:$0x3FB2];
	_ =	sdelay $0x3  }
0x34: {  	[smem:$0x3FB2] =	sst s10  }
0x35: {  	s10 =	sld [smem:$0x3FB1];
	_ =	sdelay $0x3  }
0x36: {  	p1 =	seq.s32 s10, $0x1;
	s10 =	sld [smem:$0x3FB2];
	_ =	sdelay $0x3  }
0x37: {  	[smem:$0x3FB2] =	sst s10  }
0x38: {  	s10 =	sld [smem:$0x3FB3]  }
0x39: {  	_ = 	snop;
	(pc) =	sbr.ind lr, $3  }
0x3a: {  	_ = 	snop  }
0x3b: {  	_ = 	snop  }
0x3c: {  	p2 =	seq.s32 s10, $0x1;
	s10 =	sld [smem:$0x3FB2]  }
0x3d: {  	_ =	shalt  }
0x3e: {  	_ =	shalt  }
0x3f: {  	_ =	shalt  }
0x40: {  	_ =	shalt  }
0x41: {  	_ =	shalt  }
0x42: {  	_ =	shalt  }
0x43: {  	_ =	shalt  }
0x44: {  	_ =	shalt  }
0x45: {  	_ =	shalt  }
0x46: {  	_ =	shalt  }
0x47: {  	_ =	shalt  }
0x48: {  	_ =	shalt  }
0x49: {  	_ =	shalt  }
0x4a: {  	_ =	shalt  }
0x4b: {  	_ =	shalt  }
0x4c: {  	_ =	shalt  }
0x4d: {  	_ =	shalt  }
0x4e: {  	_ =	shalt  }
0x4f: {  	_ =	shalt  }
0x50: {  	_ =	shalt  }
0x51: {  	_ =	shalt  }
0x52: {  	_ =	shalt  }
0x53: {  	_ =	shalt  }
0x54: {  	_ =	shalt  }
0x55: {  	_ =	shalt  }
0x56: {  	_ =	shalt  }
0x57: {  	_ =	shalt  }
0x58: {  	_ =	shalt  }
0x59: {  	_ =	shalt  }
0x5a: {  	_ =	shalt  }
0x5b: {  	_ =	shalt  }
0x5c: {  	_ =	shalt  }
0x5d: {  	_ =	shalt  }
0x5e: {  	_ =	shalt  }
0x5f: {  	_ =	shalt  }
0x60: {  	_ =	shalt  }
0x61: {  	_ =	shalt  }
0x62: {  	_ =	shalt  }
0x63: {  	_ =	shalt  }
0x64: {  	_ =	shalt  }
0x65: {  	_ =	shalt  }
0x66: {  	_ =	shalt  }
0x67: {  	_ =	shalt  }
0x68: {  	_ =	shalt  }
0x69: {  	_ =	shalt  }
0x6a: {  	_ =	shalt  }
0x6b: {  	_ =	shalt  }
0x6c: {  	_ =	shalt  }
0x6d: {  	_ =	shalt  }
0x6e: {  	_ =	shalt  }
0x6f: {  	_ =	shalt  }
0x70: {  	_ =	shalt  }
0x71: {  	_ =	shalt  }
0x72: {  	_ =	shalt  }
0x73: {  	_ =	shalt  }
0x74: {  	_ =	shalt  }
0x75: {  	_ =	shalt  }
0x76: {  	_ =	shalt  }
0x77: {  	_ =	shalt  }
0x78: {  	_ =	shalt  }
0x79: {  	_ =	shalt  }
0x7a: {  	_ =	shalt  }
0x7b: {  	_ =	shalt  }
0x7c: {  	_ =	shalt  }
0x7d: {  	_ =	shalt  }
0x7e: {  	_ =	shalt  }
0x7f: {  	_ =	shalt  }
0x80: {  	_ =	shalt  }
0x81: {  	_ =	shalt  }
0x82: {  	_ =	shalt  }
0x83: {  	_ =	shalt  }
0x84: {  	_ =	shalt  }
0x85: {  	_ =	shalt  }
0x86: {  	_ =	shalt  }
0x87: {  	_ =	shalt  }
.Lfunc_end0:
.L_simem_size_0:
called_computation.2_lowered:
.L_overlay_start_0:
0x88: {  	s2 =	sld [smem:$0x3FD9]  }
0x89: {  	s3 =	sld [smem:$0x3FFE];
	_ =	sdelay $0x1  }
0x8a: {  	s1 =	srdreg.scid  }
0x8b: {  	s0 =	sand.u32 $0x1, s1  }
0x8c: {  	s17 =	sshll.u32 s0, $0xA;
	s2 =	sadd.s32 s3, s2  }
0x8d: {  	s2 =	sadd.s32 s2, s17  }
0x8e: {  	[smem:$0x3FBE] =	sst s2  }
0x8f: {  	_ = 	snop  }
0x90: {  	s2 =	sld [smem:$0x3FD0];
	(tm) =	ssettm $0x1  }
0x91: {  	s18 =	sld [smem:$0x3FFB];
	_ =	sdelay $0x3  }
0x92: {  	_ =	strace s18  }
0x93: {  	s3 =	sld [smem:$0x3FFC];
	_ =	sdelay $0x3  }
0x94: {  	_ =	strace s3  }
0x95: {  	s3 =	sld [smem:$0x3FFD];
	_ =	sdelay $0x3  }
0x96: {  	_ =	strace s3  }
0x97: {  	_ =	strace $0x8FFFFFFF  }
0x98: {  	s19 =	sld [smem:$0x3FDB];
	_ =	sdelay $0x1  }
0x99: {  	s4 =	simm.s32 $_scs_section_size  }
0x9a: {  	s5 =	simm.s32 $_size__tile_overlayer_lowered;
	s6 =	simm.s32 $_tile_overlayer_lowered  }
0x9b: {  	s22 =	simm.s32 $0x1BFF;
	s21 =	sshll.u32 s6, $0x1;
	s3 =	sadd.s32 s4, s19  }
0x9c: {  	s7 =	simm.s32 $0x0;
	s20 =	sshll.u32 s5, $0x1;
	s5 =	sadd.s32 s21, s3  }
0x9d: {  	[timem:s7], [sflag:s22] =	dma.local [hbm:s5], s20  }
0x9e: {  	_ =	swait.ge [sflag:s22], s20  }
0x9f: {  	s4 =	ssub.s32 $0x0, s20;
	[sflag:s22] =	ssyncset.done $0x0  }
0xa0: {  	[sflag:s22] =	ssyncadd.s32 s4;
	_ =	sdelay $0x1  }
0xa1: {  	s23 =	simm.s32 $0x1B8B  }
0xa2: {  	_ =	swait.ge [sflag:s23], $0x1  }
0xa3: {  	[sflag:s23] =	ssyncset.done $0x0  }
0xa4: {  	s25 =	simm.s32 $0x1B8E;
	s24 =	sld [smem:$0x3FFE];
	[sflag:s23] =	ssyncadd.s32 $0xFFFFFFFF  }
0xa5: {  	s26 =	simm.s32 $execute0_lowered;
	[smem:$0x3FD2] =	sst s25  }
0xa6: {  	s5 =	sshll.u32 s26, $0x1;
	_ =	strace $0x8000004C;
	[dreg:$0x1] =	wrdreg $0xFFFFFFFF  }
0xa7: {  	s28 =	simm.s32 $_size_execute0_lowered;
	s3 =	sadd.s32 s3, s5;
	[dreg:$0x0] =	wrdreg $0x0  }
0xa8: {  	s5 =	sshll.u32 s28, $0x1;
	[dreg:$0x2] =	wrdreg s3  }
0xa9: {  	[dreg:$0x3] =	wrdreg s5  }
0xaa: {  	[dreg:$0x4] =	wrdreg $0xC0  }
0xab: {  	_ =	task [dreg:s7], $0x5FFFF  }
0xac: {  	[dreg:$0x1] =	wrdreg $0xFFFFFFFF  }
0xad: {  	[dreg:$0x0] =	wrdreg $0x60  }
0xae: {  	[dreg:$0x2] =	wrdreg s24  }
0xaf: {  	[dreg:$0x3] =	wrdreg s2  }
0xb0: {  	[dreg:$0x4] =	wrdreg $0x13C400  }
0xb1: {  	[dreg:$0x5] =	wrdreg $0x9  }
0xb2: {  	_ =	task.clear_ibuf [dreg:s7], $0x6FFFF;
	_ =	strace $0x9000004C  }
0xb3: {  	s29 =	simm.s32 $0x9;
	_ =	strace $0x8000004E  }
0xb4: {  	_ =	swait.ge [sflag:s29], $0x1  }
0xb5: {  	[sflag:s29] =	ssyncadd.s32 $0xFFFFFFFF  }
0xb6: {  	_ =	strace $0x9000004E  }
0xb7: {  	_ =	sfence  }
0xb8: {  	s30 =	sld [smem:$0x0];
	_ =	sdelay $0x2  }
0xb9: {  	s31 =	sshll.u32 s1, $0xD;
	s1 =	sshrl.u32 s1, $0x2  }
0xba: {  	s3 =	sand.u32 $0x4000, s31;
	s1 =	sadd.s32 s1, s30  }
0xbb: {  	s0 =	sor.u32 s3, s0;
	s1 =	sshll.u32 s1, $0x11  }
0xbc: {  	s0 =	sor.u32 s1, s0  }
0xbd: {  	s0 =	sadd.s32 $0x8F2B, s0  }
0xbe: {  	[sflag:s0] =	ssyncadd.remote.s32 $0x1  }
0xbf: {  	_ =	sfence.sel $0xFFFF  }
0xc0: {  	[dreg:$0x0] =	wrdreg $0xFFFFFFFF;
	(pc) =	sbr.abs _section_cstart, $3  }
0xc1: {  	[dreg:$0x1] =	wrdreg $0xFFFFFFFF  }
0xc2: {  	_ =	task.clear_ibuf [dreg:s7], $0x2FFFF;
	_ =	strace $0x9FFFFFFF  }
0xc3: {  	(tm) =	ssettm $0x7FFFFFFF  }
tec
execute0_lowered:
.L_overlay_start_1:
0x0: {  	(tag) =	ssettag $0x1  }
0x1: {  	s0 =	rddreg [dreg:$0x0];
	s1 =	srdreg.scid  }
0x2: {  	s4 =	rddreg [dreg:$0x1];
	s11 =	stileid.u32  }
0x3: {  	s2 =	rddreg [dreg:$0x2];
	s3 =	simm.s32 $0x0;
	s12 =	simm.s32 $0xB  }
0x4: {  	s13 =	simm.s32 $0x5000;
	s14 =	simm.s32 $0x7D;
	s15 =	simm.s32 $0xA000  }
0x5: {  	s17 =	simm.s32 $0xBF40;
	s19 =	simm.s32 $0xDE80;
	s21 =	simm.s32 $0xFDC0  }
0x6: {  	s28 =	simm.s32 $0x6;
	s30 =	simm.s32 $0x3;
	s16 =	simm.s32 $0x4  }
0x7: {  	s20 =	simm.s32 $0x8;
	s31 =	simm.s32 $0x9;
	s6 =	smul.u32 $0xA00, s11  }
0x8: {  	s18 =	simm.s32 $0xA;
	s1 =	sand.u32 $0x1, s1;
	s7 =	smul.u32 $0xA000, s11  }
0x9: {  	[smem:$0x7FF] =	sst s3;
	s23 =	sadd.s32 $0x33600, s0;
	s5 =	smul.u32 $0x13880, s1  }
0xa: {  	s25 =	sshll.u32 s11, $0x6;
	s8 =	smul.u32 $0xA0000, s1;
	_ =	strace $0x8000004D  }
0xb: {  	s1 =	ssub.s32 $0x2, s1;
	[dreg:$0x4] =	wrdreg s23;
	s23 =	simm.s32 $0x0  }
0xc: {  	s10 =	sadd.s32 s6, s0;
	s24 =	sshrl.u32 s1, $0x1;
	s26 =	sadd.s32 s7, s2  }
0xd: {  	s4 =	sadd.s32 s4, s6;
	s9 =	sadd.s32 s5, s0;
	s22 =	sadd.s32 s7, s8  }
0xe: {  	s1 =	ssub.s32 s1, s24;
	[dreg:$0x5] =	wrdreg s4;
	s29 =	sadd.s32 $0x2400, s10  }
.Ltmp0:
0xf: {  	s11 =	sshrl.u32 s26, $0x3;
	s24 =	simm.s32 $0x11D00;
	(pc) =	sbr.rel .LBB2_1-.Ltmp0, $4  }
0x10: {  	s26 =	simm.s32 $0x5;
	s5 =	sshrl.u32 s22, $0x3;
	[dreg:$0x6] =	wrdreg s29  }
0x11: {  	s8 =	sadd.s32 $0xC400, s9;
	s10 =	smax.u32 s1, $0x1;
	s0 =	sadd.s32 s5, s0  }
0x12: {  	s22 =	simm.s32 $0x1;
	s1 =	simm.s32 $0x7;
	s0 =	sadd.s32 $0x82C00, s0  }
0x13: {  	s5 =	sor.u32 $0x1C0B, s25;
	s25 =	simm.s32 $0x2;
	[dreg:$0x7] =	wrdreg s0  }
.LBB2_4:
0x14: {  	_ =	swait.ge [sflag:s26], $0x1F40  }
0x15: {  	[sflag:s26] =	ssyncset.done $0x0  }
0x16: {  	[sflag:s26] =	ssyncadd.s32 $0xFFFFE0C0  }
0x17: {  	[spmem:s2] =	stream.indirect.scatter.add.f32 [tilespmem:s24], [sflag:$0xA], $0x40, s4, s14, $0xb8;
	[tilespmem:$0x1DC40] =	vst v63  }
0x18: {  	_ =	swait.ge [sflag:s28], $0x1F40  }
0x19: {  	[sflag:s28] =	ssyncset.done $0x0  }
0x1a: {  	[sflag:s28] =	ssyncadd.s32 $0xFFFFE0C0  }
0x1b: {  	_ =	swait.ge [sflag:s1], $0x1F40  }
0x1c: {  	[sflag:s1] =	ssyncset.done $0x0  }
0x1d: {  	[sflag:s1] =	ssyncadd.s32 $0xFFFFE0C0  }
0x1e: {  	_ =	swait.ge [sflag:s20], $0x1F40  }
0x1f: {  	[sflag:s20] =	ssyncset.done $0x0  }
0x20: {  	[sflag:s20] =	ssyncadd.s32 $0xFFFFE0C0  }
0x21: {  	_ =	swait.ge [sflag:s31], $0x1F40  }
0x22: {  	[sflag:s31] =	ssyncset.done $0x0  }
0x23: {  	[sflag:s31] =	ssyncadd.s32 $0xFFFFE0C0  }
0x24: {  	_ =	swait.ge [sflag:s18], $0x1F40  }
0x25: {  	[sflag:s18] =	ssyncset.done $0x0  }
0x26: {  	s23 =	sadd.s32 $0x1, s23;
	[sflag:s18] =	ssyncadd.s32 $0xFFFFE0C0  }
0x27: {  	p0 =	sne.s32 s23, s10;
	[bflag:$0x0] =	sbarrier.arrive $0xFFFF  }
.Ltmp1:
0x28: {  	s0 =	rddreg [dreg:$0x7];
	(pc) =	sbr.rel @!p0 .LBB2_5-.Ltmp1, $4  }
0x29: {  	[hbm:s0], [sflag:s5] =	dma.local [spmem:s11], $0x1400  }
0x2a: {  	_ =	swait.ge [sflag:s12], $0x1400  }
0x2b: {  	[sflag:s12] =	ssyncset.done $0x0  }
0x2c: {  	[sflag:s12] =	ssyncadd.s32 $0xFFFFEC00  }
.LBB2_1:
0x2d: {  	s0 =	rddreg [dreg:$0x4]  }
0x2e: {  	[spmem:s11], [sflag:s5] =	dma.local [hbm:s0], $0x1400  }
0x2f: {  	_ =	swait.ge [sflag:s12], $0x1400  }
0x30: {  	[sflag:s12] =	ssyncset.done $0x0  }
0x31: {  	s7 =	rddreg [dreg:$0x5];
	[sflag:s12] =	ssyncadd.s32 $0xFFFFEC00  }
0x32: {  	[tilespmem:s3], [sflag:$0xB] =	stream.linear.gather [hbm4b:s7+s3], $0x5000, $0x38;
	[tilespmem:$0x1DC40] =	vst v63  }
0x33: {  	_ =	swait.ge [sflag:s12], $0x5000  }
0x34: {  	[sflag:s12] =	ssyncset.done $0x0  }
0x35: {  	s9 =	rddreg [dreg:$0x6];
	[sflag:s12] =	ssyncadd.s32 $0xFFFFB000  }
0x36: {  	[tilespmem:s13], [sflag:$0xB] =	stream.linear.gather [hbm4b:s9+s3], $0x5000, $0x38;
	[tilespmem:$0x1DC40] =	vst v63  }
0x37: {  	_ =	swait.ge [sflag:s12], $0x5000  }
0x38: {  	[sflag:s12] =	ssyncset.done $0x0  }
0x39: {  	[sflag:s12] =	ssyncadd.s32 $0xFFFFB000  }
0x3a: {  	[bflag:$0x0] =	sbarrier.arrive $0xFFFF  }
0x3b: {  	[tilespmem:s15], [sflag:$0x1] =	stream.indirect.gather [hbm4b:s8+s14], $0x40, s3, s14, $0xb8;
	[tilespmem:$0x1DC40] =	vst v63  }
0x3c: {  	s4 =	simm.s32 $0x80  }
0x3d: {  	[tilespmem:s17], [sflag:$0x2] =	stream.indirect.gather [hbm4b:s8+s14], $0x40, s4, s14, $0xb8;
	[tilespmem:$0x1DC40] =	vst v63  }
0x3e: {  	s6 =	simm.s32 $0x100  }
0x3f: {  	[tilespmem:s19], [sflag:$0x3] =	stream.indirect.gather [hbm4b:s8+s14], $0x40, s6, s14, $0xb8;
	[tilespmem:$0x1DC40] =	vst v63  }
0x40: {  	s7 =	simm.s32 $0x180  }
0x41: {  	[tilespmem:s21], [sflag:$0x4] =	stream.indirect.gather [hbm4b:s8+s14], $0x40, s7, s14, $0xb8;
	[tilespmem:$0x1DC40] =	vst v63  }
0x42: {  	_ =	swait.ge [sflag:s22], $0x1F40  }
0x43: {  	[sflag:s22] =	ssyncset.done $0x0  }
0x44: {  	[sflag:s22] =	ssyncadd.s32 $0xFFFFE0C0  }
0x45: {  	[spmem:s2] =	stream.indirect.scatter.add.f32 [tilespmem:s15], [sflag:$0x6], $0x40, s13, s14, $0xb8;
	[tilespmem:$0x1DC40] =	vst v63  }
0x46: {  	s9 =	simm.s32 $0x200  }
0x47: {  	[tilespmem:s24], [sflag:$0x5] =	stream.indirect.gather [hbm4b:s8+s14], $0x40, s9, s14, $0xb8;
	[tilespmem:$0x1DC40] =	vst v63  }
0x48: {  	_ =	swait.ge [sflag:s25], $0x1F40  }
0x49: {  	[sflag:s25] =	ssyncset.done $0x0  }
0x4a: {  	s4 =	simm.s32 $0x5080;
	[sflag:s25] =	ssyncadd.s32 $0xFFFFE0C0  }
0x4b: {  	[spmem:s2] =	stream.indirect.scatter.add.f32 [tilespmem:s17], [sflag:$0x7], $0x40, s4, s14, $0xb8;
	[tilespmem:$0x1DC40] =	vst v63  }
0x4c: {  	_ =	swait.ge [sflag:s28], $0x1F40  }
0x4d: {  	[sflag:s28] =	ssyncset.done $0x0  }
0x4e: {  	s6 =	simm.s32 $0x280;
	[sflag:s28] =	ssyncadd.s32 $0xFFFFE0C0  }
0x4f: {  	[tilespmem:s15], [sflag:$0x1] =	stream.indirect.gather [hbm4b:s8+s14], $0x40, s6, s14, $0xb8;
	[tilespmem:$0x1DC40] =	vst v63  }
0x50: {  	_ =	swait.ge [sflag:s30], $0x1F40  }
0x51: {  	[sflag:s30] =	ssyncset.done $0x0  }
0x52: {  	s7 =	simm.s32 $0x5100;
	[sflag:s30] =	ssyncadd.s32 $0xFFFFE0C0  }
0x53: {  	[spmem:s2] =	stream.indirect.scatter.add.f32 [tilespmem:s19], [sflag:$0x8], $0x40, s7, s14, $0xb8;
	[tilespmem:$0x1DC40] =	vst v63  }
0x54: {  	_ =	swait.ge [sflag:s1], $0x1F40  }
0x55: {  	[sflag:s1] =	ssyncset.done $0x0  }
0x56: {  	s9 =	simm.s32 $0x300;
	[sflag:s1] =	ssyncadd.s32 $0xFFFFE0C0  }
0x57: {  	[tilespmem:s17], [sflag:$0x2] =	stream.indirect.gather [hbm4b:s8+s14], $0x40, s9, s14, $0xb8;
	[tilespmem:$0x1DC40] =	vst v63  }
0x58: {  	_ =	swait.ge [sflag:s16], $0x1F40  }
0x59: {  	[sflag:s16] =	ssyncset.done $0x0  }
0x5a: {  	s4 =	simm.s32 $0x5180;
	[sflag:s16] =	ssyncadd.s32 $0xFFFFE0C0  }
0x5b: {  	[spmem:s2] =	stream.indirect.scatter.add.f32 [tilespmem:s21], [sflag:$0x9], $0x40, s4, s14, $0xb8;
	[tilespmem:$0x1DC40] =	vst v63  }
0x5c: {  	_ =	swait.ge [sflag:s20], $0x1F40  }
0x5d: {  	[sflag:s20] =	ssyncset.done $0x0  }
0x5e: {  	s6 =	simm.s32 $0x380;
	[sflag:s20] =	ssyncadd.s32 $0xFFFFE0C0  }
0x5f: {  	[tilespmem:s19], [sflag:$0x3] =	stream.indirect.gather [hbm4b:s8+s14], $0x40, s6, s14, $0xb8;
	[tilespmem:$0x1DC40] =	vst v63  }
0x60: {  	_ =	swait.ge [sflag:s26], $0x1F40  }
0x61: {  	[sflag:s26] =	ssyncset.done $0x0  }
0x62: {  	s7 =	simm.s32 $0x5200;
	[sflag:s26] =	ssyncadd.s32 $0xFFFFE0C0  }
0x63: {  	[spmem:s2] =	stream.indirect.scatter.add.f32 [tilespmem:s24], [sflag:$0xA], $0x40, s7, s14, $0xb8;
	[tilespmem:$0x1DC40] =	vst v63  }
0x64: {  	_ =	swait.ge [sflag:s31], $0x1F40  }
0x65: {  	[sflag:s31] =	ssyncset.done $0x0  }
0x66: {  	s29 =	simm.s32 $0x0;
	s9 =	simm.s32 $0x400;
	[sflag:s31] =	ssyncadd.s32 $0xFFFFE0C0  }
0x67: {  	[tilespmem:s21], [sflag:$0x4] =	stream.indirect.gather [hbm4b:s8+s14], $0x40, s9, s14, $0xb8;
	[tilespmem:$0x1DC40] =	vst v63  }
.LBB2_2:
0x68: {  	_ =	swait.ge [sflag:s22], $0x1F40  }
0x69: {  	s0 =	sshra.s32 s29, $0x2;
	[sflag:s22] =	ssyncset.done $0x0  }
0x6a: {  	s4 =	sadd.s32 $0x5280, s0;
	[sflag:s22] =	ssyncadd.s32 $0xFFFFE0C0  }
0x6b: {  	[spmem:s2] =	stream.indirect.scatter.add.f32 [tilespmem:s15], [sflag:$0x6], $0x40, s4, s14, $0xb8;
	[tilespmem:$0x1DC40] =	vst v63  }
0x6c: {  	_ =	swait.ge [sflag:s18], $0x1F40  }
0x6d: {  	[sflag:s18] =	ssyncset.done $0x0  }
0x6e: {  	s6 =	sadd.s32 $0x480, s0;
	[sflag:s18] =	ssyncadd.s32 $0xFFFFE0C0  }
0x6f: {  	[tilespmem:s24], [sflag:$0x5] =	stream.indirect.gather [hbm4b:s8+s14], $0x40, s6, s14, $0xb8;
	[tilespmem:$0x1DC40] =	vst v63  }
0x70: {  	_ =	swait.ge [sflag:s25], $0x1F40  }
0x71: {  	p0 =	seq.s32 s29, $0x12C00;
	[sflag:s25] =	ssyncset.done $0x0  }
0x72: {  	s7 =	sadd.s32 $0x5300, s0;
	s4 =	simm.s32 @p0 $0x3;
	[sflag:s25] =	ssyncadd.s32 $0xFFFFE0C0  }
0x73: {  	[spmem:s2] =	stream.indirect.scatter.add.f32 [tilespmem:s17], [sflag:$0x7], $0x40, s7, s14, $0xb8;
	[tilespmem:$0x1DC40] =	vst v63  }
0x74: {  	_ =	swait.ge @p0 [sflag:s4], $0x1F40  }
0x75: {  	[sflag:s4] =	ssyncset.done @p0 $0x0  }
0x76: {  	[sflag:s4] =	ssyncadd.s32 @p0 $0xFFFFE0C0;
	s4 =	sshra.s32 @p0 s29, $0x2  }
0x77: {  	s6 =	simm.s32 @p0 $0x7D;
	s7 =	simm.s32 @p0 $0xDE80;
	s4 =	sadd.s32 @p0 $0x5380, s4  }
0x78: {  	[spmem:s2] =	stream.indirect.scatter.add.f32 @p0 [tilespmem:s7], [sflag:$0x8], $0x40, s4, s6, $0xb8;
	[tilespmem:$0x1DC40] =	vst v63  }
0x79: {  	s4 =	simm.s32 @!p0 $0x6  }
0x7a: {  	_ =	swait.ge @!p0 [sflag:s4], $0x1F40  }
0x7b: {  	[sflag:s4] =	ssyncset.done @!p0 $0x0  }
0x7c: {  	[sflag:s4] =	ssyncadd.s32 @!p0 $0xFFFFE0C0;
	s4 =	sshra.s32 @!p0 s29, $0x2  }
0x7d: {  	s9 =	simm.s32 @!p0 $0xA000;
	s7 =	simm.s32 @!p0 $0x7D;
	s6 =	sadd.s32 @!p0 $0x500, s4  }
0x7e: {  	[tilespmem:s9], [sflag:$0x1] =	stream.indirect.gather @!p0 [hbm4b:s8+s7], $0x40, s6, s7, $0xb8;
	[tilespmem:$0x1DC40] =	vst v63  }
0x7f: {  	s6 =	simm.s32 @!p0 $0x3  }
0x80: {  	_ =	swait.ge @!p0 [sflag:s6], $0x1F40  }
0x81: {  	[sflag:s6] =	ssyncset.done @!p0 $0x0  }
0x82: {  	s9 =	simm.s32 @!p0 $0xDE80;
	[sflag:s6] =	ssyncadd.s32 @!p0 $0xFFFFE0C0;
	s6 =	sadd.s32 @!p0 $0x5380, s4  }
0x83: {  	[spmem:s2] =	stream.indirect.scatter.add.f32 @!p0 [tilespmem:s9], [sflag:$0x8], $0x40, s6, s7, $0xb8;
	[tilespmem:$0x1DC40] =	vst v63  }
0x84: {  	s6 =	simm.s32 @!p0 $0x7  }
0x85: {  	_ =	swait.ge @!p0 [sflag:s6], $0x1F40  }
0x86: {  	[sflag:s6] =	ssyncset.done @!p0 $0x0  }
0x87: {  	s4 =	sadd.s32 @!p0 $0x580, s4;
	[sflag:s6] =	ssyncadd.s32 @!p0 $0xFFFFE0C0;
	s6 =	simm.s32 @!p0 $0xBF40  }
0x88: {  	[tilespmem:s6], [sflag:$0x2] =	stream.indirect.gather @!p0 [hbm4b:s8+s7], $0x40, s4, s7, $0xb8;
	[tilespmem:$0x1DC40] =	vst v63  }
.Ltmp2:
0x89: {  	_ = 	snop;
	(pc) =	sbr.rel @p0 .LBB2_4-.Ltmp2, $4  }
0x8a: {  	_ =	swait.ge [sflag:s16], $0x1F40  }
0x8b: {  	[sflag:s16] =	ssyncset.done $0x0  }
0x8c: {  	s9 =	sadd.s32 $0x5400, s0;
	s4 =	sadd.s32 $0x5480, s0;
	[sflag:s16] =	ssyncadd.s32 $0xFFFFE0C0  }
0x8d: {  	[spmem:s2] =	stream.indirect.scatter.add.f32 [tilespmem:s21], [sflag:$0x9], $0x40, s9, s14, $0xb8;
	[tilespmem:$0x1DC40] =	vst v63  }
0x8e: {  	_ =	swait.ge [sflag:s20], $0x1F40  }
0x8f: {  	[sflag:s20] =	ssyncset.done $0x0  }
0x90: {  	s6 =	sadd.s32 $0x600, s0;
	[sflag:s20] =	ssyncadd.s32 $0xFFFFE0C0  }
0x91: {  	[tilespmem:s19], [sflag:$0x3] =	stream.indirect.gather [hbm4b:s8+s14], $0x40, s6, s14, $0xb8;
	[tilespmem:$0x1DC40] =	vst v63  }
0x92: {  	_ =	swait.ge [sflag:s26], $0x1F40  }
0x93: {  	[sflag:s26] =	ssyncset.done $0x0  }
0x94: {  	[sflag:s26] =	ssyncadd.s32 $0xFFFFE0C0  }
0x95: {  	[spmem:s2] =	stream.indirect.scatter.add.f32 [tilespmem:s24], [sflag:$0xA], $0x40, s4, s14, $0xb8;
	[tilespmem:$0x1DC40] =	vst v63  }
.Ltmp3:
0x96: {  	_ = 	snop;
	(pc) =	sbr.rel .LBB2_2-.Ltmp3, $4  }
0x97: {  	_ =	swait.ge [sflag:s31], $0x1F40  }
0x98: {  	[sflag:s31] =	ssyncset.done $0x0  }
0x99: {  	s9 =	sadd.s32 $0x680, s0;
	s29 =	sadd.s32 $0xA00, s29;
	[sflag:s31] =	ssyncadd.s32 $0xFFFFE0C0  }
0x9a: {  	[tilespmem:s21], [sflag:$0x4] =	stream.indirect.gather [hbm4b:s8+s14], $0x40, s9, s14, $0xb8;
	[tilespmem:$0x1DC40] =	vst v63  }
.LBB2_5:
0x9b: {  	_ =	sfence.sel $0x180000  }
0x9c: {  	[bflag:$0x0] =	sbarrier.arrive $0xFFFF  }
0x9d: {  	_ =	strace $0x9000004D  }
0x9e: {  	s0 =	stileid.u32;
	[bflag:$0x2] =	sbarrier.arrive $0xFFFF  }
0x9f: {  	p0 =	sne.s32 s0, $0x0;
	s0 =	rddreg [dreg:$0x3]  }
0xa0: {  	s0 =	sadd.s32 @!p0 $0x100000, s0  }
0xa1: {  	[sflag:s0] =	ssyncadd.tile.s32 @!p0 $0x1;
	_ =	shalt  }
.Lfunc_end2:
_tile_overlayer_lowered:
.L_overlay_start_2:
0xa2: {  	(tag) =	ssettag $0x2  }
0xa3: {  	s0 =	rddreg [dreg:$0x0];
	s2 =	stileid.u32  }
0xa4: {  	s1 =	rddreg [dreg:$0x1];
	p0 =	sne.s32 s2, $0x0  }
0xa5: {  	s3 =	rddreg [dreg:$0x2];
	[bflag:$0x3] =	sbarrier.arrive $0xFFFF;
	s2 =	simm.s32 @!p0 $0x1C0B  }
0xa6: {  	[timem:s3], [sflag:s2] =	dma.local @!p0 [hbm:s0], s1  }
0xa7: {  	s0 =	simm.s32 @!p0 $0xB  }
0xa8: {  	_ =	swait.ge @!p0 [sflag:s0], s1  }
0xa9: {  	s1 =	ssub.s32 @!p0 $0x0, s1;
	[sflag:s0] =	ssyncset.done @!p0 $0x0  }
0xaa: {  	[sflag:s0] =	ssyncadd.s32 @!p0 s1  }
0xab: {  	[bflag:$0x3] =	sbarrier.arrive $0xFFFF  }
0xac: {  	_ =	shalt  }

// kernel: kernel.20.cloned.1.call-start
scs
__scs_entry_jumppad:
0x0: {  	(pc) =	sbr.rel $0x88, $3  }
0x1: {  	(tag) =	ssettag $0x0;
	lr =	simm.s32 $0x1  }
0x2: {  	[smem:$0x3F97] =	sst lr;
	_ =	strace $0xD0000000  }
0x3: {  	_ = 	snop  }
0x4: {  	_ = 	snop  }
0x5: {  	_ = 	snop  }
0x6: {  	_ = 	snop  }
0x7: {  	_ = 	snop  }
__scs_overlays_trampoline_lowered:
0x8: {  	[smem:$0x3FA6] =	sst s0  }
0x9: {  	[smem:$0x3FA7] =	sst s1  }
0xa: {  	[smem:$0x3FA8] =	sst s2  }
0xb: {  	[smem:$0x3FA9] =	sst s3  }
0xc: {  	[smem:$0x3FAA] =	sst s4  }
0xd: {  	[smem:$0x3FAB] =	sst s5  }
0xe: {  	[smem:$0x3FAC] =	sst s6  }
0xf: {  	[smem:$0x3FAD] =	sst s7  }
0x10: {  	[smem:$0x3FAE] =	sst s8  }
0x11: {  	[smem:$0x3FAF] =	sst s9;
	s0 =	simm.s32 @!p0 $0x0  }
0x12: {  	s1 =	sld [smem:$0x3F95];
	s0 =	simm.s32 @p0 $0x1  }
0x13: {  	[smem:$0x3FB0] =	sst s0;
	s0 =	simm.s32 @!p1 $0x0  }
0x14: {  	s2 =	sld [smem:$0x3F94];
	s0 =	simm.s32 @p1 $0x1  }
0x15: {  	[smem:$0x3FB1] =	sst s0;
	s0 =	simm.s32 @!p2 $0x0  }
0x16: {  	s3 =	sld [smem:$0x3FDB];
	s0 =	simm.s32 @p2 $0x1  }
0x17: {  	s4 =	simm.s32 $0x1BF5;
	[smem:$0x3FB3] =	sst s0  }
0x18: {  	s0 =	sld [smem:$0x3F96];
	_ =	swait.ge [sflag:s4], $0x0  }
0x19: {  	s7 =	sld [smem:$0x3F97]  }
0x1a: {  	s8 =	sadd.s32 $0xFFFFE003, lr  }
0x1b: {  	s9 =	sadd.s32 $0xFFFFFEF7, lr;
	s5 =	simm.s32 $0xFFFFFFFF;
	p2 =	slt.u32 s8, $0xFFFFF086  }
0x1c: {  	p1 =	slt.u32 s9, $0xF7A;
	s5 =	simm.s32 @!p2 $0x0  }
0x1d: {  	s5 =	simm.s32 @p1 $0x1;
	p0 =	seq.s32 s7, s2  }
0x1e: {  	s7 =	smul.u32 @!p0 $0xF7A, s2;
	p2 =	seq.s32 @!p0 s5, $0x0  }
0x1f: {  	s9 =	smul.u32 $0xF7A, s1;
	s8 =	simm.s32 @!p0 $0x1BF5;
	p2 =	por !p2, p0  }
0x20: {  	[sflag:s8] =	ssyncset.s32 @!p0 $0xFFFFF086;
	s6 =	sadd.s32 @!p0 s3, s7;
	s7 =	simm.s32 @!p0 $0x108  }
0x21: {  	s3 =	sadd.s32 s3, s9;
	s6 =	sadd.s32 @!p0 $0x88, s6;
	s7 =	simm.s32 @p2 $0x1082  }
0x22: {  	[simem:s7], [sflag:s8] =	dma.local @!p0 [hbm:s6], $0xF7A  }
0x23: {  	s9 =	sor.u32 $0xD0000000, s2;
	s6 =	simm.s32 $0x108;
	_ =	swait.ge @!p0 [sflag:s8], $0x0  }
0x24: {  	s3 =	sadd.s32 $0x88, s3;
	s6 =	simm.s32 @!p1 $0x1082;
	[sflag:s4] =	ssyncset.s32 $0xFFFFF086  }
0x25: {  	[simem:s6], [sflag:s4] =	dma.local [hbm:s3], $0xF7A  }
0x26: {  	[smem:$0x3F97] =	sst s1;
	(tag) =	ssettag s2;
	_ =	strace s9  }
0x27: {  	s1 =	sld [smem:$0x3FA7]  }
0x28: {  	s2 =	sld [smem:$0x3FA8]  }
0x29: {  	s4 =	sld [smem:$0x3FAA]  }
0x2a: {  	p0 =	seq.s32 s5, $0x0;
	s5 =	sld [smem:$0x3FAB]  }
0x2b: {  	s6 =	sld [smem:$0x3FAC]  }
0x2c: {  	s7 =	sld [smem:$0x3FAD]  }
0x2d: {  	s3 =	simm.s32 $0x108;
	s8 =	sld [smem:$0x3FAE]  }
0x2e: {  	s3 =	simm.s32 @!p0 $0x1082;
	s9 =	sld [smem:$0x3FAF]  }
0x2f: {  	lr =	sadd.s32 s0, s3;
	s0 =	sld [smem:$0x3FA6]  }
0x30: {  	s3 =	sld [smem:$0x3FA9]  }
0x31: {  	[smem:$0x3FB2] =	sst s10  }
0x32: {  	s10 =	sld [smem:$0x3FB0];
	_ =	sdelay $0x3  }
0x33: {  	p0 =	seq.s32 s10, $0x1;
	s10 =	sld [smem:$0x3FB2];
	_ =	sdelay $0x3  }
0x34: {  	[smem:$0x3FB2] =	sst s10  }
0x35: {  	s10 =	sld [smem:$0x3FB1];
	_ =	sdelay $0x3  }
0x36: {  	p1 =	seq.s32 s10, $0x1;
	s10 =	sld [smem:$0x3FB2];
	_ =	sdelay $0x3  }
0x37: {  	[smem:$0x3FB2] =	sst s10  }
0x38: {  	s10 =	sld [smem:$0x3FB3]  }
0x39: {  	_ = 	snop;
	(pc) =	sbr.ind lr, $3  }
0x3a: {  	_ = 	snop  }
0x3b: {  	_ = 	snop  }
0x3c: {  	p2 =	seq.s32 s10, $0x1;
	s10 =	sld [smem:$0x3FB2]  }
0x3d: {  	_ =	shalt  }
0x3e: {  	_ =	shalt  }
0x3f: {  	_ =	shalt  }
0x40: {  	_ =	shalt  }
0x41: {  	_ =	shalt  }
0x42: {  	_ =	shalt  }
0x43: {  	_ =	shalt  }
0x44: {  	_ =	shalt  }
0x45: {  	_ =	shalt  }
0x46: {  	_ =	shalt  }
0x47: {  	_ =	shalt  }
0x48: {  	_ =	shalt  }
0x49: {  	_ =	shalt  }
0x4a: {  	_ =	shalt  }
0x4b: {  	_ =	shalt  }
0x4c: {  	_ =	shalt  }
0x4d: {  	_ =	shalt  }
0x4e: {  	_ =	shalt  }
0x4f: {  	_ =	shalt  }
0x50: {  	_ =	shalt  }
0x51: {  	_ =	shalt  }
0x52: {  	_ =	shalt  }
0x53: {  	_ =	shalt  }
0x54: {  	_ =	shalt  }
0x55: {  	_ =	shalt  }
0x56: {  	_ =	shalt  }
0x57: {  	_ =	shalt  }
0x58: {  	_ =	shalt  }
0x59: {  	_ =	shalt  }
0x5a: {  	_ =	shalt  }
0x5b: {  	_ =	shalt  }
0x5c: {  	_ =	shalt  }
0x5d: {  	_ =	shalt  }
0x5e: {  	_ =	shalt  }
0x5f: {  	_ =	shalt  }
0x60: {  	_ =	shalt  }
0x61: {  	_ =	shalt  }
0x62: {  	_ =	shalt  }
0x63: {  	_ =	shalt  }
0x64: {  	_ =	shalt  }
0x65: {  	_ =	shalt  }
0x66: {  	_ =	shalt  }
0x67: {  	_ =	shalt  }
0x68: {  	_ =	shalt  }
0x69: {  	_ =	shalt  }
0x6a: {  	_ =	shalt  }
0x6b: {  	_ =	shalt  }
0x6c: {  	_ =	shalt  }
0x6d: {  	_ =	shalt  }
0x6e: {  	_ =	shalt  }
0x6f: {  	_ =	shalt  }
0x70: {  	_ =	shalt  }
0x71: {  	_ =	shalt  }
0x72: {  	_ =	shalt  }
0x73: {  	_ =	shalt  }
0x74: {  	_ =	shalt  }
0x75: {  	_ =	shalt  }
0x76: {  	_ =	shalt  }
0x77: {  	_ =	shalt  }
0x78: {  	_ =	shalt  }
0x79: {  	_ =	shalt  }
0x7a: {  	_ =	shalt  }
0x7b: {  	_ =	shalt  }
0x7c: {  	_ =	shalt  }
0x7d: {  	_ =	shalt  }
0x7e: {  	_ =	shalt  }
0x7f: {  	_ =	shalt  }
0x80: {  	_ =	shalt  }
0x81: {  	_ =	shalt  }
0x82: {  	_ =	shalt  }
0x83: {  	_ =	shalt  }
0x84: {  	_ =	shalt  }
0x85: {  	_ =	shalt  }
0x86: {  	_ =	shalt  }
0x87: {  	_ =	shalt  }
.Lfunc_end0:
.L_simem_size_0:
called_computation.3_lowered:
.L_overlay_start_0:
0x88: {  	s2 =	sld [smem:$0x3FD9]  }
0x89: {  	s3 =	sld [smem:$0x3FFE];
	_ =	sdelay $0x1  }
0x8a: {  	s1 =	srdreg.scid  }
0x8b: {  	s0 =	sand.u32 $0x1, s1  }
0x8c: {  	s17 =	sshll.u32 s0, $0xA;
	s2 =	sadd.s32 s3, s2  }
0x8d: {  	s2 =	sadd.s32 s2, s17  }
0x8e: {  	[smem:$0x3FBE] =	sst s2  }
0x8f: {  	_ = 	snop  }
0x90: {  	s2 =	sld [smem:$0x3FD0];
	(tm) =	ssettm $0x1  }
0x91: {  	s18 =	sld [smem:$0x3FFB];
	_ =	sdelay $0x3  }
0x92: {  	_ =	strace s18  }
0x93: {  	s3 =	sld [smem:$0x3FFC];
	_ =	sdelay $0x3  }
0x94: {  	_ =	strace s3  }
0x95: {  	s3 =	sld [smem:$0x3FFD];
	_ =	sdelay $0x3  }
0x96: {  	_ =	strace s3  }
0x97: {  	_ =	strace $0x8FFFFFFF  }
0x98: {  	s19 =	sld [smem:$0x3FDB];
	_ =	sdelay $0x1  }
0x99: {  	s4 =	simm.s32 $_scs_section_size  }
0x9a: {  	s5 =	simm.s32 $_size__tile_overlayer_lowered;
	s6 =	simm.s32 $_tile_overlayer_lowered  }
0x9b: {  	s22 =	simm.s32 $0x1BFF;
	s21 =	sshll.u32 s6, $0x1;
	s3 =	sadd.s32 s4, s19  }
0x9c: {  	s7 =	simm.s32 $0x0;
	s20 =	sshll.u32 s5, $0x1;
	s5 =	sadd.s32 s21, s3  }
0x9d: {  	[timem:s7], [sflag:s22] =	dma.local [hbm:s5], s20  }
0x9e: {  	_ =	swait.ge [sflag:s22], s20  }
0x9f: {  	s4 =	ssub.s32 $0x0, s20;
	[sflag:s22] =	ssyncset.done $0x0  }
0xa0: {  	[sflag:s22] =	ssyncadd.s32 s4;
	_ =	sdelay $0x1  }
0xa1: {  	s23 =	simm.s32 $0x1B8B  }
0xa2: {  	_ =	swait.ge [sflag:s23], $0x1  }
0xa3: {  	[sflag:s23] =	ssyncset.done $0x0  }
0xa4: {  	s25 =	simm.s32 $0x1B8E;
	s24 =	sld [smem:$0x3FFE];
	[sflag:s23] =	ssyncadd.s32 $0xFFFFFFFF  }
0xa5: {  	s26 =	simm.s32 $execute0_lowered;
	[smem:$0x3FD2] =	sst s25  }
0xa6: {  	s5 =	sshll.u32 s26, $0x1;
	_ =	strace $0x8000004F;
	[dreg:$0x1] =	wrdreg $0xFFFFFFFF  }
0xa7: {  	s28 =	simm.s32 $_size_execute0_lowered;
	s3 =	sadd.s32 s3, s5;
	[dreg:$0x0] =	wrdreg $0x0  }
0xa8: {  	s5 =	sshll.u32 s28, $0x1;
	[dreg:$0x2] =	wrdreg s3  }
0xa9: {  	[dreg:$0x3] =	wrdreg s5  }
0xaa: {  	[dreg:$0x4] =	wrdreg $0xC0  }
0xab: {  	_ =	task [dreg:s7], $0x5FFFF  }
0xac: {  	[dreg:$0x1] =	wrdreg $0xFFFFFFFF  }
0xad: {  	[dreg:$0x0] =	wrdreg $0x60  }
0xae: {  	[dreg:$0x2] =	wrdreg s24  }
0xaf: {  	[dreg:$0x3] =	wrdreg s2  }
0xb0: {  	[dreg:$0x4] =	wrdreg $0xEE200  }
0xb1: {  	[dreg:$0x5] =	wrdreg $0x9  }
0xb2: {  	_ =	task.clear_ibuf [dreg:s7], $0x6FFFF;
	_ =	strace $0x9000004F  }
0xb3: {  	s29 =	simm.s32 $0x9;
	_ =	strace $0x80000051  }
0xb4: {  	_ =	swait.ge [sflag:s29], $0x1  }
0xb5: {  	[sflag:s29] =	ssyncadd.s32 $0xFFFFFFFF  }
0xb6: {  	_ =	strace $0x90000051  }
0xb7: {  	_ =	sfence  }
0xb8: {  	s30 =	sld [smem:$0x0];
	_ =	sdelay $0x2  }
0xb9: {  	s31 =	sshll.u32 s1, $0xD;
	s1 =	sshrl.u32 s1, $0x2  }
0xba: {  	s3 =	sand.u32 $0x4000, s31;
	s1 =	sadd.s32 s1, s30  }
0xbb: {  	s0 =	sor.u32 s3, s0;
	s1 =	sshll.u32 s1, $0x11  }
0xbc: {  	s0 =	sor.u32 s1, s0  }
0xbd: {  	s0 =	sadd.s32 $0x8F2B, s0  }
0xbe: {  	[sflag:s0] =	ssyncadd.remote.s32 $0x1  }
0xbf: {  	_ =	sfence.sel $0xFFFF  }
0xc0: {  	[dreg:$0x0] =	wrdreg $0xFFFFFFFF;
	(pc) =	sbr.abs _section_cstart, $3  }
0xc1: {  	[dreg:$0x1] =	wrdreg $0xFFFFFFFF  }
0xc2: {  	_ =	task.clear_ibuf [dreg:s7], $0x2FFFF;
	_ =	strace $0x9FFFFFFF  }
0xc3: {  	(tm) =	ssettm $0x7FFFFFFF  }
tec
execute0_lowered:
.L_overlay_start_1:
0x0: {  	(tag) =	ssettag $0x1  }
0x1: {  	s0 =	rddreg [dreg:$0x0];
	s1 =	srdreg.scid  }
0x2: {  	s4 =	rddreg [dreg:$0x1];
	s11 =	stileid.u32  }
0x3: {  	s2 =	rddreg [dreg:$0x2];
	s3 =	simm.s32 $0x0;
	s12 =	simm.s32 $0xB  }
0x4: {  	s13 =	simm.s32 $0x5000;
	s14 =	simm.s32 $0x7D;
	s15 =	simm.s32 $0xA000  }
0x5: {  	s17 =	simm.s32 $0xAFA0;
	s19 =	simm.s32 $0xBF40;
	s21 =	simm.s32 $0xCEE0  }
0x6: {  	s28 =	simm.s32 $0x6;
	s30 =	simm.s32 $0x3;
	s16 =	simm.s32 $0x4  }
0x7: {  	s20 =	simm.s32 $0x8;
	s31 =	simm.s32 $0x9;
	s6 =	smul.u32 $0xA00, s11  }
0x8: {  	s18 =	simm.s32 $0xA;
	s1 =	sand.u32 $0x1, s1;
	s7 =	smul.u32 $0x5000, s11  }
0x9: {  	[smem:$0x7FF] =	sst s3;
	s23 =	sadd.s32 $0x1FE00, s0;
	s5 =	smul.u32 $0x9C40, s1  }
0xa: {  	s25 =	sshll.u32 s11, $0x6;
	s8 =	smul.u32 $0x50000, s1;
	_ =	strace $0x80000050  }
0xb: {  	s1 =	ssub.s32 $0x2, s1;
	[dreg:$0x4] =	wrdreg s23;
	s23 =	simm.s32 $0x0  }
0xc: {  	s10 =	sadd.s32 s6, s0;
	s24 =	sshrl.u32 s1, $0x1;
	s26 =	sadd.s32 s7, s2  }
0xd: {  	s4 =	sadd.s32 s4, s6;
	s9 =	sadd.s32 s5, s0;
	s22 =	sadd.s32 s7, s8  }
0xe: {  	s1 =	ssub.s32 s1, s24;
	[dreg:$0x5] =	wrdreg s4;
	s29 =	sadd.s32 $0x2400, s10  }
.Ltmp0:
0xf: {  	s11 =	sshrl.u32 s26, $0x3;
	s24 =	simm.s32 $0xDE80;
	(pc) =	sbr.rel .LBB2_1-.Ltmp0, $4  }
0x10: {  	s26 =	simm.s32 $0x5;
	s5 =	sshrl.u32 s22, $0x3;
	[dreg:$0x6] =	wrdreg s29  }
0x11: {  	s8 =	sadd.s32 $0xC400, s9;
	s10 =	smax.u32 s1, $0x1;
	s0 =	sadd.s32 s5, s0  }
0x12: {  	s22 =	simm.s32 $0x1;
	s1 =	simm.s32 $0x7;
	s0 =	sadd.s32 $0x20800, s0  }
0x13: {  	s5 =	sor.u32 $0x1C0B, s25;
	s25 =	simm.s32 $0x2;
	[dreg:$0x7] =	wrdreg s0  }
.LBB2_4:
0x14: {  	_ =	swait.ge [sflag:s26], $0xFA0  }
0x15: {  	[sflag:s26] =	ssyncset.done $0x0  }
0x16: {  	[sflag:s26] =	ssyncadd.s32 $0xFFFFF060  }
0x17: {  	[spmem:s2] =	stream.indirect.scatter.add.f32 [tilespmem:s24], [sflag:$0xA], $0x20, s4, s14, $0xb8;
	[tilespmem:$0x13E20] =	vst v63  }
0x18: {  	_ =	swait.ge [sflag:s28], $0xFA0  }
0x19: {  	[sflag:s28] =	ssyncset.done $0x0  }
0x1a: {  	[sflag:s28] =	ssyncadd.s32 $0xFFFFF060  }
0x1b: {  	_ =	swait.ge [sflag:s1], $0xFA0  }
0x1c: {  	[sflag:s1] =	ssyncset.done $0x0  }
0x1d: {  	[sflag:s1] =	ssyncadd.s32 $0xFFFFF060  }
0x1e: {  	_ =	swait.ge [sflag:s20], $0xFA0  }
0x1f: {  	[sflag:s20] =	ssyncset.done $0x0  }
0x20: {  	[sflag:s20] =	ssyncadd.s32 $0xFFFFF060  }
0x21: {  	_ =	swait.ge [sflag:s31], $0xFA0  }
0x22: {  	[sflag:s31] =	ssyncset.done $0x0  }
0x23: {  	[sflag:s31] =	ssyncadd.s32 $0xFFFFF060  }
0x24: {  	_ =	swait.ge [sflag:s18], $0xFA0  }
0x25: {  	[sflag:s18] =	ssyncset.done $0x0  }
0x26: {  	s23 =	sadd.s32 $0x1, s23;
	[sflag:s18] =	ssyncadd.s32 $0xFFFFF060  }
0x27: {  	p0 =	sne.s32 s23, s10;
	[bflag:$0x0] =	sbarrier.arrive $0xFFFF  }
.Ltmp1:
0x28: {  	s0 =	rddreg [dreg:$0x7];
	(pc) =	sbr.rel @!p0 .LBB2_5-.Ltmp1, $4  }
0x29: {  	[hbm:s0], [sflag:s5] =	dma.local [spmem:s11], $0xA00  }
0x2a: {  	_ =	swait.ge [sflag:s12], $0xA00  }
0x2b: {  	[sflag:s12] =	ssyncset.done $0x0  }
0x2c: {  	[sflag:s12] =	ssyncadd.s32 $0xFFFFF600  }
.LBB2_1:
0x2d: {  	s0 =	rddreg [dreg:$0x4]  }
0x2e: {  	[spmem:s11], [sflag:s5] =	dma.local [hbm:s0], $0xA00  }
0x2f: {  	_ =	swait.ge [sflag:s12], $0xA00  }
0x30: {  	[sflag:s12] =	ssyncset.done $0x0  }
0x31: {  	s7 =	rddreg [dreg:$0x5];
	[sflag:s12] =	ssyncadd.s32 $0xFFFFF600  }
0x32: {  	[tilespmem:s3], [sflag:$0xB] =	stream.linear.gather [hbm4b:s7+s3], $0x5000, $0x38;
	[tilespmem:$0x13E20] =	vst v63  }
0x33: {  	_ =	swait.ge [sflag:s12], $0x5000  }
0x34: {  	[sflag:s12] =	ssyncset.done $0x0  }
0x35: {  	s9 =	rddreg [dreg:$0x6];
	[sflag:s12] =	ssyncadd.s32 $0xFFFFB000  }
0x36: {  	[tilespmem:s13], [sflag:$0xB] =	stream.linear.gather [hbm4b:s9+s3], $0x5000, $0x38;
	[tilespmem:$0x13E20] =	vst v63  }
0x37: {  	_ =	swait.ge [sflag:s12], $0x5000  }
0x38: {  	[sflag:s12] =	ssyncset.done $0x0  }
0x39: {  	[sflag:s12] =	ssyncadd.s32 $0xFFFFB000  }
0x3a: {  	[bflag:$0x0] =	sbarrier.arrive $0xFFFF  }
0x3b: {  	[tilespmem:s15], [sflag:$0x1] =	stream.indirect.gather [hbm4b:s8+s14], $0x20, s3, s14, $0xb8;
	[tilespmem:$0x13E20] =	vst v63  }
0x3c: {  	s4 =	simm.s32 $0x80  }
0x3d: {  	[tilespmem:s17], [sflag:$0x2] =	stream.indirect.gather [hbm4b:s8+s14], $0x20, s4, s14, $0xb8;
	[tilespmem:$0x13E20] =	vst v63  }
0x3e: {  	s6 =	simm.s32 $0x100  }
0x3f: {  	[tilespmem:s19], [sflag:$0x3] =	stream.indirect.gather [hbm4b:s8+s14], $0x20, s6, s14, $0xb8;
	[tilespmem:$0x13E20] =	vst v63  }
0x40: {  	s7 =	simm.s32 $0x180  }
0x41: {  	[tilespmem:s21], [sflag:$0x4] =	stream.indirect.gather [hbm4b:s8+s14], $0x20, s7, s14, $0xb8;
	[tilespmem:$0x13E20] =	vst v63  }
0x42: {  	_ =	swait.ge [sflag:s22], $0xFA0  }
0x43: {  	[sflag:s22] =	ssyncset.done $0x0  }
0x44: {  	[sflag:s22] =	ssyncadd.s32 $0xFFFFF060  }
0x45: {  	[spmem:s2] =	stream.indirect.scatter.add.f32 [tilespmem:s15], [sflag:$0x6], $0x20, s13, s14, $0xb8;
	[tilespmem:$0x13E20] =	vst v63  }
0x46: {  	s9 =	simm.s32 $0x200  }
0x47: {  	[tilespmem:s24], [sflag:$0x5] =	stream.indirect.gather [hbm4b:s8+s14], $0x20, s9, s14, $0xb8;
	[tilespmem:$0x13E20] =	vst v63  }
0x48: {  	_ =	swait.ge [sflag:s25], $0xFA0  }
0x49: {  	[sflag:s25] =	ssyncset.done $0x0  }
0x4a: {  	s4 =	simm.s32 $0x5080;
	[sflag:s25] =	ssyncadd.s32 $0xFFFFF060  }
0x4b: {  	[spmem:s2] =	stream.indirect.scatter.add.f32 [tilespmem:s17], [sflag:$0x7], $0x20, s4, s14, $0xb8;
	[tilespmem:$0x13E20] =	vst v63  }
0x4c: {  	_ =	swait.ge [sflag:s28], $0xFA0  }
0x4d: {  	[sflag:s28] =	ssyncset.done $0x0  }
0x4e: {  	s6 =	simm.s32 $0x280;
	[sflag:s28] =	ssyncadd.s32 $0xFFFFF060  }
0x4f: {  	[tilespmem:s15], [sflag:$0x1] =	stream.indirect.gather [hbm4b:s8+s14], $0x20, s6, s14, $0xb8;
	[tilespmem:$0x13E20] =	vst v63  }
0x50: {  	_ =	swait.ge [sflag:s30], $0xFA0  }
0x51: {  	[sflag:s30] =	ssyncset.done $0x0  }
0x52: {  	s7 =	simm.s32 $0x5100;
	[sflag:s30] =	ssyncadd.s32 $0xFFFFF060  }
0x53: {  	[spmem:s2] =	stream.indirect.scatter.add.f32 [tilespmem:s19], [sflag:$0x8], $0x20, s7, s14, $0xb8;
	[tilespmem:$0x13E20] =	vst v63  }
0x54: {  	_ =	swait.ge [sflag:s1], $0xFA0  }
0x55: {  	[sflag:s1] =	ssyncset.done $0x0  }
0x56: {  	s9 =	simm.s32 $0x300;
	[sflag:s1] =	ssyncadd.s32 $0xFFFFF060  }
0x57: {  	[tilespmem:s17], [sflag:$0x2] =	stream.indirect.gather [hbm4b:s8+s14], $0x20, s9, s14, $0xb8;
	[tilespmem:$0x13E20] =	vst v63  }
0x58: {  	_ =	swait.ge [sflag:s16], $0xFA0  }
0x59: {  	[sflag:s16] =	ssyncset.done $0x0  }
0x5a: {  	s4 =	simm.s32 $0x5180;
	[sflag:s16] =	ssyncadd.s32 $0xFFFFF060  }
0x5b: {  	[spmem:s2] =	stream.indirect.scatter.add.f32 [tilespmem:s21], [sflag:$0x9], $0x20, s4, s14, $0xb8;
	[tilespmem:$0x13E20] =	vst v63  }
0x5c: {  	_ =	swait.ge [sflag:s20], $0xFA0  }
0x5d: {  	[sflag:s20] =	ssyncset.done $0x0  }
0x5e: {  	s6 =	simm.s32 $0x380;
	[sflag:s20] =	ssyncadd.s32 $0xFFFFF060  }
0x5f: {  	[tilespmem:s19], [sflag:$0x3] =	stream.indirect.gather [hbm4b:s8+s14], $0x20, s6, s14, $0xb8;
	[tilespmem:$0x13E20] =	vst v63  }
0x60: {  	_ =	swait.ge [sflag:s26], $0xFA0  }
0x61: {  	[sflag:s26] =	ssyncset.done $0x0  }
0x62: {  	s7 =	simm.s32 $0x5200;
	[sflag:s26] =	ssyncadd.s32 $0xFFFFF060  }
0x63: {  	[spmem:s2] =	stream.indirect.scatter.add.f32 [tilespmem:s24], [sflag:$0xA], $0x20, s7, s14, $0xb8;
	[tilespmem:$0x13E20] =	vst v63  }
0x64: {  	_ =	swait.ge [sflag:s31], $0xFA0  }
0x65: {  	[sflag:s31] =	ssyncset.done $0x0  }
0x66: {  	s29 =	simm.s32 $0x0;
	s9 =	simm.s32 $0x400;
	[sflag:s31] =	ssyncadd.s32 $0xFFFFF060  }
0x67: {  	[tilespmem:s21], [sflag:$0x4] =	stream.indirect.gather [hbm4b:s8+s14], $0x20, s9, s14, $0xb8;
	[tilespmem:$0x13E20] =	vst v63  }
.LBB2_2:
0x68: {  	_ =	swait.ge [sflag:s22], $0xFA0  }
0x69: {  	s0 =	sshra.s32 s29, $0x2;
	[sflag:s22] =	ssyncset.done $0x0  }
0x6a: {  	s4 =	sadd.s32 $0x5280, s0;
	[sflag:s22] =	ssyncadd.s32 $0xFFFFF060  }
0x6b: {  	[spmem:s2] =	stream.indirect.scatter.add.f32 [tilespmem:s15], [sflag:$0x6], $0x20, s4, s14, $0xb8;
	[tilespmem:$0x13E20] =	vst v63  }
0x6c: {  	_ =	swait.ge [sflag:s18], $0xFA0  }
0x6d: {  	[sflag:s18] =	ssyncset.done $0x0  }
0x6e: {  	s6 =	sadd.s32 $0x480, s0;
	[sflag:s18] =	ssyncadd.s32 $0xFFFFF060  }
0x6f: {  	[tilespmem:s24], [sflag:$0x5] =	stream.indirect.gather [hbm4b:s8+s14], $0x20, s6, s14, $0xb8;
	[tilespmem:$0x13E20] =	vst v63  }
0x70: {  	_ =	swait.ge [sflag:s25], $0xFA0  }
0x71: {  	p0 =	seq.s32 s29, $0x12C00;
	[sflag:s25] =	ssyncset.done $0x0  }
0x72: {  	s7 =	sadd.s32 $0x5300, s0;
	s4 =	simm.s32 @p0 $0x3;
	[sflag:s25] =	ssyncadd.s32 $0xFFFFF060  }
0x73: {  	[spmem:s2] =	stream.indirect.scatter.add.f32 [tilespmem:s17], [sflag:$0x7], $0x20, s7, s14, $0xb8;
	[tilespmem:$0x13E20] =	vst v63  }
0x74: {  	_ =	swait.ge @p0 [sflag:s4], $0xFA0  }
0x75: {  	[sflag:s4] =	ssyncset.done @p0 $0x0  }
0x76: {  	[sflag:s4] =	ssyncadd.s32 @p0 $0xFFFFF060;
	s4 =	sshra.s32 @p0 s29, $0x2  }
0x77: {  	s6 =	simm.s32 @p0 $0x7D;
	s7 =	simm.s32 @p0 $0xBF40;
	s4 =	sadd.s32 @p0 $0x5380, s4  }
0x78: {  	[spmem:s2] =	stream.indirect.scatter.add.f32 @p0 [tilespmem:s7], [sflag:$0x8], $0x20, s4, s6, $0xb8;
	[tilespmem:$0x13E20] =	vst v63  }
0x79: {  	s4 =	simm.s32 @!p0 $0x6  }
0x7a: {  	_ =	swait.ge @!p0 [sflag:s4], $0xFA0  }
0x7b: {  	[sflag:s4] =	ssyncset.done @!p0 $0x0  }
0x7c: {  	[sflag:s4] =	ssyncadd.s32 @!p0 $0xFFFFF060;
	s4 =	sshra.s32 @!p0 s29, $0x2  }
0x7d: {  	s9 =	simm.s32 @!p0 $0xA000;
	s7 =	simm.s32 @!p0 $0x7D;
	s6 =	sadd.s32 @!p0 $0x500, s4  }
0x7e: {  	[tilespmem:s9], [sflag:$0x1] =	stream.indirect.gather @!p0 [hbm4b:s8+s7], $0x20, s6, s7, $0xb8;
	[tilespmem:$0x13E20] =	vst v63  }
0x7f: {  	s6 =	simm.s32 @!p0 $0x3  }
0x80: {  	_ =	swait.ge @!p0 [sflag:s6], $0xFA0  }
0x81: {  	[sflag:s6] =	ssyncset.done @!p0 $0x0  }
0x82: {  	s9 =	simm.s32 @!p0 $0xBF40;
	[sflag:s6] =	ssyncadd.s32 @!p0 $0xFFFFF060;
	s6 =	sadd.s32 @!p0 $0x5380, s4  }
0x83: {  	[spmem:s2] =	stream.indirect.scatter.add.f32 @!p0 [tilespmem:s9], [sflag:$0x8], $0x20, s6, s7, $0xb8;
	[tilespmem:$0x13E20] =	vst v63  }
0x84: {  	s6 =	simm.s32 @!p0 $0x7  }
0x85: {  	_ =	swait.ge @!p0 [sflag:s6], $0xFA0  }
0x86: {  	[sflag:s6] =	ssyncset.done @!p0 $0x0  }
0x87: {  	s4 =	sadd.s32 @!p0 $0x580, s4;
	[sflag:s6] =	ssyncadd.s32 @!p0 $0xFFFFF060;
	s6 =	simm.s32 @!p0 $0xAFA0  }
0x88: {  	[tilespmem:s6], [sflag:$0x2] =	stream.indirect.gather @!p0 [hbm4b:s8+s7], $0x20, s4, s7, $0xb8;
	[tilespmem:$0x13E20] =	vst v63  }
.Ltmp2:
0x89: {  	_ = 	snop;
	(pc) =	sbr.rel @p0 .LBB2_4-.Ltmp2, $4  }
0x8a: {  	_ =	swait.ge [sflag:s16], $0xFA0  }
0x8b: {  	[sflag:s16] =	ssyncset.done $0x0  }
0x8c: {  	s9 =	sadd.s32 $0x5400, s0;
	s4 =	sadd.s32 $0x5480, s0;
	[sflag:s16] =	ssyncadd.s32 $0xFFFFF060  }
0x8d: {  	[spmem:s2] =	stream.indirect.scatter.add.f32 [tilespmem:s21], [sflag:$0x9], $0x20, s9, s14, $0xb8;
	[tilespmem:$0x13E20] =	vst v63  }
0x8e: {  	_ =	swait.ge [sflag:s20], $0xFA0  }
0x8f: {  	[sflag:s20] =	ssyncset.done $0x0  }
0x90: {  	s6 =	sadd.s32 $0x600, s0;
	[sflag:s20] =	ssyncadd.s32 $0xFFFFF060  }
0x91: {  	[tilespmem:s19], [sflag:$0x3] =	stream.indirect.gather [hbm4b:s8+s14], $0x20, s6, s14, $0xb8;
	[tilespmem:$0x13E20] =	vst v63  }
0x92: {  	_ =	swait.ge [sflag:s26], $0xFA0  }
0x93: {  	[sflag:s26] =	ssyncset.done $0x0  }
0x94: {  	[sflag:s26] =	ssyncadd.s32 $0xFFFFF060  }
0x95: {  	[spmem:s2] =	stream.indirect.scatter.add.f32 [tilespmem:s24], [sflag:$0xA], $0x20, s4, s14, $0xb8;
	[tilespmem:$0x13E20] =	vst v63  }
.Ltmp3:
0x96: {  	_ = 	snop;
	(pc) =	sbr.rel .LBB2_2-.Ltmp3, $4  }
0x97: {  	_ =	swait.ge [sflag:s31], $0xFA0  }
0x98: {  	[sflag:s31] =	ssyncset.done $0x0  }
0x99: {  	s9 =	sadd.s32 $0x680, s0;
	s29 =	sadd.s32 $0xA00, s29;
	[sflag:s31] =	ssyncadd.s32 $0xFFFFF060  }
0x9a: {  	[tilespmem:s21], [sflag:$0x4] =	stream.indirect.gather [hbm4b:s8+s14], $0x20, s9, s14, $0xb8;
	[tilespmem:$0x13E20] =	vst v63  }
.LBB2_5:
0x9b: {  	_ =	sfence.sel $0x180000  }
0x9c: {  	[bflag:$0x0] =	sbarrier.arrive $0xFFFF  }
0x9d: {  	_ =	strace $0x90000050  }
0x9e: {  	s0 =	stileid.u32;
	[bflag:$0x2] =	sbarrier.arrive $0xFFFF  }
0x9f: {  	p0 =	sne.s32 s0, $0x0;
	s0 =	rddreg [dreg:$0x3]  }
0xa0: {  	s0 =	sadd.s32 @!p0 $0x100000, s0  }
0xa1: {  	[sflag:s0] =	ssyncadd.tile.s32 @!p0 $0x1;
	_ =	shalt  }
.Lfunc_end2:
_tile_overlayer_lowered:
.L_overlay_start_2:
0xa2: {  	(tag) =	ssettag $0x2  }
0xa3: {  	s0 =	rddreg [dreg:$0x0];
	s2 =	stileid.u32  }
0xa4: {  	s1 =	rddreg [dreg:$0x1];
	p0 =	sne.s32 s2, $0x0  }
0xa5: {  	s3 =	rddreg [dreg:$0x2];
	[bflag:$0x3] =	sbarrier.arrive $0xFFFF;
	s2 =	simm.s32 @!p0 $0x1C0B  }
0xa6: {  	[timem:s3], [sflag:s2] =	dma.local @!p0 [hbm:s0], s1  }
0xa7: {  	s0 =	simm.s32 @!p0 $0xB  }
0xa8: {  	_ =	swait.ge @!p0 [sflag:s0], s1  }
0xa9: {  	s1 =	ssub.s32 @!p0 $0x0, s1;
	[sflag:s0] =	ssyncset.done @!p0 $0x0  }
0xaa: {  	[sflag:s0] =	ssyncadd.s32 @!p0 s1  }
0xab: {  	[bflag:$0x3] =	sbarrier.arrive $0xFFFF  }
0xac: {  	_ =	shalt  }

</sc_bundles>
